<compile_context>
chip_gen: v7x
topology: tpu7x:2x2x1
jax: 0.10.2.dev20260603
libtpu: 0.0.44.dev20260713+nightly
codegen_flags: <defaults>
</compile_context>

<pallas_src>
import functools

import jax
import jax.numpy as jnp
from jax import lax
from jax.experimental import pallas as pl
from jax.experimental.pallas import tpu as pltpu
from jax.experimental.pallas import tpu_sc as plsc

_NC, _NS, _L = 2, 16, 16
_C = 2048
_K = _C // 128
_G = _C // _L


def _make_sc_kernel(E, N):
    w_edges = E // _NS
    cpw = (w_edges + _C - 1) // _C
    n_pairs = (cpw + 1) // 2
    last_off = w_edges - _C
    rows_per_sub = N // _NS
    mesh = plsc.VectorSubcoreMesh(core_axis_name="c", subcore_axis_name="s")

    @functools.partial(
        pl.kernel,
        out_type=jax.ShapeDtypeStruct((4, E), jnp.float32),
        mesh=mesh,
        scratch_types=[
            pltpu.VMEM((2, _C), jnp.int32),
            pltpu.VMEM((2, _C), jnp.int32),
            pltpu.VMEM((2, _C, 8), jnp.float32),
            pltpu.VMEM((2, _C, 8), jnp.float32),
            pltpu.VMEM((2, _C), jnp.float32),
            pltpu.VMEM_SHARED((N, 8), jnp.float32),
            pltpu.SemaphoreType.DMA,
            pltpu.SemaphoreType.DMA,
        ],
        compiler_params=pltpu.CompilerParams(
            needs_layout_passes=False, use_tc_tiling_on_sc=False),
    )
    def kern(table_hbm, ind_hbm, out_hbm, idx1_v, idx2_v, rows1_v, rows2_v,
             out_v, table_sp, sem0, sem1):
        cid = lax.axis_index("c")
        sub = lax.axis_index("s")
        wbase = sub * w_edges
        lane = lax.iota(jnp.int32, _L)
        sems = (sem0, sem1)

        seg = pl.ds(sub * rows_per_sub, rows_per_sub)
        pltpu.sync_copy(table_hbm.at[cid, seg], table_sp.at[seg])
        plsc.subcore_barrier()

        def base_of(c):
            return wbase + jnp.minimum(c * _C, last_off)

        def gather_copies(p, make_only=False):
            mk = pltpu.make_async_copy if make_only else None
            cps = []
            for j in range(_K):
                s = pl.ds(j * 128, 128)
                for idx_v, rows_v in ((idx1_v, rows1_v), (idx2_v, rows2_v)):
                    dst = rows_v.at[p, s, :]
                    if make_only:
                        cps.append(mk(table_hbm.at[0].at[idx_v.at[p, s]], dst,
                                      sems[p]))
                    else:
                        cps.append(pltpu.async_copy(
                            table_sp.at[idx_v.at[p, s]], dst, sems[p]))
            return cps

        def fire(p, base):
            pltpu.sync_copy(ind_hbm.at[0, pl.ds(base, _C)], idx1_v.at[p])
            pltpu.sync_copy(ind_hbm.at[1, pl.ds(base, _C)], idx2_v.at[p])
            gather_copies(p)

        def consume(p, base):
            for cp in gather_copies(p, make_only=True):
                cp.wait()
            r1 = rows1_v.at[p]
            r2 = rows2_v.at[p]

            def group_body(g, _):
                row = lane + g * _L
                for b in range(2):
                    cols = [jnp.full((_L,), c, jnp.int32)
                            for c in (4 * b, 4 * b + 1, 4 * b + 2, 4 * b + 3)]
                    m1_1 = plsc.load_gather(r1, [row, cols[0]])
                    m2_1 = plsc.load_gather(r1, [row, cols[1]])
                    m3_1 = plsc.load_gather(r1, [row, cols[2]])
                    p_1 = plsc.load_gather(r1, [row, cols[3]])
                    m1_2 = plsc.load_gather(r2, [row, cols[0]])
                    m2_2 = plsc.load_gather(r2, [row, cols[1]])
                    m3_2 = plsc.load_gather(r2, [row, cols[2]])
                    p_2 = plsc.load_gather(r2, [row, cols[3]])
                    num = m1_1 * m3_2 + m3_1 * m1_2 + 2.1 * (m2_1 * m2_2)
                    t = num * (p_1 * p_2)
                    den = m1_1 * p_2 + m1_2 * p_1
                    out_v[b, pl.ds(g * _L, _L)] = (t + t) / den
                return _

            lax.fori_loop(0, _G, group_body, 0, unroll=4)
            pltpu.sync_copy(
                out_v, out_hbm.at[pl.ds(2 * cid, 2), pl.ds(base, _C)])

        fire(0, base_of(0))

        def pair_body(j, _):
            c0 = 2 * j
            fire(1, base_of(c0 + 1))
            consume(0, base_of(c0))

            @pl.when(j < n_pairs - 1)
            def _fire_next():
                fire(0, base_of(c0 + 2))

            consume(1, base_of(c0 + 1))
            return _

        lax.fori_loop(0, n_pairs, pair_body, 0)

    return kern


def kernel(m1, m2, m3, polar, indices):
    E = indices.shape[1]
    B, N = m1.shape
    x = jnp.stack([m1, m2, m3, polar], axis=1)
    table = x.reshape(2, 2, 4, N).transpose(0, 3, 1, 2).reshape(2, N, 8)
    return _make_sc_kernel(E, N)(table, indices)

# --- scband reference (transcript-rebuilt; emitter-appended) ---
"""Pipeline reference for scband-c10-combine-layer-10402410791130 (READ-ONLY COPY).

The authoritative reference and input builder live on the scoring server;
editing this copy changes nothing except your own understanding.
"""

import jax, jax.numpy as jnp
import numpy as np


def setup_inputs(seed: int = 0) -> dict:
    key = jax.random.key(seed)
    k1, k2, k3, k4, k5 = jax.random.split(key, 5)
    B, N, E = 4, 100000, 6400000
    m1 = jax.random.uniform(k1, (B, N), dtype=jnp.float32)
    m2 = jax.random.normal(k2, (B, N), dtype=jnp.float32)
    m3 = jax.random.normal(k3, (B, N), dtype=jnp.float32)
    polar = jax.random.uniform(k4, (B, N), dtype=jnp.float32)
    indices = jax.random.randint(k5, (2, E), 0, N, dtype=jnp.int32)
    return {"m1": m1, "m2": m2, "m3": m3, "polar": polar, "indices": indices}


def reference(m1, m2, m3, polar, indices):
    ind1 = indices[0, :]
    ind2 = indices[1, :]
    m1_1 = jnp.take(m1, ind1, axis=1)
    m1_2 = jnp.take(m1, ind2, axis=1)
    m2_1 = jnp.take(m2, ind1, axis=1)
    m2_2 = jnp.take(m2, ind2, axis=1)
    m3_1 = jnp.take(m3, ind1, axis=1)
    m3_2 = jnp.take(m3, ind2, axis=1)
    polar1 = jnp.take(polar, ind1, axis=1)
    polar2 = jnp.take(polar, ind2, axis=1)
    return 2 * (m1_1 * m3_2 + m3_1 * m1_2 + 2.1 * m2_1 * m2_2) / (m1_1 / polar1 + m1_2 / polar2)

if __name__ == "__main__":
    import jax
    _d = setup_inputs()
    print(jax.jit(kernel)(*tuple(_d.values())))

</pallas_src>

<mosaic_0001>
#map = affine_map<(d0, d1) -> (0, 0, 0)>
#map1 = affine_map<(d0, d1) -> (0, 0)>
module attributes {stable_mosaic.version = 14 : i64} {
  func.func @kern(%arg0: i32, %arg1: i32, %arg2: memref<2x100000x8xf32, #tpu.memory_space<hbm>>, %arg3: memref<2x6400000xi32, #tpu.memory_space<hbm>>, %arg4: memref<4x6400000xf32, #tpu.memory_space<hbm>>, %arg5: memref<2x2048xi32, #tpu.memory_space<vmem>>, %arg6: memref<2x2048xi32, #tpu.memory_space<vmem>>, %arg7: memref<2x2048x8xf32, #tpu.memory_space<vmem>>, %arg8: memref<2x2048x8xf32, #tpu.memory_space<vmem>>, %arg9: memref<2x2048xf32, #tpu.memory_space<vmem>>, %arg10: memref<100000x8xf32, #tpu.memory_space<vmem_shared>>, %arg11: memref<!tpu.dma_semaphore, #tpu.memory_space<semaphore_mem>>, %arg12: memref<!tpu.dma_semaphore, #tpu.memory_space<semaphore_mem>>) attributes {dimension_semantics = [#tpu.dimension_semantics<core_parallel>, #tpu.dimension_semantics<subcore_parallel>], iteration_bounds = array<i64: 2, 16>, scalar_prefetch = 0 : i64, scratch_operands = 8 : i64, tpu.core_type = #tpu.core_type<sc_vector_subcore>, window_params = [{transform_indices = #map}, {transform_indices = #map1}, {transform_indices = #map1}]} {
    %mul3A = arith.constant 400000 : i32
    %mul3A_0 = arith.muli %arg1, %mul3A : i32
    %iota3A = tpu.iota {dimensions = array<i32: 0>} : vector<16xi32>
    %mul3A_1 = arith.constant 6250 : i32
    %mul3A_2 = arith.muli %arg1, %mul3A_1 : i32
    "tpu.region"() ({
      %run_scoped3A_396 = tpu.sem_alloc : memref<!tpu.dma_semaphore, #tpu.memory_space<semaphore_mem>>
      %dma_start3A_397 = arith.constant 0 : i32
      %dma_start3A_398 = tpu.memref_slice %arg10[%mul3A_2, %dma_start3A_397] : memref<100000x8xf32, #tpu.memory_space<vmem_shared>> -> memref<6250x8xf32, #tpu.memory_space<vmem_shared>>
      %dma_start3A_399 = arith.constant 0 : i32
      %dma_start3A_400 = tpu.memref_slice %arg2[%arg0, %mul3A_2, %dma_start3A_399] : memref<2x100000x8xf32, #tpu.memory_space<hbm>> -> memref<1x6250x8xf32, #tpu.memory_space<hbm>>
      %dma_start3A_401 = tpu.memref_squeeze %dma_start3A_400 : memref<1x6250x8xf32, #tpu.memory_space<hbm>> -> memref<6250x8xf32, #tpu.memory_space<hbm>>
      tpu.enqueue_dma source(%dma_start3A_401 : memref<6250x8xf32, #tpu.memory_space<hbm>>) target(%dma_start3A_398 : memref<6250x8xf32, #tpu.memory_space<vmem_shared>>) target_semaphore(%run_scoped3A_396 : memref<!tpu.dma_semaphore, #tpu.memory_space<semaphore_mem>>)
      %dma_wait3A = arith.constant 0 : i32
      %dma_wait3A_402 = tpu.memref_slice %arg10[%mul3A_2, %dma_wait3A] : memref<100000x8xf32, #tpu.memory_space<vmem_shared>> -> memref<6250x8xf32, #tpu.memory_space<vmem_shared>>
      %dma_wait3A_403 = arith.constant 0 : i32
      %dma_wait3A_404 = tpu.memref_slice %arg2[%arg0, %mul3A_2, %dma_wait3A_403] : memref<2x100000x8xf32, #tpu.memory_space<hbm>> -> memref<1x6250x8xf32, #tpu.memory_space<hbm>>
      %dma_wait3A_405 = tpu.memref_squeeze %dma_wait3A_404 : memref<1x6250x8xf32, #tpu.memory_space<hbm>> -> memref<6250x8xf32, #tpu.memory_space<hbm>>
      tpu.wait_dma2 semaphore(%run_scoped3A_396 : memref<!tpu.dma_semaphore, #tpu.memory_space<semaphore_mem>>) src(%dma_wait3A_405 : memref<6250x8xf32, #tpu.memory_space<hbm>>) dst(%dma_wait3A_402 : memref<6250x8xf32, #tpu.memory_space<vmem_shared>>)
      tpu.yield
    }) : () -> ()
    %barrier3A = arith.constant 0 : index
    tpu.barrier barrier_id(%barrier3A)
    %min3A = arith.constant 0 : i32
    %min3A_3 = arith.constant 397952 : i32
    %min3A_4 = arith.minsi %min3A, %min3A_3 : i32
    %add3A = arith.addi %mul3A_0, %min3A_4 : i32
    %run_scoped3A = arith.constant 0 : i32
    %run_scoped3A_5 = arith.constant 0 : i32
    "tpu.region"() ({
      %run_scoped3A_396 = tpu.sem_alloc : memref<!tpu.dma_semaphore, #tpu.memory_space<semaphore_mem>>
      %dma_start3A_397 = arith.constant 0 : i32
      %dma_start3A_398 = tpu.memref_slice %arg5[%run_scoped3A_5, %dma_start3A_397] : memref<2x2048xi32, #tpu.memory_space<vmem>> -> memref<1x2048xi32, #tpu.memory_space<vmem>>
      %dma_start3A_399 = tpu.memref_squeeze %dma_start3A_398 : memref<1x2048xi32, #tpu.memory_space<vmem>> -> memref<2048xi32, #tpu.memory_space<vmem>>
      %dma_start3A_400 = tpu.memref_slice %arg3[%run_scoped3A, %add3A] : memref<2x6400000xi32, #tpu.memory_space<hbm>> -> memref<1x2048xi32, #tpu.memory_space<hbm>>
      %dma_start3A_401 = tpu.memref_squeeze %dma_start3A_400 : memref<1x2048xi32, #tpu.memory_space<hbm>> -> memref<2048xi32, #tpu.memory_space<hbm>>
      %dma_start3A_402 = arith.constant 0 : i32
      %dma_start3A_403 = tpu.memref_slice %arg5[%run_scoped3A_5, %dma_start3A_402] : memref<2x2048xi32, #tpu.memory_space<vmem>> -> memref<1x2048xi32, #tpu.memory_space<vmem>>
      %dma_start3A_404 = tpu.memref_squeeze %dma_start3A_403 : memref<1x2048xi32, #tpu.memory_space<vmem>> -> memref<2048xi32, #tpu.memory_space<vmem>>
      %dma_start3A_405 = tpu.memref_slice %arg3[%run_scoped3A, %add3A] : memref<2x6400000xi32, #tpu.memory_space<hbm>> -> memref<1x2048xi32, #tpu.memory_space<hbm>>
      %dma_start3A_406 = tpu.memref_squeeze %dma_start3A_405 : memref<1x2048xi32, #tpu.memory_space<hbm>> -> memref<2048xi32, #tpu.memory_space<hbm>>
      tpu.enqueue_dma source(%dma_start3A_406 : memref<2048xi32, #tpu.memory_space<hbm>>) target(%dma_start3A_404 : memref<2048xi32, #tpu.memory_space<vmem>>) target_semaphore(%run_scoped3A_396 : memref<!tpu.dma_semaphore, #tpu.memory_space<semaphore_mem>>)
      %dma_wait3A = arith.constant 0 : i32
      %dma_wait3A_407 = tpu.memref_slice %arg5[%run_scoped3A_5, %dma_wait3A] : memref<2x2048xi32, #tpu.memory_space<vmem>> -> memref<1x2048xi32, #tpu.memory_space<vmem>>
      %dma_wait3A_408 = tpu.memref_squeeze %dma_wait3A_407 : memref<1x2048xi32, #tpu.memory_space<vmem>> -> memref<2048xi32, #tpu.memory_space<vmem>>
      %dma_wait3A_409 = tpu.memref_slice %arg3[%run_scoped3A, %add3A] : memref<2x6400000xi32, #tpu.memory_space<hbm>> -> memref<1x2048xi32, #tpu.memory_space<hbm>>
      %dma_wait3A_410 = tpu.memref_squeeze %dma_wait3A_409 : memref<1x2048xi32, #tpu.memory_space<hbm>> -> memref<2048xi32, #tpu.memory_space<hbm>>
      %dma_wait3A_411 = arith.constant 0 : i32
      %dma_wait3A_412 = tpu.memref_slice %arg5[%run_scoped3A_5, %dma_wait3A_411] : memref<2x2048xi32, #tpu.memory_space<vmem>> -> memref<1x2048xi32, #tpu.memory_space<vmem>>
      %dma_wait3A_413 = tpu.memref_squeeze %dma_wait3A_412 : memref<1x2048xi32, #tpu.memory_space<vmem>> -> memref<2048xi32, #tpu.memory_space<vmem>>
      %dma_wait3A_414 = tpu.memref_slice %arg3[%run_scoped3A, %add3A] : memref<2x6400000xi32, #tpu.memory_space<hbm>> -> memref<1x2048xi32, #tpu.memory_space<hbm>>
      %dma_wait3A_415 = tpu.memref_squeeze %dma_wait3A_414 : memref<1x2048xi32, #tpu.memory_space<hbm>> -> memref<2048xi32, #tpu.memory_space<hbm>>
      tpu.wait_dma2 semaphore(%run_scoped3A_396 : memref<!tpu.dma_semaphore, #tpu.memory_space<semaphore_mem>>) src(%dma_wait3A_415 : memref<2048xi32, #tpu.memory_space<hbm>>) dst(%dma_wait3A_413 : memref<2048xi32, #tpu.memory_space<vmem>>)
      tpu.yield
    }) : () -> ()
    %run_scoped3A_6 = arith.constant 1 : i32
    %run_scoped3A_7 = arith.constant 0 : i32
    "tpu.region"() ({
      %run_scoped3A_396 = tpu.sem_alloc : memref<!tpu.dma_semaphore, #tpu.memory_space<semaphore_mem>>
      %dma_start3A_397 = arith.constant 0 : i32
      %dma_start3A_398 = tpu.memref_slice %arg6[%run_scoped3A_7, %dma_start3A_397] : memref<2x2048xi32, #tpu.memory_space<vmem>> -> memref<1x2048xi32, #tpu.memory_space<vmem>>
      %dma_start3A_399 = tpu.memref_squeeze %dma_start3A_398 : memref<1x2048xi32, #tpu.memory_space<vmem>> -> memref<2048xi32, #tpu.memory_space<vmem>>
      %dma_start3A_400 = tpu.memref_slice %arg3[%run_scoped3A_6, %add3A] : memref<2x6400000xi32, #tpu.memory_space<hbm>> -> memref<1x2048xi32, #tpu.memory_space<hbm>>
      %dma_start3A_401 = tpu.memref_squeeze %dma_start3A_400 : memref<1x2048xi32, #tpu.memory_space<hbm>> -> memref<2048xi32, #tpu.memory_space<hbm>>
      %dma_start3A_402 = arith.constant 0 : i32
      %dma_start3A_403 = tpu.memref_slice %arg6[%run_scoped3A_7, %dma_start3A_402] : memref<2x2048xi32, #tpu.memory_space<vmem>> -> memref<1x2048xi32, #tpu.memory_space<vmem>>
      %dma_start3A_404 = tpu.memref_squeeze %dma_start3A_403 : memref<1x2048xi32, #tpu.memory_space<vmem>> -> memref<2048xi32, #tpu.memory_space<vmem>>
      %dma_start3A_405 = tpu.memref_slice %arg3[%run_scoped3A_6, %add3A] : memref<2x6400000xi32, #tpu.memory_space<hbm>> -> memref<1x2048xi32, #tpu.memory_space<hbm>>
      %dma_start3A_406 = tpu.memref_squeeze %dma_start3A_405 : memref<1x2048xi32, #tpu.memory_space<hbm>> -> memref<2048xi32, #tpu.memory_space<hbm>>
      tpu.enqueue_dma source(%dma_start3A_406 : memref<2048xi32, #tpu.memory_space<hbm>>) target(%dma_start3A_404 : memref<2048xi32, #tpu.memory_space<vmem>>) target_semaphore(%run_scoped3A_396 : memref<!tpu.dma_semaphore, #tpu.memory_space<semaphore_mem>>)
      %dma_wait3A = arith.constant 0 : i32
      %dma_wait3A_407 = tpu.memref_slice %arg6[%run_scoped3A_7, %dma_wait3A] : memref<2x2048xi32, #tpu.memory_space<vmem>> -> memref<1x2048xi32, #tpu.memory_space<vmem>>
      %dma_wait3A_408 = tpu.memref_squeeze %dma_wait3A_407 : memref<1x2048xi32, #tpu.memory_space<vmem>> -> memref<2048xi32, #tpu.memory_space<vmem>>
      %dma_wait3A_409 = tpu.memref_slice %arg3[%run_scoped3A_6, %add3A] : memref<2x6400000xi32, #tpu.memory_space<hbm>> -> memref<1x2048xi32, #tpu.memory_space<hbm>>
      %dma_wait3A_410 = tpu.memref_squeeze %dma_wait3A_409 : memref<1x2048xi32, #tpu.memory_space<hbm>> -> memref<2048xi32, #tpu.memory_space<hbm>>
      %dma_wait3A_411 = arith.constant 0 : i32
      %dma_wait3A_412 = tpu.memref_slice %arg6[%run_scoped3A_7, %dma_wait3A_411] : memref<2x2048xi32, #tpu.memory_space<vmem>> -> memref<1x2048xi32, #tpu.memory_space<vmem>>
      %dma_wait3A_413 = tpu.memref_squeeze %dma_wait3A_412 : memref<1x2048xi32, #tpu.memory_space<vmem>> -> memref<2048xi32, #tpu.memory_space<vmem>>
      %dma_wait3A_414 = tpu.memref_slice %arg3[%run_scoped3A_6, %add3A] : memref<2x6400000xi32, #tpu.memory_space<hbm>> -> memref<1x2048xi32, #tpu.memory_space<hbm>>
      %dma_wait3A_415 = tpu.memref_squeeze %dma_wait3A_414 : memref<1x2048xi32, #tpu.memory_space<hbm>> -> memref<2048xi32, #tpu.memory_space<hbm>>
      tpu.wait_dma2 semaphore(%run_scoped3A_396 : memref<!tpu.dma_semaphore, #tpu.memory_space<semaphore_mem>>) src(%dma_wait3A_415 : memref<2048xi32, #tpu.memory_space<hbm>>) dst(%dma_wait3A_413 : memref<2048xi32, #tpu.memory_space<vmem>>)
      tpu.yield
    }) : () -> ()
    %dma_start3A = arith.constant 0 : i32
    %dma_start3A_8 = arith.constant 0 : i32
    %dma_start3A_9 = arith.constant 0 : i32
    %dma_start3A_10 = arith.constant 0 : i32
    %dma_start3A_11 = tpu.memref_slice %arg7[%dma_start3A_8, %dma_start3A_9, %dma_start3A_10] : memref<2x2048x8xf32, #tpu.memory_space<vmem>> -> memref<1x128x8xf32, #tpu.memory_space<vmem>>
    %dma_start3A_12 = tpu.memref_squeeze %dma_start3A_11 : memref<1x128x8xf32, #tpu.memory_space<vmem>> -> memref<128x8xf32, #tpu.memory_space<vmem>>
    %dma_start3A_13 = arith.constant 0 : i32
    %dma_start3A_14 = tpu.memref_slice %arg5[%dma_start3A, %dma_start3A_13] : memref<2x2048xi32, #tpu.memory_space<vmem>> -> memref<1x128xi32, #tpu.memory_space<vmem>>
    %dma_start3A_15 = tpu.memref_squeeze %dma_start3A_14 : memref<1x128xi32, #tpu.memory_space<vmem>> -> memref<128xi32, #tpu.memory_space<vmem>>
    %dma_start3A_16 = arith.constant 0 : i32
    %dma_start3A_17 = arith.constant 0 : i32
    %dma_start3A_18 = tpu.memref_slice %arg10[%dma_start3A_16, %dma_start3A_17] : memref<100000x8xf32, #tpu.memory_space<vmem_shared>> -> memref<100000x8xf32, #tpu.memory_space<vmem_shared>>
    tpu.enqueue_indirect_dma source(%dma_start3A_18 : memref<100000x8xf32, #tpu.memory_space<vmem_shared>>) target(%dma_start3A_12 : memref<128x8xf32, #tpu.memory_space<vmem>>) offsets(%dma_start3A_15 : memref<128xi32, #tpu.memory_space<vmem>>) semaphore(%arg11 : memref<!tpu.dma_semaphore, #tpu.memory_space<semaphore_mem>>)
    %dma_start3A_19 = arith.constant 0 : i32
    %dma_start3A_20 = arith.constant 0 : i32
    %dma_start3A_21 = arith.constant 0 : i32
    %dma_start3A_22 = arith.constant 0 : i32
    %dma_start3A_23 = tpu.memref_slice %arg8[%dma_start3A_20, %dma_start3A_21, %dma_start3A_22] : memref<2x2048x8xf32, #tpu.memory_space<vmem>> -> memref<1x128x8xf32, #tpu.memory_space<vmem>>
    %dma_start3A_24 = tpu.memref_squeeze %dma_start3A_23 : memref<1x128x8xf32, #tpu.memory_space<vmem>> -> memref<128x8xf32, #tpu.memory_space<vmem>>
    %dma_start3A_25 = arith.constant 0 : i32
    %dma_start3A_26 = tpu.memref_slice %arg6[%dma_start3A_19, %dma_start3A_25] : memref<2x2048xi32, #tpu.memory_space<vmem>> -> memref<1x128xi32, #tpu.memory_space<vmem>>
    %dma_start3A_27 = tpu.memref_squeeze %dma_start3A_26 : memref<1x128xi32, #tpu.memory_space<vmem>> -> memref<128xi32, #tpu.memory_space<vmem>>
    %dma_start3A_28 = arith.constant 0 : i32
    %dma_start3A_29 = arith.constant 0 : i32
    %dma_start3A_30 = tpu.memref_slice %arg10[%dma_start3A_28, %dma_start3A_29] : memref<100000x8xf32, #tpu.memory_space<vmem_shared>> -> memref<100000x8xf32, #tpu.memory_space<vmem_shared>>
    tpu.enqueue_indirect_dma source(%dma_start3A_30 : memref<100000x8xf32, #tpu.memory_space<vmem_shared>>) target(%dma_start3A_24 : memref<128x8xf32, #tpu.memory_space<vmem>>) offsets(%dma_start3A_27 : memref<128xi32, #tpu.memory_space<vmem>>) semaphore(%arg11 : memref<!tpu.dma_semaphore, #tpu.memory_space<semaphore_mem>>)
    %dma_start3A_31 = arith.constant 0 : i32
    %dma_start3A_32 = arith.constant 0 : i32
    %dma_start3A_33 = arith.constant 128 : i32
    %dma_start3A_34 = arith.constant 0 : i32
    %dma_start3A_35 = tpu.memref_slice %arg7[%dma_start3A_32, %dma_start3A_33, %dma_start3A_34] : memref<2x2048x8xf32, #tpu.memory_space<vmem>> -> memref<1x128x8xf32, #tpu.memory_space<vmem>>
    %dma_start3A_36 = tpu.memref_squeeze %dma_start3A_35 : memref<1x128x8xf32, #tpu.memory_space<vmem>> -> memref<128x8xf32, #tpu.memory_space<vmem>>
    %dma_start3A_37 = arith.constant 128 : i32
    %dma_start3A_38 = tpu.memref_slice %arg5[%dma_start3A_31, %dma_start3A_37] : memref<2x2048xi32, #tpu.memory_space<vmem>> -> memref<1x128xi32, #tpu.memory_space<vmem>>
    %dma_start3A_39 = tpu.memref_squeeze %dma_start3A_38 : memref<1x128xi32, #tpu.memory_space<vmem>> -> memref<128xi32, #tpu.memory_space<vmem>>
    %dma_start3A_40 = arith.constant 0 : i32
    %dma_start3A_41 = arith.constant 0 : i32
    %dma_start3A_42 = tpu.memref_slice %arg10[%dma_start3A_40, %dma_start3A_41] : memref<100000x8xf32, #tpu.memory_space<vmem_shared>> -> memref<100000x8xf32, #tpu.memory_space<vmem_shared>>
    tpu.enqueue_indirect_dma source(%dma_start3A_42 : memref<100000x8xf32, #tpu.memory_space<vmem_shared>>) target(%dma_start3A_36 : memref<128x8xf32, #tpu.memory_space<vmem>>) offsets(%dma_start3A_39 : memref<128xi32, #tpu.memory_space<vmem>>) semaphore(%arg11 : memref<!tpu.dma_semaphore, #tpu.memory_space<semaphore_mem>>)
    %dma_start3A_43 = arith.constant 0 : i32
    %dma_start3A_44 = arith.constant 0 : i32
    %dma_start3A_45 = arith.constant 128 : i32
    %dma_start3A_46 = arith.constant 0 : i32
    %dma_start3A_47 = tpu.memref_slice %arg8[%dma_start3A_44, %dma_start3A_45, %dma_start3A_46] : memref<2x2048x8xf32, #tpu.memory_space<vmem>> -> memref<1x128x8xf32, #tpu.memory_space<vmem>>
    %dma_start3A_48 = tpu.memref_squeeze %dma_start3A_47 : memref<1x128x8xf32, #tpu.memory_space<vmem>> -> memref<128x8xf32, #tpu.memory_space<vmem>>
    %dma_start3A_49 = arith.constant 128 : i32
    %dma_start3A_50 = tpu.memref_slice %arg6[%dma_start3A_43, %dma_start3A_49] : memref<2x2048xi32, #tpu.memory_space<vmem>> -> memref<1x128xi32, #tpu.memory_space<vmem>>
    %dma_start3A_51 = tpu.memref_squeeze %dma_start3A_50 : memref<1x128xi32, #tpu.memory_space<vmem>> -> memref<128xi32, #tpu.memory_space<vmem>>
    %dma_start3A_52 = arith.constant 0 : i32
    %dma_start3A_53 = arith.constant 0 : i32
    %dma_start3A_54 = tpu.memref_slice %arg10[%dma_start3A_52, %dma_start3A_53] : memref<100000x8xf32, #tpu.memory_space<vmem_shared>> -> memref<100000x8xf32, #tpu.memory_space<vmem_shared>>
    tpu.enqueue_indirect_dma source(%dma_start3A_54 : memref<100000x8xf32, #tpu.memory_space<vmem_shared>>) target(%dma_start3A_48 : memref<128x8xf32, #tpu.memory_space<vmem>>) offsets(%dma_start3A_51 : memref<128xi32, #tpu.memory_space<vmem>>) semaphore(%arg11 : memref<!tpu.dma_semaphore, #tpu.memory_space<semaphore_mem>>)
    %dma_start3A_55 = arith.constant 0 : i32
    %dma_start3A_56 = arith.constant 0 : i32
    %dma_start3A_57 = arith.constant 256 : i32
    %dma_start3A_58 = arith.constant 0 : i32
    %dma_start3A_59 = tpu.memref_slice %arg7[%dma_start3A_56, %dma_start3A_57, %dma_start3A_58] : memref<2x2048x8xf32, #tpu.memory_space<vmem>> -> memref<1x128x8xf32, #tpu.memory_space<vmem>>
    %dma_start3A_60 = tpu.memref_squeeze %dma_start3A_59 : memref<1x128x8xf32, #tpu.memory_space<vmem>> -> memref<128x8xf32, #tpu.memory_space<vmem>>
    %dma_start3A_61 = arith.constant 256 : i32
    %dma_start3A_62 = tpu.memref_slice %arg5[%dma_start3A_55, %dma_start3A_61] : memref<2x2048xi32, #tpu.memory_space<vmem>> -> memref<1x128xi32, #tpu.memory_space<vmem>>
    %dma_start3A_63 = tpu.memref_squeeze %dma_start3A_62 : memref<1x128xi32, #tpu.memory_space<vmem>> -> memref<128xi32, #tpu.memory_space<vmem>>
    %dma_start3A_64 = arith.constant 0 : i32
    %dma_start3A_65 = arith.constant 0 : i32
    %dma_start3A_66 = tpu.memref_slice %arg10[%dma_start3A_64, %dma_start3A_65] : memref<100000x8xf32, #tpu.memory_space<vmem_shared>> -> memref<100000x8xf32, #tpu.memory_space<vmem_shared>>
    tpu.enqueue_indirect_dma source(%dma_start3A_66 : memref<100000x8xf32, #tpu.memory_space<vmem_shared>>) target(%dma_start3A_60 : memref<128x8xf32, #tpu.memory_space<vmem>>) offsets(%dma_start3A_63 : memref<128xi32, #tpu.memory_space<vmem>>) semaphore(%arg11 : memref<!tpu.dma_semaphore, #tpu.memory_space<semaphore_mem>>)
    %dma_start3A_67 = arith.constant 0 : i32
    %dma_start3A_68 = arith.constant 0 : i32
    %dma_start3A_69 = arith.constant 256 : i32
    %dma_start3A_70 = arith.constant 0 : i32
    %dma_start3A_71 = tpu.memref_slice %arg8[%dma_start3A_68, %dma_start3A_69, %dma_start3A_70] : memref<2x2048x8xf32, #tpu.memory_space<vmem>> -> memref<1x128x8xf32, #tpu.memory_space<vmem>>
    %dma_start3A_72 = tpu.memref_squeeze %dma_start3A_71 : memref<1x128x8xf32, #tpu.memory_space<vmem>> -> memref<128x8xf32, #tpu.memory_space<vmem>>
    %dma_start3A_73 = arith.constant 256 : i32
    %dma_start3A_74 = tpu.memref_slice %arg6[%dma_start3A_67, %dma_start3A_73] : memref<2x2048xi32, #tpu.memory_space<vmem>> -> memref<1x128xi32, #tpu.memory_space<vmem>>
    %dma_start3A_75 = tpu.memref_squeeze %dma_start3A_74 : memref<1x128xi32, #tpu.memory_space<vmem>> -> memref<128xi32, #tpu.memory_space<vmem>>
    %dma_start3A_76 = arith.constant 0 : i32
    %dma_start3A_77 = arith.constant 0 : i32
    %dma_start3A_78 = tpu.memref_slice %arg10[%dma_start3A_76, %dma_start3A_77] : memref<100000x8xf32, #tpu.memory_space<vmem_shared>> -> memref<100000x8xf32, #tpu.memory_space<vmem_shared>>
    tpu.enqueue_indirect_dma source(%dma_start3A_78 : memref<100000x8xf32, #tpu.memory_space<vmem_shared>>) target(%dma_start3A_72 : memref<128x8xf32, #tpu.memory_space<vmem>>) offsets(%dma_start3A_75 : memref<128xi32, #tpu.memory_space<vmem>>) semaphore(%arg11 : memref<!tpu.dma_semaphore, #tpu.memory_space<semaphore_mem>>)
    %dma_start3A_79 = arith.constant 0 : i32
    %dma_start3A_80 = arith.constant 0 : i32
    %dma_start3A_81 = arith.constant 384 : i32
    %dma_start3A_82 = arith.constant 0 : i32
    %dma_start3A_83 = tpu.memref_slice %arg7[%dma_start3A_80, %dma_start3A_81, %dma_start3A_82] : memref<2x2048x8xf32, #tpu.memory_space<vmem>> -> memref<1x128x8xf32, #tpu.memory_space<vmem>>
    %dma_start3A_84 = tpu.memref_squeeze %dma_start3A_83 : memref<1x128x8xf32, #tpu.memory_space<vmem>> -> memref<128x8xf32, #tpu.memory_space<vmem>>
    %dma_start3A_85 = arith.constant 384 : i32
    %dma_start3A_86 = tpu.memref_slice %arg5[%dma_start3A_79, %dma_start3A_85] : memref<2x2048xi32, #tpu.memory_space<vmem>> -> memref<1x128xi32, #tpu.memory_space<vmem>>
    %dma_start3A_87 = tpu.memref_squeeze %dma_start3A_86 : memref<1x128xi32, #tpu.memory_space<vmem>> -> memref<128xi32, #tpu.memory_space<vmem>>
    %dma_start3A_88 = arith.constant 0 : i32
    %dma_start3A_89 = arith.constant 0 : i32
    %dma_start3A_90 = tpu.memref_slice %arg10[%dma_start3A_88, %dma_start3A_89] : memref<100000x8xf32, #tpu.memory_space<vmem_shared>> -> memref<100000x8xf32, #tpu.memory_space<vmem_shared>>
    tpu.enqueue_indirect_dma source(%dma_start3A_90 : memref<100000x8xf32, #tpu.memory_space<vmem_shared>>) target(%dma_start3A_84 : memref<128x8xf32, #tpu.memory_space<vmem>>) offsets(%dma_start3A_87 : memref<128xi32, #tpu.memory_space<vmem>>) semaphore(%arg11 : memref<!tpu.dma_semaphore, #tpu.memory_space<semaphore_mem>>)
    %dma_start3A_91 = arith.constant 0 : i32
    %dma_start3A_92 = arith.constant 0 : i32
    %dma_start3A_93 = arith.constant 384 : i32
    %dma_start3A_94 = arith.constant 0 : i32
    %dma_start3A_95 = tpu.memref_slice %arg8[%dma_start3A_92, %dma_start3A_93, %dma_start3A_94] : memref<2x2048x8xf32, #tpu.memory_space<vmem>> -> memref<1x128x8xf32, #tpu.memory_space<vmem>>
    %dma_start3A_96 = tpu.memref_squeeze %dma_start3A_95 : memref<1x128x8xf32, #tpu.memory_space<vmem>> -> memref<128x8xf32, #tpu.memory_space<vmem>>
    %dma_start3A_97 = arith.constant 384 : i32
    %dma_start3A_98 = tpu.memref_slice %arg6[%dma_start3A_91, %dma_start3A_97] : memref<2x2048xi32, #tpu.memory_space<vmem>> -> memref<1x128xi32, #tpu.memory_space<vmem>>
    %dma_start3A_99 = tpu.memref_squeeze %dma_start3A_98 : memref<1x128xi32, #tpu.memory_space<vmem>> -> memref<128xi32, #tpu.memory_space<vmem>>
    %dma_start3A_100 = arith.constant 0 : i32
    %dma_start3A_101 = arith.constant 0 : i32
    %dma_start3A_102 = tpu.memref_slice %arg10[%dma_start3A_100, %dma_start3A_101] : memref<100000x8xf32, #tpu.memory_space<vmem_shared>> -> memref<100000x8xf32, #tpu.memory_space<vmem_shared>>
    tpu.enqueue_indirect_dma source(%dma_start3A_102 : memref<100000x8xf32, #tpu.memory_space<vmem_shared>>) target(%dma_start3A_96 : memref<128x8xf32, #tpu.memory_space<vmem>>) offsets(%dma_start3A_99 : memref<128xi32, #tpu.memory_space<vmem>>) semaphore(%arg11 : memref<!tpu.dma_semaphore, #tpu.memory_space<semaphore_mem>>)
    %dma_start3A_103 = arith.constant 0 : i32
    %dma_start3A_104 = arith.constant 0 : i32
    %dma_start3A_105 = arith.constant 512 : i32
    %dma_start3A_106 = arith.constant 0 : i32
    %dma_start3A_107 = tpu.memref_slice %arg7[%dma_start3A_104, %dma_start3A_105, %dma_start3A_106] : memref<2x2048x8xf32, #tpu.memory_space<vmem>> -> memref<1x128x8xf32, #tpu.memory_space<vmem>>
    %dma_start3A_108 = tpu.memref_squeeze %dma_start3A_107 : memref<1x128x8xf32, #tpu.memory_space<vmem>> -> memref<128x8xf32, #tpu.memory_space<vmem>>
    %dma_start3A_109 = arith.constant 512 : i32
    %dma_start3A_110 = tpu.memref_slice %arg5[%dma_start3A_103, %dma_start3A_109] : memref<2x2048xi32, #tpu.memory_space<vmem>> -> memref<1x128xi32, #tpu.memory_space<vmem>>
    %dma_start3A_111 = tpu.memref_squeeze %dma_start3A_110 : memref<1x128xi32, #tpu.memory_space<vmem>> -> memref<128xi32, #tpu.memory_space<vmem>>
    %dma_start3A_112 = arith.constant 0 : i32
    %dma_start3A_113 = arith.constant 0 : i32
    %dma_start3A_114 = tpu.memref_slice %arg10[%dma_start3A_112, %dma_start3A_113] : memref<100000x8xf32, #tpu.memory_space<vmem_shared>> -> memref<100000x8xf32, #tpu.memory_space<vmem_shared>>
    tpu.enqueue_indirect_dma source(%dma_start3A_114 : memref<100000x8xf32, #tpu.memory_space<vmem_shared>>) target(%dma_start3A_108 : memref<128x8xf32, #tpu.memory_space<vmem>>) offsets(%dma_start3A_111 : memref<128xi32, #tpu.memory_space<vmem>>) semaphore(%arg11 : memref<!tpu.dma_semaphore, #tpu.memory_space<semaphore_mem>>)
    %dma_start3A_115 = arith.constant 0 : i32
    %dma_start3A_116 = arith.constant 0 : i32
    %dma_start3A_117 = arith.constant 512 : i32
    %dma_start3A_118 = arith.constant 0 : i32
    %dma_start3A_119 = tpu.memref_slice %arg8[%dma_start3A_116, %dma_start3A_117, %dma_start3A_118] : memref<2x2048x8xf32, #tpu.memory_space<vmem>> -> memref<1x128x8xf32, #tpu.memory_space<vmem>>
    %dma_start3A_120 = tpu.memref_squeeze %dma_start3A_119 : memref<1x128x8xf32, #tpu.memory_space<vmem>> -> memref<128x8xf32, #tpu.memory_space<vmem>>
    %dma_start3A_121 = arith.constant 512 : i32
    %dma_start3A_122 = tpu.memref_slice %arg6[%dma_start3A_115, %dma_start3A_121] : memref<2x2048xi32, #tpu.memory_space<vmem>> -> memref<1x128xi32, #tpu.memory_space<vmem>>
    %dma_start3A_123 = tpu.memref_squeeze %dma_start3A_122 : memref<1x128xi32, #tpu.memory_space<vmem>> -> memref<128xi32, #tpu.memory_space<vmem>>
    %dma_start3A_124 = arith.constant 0 : i32
    %dma_start3A_125 = arith.constant 0 : i32
    %dma_start3A_126 = tpu.memref_slice %arg10[%dma_start3A_124, %dma_start3A_125] : memref<100000x8xf32, #tpu.memory_space<vmem_shared>> -> memref<100000x8xf32, #tpu.memory_space<vmem_shared>>
    tpu.enqueue_indirect_dma source(%dma_start3A_126 : memref<100000x8xf32, #tpu.memory_space<vmem_shared>>) target(%dma_start3A_120 : memref<128x8xf32, #tpu.memory_space<vmem>>) offsets(%dma_start3A_123 : memref<128xi32, #tpu.memory_space<vmem>>) semaphore(%arg11 : memref<!tpu.dma_semaphore, #tpu.memory_space<semaphore_mem>>)
    %dma_start3A_127 = arith.constant 0 : i32
    %dma_start3A_128 = arith.constant 0 : i32
    %dma_start3A_129 = arith.constant 640 : i32
    %dma_start3A_130 = arith.constant 0 : i32
    %dma_start3A_131 = tpu.memref_slice %arg7[%dma_start3A_128, %dma_start3A_129, %dma_start3A_130] : memref<2x2048x8xf32, #tpu.memory_space<vmem>> -> memref<1x128x8xf32, #tpu.memory_space<vmem>>
    %dma_start3A_132 = tpu.memref_squeeze %dma_start3A_131 : memref<1x128x8xf32, #tpu.memory_space<vmem>> -> memref<128x8xf32, #tpu.memory_space<vmem>>
    %dma_start3A_133 = arith.constant 640 : i32
    %dma_start3A_134 = tpu.memref_slice %arg5[%dma_start3A_127, %dma_start3A_133] : memref<2x2048xi32, #tpu.memory_space<vmem>> -> memref<1x128xi32, #tpu.memory_space<vmem>>
    %dma_start3A_135 = tpu.memref_squeeze %dma_start3A_134 : memref<1x128xi32, #tpu.memory_space<vmem>> -> memref<128xi32, #tpu.memory_space<vmem>>
    %dma_start3A_136 = arith.constant 0 : i32
    %dma_start3A_137 = arith.constant 0 : i32
    %dma_start3A_138 = tpu.memref_slice %arg10[%dma_start3A_136, %dma_start3A_137] : memref<100000x8xf32, #tpu.memory_space<vmem_shared>> -> memref<100000x8xf32, #tpu.memory_space<vmem_shared>>
    tpu.enqueue_indirect_dma source(%dma_start3A_138 : memref<100000x8xf32, #tpu.memory_space<vmem_shared>>) target(%dma_start3A_132 : memref<128x8xf32, #tpu.memory_space<vmem>>) offsets(%dma_start3A_135 : memref<128xi32, #tpu.memory_space<vmem>>) semaphore(%arg11 : memref<!tpu.dma_semaphore, #tpu.memory_space<semaphore_mem>>)
    %dma_start3A_139 = arith.constant 0 : i32
    %dma_start3A_140 = arith.constant 0 : i32
    %dma_start3A_141 = arith.constant 640 : i32
    %dma_start3A_142 = arith.constant 0 : i32
    %dma_start3A_143 = tpu.memref_slice %arg8[%dma_start3A_140, %dma_start3A_141, %dma_start3A_142] : memref<2x2048x8xf32, #tpu.memory_space<vmem>> -> memref<1x128x8xf32, #tpu.memory_space<vmem>>
    %dma_start3A_144 = tpu.memref_squeeze %dma_start3A_143 : memref<1x128x8xf32, #tpu.memory_space<vmem>> -> memref<128x8xf32, #tpu.memory_space<vmem>>
    %dma_start3A_145 = arith.constant 640 : i32
    %dma_start3A_146 = tpu.memref_slice %arg6[%dma_start3A_139, %dma_start3A_145] : memref<2x2048xi32, #tpu.memory_space<vmem>> -> memref<1x128xi32, #tpu.memory_space<vmem>>
    %dma_start3A_147 = tpu.memref_squeeze %dma_start3A_146 : memref<1x128xi32, #tpu.memory_space<vmem>> -> memref<128xi32, #tpu.memory_space<vmem>>
    %dma_start3A_148 = arith.constant 0 : i32
    %dma_start3A_149 = arith.constant 0 : i32
    %dma_start3A_150 = tpu.memref_slice %arg10[%dma_start3A_148, %dma_start3A_149] : memref<100000x8xf32, #tpu.memory_space<vmem_shared>> -> memref<100000x8xf32, #tpu.memory_space<vmem_shared>>
    tpu.enqueue_indirect_dma source(%dma_start3A_150 : memref<100000x8xf32, #tpu.memory_space<vmem_shared>>) target(%dma_start3A_144 : memref<128x8xf32, #tpu.memory_space<vmem>>) offsets(%dma_start3A_147 : memref<128xi32, #tpu.memory_space<vmem>>) semaphore(%arg11 : memref<!tpu.dma_semaphore, #tpu.memory_space<semaphore_mem>>)
    %dma_start3A_151 = arith.constant 0 : i32
    %dma_start3A_152 = arith.constant 0 : i32
    %dma_start3A_153 = arith.constant 768 : i32
    %dma_start3A_154 = arith.constant 0 : i32
    %dma_start3A_155 = tpu.memref_slice %arg7[%dma_start3A_152, %dma_start3A_153, %dma_start3A_154] : memref<2x2048x8xf32, #tpu.memory_space<vmem>> -> memref<1x128x8xf32, #tpu.memory_space<vmem>>
    %dma_start3A_156 = tpu.memref_squeeze %dma_start3A_155 : memref<1x128x8xf32, #tpu.memory_space<vmem>> -> memref<128x8xf32, #tpu.memory_space<vmem>>
    %dma_start3A_157 = arith.constant 768 : i32
    %dma_start3A_158 = tpu.memref_slice %arg5[%dma_start3A_151, %dma_start3A_157] : memref<2x2048xi32, #tpu.memory_space<vmem>> -> memref<1x128xi32, #tpu.memory_space<vmem>>
    %dma_start3A_159 = tpu.memref_squeeze %dma_start3A_158 : memref<1x128xi32, #tpu.memory_space<vmem>> -> memref<128xi32, #tpu.memory_space<vmem>>
    %dma_start3A_160 = arith.constant 0 : i32
    %dma_start3A_161 = arith.constant 0 : i32
    %dma_start3A_162 = tpu.memref_slice %arg10[%dma_start3A_160, %dma_start3A_161] : memref<100000x8xf32, #tpu.memory_space<vmem_shared>> -> memref<100000x8xf32, #tpu.memory_space<vmem_shared>>
    tpu.enqueue_indirect_dma source(%dma_start3A_162 : memref<100000x8xf32, #tpu.memory_space<vmem_shared>>) target(%dma_start3A_156 : memref<128x8xf32, #tpu.memory_space<vmem>>) offsets(%dma_start3A_159 : memref<128xi32, #tpu.memory_space<vmem>>) semaphore(%arg11 : memref<!tpu.dma_semaphore, #tpu.memory_space<semaphore_mem>>)
    %dma_start3A_163 = arith.constant 0 : i32
    %dma_start3A_164 = arith.constant 0 : i32
    %dma_start3A_165 = arith.constant 768 : i32
    %dma_start3A_166 = arith.constant 0 : i32
    %dma_start3A_167 = tpu.memref_slice %arg8[%dma_start3A_164, %dma_start3A_165, %dma_start3A_166] : memref<2x2048x8xf32, #tpu.memory_space<vmem>> -> memref<1x128x8xf32, #tpu.memory_space<vmem>>
    %dma_start3A_168 = tpu.memref_squeeze %dma_start3A_167 : memref<1x128x8xf32, #tpu.memory_space<vmem>> -> memref<128x8xf32, #tpu.memory_space<vmem>>
    %dma_start3A_169 = arith.constant 768 : i32
    %dma_start3A_170 = tpu.memref_slice %arg6[%dma_start3A_163, %dma_start3A_169] : memref<2x2048xi32, #tpu.memory_space<vmem>> -> memref<1x128xi32, #tpu.memory_space<vmem>>
    %dma_start3A_171 = tpu.memref_squeeze %dma_start3A_170 : memref<1x128xi32, #tpu.memory_space<vmem>> -> memref<128xi32, #tpu.memory_space<vmem>>
    %dma_start3A_172 = arith.constant 0 : i32
    %dma_start3A_173 = arith.constant 0 : i32
    %dma_start3A_174 = tpu.memref_slice %arg10[%dma_start3A_172, %dma_start3A_173] : memref<100000x8xf32, #tpu.memory_space<vmem_shared>> -> memref<100000x8xf32, #tpu.memory_space<vmem_shared>>
    tpu.enqueue_indirect_dma source(%dma_start3A_174 : memref<100000x8xf32, #tpu.memory_space<vmem_shared>>) target(%dma_start3A_168 : memref<128x8xf32, #tpu.memory_space<vmem>>) offsets(%dma_start3A_171 : memref<128xi32, #tpu.memory_space<vmem>>) semaphore(%arg11 : memref<!tpu.dma_semaphore, #tpu.memory_space<semaphore_mem>>)
    %dma_start3A_175 = arith.constant 0 : i32
    %dma_start3A_176 = arith.constant 0 : i32
    %dma_start3A_177 = arith.constant 896 : i32
    %dma_start3A_178 = arith.constant 0 : i32
    %dma_start3A_179 = tpu.memref_slice %arg7[%dma_start3A_176, %dma_start3A_177, %dma_start3A_178] : memref<2x2048x8xf32, #tpu.memory_space<vmem>> -> memref<1x128x8xf32, #tpu.memory_space<vmem>>
    %dma_start3A_180 = tpu.memref_squeeze %dma_start3A_179 : memref<1x128x8xf32, #tpu.memory_space<vmem>> -> memref<128x8xf32, #tpu.memory_space<vmem>>
    %dma_start3A_181 = arith.constant 896 : i32
    %dma_start3A_182 = tpu.memref_slice %arg5[%dma_start3A_175, %dma_start3A_181] : memref<2x2048xi32, #tpu.memory_space<vmem>> -> memref<1x128xi32, #tpu.memory_space<vmem>>
    %dma_start3A_183 = tpu.memref_squeeze %dma_start3A_182 : memref<1x128xi32, #tpu.memory_space<vmem>> -> memref<128xi32, #tpu.memory_space<vmem>>
    %dma_start3A_184 = arith.constant 0 : i32
    %dma_start3A_185 = arith.constant 0 : i32
    %dma_start3A_186 = tpu.memref_slice %arg10[%dma_start3A_184, %dma_start3A_185] : memref<100000x8xf32, #tpu.memory_space<vmem_shared>> -> memref<100000x8xf32, #tpu.memory_space<vmem_shared>>
    tpu.enqueue_indirect_dma source(%dma_start3A_186 : memref<100000x8xf32, #tpu.memory_space<vmem_shared>>) target(%dma_start3A_180 : memref<128x8xf32, #tpu.memory_space<vmem>>) offsets(%dma_start3A_183 : memref<128xi32, #tpu.memory_space<vmem>>) semaphore(%arg11 : memref<!tpu.dma_semaphore, #tpu.memory_space<semaphore_mem>>)
    %dma_start3A_187 = arith.constant 0 : i32
    %dma_start3A_188 = arith.constant 0 : i32
    %dma_start3A_189 = arith.constant 896 : i32
    %dma_start3A_190 = arith.constant 0 : i32
    %dma_start3A_191 = tpu.memref_slice %arg8[%dma_start3A_188, %dma_start3A_189, %dma_start3A_190] : memref<2x2048x8xf32, #tpu.memory_space<vmem>> -> memref<1x128x8xf32, #tpu.memory_space<vmem>>
    %dma_start3A_192 = tpu.memref_squeeze %dma_start3A_191 : memref<1x128x8xf32, #tpu.memory_space<vmem>> -> memref<128x8xf32, #tpu.memory_space<vmem>>
    %dma_start3A_193 = arith.constant 896 : i32
    %dma_start3A_194 = tpu.memref_slice %arg6[%dma_start3A_187, %dma_start3A_193] : memref<2x2048xi32, #tpu.memory_space<vmem>> -> memref<1x128xi32, #tpu.memory_space<vmem>>
    %dma_start3A_195 = tpu.memref_squeeze %dma_start3A_194 : memref<1x128xi32, #tpu.memory_space<vmem>> -> memref<128xi32, #tpu.memory_space<vmem>>
    %dma_start3A_196 = arith.constant 0 : i32
    %dma_start3A_197 = arith.constant 0 : i32
    %dma_start3A_198 = tpu.memref_slice %arg10[%dma_start3A_196, %dma_start3A_197] : memref<100000x8xf32, #tpu.memory_space<vmem_shared>> -> memref<100000x8xf32, #tpu.memory_space<vmem_shared>>
    tpu.enqueue_indirect_dma source(%dma_start3A_198 : memref<100000x8xf32, #tpu.memory_space<vmem_shared>>) target(%dma_start3A_192 : memref<128x8xf32, #tpu.memory_space<vmem>>) offsets(%dma_start3A_195 : memref<128xi32, #tpu.memory_space<vmem>>) semaphore(%arg11 : memref<!tpu.dma_semaphore, #tpu.memory_space<semaphore_mem>>)
    %dma_start3A_199 = arith.constant 0 : i32
    %dma_start3A_200 = arith.constant 0 : i32
    %dma_start3A_201 = arith.constant 1024 : i32
    %dma_start3A_202 = arith.constant 0 : i32
    %dma_start3A_203 = tpu.memref_slice %arg7[%dma_start3A_200, %dma_start3A_201, %dma_start3A_202] : memref<2x2048x8xf32, #tpu.memory_space<vmem>> -> memref<1x128x8xf32, #tpu.memory_space<vmem>>
    %dma_start3A_204 = tpu.memref_squeeze %dma_start3A_203 : memref<1x128x8xf32, #tpu.memory_space<vmem>> -> memref<128x8xf32, #tpu.memory_space<vmem>>
    %dma_start3A_205 = arith.constant 1024 : i32
    %dma_start3A_206 = tpu.memref_slice %arg5[%dma_start3A_199, %dma_start3A_205] : memref<2x2048xi32, #tpu.memory_space<vmem>> -> memref<1x128xi32, #tpu.memory_space<vmem>>
    %dma_start3A_207 = tpu.memref_squeeze %dma_start3A_206 : memref<1x128xi32, #tpu.memory_space<vmem>> -> memref<128xi32, #tpu.memory_space<vmem>>
    %dma_start3A_208 = arith.constant 0 : i32
    %dma_start3A_209 = arith.constant 0 : i32
    %dma_start3A_210 = tpu.memref_slice %arg10[%dma_start3A_208, %dma_start3A_209] : memref<100000x8xf32, #tpu.memory_space<vmem_shared>> -> memref<100000x8xf32, #tpu.memory_space<vmem_shared>>
    tpu.enqueue_indirect_dma source(%dma_start3A_210 : memref<100000x8xf32, #tpu.memory_space<vmem_shared>>) target(%dma_start3A_204 : memref<128x8xf32, #tpu.memory_space<vmem>>) offsets(%dma_start3A_207 : memref<128xi32, #tpu.memory_space<vmem>>) semaphore(%arg11 : memref<!tpu.dma_semaphore, #tpu.memory_space<semaphore_mem>>)
    %dma_start3A_211 = arith.constant 0 : i32
    %dma_start3A_212 = arith.constant 0 : i32
    %dma_start3A_213 = arith.constant 1024 : i32
    %dma_start3A_214 = arith.constant 0 : i32
    %dma_start3A_215 = tpu.memref_slice %arg8[%dma_start3A_212, %dma_start3A_213, %dma_start3A_214] : memref<2x2048x8xf32, #tpu.memory_space<vmem>> -> memref<1x128x8xf32, #tpu.memory_space<vmem>>
    %dma_start3A_216 = tpu.memref_squeeze %dma_start3A_215 : memref<1x128x8xf32, #tpu.memory_space<vmem>> -> memref<128x8xf32, #tpu.memory_space<vmem>>
    %dma_start3A_217 = arith.constant 1024 : i32
    %dma_start3A_218 = tpu.memref_slice %arg6[%dma_start3A_211, %dma_start3A_217] : memref<2x2048xi32, #tpu.memory_space<vmem>> -> memref<1x128xi32, #tpu.memory_space<vmem>>
    %dma_start3A_219 = tpu.memref_squeeze %dma_start3A_218 : memref<1x128xi32, #tpu.memory_space<vmem>> -> memref<128xi32, #tpu.memory_space<vmem>>
    %dma_start3A_220 = arith.constant 0 : i32
    %dma_start3A_221 = arith.constant 0 : i32
    %dma_start3A_222 = tpu.memref_slice %arg10[%dma_start3A_220, %dma_start3A_221] : memref<100000x8xf32, #tpu.memory_space<vmem_shared>> -> memref<100000x8xf32, #tpu.memory_space<vmem_shared>>
    tpu.enqueue_indirect_dma source(%dma_start3A_222 : memref<100000x8xf32, #tpu.memory_space<vmem_shared>>) target(%dma_start3A_216 : memref<128x8xf32, #tpu.memory_space<vmem>>) offsets(%dma_start3A_219 : memref<128xi32, #tpu.memory_space<vmem>>) semaphore(%arg11 : memref<!tpu.dma_semaphore, #tpu.memory_space<semaphore_mem>>)
    %dma_start3A_223 = arith.constant 0 : i32
    %dma_start3A_224 = arith.constant 0 : i32
    %dma_start3A_225 = arith.constant 1152 : i32
    %dma_start3A_226 = arith.constant 0 : i32
    %dma_start3A_227 = tpu.memref_slice %arg7[%dma_start3A_224, %dma_start3A_225, %dma_start3A_226] : memref<2x2048x8xf32, #tpu.memory_space<vmem>> -> memref<1x128x8xf32, #tpu.memory_space<vmem>>
    %dma_start3A_228 = tpu.memref_squeeze %dma_start3A_227 : memref<1x128x8xf32, #tpu.memory_space<vmem>> -> memref<128x8xf32, #tpu.memory_space<vmem>>
    %dma_start3A_229 = arith.constant 1152 : i32
    %dma_start3A_230 = tpu.memref_slice %arg5[%dma_start3A_223, %dma_start3A_229] : memref<2x2048xi32, #tpu.memory_space<vmem>> -> memref<1x128xi32, #tpu.memory_space<vmem>>
    %dma_start3A_231 = tpu.memref_squeeze %dma_start3A_230 : memref<1x128xi32, #tpu.memory_space<vmem>> -> memref<128xi32, #tpu.memory_space<vmem>>
    %dma_start3A_232 = arith.constant 0 : i32
    %dma_start3A_233 = arith.constant 0 : i32
    %dma_start3A_234 = tpu.memref_slice %arg10[%dma_start3A_232, %dma_start3A_233] : memref<100000x8xf32, #tpu.memory_space<vmem_shared>> -> memref<100000x8xf32, #tpu.memory_space<vmem_shared>>
    tpu.enqueue_indirect_dma source(%dma_start3A_234 : memref<100000x8xf32, #tpu.memory_space<vmem_shared>>) target(%dma_start3A_228 : memref<128x8xf32, #tpu.memory_space<vmem>>) offsets(%dma_start3A_231 : memref<128xi32, #tpu.memory_space<vmem>>) semaphore(%arg11 : memref<!tpu.dma_semaphore, #tpu.memory_space<semaphore_mem>>)
    %dma_start3A_235 = arith.constant 0 : i32
    %dma_start3A_236 = arith.constant 0 : i32
    %dma_start3A_237 = arith.constant 1152 : i32
    %dma_start3A_238 = arith.constant 0 : i32
    %dma_start3A_239 = tpu.memref_slice %arg8[%dma_start3A_236, %dma_start3A_237, %dma_start3A_238] : memref<2x2048x8xf32, #tpu.memory_space<vmem>> -> memref<1x128x8xf32, #tpu.memory_space<vmem>>
    %dma_start3A_240 = tpu.memref_squeeze %dma_start3A_239 : memref<1x128x8xf32, #tpu.memory_space<vmem>> -> memref<128x8xf32, #tpu.memory_space<vmem>>
    %dma_start3A_241 = arith.constant 1152 : i32
    %dma_start3A_242 = tpu.memref_slice %arg6[%dma_start3A_235, %dma_start3A_241] : memref<2x2048xi32, #tpu.memory_space<vmem>> -> memref<1x128xi32, #tpu.memory_space<vmem>>
    %dma_start3A_243 = tpu.memref_squeeze %dma_start3A_242 : memref<1x128xi32, #tpu.memory_space<vmem>> -> memref<128xi32, #tpu.memory_space<vmem>>
    %dma_start3A_244 = arith.constant 0 : i32
    %dma_start3A_245 = arith.constant 0 : i32
    %dma_start3A_246 = tpu.memref_slice %arg10[%dma_start3A_244, %dma_start3A_245] : memref<100000x8xf32, #tpu.memory_space<vmem_shared>> -> memref<100000x8xf32, #tpu.memory_space<vmem_shared>>
    tpu.enqueue_indirect_dma source(%dma_start3A_246 : memref<100000x8xf32, #tpu.memory_space<vmem_shared>>) target(%dma_start3A_240 : memref<128x8xf32, #tpu.memory_space<vmem>>) offsets(%dma_start3A_243 : memref<128xi32, #tpu.memory_space<vmem>>) semaphore(%arg11 : memref<!tpu.dma_semaphore, #tpu.memory_space<semaphore_mem>>)
    %dma_start3A_247 = arith.constant 0 : i32
    %dma_start3A_248 = arith.constant 0 : i32
    %dma_start3A_249 = arith.constant 1280 : i32
    %dma_start3A_250 = arith.constant 0 : i32
    %dma_start3A_251 = tpu.memref_slice %arg7[%dma_start3A_248, %dma_start3A_249, %dma_start3A_250] : memref<2x2048x8xf32, #tpu.memory_space<vmem>> -> memref<1x128x8xf32, #tpu.memory_space<vmem>>
    %dma_start3A_252 = tpu.memref_squeeze %dma_start3A_251 : memref<1x128x8xf32, #tpu.memory_space<vmem>> -> memref<128x8xf32, #tpu.memory_space<vmem>>
    %dma_start3A_253 = arith.constant 1280 : i32
    %dma_start3A_254 = tpu.memref_slice %arg5[%dma_start3A_247, %dma_start3A_253] : memref<2x2048xi32, #tpu.memory_space<vmem>> -> memref<1x128xi32, #tpu.memory_space<vmem>>
    %dma_start3A_255 = tpu.memref_squeeze %dma_start3A_254 : memref<1x128xi32, #tpu.memory_space<vmem>> -> memref<128xi32, #tpu.memory_space<vmem>>
    %dma_start3A_256 = arith.constant 0 : i32
    %dma_start3A_257 = arith.constant 0 : i32
    %dma_start3A_258 = tpu.memref_slice %arg10[%dma_start3A_256, %dma_start3A_257] : memref<100000x8xf32, #tpu.memory_space<vmem_shared>> -> memref<100000x8xf32, #tpu.memory_space<vmem_shared>>
    tpu.enqueue_indirect_dma source(%dma_start3A_258 : memref<100000x8xf32, #tpu.memory_space<vmem_shared>>) target(%dma_start3A_252 : memref<128x8xf32, #tpu.memory_space<vmem>>) offsets(%dma_start3A_255 : memref<128xi32, #tpu.memory_space<vmem>>) semaphore(%arg11 : memref<!tpu.dma_semaphore, #tpu.memory_space<semaphore_mem>>)
    %dma_start3A_259 = arith.constant 0 : i32
    %dma_start3A_260 = arith.constant 0 : i32
    %dma_start3A_261 = arith.constant 1280 : i32
    %dma_start3A_262 = arith.constant 0 : i32
    %dma_start3A_263 = tpu.memref_slice %arg8[%dma_start3A_260, %dma_start3A_261, %dma_start3A_262] : memref<2x2048x8xf32, #tpu.memory_space<vmem>> -> memref<1x128x8xf32, #tpu.memory_space<vmem>>
    %dma_start3A_264 = tpu.memref_squeeze %dma_start3A_263 : memref<1x128x8xf32, #tpu.memory_space<vmem>> -> memref<128x8xf32, #tpu.memory_space<vmem>>
    %dma_start3A_265 = arith.constant 1280 : i32
    %dma_start3A_266 = tpu.memref_slice %arg6[%dma_start3A_259, %dma_start3A_265] : memref<2x2048xi32, #tpu.memory_space<vmem>> -> memref<1x128xi32, #tpu.memory_space<vmem>>
    %dma_start3A_267 = tpu.memref_squeeze %dma_start3A_266 : memref<1x128xi32, #tpu.memory_space<vmem>> -> memref<128xi32, #tpu.memory_space<vmem>>
    %dma_start3A_268 = arith.constant 0 : i32
    %dma_start3A_269 = arith.constant 0 : i32
    %dma_start3A_270 = tpu.memref_slice %arg10[%dma_start3A_268, %dma_start3A_269] : memref<100000x8xf32, #tpu.memory_space<vmem_shared>> -> memref<100000x8xf32, #tpu.memory_space<vmem_shared>>
    tpu.enqueue_indirect_dma source(%dma_start3A_270 : memref<100000x8xf32, #tpu.memory_space<vmem_shared>>) target(%dma_start3A_264 : memref<128x8xf32, #tpu.memory_space<vmem>>) offsets(%dma_start3A_267 : memref<128xi32, #tpu.memory_space<vmem>>) semaphore(%arg11 : memref<!tpu.dma_semaphore, #tpu.memory_space<semaphore_mem>>)
    %dma_start3A_271 = arith.constant 0 : i32
    %dma_start3A_272 = arith.constant 0 : i32
    %dma_start3A_273 = arith.constant 1408 : i32
    %dma_start3A_274 = arith.constant 0 : i32
    %dma_start3A_275 = tpu.memref_slice %arg7[%dma_start3A_272, %dma_start3A_273, %dma_start3A_274] : memref<2x2048x8xf32, #tpu.memory_space<vmem>> -> memref<1x128x8xf32, #tpu.memory_space<vmem>>
    %dma_start3A_276 = tpu.memref_squeeze %dma_start3A_275 : memref<1x128x8xf32, #tpu.memory_space<vmem>> -> memref<128x8xf32, #tpu.memory_space<vmem>>
    %dma_start3A_277 = arith.constant 1408 : i32
    %dma_start3A_278 = tpu.memref_slice %arg5[%dma_start3A_271, %dma_start3A_277] : memref<2x2048xi32, #tpu.memory_space<vmem>> -> memref<1x128xi32, #tpu.memory_space<vmem>>
    %dma_start3A_279 = tpu.memref_squeeze %dma_start3A_278 : memref<1x128xi32, #tpu.memory_space<vmem>> -> memref<128xi32, #tpu.memory_space<vmem>>
    %dma_start3A_280 = arith.constant 0 : i32
    %dma_start3A_281 = arith.constant 0 : i32
    %dma_start3A_282 = tpu.memref_slice %arg10[%dma_start3A_280, %dma_start3A_281] : memref<100000x8xf32, #tpu.memory_space<vmem_shared>> -> memref<100000x8xf32, #tpu.memory_space<vmem_shared>>
    tpu.enqueue_indirect_dma source(%dma_start3A_282 : memref<100000x8xf32, #tpu.memory_space<vmem_shared>>) target(%dma_start3A_276 : memref<128x8xf32, #tpu.memory_space<vmem>>) offsets(%dma_start3A_279 : memref<128xi32, #tpu.memory_space<vmem>>) semaphore(%arg11 : memref<!tpu.dma_semaphore, #tpu.memory_space<semaphore_mem>>)
    %dma_start3A_283 = arith.constant 0 : i32
    %dma_start3A_284 = arith.constant 0 : i32
    %dma_start3A_285 = arith.constant 1408 : i32
    %dma_start3A_286 = arith.constant 0 : i32
    %dma_start3A_287 = tpu.memref_slice %arg8[%dma_start3A_284, %dma_start3A_285, %dma_start3A_286] : memref<2x2048x8xf32, #tpu.memory_space<vmem>> -> memref<1x128x8xf32, #tpu.memory_space<vmem>>
    %dma_start3A_288 = tpu.memref_squeeze %dma_start3A_287 : memref<1x128x8xf32, #tpu.memory_space<vmem>> -> memref<128x8xf32, #tpu.memory_space<vmem>>
    %dma_start3A_289 = arith.constant 1408 : i32
    %dma_start3A_290 = tpu.memref_slice %arg6[%dma_start3A_283, %dma_start3A_289] : memref<2x2048xi32, #tpu.memory_space<vmem>> -> memref<1x128xi32, #tpu.memory_space<vmem>>
    %dma_start3A_291 = tpu.memref_squeeze %dma_start3A_290 : memref<1x128xi32, #tpu.memory_space<vmem>> -> memref<128xi32, #tpu.memory_space<vmem>>
    %dma_start3A_292 = arith.constant 0 : i32
    %dma_start3A_293 = arith.constant 0 : i32
    %dma_start3A_294 = tpu.memref_slice %arg10[%dma_start3A_292, %dma_start3A_293] : memref<100000x8xf32, #tpu.memory_space<vmem_shared>> -> memref<100000x8xf32, #tpu.memory_space<vmem_shared>>
    tpu.enqueue_indirect_dma source(%dma_start3A_294 : memref<100000x8xf32, #tpu.memory_space<vmem_shared>>) target(%dma_start3A_288 : memref<128x8xf32, #tpu.memory_space<vmem>>) offsets(%dma_start3A_291 : memref<128xi32, #tpu.memory_space<vmem>>) semaphore(%arg11 : memref<!tpu.dma_semaphore, #tpu.memory_space<semaphore_mem>>)
    %dma_start3A_295 = arith.constant 0 : i32
    %dma_start3A_296 = arith.constant 0 : i32
    %dma_start3A_297 = arith.constant 1536 : i32
    %dma_start3A_298 = arith.constant 0 : i32
    %dma_start3A_299 = tpu.memref_slice %arg7[%dma_start3A_296, %dma_start3A_297, %dma_start3A_298] : memref<2x2048x8xf32, #tpu.memory_space<vmem>> -> memref<1x128x8xf32, #tpu.memory_space<vmem>>
    %dma_start3A_300 = tpu.memref_squeeze %dma_start3A_299 : memref<1x128x8xf32, #tpu.memory_space<vmem>> -> memref<128x8xf32, #tpu.memory_space<vmem>>
    %dma_start3A_301 = arith.constant 1536 : i32
    %dma_start3A_302 = tpu.memref_slice %arg5[%dma_start3A_295, %dma_start3A_301] : memref<2x2048xi32, #tpu.memory_space<vmem>> -> memref<1x128xi32, #tpu.memory_space<vmem>>
    %dma_start3A_303 = tpu.memref_squeeze %dma_start3A_302 : memref<1x128xi32, #tpu.memory_space<vmem>> -> memref<128xi32, #tpu.memory_space<vmem>>
    %dma_start3A_304 = arith.constant 0 : i32
    %dma_start3A_305 = arith.constant 0 : i32
    %dma_start3A_306 = tpu.memref_slice %arg10[%dma_start3A_304, %dma_start3A_305] : memref<100000x8xf32, #tpu.memory_space<vmem_shared>> -> memref<100000x8xf32, #tpu.memory_space<vmem_shared>>
    tpu.enqueue_indirect_dma source(%dma_start3A_306 : memref<100000x8xf32, #tpu.memory_space<vmem_shared>>) target(%dma_start3A_300 : memref<128x8xf32, #tpu.memory_space<vmem>>) offsets(%dma_start3A_303 : memref<128xi32, #tpu.memory_space<vmem>>) semaphore(%arg11 : memref<!tpu.dma_semaphore, #tpu.memory_space<semaphore_mem>>)
    %dma_start3A_307 = arith.constant 0 : i32
    %dma_start3A_308 = arith.constant 0 : i32
    %dma_start3A_309 = arith.constant 1536 : i32
    %dma_start3A_310 = arith.constant 0 : i32
    %dma_start3A_311 = tpu.memref_slice %arg8[%dma_start3A_308, %dma_start3A_309, %dma_start3A_310] : memref<2x2048x8xf32, #tpu.memory_space<vmem>> -> memref<1x128x8xf32, #tpu.memory_space<vmem>>
    %dma_start3A_312 = tpu.memref_squeeze %dma_start3A_311 : memref<1x128x8xf32, #tpu.memory_space<vmem>> -> memref<128x8xf32, #tpu.memory_space<vmem>>
    %dma_start3A_313 = arith.constant 1536 : i32
    %dma_start3A_314 = tpu.memref_slice %arg6[%dma_start3A_307, %dma_start3A_313] : memref<2x2048xi32, #tpu.memory_space<vmem>> -> memref<1x128xi32, #tpu.memory_space<vmem>>
    %dma_start3A_315 = tpu.memref_squeeze %dma_start3A_314 : memref<1x128xi32, #tpu.memory_space<vmem>> -> memref<128xi32, #tpu.memory_space<vmem>>
    %dma_start3A_316 = arith.constant 0 : i32
    %dma_start3A_317 = arith.constant 0 : i32
    %dma_start3A_318 = tpu.memref_slice %arg10[%dma_start3A_316, %dma_start3A_317] : memref<100000x8xf32, #tpu.memory_space<vmem_shared>> -> memref<100000x8xf32, #tpu.memory_space<vmem_shared>>
    tpu.enqueue_indirect_dma source(%dma_start3A_318 : memref<100000x8xf32, #tpu.memory_space<vmem_shared>>) target(%dma_start3A_312 : memref<128x8xf32, #tpu.memory_space<vmem>>) offsets(%dma_start3A_315 : memref<128xi32, #tpu.memory_space<vmem>>) semaphore(%arg11 : memref<!tpu.dma_semaphore, #tpu.memory_space<semaphore_mem>>)
    %dma_start3A_319 = arith.constant 0 : i32
    %dma_start3A_320 = arith.constant 0 : i32
    %dma_start3A_321 = arith.constant 1664 : i32
    %dma_start3A_322 = arith.constant 0 : i32
    %dma_start3A_323 = tpu.memref_slice %arg7[%dma_start3A_320, %dma_start3A_321, %dma_start3A_322] : memref<2x2048x8xf32, #tpu.memory_space<vmem>> -> memref<1x128x8xf32, #tpu.memory_space<vmem>>
    %dma_start3A_324 = tpu.memref_squeeze %dma_start3A_323 : memref<1x128x8xf32, #tpu.memory_space<vmem>> -> memref<128x8xf32, #tpu.memory_space<vmem>>
    %dma_start3A_325 = arith.constant 1664 : i32
    %dma_start3A_326 = tpu.memref_slice %arg5[%dma_start3A_319, %dma_start3A_325] : memref<2x2048xi32, #tpu.memory_space<vmem>> -> memref<1x128xi32, #tpu.memory_space<vmem>>
    %dma_start3A_327 = tpu.memref_squeeze %dma_start3A_326 : memref<1x128xi32, #tpu.memory_space<vmem>> -> memref<128xi32, #tpu.memory_space<vmem>>
    %dma_start3A_328 = arith.constant 0 : i32
    %dma_start3A_329 = arith.constant 0 : i32
    %dma_start3A_330 = tpu.memref_slice %arg10[%dma_start3A_328, %dma_start3A_329] : memref<100000x8xf32, #tpu.memory_space<vmem_shared>> -> memref<100000x8xf32, #tpu.memory_space<vmem_shared>>
    tpu.enqueue_indirect_dma source(%dma_start3A_330 : memref<100000x8xf32, #tpu.memory_space<vmem_shared>>) target(%dma_start3A_324 : memref<128x8xf32, #tpu.memory_space<vmem>>) offsets(%dma_start3A_327 : memref<128xi32, #tpu.memory_space<vmem>>) semaphore(%arg11 : memref<!tpu.dma_semaphore, #tpu.memory_space<semaphore_mem>>)
    %dma_start3A_331 = arith.constant 0 : i32
    %dma_start3A_332 = arith.constant 0 : i32
    %dma_start3A_333 = arith.constant 1664 : i32
    %dma_start3A_334 = arith.constant 0 : i32
    %dma_start3A_335 = tpu.memref_slice %arg8[%dma_start3A_332, %dma_start3A_333, %dma_start3A_334] : memref<2x2048x8xf32, #tpu.memory_space<vmem>> -> memref<1x128x8xf32, #tpu.memory_space<vmem>>
    %dma_start3A_336 = tpu.memref_squeeze %dma_start3A_335 : memref<1x128x8xf32, #tpu.memory_space<vmem>> -> memref<128x8xf32, #tpu.memory_space<vmem>>
    %dma_start3A_337 = arith.constant 1664 : i32
    %dma_start3A_338 = tpu.memref_slice %arg6[%dma_start3A_331, %dma_start3A_337] : memref<2x2048xi32, #tpu.memory_space<vmem>> -> memref<1x128xi32, #tpu.memory_space<vmem>>
    %dma_start3A_339 = tpu.memref_squeeze %dma_start3A_338 : memref<1x128xi32, #tpu.memory_space<vmem>> -> memref<128xi32, #tpu.memory_space<vmem>>
    %dma_start3A_340 = arith.constant 0 : i32
    %dma_start3A_341 = arith.constant 0 : i32
    %dma_start3A_342 = tpu.memref_slice %arg10[%dma_start3A_340, %dma_start3A_341] : memref<100000x8xf32, #tpu.memory_space<vmem_shared>> -> memref<100000x8xf32, #tpu.memory_space<vmem_shared>>
    tpu.enqueue_indirect_dma source(%dma_start3A_342 : memref<100000x8xf32, #tpu.memory_space<vmem_shared>>) target(%dma_start3A_336 : memref<128x8xf32, #tpu.memory_space<vmem>>) offsets(%dma_start3A_339 : memref<128xi32, #tpu.memory_space<vmem>>) semaphore(%arg11 : memref<!tpu.dma_semaphore, #tpu.memory_space<semaphore_mem>>)
    %dma_start3A_343 = arith.constant 0 : i32
    %dma_start3A_344 = arith.constant 0 : i32
    %dma_start3A_345 = arith.constant 1792 : i32
    %dma_start3A_346 = arith.constant 0 : i32
    %dma_start3A_347 = tpu.memref_slice %arg7[%dma_start3A_344, %dma_start3A_345, %dma_start3A_346] : memref<2x2048x8xf32, #tpu.memory_space<vmem>> -> memref<1x128x8xf32, #tpu.memory_space<vmem>>
    %dma_start3A_348 = tpu.memref_squeeze %dma_start3A_347 : memref<1x128x8xf32, #tpu.memory_space<vmem>> -> memref<128x8xf32, #tpu.memory_space<vmem>>
    %dma_start3A_349 = arith.constant 1792 : i32
    %dma_start3A_350 = tpu.memref_slice %arg5[%dma_start3A_343, %dma_start3A_349] : memref<2x2048xi32, #tpu.memory_space<vmem>> -> memref<1x128xi32, #tpu.memory_space<vmem>>
    %dma_start3A_351 = tpu.memref_squeeze %dma_start3A_350 : memref<1x128xi32, #tpu.memory_space<vmem>> -> memref<128xi32, #tpu.memory_space<vmem>>
    %dma_start3A_352 = arith.constant 0 : i32
    %dma_start3A_353 = arith.constant 0 : i32
    %dma_start3A_354 = tpu.memref_slice %arg10[%dma_start3A_352, %dma_start3A_353] : memref<100000x8xf32, #tpu.memory_space<vmem_shared>> -> memref<100000x8xf32, #tpu.memory_space<vmem_shared>>
    tpu.enqueue_indirect_dma source(%dma_start3A_354 : memref<100000x8xf32, #tpu.memory_space<vmem_shared>>) target(%dma_start3A_348 : memref<128x8xf32, #tpu.memory_space<vmem>>) offsets(%dma_start3A_351 : memref<128xi32, #tpu.memory_space<vmem>>) semaphore(%arg11 : memref<!tpu.dma_semaphore, #tpu.memory_space<semaphore_mem>>)
    %dma_start3A_355 = arith.constant 0 : i32
    %dma_start3A_356 = arith.constant 0 : i32
    %dma_start3A_357 = arith.constant 1792 : i32
    %dma_start3A_358 = arith.constant 0 : i32
    %dma_start3A_359 = tpu.memref_slice %arg8[%dma_start3A_356, %dma_start3A_357, %dma_start3A_358] : memref<2x2048x8xf32, #tpu.memory_space<vmem>> -> memref<1x128x8xf32, #tpu.memory_space<vmem>>
    %dma_start3A_360 = tpu.memref_squeeze %dma_start3A_359 : memref<1x128x8xf32, #tpu.memory_space<vmem>> -> memref<128x8xf32, #tpu.memory_space<vmem>>
    %dma_start3A_361 = arith.constant 1792 : i32
    %dma_start3A_362 = tpu.memref_slice %arg6[%dma_start3A_355, %dma_start3A_361] : memref<2x2048xi32, #tpu.memory_space<vmem>> -> memref<1x128xi32, #tpu.memory_space<vmem>>
    %dma_start3A_363 = tpu.memref_squeeze %dma_start3A_362 : memref<1x128xi32, #tpu.memory_space<vmem>> -> memref<128xi32, #tpu.memory_space<vmem>>
    %dma_start3A_364 = arith.constant 0 : i32
    %dma_start3A_365 = arith.constant 0 : i32
    %dma_start3A_366 = tpu.memref_slice %arg10[%dma_start3A_364, %dma_start3A_365] : memref<100000x8xf32, #tpu.memory_space<vmem_shared>> -> memref<100000x8xf32, #tpu.memory_space<vmem_shared>>
    tpu.enqueue_indirect_dma source(%dma_start3A_366 : memref<100000x8xf32, #tpu.memory_space<vmem_shared>>) target(%dma_start3A_360 : memref<128x8xf32, #tpu.memory_space<vmem>>) offsets(%dma_start3A_363 : memref<128xi32, #tpu.memory_space<vmem>>) semaphore(%arg11 : memref<!tpu.dma_semaphore, #tpu.memory_space<semaphore_mem>>)
    %dma_start3A_367 = arith.constant 0 : i32
    %dma_start3A_368 = arith.constant 0 : i32
    %dma_start3A_369 = arith.constant 1920 : i32
    %dma_start3A_370 = arith.constant 0 : i32
    %dma_start3A_371 = tpu.memref_slice %arg7[%dma_start3A_368, %dma_start3A_369, %dma_start3A_370] : memref<2x2048x8xf32, #tpu.memory_space<vmem>> -> memref<1x128x8xf32, #tpu.memory_space<vmem>>
    %dma_start3A_372 = tpu.memref_squeeze %dma_start3A_371 : memref<1x128x8xf32, #tpu.memory_space<vmem>> -> memref<128x8xf32, #tpu.memory_space<vmem>>
    %dma_start3A_373 = arith.constant 1920 : i32
    %dma_start3A_374 = tpu.memref_slice %arg5[%dma_start3A_367, %dma_start3A_373] : memref<2x2048xi32, #tpu.memory_space<vmem>> -> memref<1x128xi32, #tpu.memory_space<vmem>>
    %dma_start3A_375 = tpu.memref_squeeze %dma_start3A_374 : memref<1x128xi32, #tpu.memory_space<vmem>> -> memref<128xi32, #tpu.memory_space<vmem>>
    %dma_start3A_376 = arith.constant 0 : i32
    %dma_start3A_377 = arith.constant 0 : i32
    %dma_start3A_378 = tpu.memref_slice %arg10[%dma_start3A_376, %dma_start3A_377] : memref<100000x8xf32, #tpu.memory_space<vmem_shared>> -> memref<100000x8xf32, #tpu.memory_space<vmem_shared>>
    tpu.enqueue_indirect_dma source(%dma_start3A_378 : memref<100000x8xf32, #tpu.memory_space<vmem_shared>>) target(%dma_start3A_372 : memref<128x8xf32, #tpu.memory_space<vmem>>) offsets(%dma_start3A_375 : memref<128xi32, #tpu.memory_space<vmem>>) semaphore(%arg11 : memref<!tpu.dma_semaphore, #tpu.memory_space<semaphore_mem>>)
    %dma_start3A_379 = arith.constant 0 : i32
    %dma_start3A_380 = arith.constant 0 : i32
    %dma_start3A_381 = arith.constant 1920 : i32
    %dma_start3A_382 = arith.constant 0 : i32
    %dma_start3A_383 = tpu.memref_slice %arg8[%dma_start3A_380, %dma_start3A_381, %dma_start3A_382] : memref<2x2048x8xf32, #tpu.memory_space<vmem>> -> memref<1x128x8xf32, #tpu.memory_space<vmem>>
    %dma_start3A_384 = tpu.memref_squeeze %dma_start3A_383 : memref<1x128x8xf32, #tpu.memory_space<vmem>> -> memref<128x8xf32, #tpu.memory_space<vmem>>
    %dma_start3A_385 = arith.constant 1920 : i32
    %dma_start3A_386 = tpu.memref_slice %arg6[%dma_start3A_379, %dma_start3A_385] : memref<2x2048xi32, #tpu.memory_space<vmem>> -> memref<1x128xi32, #tpu.memory_space<vmem>>
    %dma_start3A_387 = tpu.memref_squeeze %dma_start3A_386 : memref<1x128xi32, #tpu.memory_space<vmem>> -> memref<128xi32, #tpu.memory_space<vmem>>
    %dma_start3A_388 = arith.constant 0 : i32
    %dma_start3A_389 = arith.constant 0 : i32
    %dma_start3A_390 = tpu.memref_slice %arg10[%dma_start3A_388, %dma_start3A_389] : memref<100000x8xf32, #tpu.memory_space<vmem_shared>> -> memref<100000x8xf32, #tpu.memory_space<vmem_shared>>
    tpu.enqueue_indirect_dma source(%dma_start3A_390 : memref<100000x8xf32, #tpu.memory_space<vmem_shared>>) target(%dma_start3A_384 : memref<128x8xf32, #tpu.memory_space<vmem>>) offsets(%dma_start3A_387 : memref<128xi32, #tpu.memory_space<vmem>>) semaphore(%arg11 : memref<!tpu.dma_semaphore, #tpu.memory_space<semaphore_mem>>)
    %scan3A = arith.constant 0 : i32
    %scan3A_391 = arith.constant 0 : i32
    %scan3A_392 = arith.constant 98 : i32
    %scan3A_393 = arith.addi %scan3A_391, %scan3A_392 : i32
    %scan3A_394 = arith.constant 1 : i32
    scf.for %scan3A_396 = %scan3A_391 to %scan3A_393 step %scan3A_394  : i32 {
      %mul3A_397 = arith.constant 2 : i32
      %mul3A_398 = arith.muli %mul3A_397, %scan3A_396 : i32
      %add3A_399 = arith.constant 1 : i32
      %add3A_400 = arith.addi %mul3A_398, %add3A_399 : i32
      %mul3A_401 = arith.constant 2048 : i32
      %mul3A_402 = arith.muli %add3A_400, %mul3A_401 : i32
      %min3A_403 = arith.constant 397952 : i32
      %min3A_404 = arith.minsi %mul3A_402, %min3A_403 : i32
      %add3A_405 = arith.addi %mul3A_0, %min3A_404 : i32
      %run_scoped3A_406 = arith.constant 0 : i32
      %run_scoped3A_407 = arith.constant 1 : i32
      "tpu.region"() ({
        %run_scoped3A_1915 = tpu.sem_alloc : memref<!tpu.dma_semaphore, #tpu.memory_space<semaphore_mem>>
        %dma_start3A_1916 = arith.constant 0 : i32
        %dma_start3A_1917 = tpu.memref_slice %arg5[%run_scoped3A_407, %dma_start3A_1916] : memref<2x2048xi32, #tpu.memory_space<vmem>> -> memref<1x2048xi32, #tpu.memory_space<vmem>>
        %dma_start3A_1918 = tpu.memref_squeeze %dma_start3A_1917 : memref<1x2048xi32, #tpu.memory_space<vmem>> -> memref<2048xi32, #tpu.memory_space<vmem>>
        %dma_start3A_1919 = tpu.memref_slice %arg3[%run_scoped3A_406, %add3A_405] : memref<2x6400000xi32, #tpu.memory_space<hbm>> -> memref<1x2048xi32, #tpu.memory_space<hbm>>
        %dma_start3A_1920 = tpu.memref_squeeze %dma_start3A_1919 : memref<1x2048xi32, #tpu.memory_space<hbm>> -> memref<2048xi32, #tpu.memory_space<hbm>>
        %dma_start3A_1921 = arith.constant 0 : i32
        %dma_start3A_1922 = tpu.memref_slice %arg5[%run_scoped3A_407, %dma_start3A_1921] : memref<2x2048xi32, #tpu.memory_space<vmem>> -> memref<1x2048xi32, #tpu.memory_space<vmem>>
        %dma_start3A_1923 = tpu.memref_squeeze %dma_start3A_1922 : memref<1x2048xi32, #tpu.memory_space<vmem>> -> memref<2048xi32, #tpu.memory_space<vmem>>
        %dma_start3A_1924 = tpu.memref_slice %arg3[%run_scoped3A_406, %add3A_405] : memref<2x6400000xi32, #tpu.memory_space<hbm>> -> memref<1x2048xi32, #tpu.memory_space<hbm>>
        %dma_start3A_1925 = tpu.memref_squeeze %dma_start3A_1924 : memref<1x2048xi32, #tpu.memory_space<hbm>> -> memref<2048xi32, #tpu.memory_space<hbm>>
        tpu.enqueue_dma source(%dma_start3A_1925 : memref<2048xi32, #tpu.memory_space<hbm>>) target(%dma_start3A_1923 : memref<2048xi32, #tpu.memory_space<vmem>>) target_semaphore(%run_scoped3A_1915 : memref<!tpu.dma_semaphore, #tpu.memory_space<semaphore_mem>>)
        %dma_wait3A_1926 = arith.constant 0 : i32
        %dma_wait3A_1927 = tpu.memref_slice %arg5[%run_scoped3A_407, %dma_wait3A_1926] : memref<2x2048xi32, #tpu.memory_space<vmem>> -> memref<1x2048xi32, #tpu.memory_space<vmem>>
        %dma_wait3A_1928 = tpu.memref_squeeze %dma_wait3A_1927 : memref<1x2048xi32, #tpu.memory_space<vmem>> -> memref<2048xi32, #tpu.memory_space<vmem>>
        %dma_wait3A_1929 = tpu.memref_slice %arg3[%run_scoped3A_406, %add3A_405] : memref<2x6400000xi32, #tpu.memory_space<hbm>> -> memref<1x2048xi32, #tpu.memory_space<hbm>>
        %dma_wait3A_1930 = tpu.memref_squeeze %dma_wait3A_1929 : memref<1x2048xi32, #tpu.memory_space<hbm>> -> memref<2048xi32, #tpu.memory_space<hbm>>
        %dma_wait3A_1931 = arith.constant 0 : i32
        %dma_wait3A_1932 = tpu.memref_slice %arg5[%run_scoped3A_407, %dma_wait3A_1931] : memref<2x2048xi32, #tpu.memory_space<vmem>> -> memref<1x2048xi32, #tpu.memory_space<vmem>>
        %dma_wait3A_1933 = tpu.memref_squeeze %dma_wait3A_1932 : memref<1x2048xi32, #tpu.memory_space<vmem>> -> memref<2048xi32, #tpu.memory_space<vmem>>
        %dma_wait3A_1934 = tpu.memref_slice %arg3[%run_scoped3A_406, %add3A_405] : memref<2x6400000xi32, #tpu.memory_space<hbm>> -> memref<1x2048xi32, #tpu.memory_space<hbm>>
        %dma_wait3A_1935 = tpu.memref_squeeze %dma_wait3A_1934 : memref<1x2048xi32, #tpu.memory_space<hbm>> -> memref<2048xi32, #tpu.memory_space<hbm>>
        tpu.wait_dma2 semaphore(%run_scoped3A_1915 : memref<!tpu.dma_semaphore, #tpu.memory_space<semaphore_mem>>) src(%dma_wait3A_1935 : memref<2048xi32, #tpu.memory_space<hbm>>) dst(%dma_wait3A_1933 : memref<2048xi32, #tpu.memory_space<vmem>>)
        tpu.yield
      }) : () -> ()
      %run_scoped3A_408 = arith.constant 1 : i32
      %run_scoped3A_409 = arith.constant 1 : i32
      "tpu.region"() ({
        %run_scoped3A_1915 = tpu.sem_alloc : memref<!tpu.dma_semaphore, #tpu.memory_space<semaphore_mem>>
        %dma_start3A_1916 = arith.constant 0 : i32
        %dma_start3A_1917 = tpu.memref_slice %arg6[%run_scoped3A_409, %dma_start3A_1916] : memref<2x2048xi32, #tpu.memory_space<vmem>> -> memref<1x2048xi32, #tpu.memory_space<vmem>>
        %dma_start3A_1918 = tpu.memref_squeeze %dma_start3A_1917 : memref<1x2048xi32, #tpu.memory_space<vmem>> -> memref<2048xi32, #tpu.memory_space<vmem>>
        %dma_start3A_1919 = tpu.memref_slice %arg3[%run_scoped3A_408, %add3A_405] : memref<2x6400000xi32, #tpu.memory_space<hbm>> -> memref<1x2048xi32, #tpu.memory_space<hbm>>
        %dma_start3A_1920 = tpu.memref_squeeze %dma_start3A_1919 : memref<1x2048xi32, #tpu.memory_space<hbm>> -> memref<2048xi32, #tpu.memory_space<hbm>>
        %dma_start3A_1921 = arith.constant 0 : i32
        %dma_start3A_1922 = tpu.memref_slice %arg6[%run_scoped3A_409, %dma_start3A_1921] : memref<2x2048xi32, #tpu.memory_space<vmem>> -> memref<1x2048xi32, #tpu.memory_space<vmem>>
        %dma_start3A_1923 = tpu.memref_squeeze %dma_start3A_1922 : memref<1x2048xi32, #tpu.memory_space<vmem>> -> memref<2048xi32, #tpu.memory_space<vmem>>
        %dma_start3A_1924 = tpu.memref_slice %arg3[%run_scoped3A_408, %add3A_405] : memref<2x6400000xi32, #tpu.memory_space<hbm>> -> memref<1x2048xi32, #tpu.memory_space<hbm>>
        %dma_start3A_1925 = tpu.memref_squeeze %dma_start3A_1924 : memref<1x2048xi32, #tpu.memory_space<hbm>> -> memref<2048xi32, #tpu.memory_space<hbm>>
        tpu.enqueue_dma source(%dma_start3A_1925 : memref<2048xi32, #tpu.memory_space<hbm>>) target(%dma_start3A_1923 : memref<2048xi32, #tpu.memory_space<vmem>>) target_semaphore(%run_scoped3A_1915 : memref<!tpu.dma_semaphore, #tpu.memory_space<semaphore_mem>>)
        %dma_wait3A_1926 = arith.constant 0 : i32
        %dma_wait3A_1927 = tpu.memref_slice %arg6[%run_scoped3A_409, %dma_wait3A_1926] : memref<2x2048xi32, #tpu.memory_space<vmem>> -> memref<1x2048xi32, #tpu.memory_space<vmem>>
        %dma_wait3A_1928 = tpu.memref_squeeze %dma_wait3A_1927 : memref<1x2048xi32, #tpu.memory_space<vmem>> -> memref<2048xi32, #tpu.memory_space<vmem>>
        %dma_wait3A_1929 = tpu.memref_slice %arg3[%run_scoped3A_408, %add3A_405] : memref<2x6400000xi32, #tpu.memory_space<hbm>> -> memref<1x2048xi32, #tpu.memory_space<hbm>>
        %dma_wait3A_1930 = tpu.memref_squeeze %dma_wait3A_1929 : memref<1x2048xi32, #tpu.memory_space<hbm>> -> memref<2048xi32, #tpu.memory_space<hbm>>
        %dma_wait3A_1931 = arith.constant 0 : i32
        %dma_wait3A_1932 = tpu.memref_slice %arg6[%run_scoped3A_409, %dma_wait3A_1931] : memref<2x2048xi32, #tpu.memory_space<vmem>> -> memref<1x2048xi32, #tpu.memory_space<vmem>>
        %dma_wait3A_1933 = tpu.memref_squeeze %dma_wait3A_1932 : memref<1x2048xi32, #tpu.memory_space<vmem>> -> memref<2048xi32, #tpu.memory_space<vmem>>
        %dma_wait3A_1934 = tpu.memref_slice %arg3[%run_scoped3A_408, %add3A_405] : memref<2x6400000xi32, #tpu.memory_space<hbm>> -> memref<1x2048xi32, #tpu.memory_space<hbm>>
        %dma_wait3A_1935 = tpu.memref_squeeze %dma_wait3A_1934 : memref<1x2048xi32, #tpu.memory_space<hbm>> -> memref<2048xi32, #tpu.memory_space<hbm>>
        tpu.wait_dma2 semaphore(%run_scoped3A_1915 : memref<!tpu.dma_semaphore, #tpu.memory_space<semaphore_mem>>) src(%dma_wait3A_1935 : memref<2048xi32, #tpu.memory_space<hbm>>) dst(%dma_wait3A_1933 : memref<2048xi32, #tpu.memory_space<vmem>>)
        tpu.yield
      }) : () -> ()
      %dma_start3A_410 = arith.constant 1 : i32
      %dma_start3A_411 = arith.constant 1 : i32
      %dma_start3A_412 = arith.constant 0 : i32
      %dma_start3A_413 = arith.constant 0 : i32
      %dma_start3A_414 = tpu.memref_slice %arg7[%dma_start3A_411, %dma_start3A_412, %dma_start3A_413] : memref<2x2048x8xf32, #tpu.memory_space<vmem>> -> memref<1x128x8xf32, #tpu.memory_space<vmem>>
      %dma_start3A_415 = tpu.memref_squeeze %dma_start3A_414 : memref<1x128x8xf32, #tpu.memory_space<vmem>> -> memref<128x8xf32, #tpu.memory_space<vmem>>
      %dma_start3A_416 = arith.constant 0 : i32
      %dma_start3A_417 = tpu.memref_slice %arg5[%dma_start3A_410, %dma_start3A_416] : memref<2x2048xi32, #tpu.memory_space<vmem>> -> memref<1x128xi32, #tpu.memory_space<vmem>>
      %dma_start3A_418 = tpu.memref_squeeze %dma_start3A_417 : memref<1x128xi32, #tpu.memory_space<vmem>> -> memref<128xi32, #tpu.memory_space<vmem>>
      %dma_start3A_419 = arith.constant 0 : i32
      %dma_start3A_420 = arith.constant 0 : i32
      %dma_start3A_421 = tpu.memref_slice %arg10[%dma_start3A_419, %dma_start3A_420] : memref<100000x8xf32, #tpu.memory_space<vmem_shared>> -> memref<100000x8xf32, #tpu.memory_space<vmem_shared>>
      tpu.enqueue_indirect_dma source(%dma_start3A_421 : memref<100000x8xf32, #tpu.memory_space<vmem_shared>>) target(%dma_start3A_415 : memref<128x8xf32, #tpu.memory_space<vmem>>) offsets(%dma_start3A_418 : memref<128xi32, #tpu.memory_space<vmem>>) semaphore(%arg12 : memref<!tpu.dma_semaphore, #tpu.memory_space<semaphore_mem>>)
      %dma_start3A_422 = arith.constant 1 : i32
      %dma_start3A_423 = arith.constant 1 : i32
      %dma_start3A_424 = arith.constant 0 : i32
      %dma_start3A_425 = arith.constant 0 : i32
      %dma_start3A_426 = tpu.memref_slice %arg8[%dma_start3A_423, %dma_start3A_424, %dma_start3A_425] : memref<2x2048x8xf32, #tpu.memory_space<vmem>> -> memref<1x128x8xf32, #tpu.memory_space<vmem>>
      %dma_start3A_427 = tpu.memref_squeeze %dma_start3A_426 : memref<1x128x8xf32, #tpu.memory_space<vmem>> -> memref<128x8xf32, #tpu.memory_space<vmem>>
      %dma_start3A_428 = arith.constant 0 : i32
      %dma_start3A_429 = tpu.memref_slice %arg6[%dma_start3A_422, %dma_start3A_428] : memref<2x2048xi32, #tpu.memory_space<vmem>> -> memref<1x128xi32, #tpu.memory_space<vmem>>
      %dma_start3A_430 = tpu.memref_squeeze %dma_start3A_429 : memref<1x128xi32, #tpu.memory_space<vmem>> -> memref<128xi32, #tpu.memory_space<vmem>>
      %dma_start3A_431 = arith.constant 0 : i32
      %dma_start3A_432 = arith.constant 0 : i32
      %dma_start3A_433 = tpu.memref_slice %arg10[%dma_start3A_431, %dma_start3A_432] : memref<100000x8xf32, #tpu.memory_space<vmem_shared>> -> memref<100000x8xf32, #tpu.memory_space<vmem_shared>>
      tpu.enqueue_indirect_dma source(%dma_start3A_433 : memref<100000x8xf32, #tpu.memory_space<vmem_shared>>) target(%dma_start3A_427 : memref<128x8xf32, #tpu.memory_space<vmem>>) offsets(%dma_start3A_430 : memref<128xi32, #tpu.memory_space<vmem>>) semaphore(%arg12 : memref<!tpu.dma_semaphore, #tpu.memory_space<semaphore_mem>>)
      %dma_start3A_434 = arith.constant 1 : i32
      %dma_start3A_435 = arith.constant 1 : i32
      %dma_start3A_436 = arith.constant 128 : i32
      %dma_start3A_437 = arith.constant 0 : i32
      %dma_start3A_438 = tpu.memref_slice %arg7[%dma_start3A_435, %dma_start3A_436, %dma_start3A_437] : memref<2x2048x8xf32, #tpu.memory_space<vmem>> -> memref<1x128x8xf32, #tpu.memory_space<vmem>>
      %dma_start3A_439 = tpu.memref_squeeze %dma_start3A_438 : memref<1x128x8xf32, #tpu.memory_space<vmem>> -> memref<128x8xf32, #tpu.memory_space<vmem>>
      %dma_start3A_440 = arith.constant 128 : i32
      %dma_start3A_441 = tpu.memref_slice %arg5[%dma_start3A_434, %dma_start3A_440] : memref<2x2048xi32, #tpu.memory_space<vmem>> -> memref<1x128xi32, #tpu.memory_space<vmem>>
      %dma_start3A_442 = tpu.memref_squeeze %dma_start3A_441 : memref<1x128xi32, #tpu.memory_space<vmem>> -> memref<128xi32, #tpu.memory_space<vmem>>
      %dma_start3A_443 = arith.constant 0 : i32
      %dma_start3A_444 = arith.constant 0 : i32
      %dma_start3A_445 = tpu.memref_slice %arg10[%dma_start3A_443, %dma_start3A_444] : memref<100000x8xf32, #tpu.memory_space<vmem_shared>> -> memref<100000x8xf32, #tpu.memory_space<vmem_shared>>
      tpu.enqueue_indirect_dma source(%dma_start3A_445 : memref<100000x8xf32, #tpu.memory_space<vmem_shared>>) target(%dma_start3A_439 : memref<128x8xf32, #tpu.memory_space<vmem>>) offsets(%dma_start3A_442 : memref<128xi32, #tpu.memory_space<vmem>>) semaphore(%arg12 : memref<!tpu.dma_semaphore, #tpu.memory_space<semaphore_mem>>)
      %dma_start3A_446 = arith.constant 1 : i32
      %dma_start3A_447 = arith.constant 1 : i32
      %dma_start3A_448 = arith.constant 128 : i32
      %dma_start3A_449 = arith.constant 0 : i32
      %dma_start3A_450 = tpu.memref_slice %arg8[%dma_start3A_447, %dma_start3A_448, %dma_start3A_449] : memref<2x2048x8xf32, #tpu.memory_space<vmem>> -> memref<1x128x8xf32, #tpu.memory_space<vmem>>
      %dma_start3A_451 = tpu.memref_squeeze %dma_start3A_450 : memref<1x128x8xf32, #tpu.memory_space<vmem>> -> memref<128x8xf32, #tpu.memory_space<vmem>>
      %dma_start3A_452 = arith.constant 128 : i32
      %dma_start3A_453 = tpu.memref_slice %arg6[%dma_start3A_446, %dma_start3A_452] : memref<2x2048xi32, #tpu.memory_space<vmem>> -> memref<1x128xi32, #tpu.memory_space<vmem>>
      %dma_start3A_454 = tpu.memref_squeeze %dma_start3A_453 : memref<1x128xi32, #tpu.memory_space<vmem>> -> memref<128xi32, #tpu.memory_space<vmem>>
      %dma_start3A_455 = arith.constant 0 : i32
      %dma_start3A_456 = arith.constant 0 : i32
      %dma_start3A_457 = tpu.memref_slice %arg10[%dma_start3A_455, %dma_start3A_456] : memref<100000x8xf32, #tpu.memory_space<vmem_shared>> -> memref<100000x8xf32, #tpu.memory_space<vmem_shared>>
      tpu.enqueue_indirect_dma source(%dma_start3A_457 : memref<100000x8xf32, #tpu.memory_space<vmem_shared>>) target(%dma_start3A_451 : memref<128x8xf32, #tpu.memory_space<vmem>>) offsets(%dma_start3A_454 : memref<128xi32, #tpu.memory_space<vmem>>) semaphore(%arg12 : memref<!tpu.dma_semaphore, #tpu.memory_space<semaphore_mem>>)
      %dma_start3A_458 = arith.constant 1 : i32
      %dma_start3A_459 = arith.constant 1 : i32
      %dma_start3A_460 = arith.constant 256 : i32
      %dma_start3A_461 = arith.constant 0 : i32
      %dma_start3A_462 = tpu.memref_slice %arg7[%dma_start3A_459, %dma_start3A_460, %dma_start3A_461] : memref<2x2048x8xf32, #tpu.memory_space<vmem>> -> memref<1x128x8xf32, #tpu.memory_space<vmem>>
      %dma_start3A_463 = tpu.memref_squeeze %dma_start3A_462 : memref<1x128x8xf32, #tpu.memory_space<vmem>> -> memref<128x8xf32, #tpu.memory_space<vmem>>
      %dma_start3A_464 = arith.constant 256 : i32
      %dma_start3A_465 = tpu.memref_slice %arg5[%dma_start3A_458, %dma_start3A_464] : memref<2x2048xi32, #tpu.memory_space<vmem>> -> memref<1x128xi32, #tpu.memory_space<vmem>>
      %dma_start3A_466 = tpu.memref_squeeze %dma_start3A_465 : memref<1x128xi32, #tpu.memory_space<vmem>> -> memref<128xi32, #tpu.memory_space<vmem>>
      %dma_start3A_467 = arith.constant 0 : i32
      %dma_start3A_468 = arith.constant 0 : i32
      %dma_start3A_469 = tpu.memref_slice %arg10[%dma_start3A_467, %dma_start3A_468] : memref<100000x8xf32, #tpu.memory_space<vmem_shared>> -> memref<100000x8xf32, #tpu.memory_space<vmem_shared>>
      tpu.enqueue_indirect_dma source(%dma_start3A_469 : memref<100000x8xf32, #tpu.memory_space<vmem_shared>>) target(%dma_start3A_463 : memref<128x8xf32, #tpu.memory_space<vmem>>) offsets(%dma_start3A_466 : memref<128xi32, #tpu.memory_space<vmem>>) semaphore(%arg12 : memref<!tpu.dma_semaphore, #tpu.memory_space<semaphore_mem>>)
      %dma_start3A_470 = arith.constant 1 : i32
      %dma_start3A_471 = arith.constant 1 : i32
      %dma_start3A_472 = arith.constant 256 : i32
      %dma_start3A_473 = arith.constant 0 : i32
      %dma_start3A_474 = tpu.memref_slice %arg8[%dma_start3A_471, %dma_start3A_472, %dma_start3A_473] : memref<2x2048x8xf32, #tpu.memory_space<vmem>> -> memref<1x128x8xf32, #tpu.memory_space<vmem>>
      %dma_start3A_475 = tpu.memref_squeeze %dma_start3A_474 : memref<1x128x8xf32, #tpu.memory_space<vmem>> -> memref<128x8xf32, #tpu.memory_space<vmem>>
      %dma_start3A_476 = arith.constant 256 : i32
      %dma_start3A_477 = tpu.memref_slice %arg6[%dma_start3A_470, %dma_start3A_476] : memref<2x2048xi32, #tpu.memory_space<vmem>> -> memref<1x128xi32, #tpu.memory_space<vmem>>
      %dma_start3A_478 = tpu.memref_squeeze %dma_start3A_477 : memref<1x128xi32, #tpu.memory_space<vmem>> -> memref<128xi32, #tpu.memory_space<vmem>>
      %dma_start3A_479 = arith.constant 0 : i32
      %dma_start3A_480 = arith.constant 0 : i32
      %dma_start3A_481 = tpu.memref_slice %arg10[%dma_start3A_479, %dma_start3A_480] : memref<100000x8xf32, #tpu.memory_space<vmem_shared>> -> memref<100000x8xf32, #tpu.memory_space<vmem_shared>>
      tpu.enqueue_indirect_dma source(%dma_start3A_481 : memref<100000x8xf32, #tpu.memory_space<vmem_shared>>) target(%dma_start3A_475 : memref<128x8xf32, #tpu.memory_space<vmem>>) offsets(%dma_start3A_478 : memref<128xi32, #tpu.memory_space<vmem>>) semaphore(%arg12 : memref<!tpu.dma_semaphore, #tpu.memory_space<semaphore_mem>>)
      %dma_start3A_482 = arith.constant 1 : i32
      %dma_start3A_483 = arith.constant 1 : i32
      %dma_start3A_484 = arith.constant 384 : i32
      %dma_start3A_485 = arith.constant 0 : i32
      %dma_start3A_486 = tpu.memref_slice %arg7[%dma_start3A_483, %dma_start3A_484, %dma_start3A_485] : memref<2x2048x8xf32, #tpu.memory_space<vmem>> -> memref<1x128x8xf32, #tpu.memory_space<vmem>>
      %dma_start3A_487 = tpu.memref_squeeze %dma_start3A_486 : memref<1x128x8xf32, #tpu.memory_space<vmem>> -> memref<128x8xf32, #tpu.memory_space<vmem>>
      %dma_start3A_488 = arith.constant 384 : i32
      %dma_start3A_489 = tpu.memref_slice %arg5[%dma_start3A_482, %dma_start3A_488] : memref<2x2048xi32, #tpu.memory_space<vmem>> -> memref<1x128xi32, #tpu.memory_space<vmem>>
      %dma_start3A_490 = tpu.memref_squeeze %dma_start3A_489 : memref<1x128xi32, #tpu.memory_space<vmem>> -> memref<128xi32, #tpu.memory_space<vmem>>
      %dma_start3A_491 = arith.constant 0 : i32
      %dma_start3A_492 = arith.constant 0 : i32
      %dma_start3A_493 = tpu.memref_slice %arg10[%dma_start3A_491, %dma_start3A_492] : memref<100000x8xf32, #tpu.memory_space<vmem_shared>> -> memref<100000x8xf32, #tpu.memory_space<vmem_shared>>
      tpu.enqueue_indirect_dma source(%dma_start3A_493 : memref<100000x8xf32, #tpu.memory_space<vmem_shared>>) target(%dma_start3A_487 : memref<128x8xf32, #tpu.memory_space<vmem>>) offsets(%dma_start3A_490 : memref<128xi32, #tpu.memory_space<vmem>>) semaphore(%arg12 : memref<!tpu.dma_semaphore, #tpu.memory_space<semaphore_mem>>)
      %dma_start3A_494 = arith.constant 1 : i32
      %dma_start3A_495 = arith.constant 1 : i32
      %dma_start3A_496 = arith.constant 384 : i32
      %dma_start3A_497 = arith.constant 0 : i32
      %dma_start3A_498 = tpu.memref_slice %arg8[%dma_start3A_495, %dma_start3A_496, %dma_start3A_497] : memref<2x2048x8xf32, #tpu.memory_space<vmem>> -> memref<1x128x8xf32, #tpu.memory_space<vmem>>
      %dma_start3A_499 = tpu.memref_squeeze %dma_start3A_498 : memref<1x128x8xf32, #tpu.memory_space<vmem>> -> memref<128x8xf32, #tpu.memory_space<vmem>>
      %dma_start3A_500 = arith.constant 384 : i32
      %dma_start3A_501 = tpu.memref_slice %arg6[%dma_start3A_494, %dma_start3A_500] : memref<2x2048xi32, #tpu.memory_space<vmem>> -> memref<1x128xi32, #tpu.memory_space<vmem>>
      %dma_start3A_502 = tpu.memref_squeeze %dma_start3A_501 : memref<1x128xi32, #tpu.memory_space<vmem>> -> memref<128xi32, #tpu.memory_space<vmem>>
      %dma_start3A_503 = arith.constant 0 : i32
      %dma_start3A_504 = arith.constant 0 : i32
      %dma_start3A_505 = tpu.memref_slice %arg10[%dma_start3A_503, %dma_start3A_504] : memref<100000x8xf32, #tpu.memory_space<vmem_shared>> -> memref<100000x8xf32, #tpu.memory_space<vmem_shared>>
      tpu.enqueue_indirect_dma source(%dma_start3A_505 : memref<100000x8xf32, #tpu.memory_space<vmem_shared>>) target(%dma_start3A_499 : memref<128x8xf32, #tpu.memory_space<vmem>>) offsets(%dma_start3A_502 : memref<128xi32, #tpu.memory_space<vmem>>) semaphore(%arg12 : memref<!tpu.dma_semaphore, #tpu.memory_space<semaphore_mem>>)
      %dma_start3A_506 = arith.constant 1 : i32
      %dma_start3A_507 = arith.constant 1 : i32
      %dma_start3A_508 = arith.constant 512 : i32
      %dma_start3A_509 = arith.constant 0 : i32
      %dma_start3A_510 = tpu.memref_slice %arg7[%dma_start3A_507, %dma_start3A_508, %dma_start3A_509] : memref<2x2048x8xf32, #tpu.memory_space<vmem>> -> memref<1x128x8xf32, #tpu.memory_space<vmem>>
      %dma_start3A_511 = tpu.memref_squeeze %dma_start3A_510 : memref<1x128x8xf32, #tpu.memory_space<vmem>> -> memref<128x8xf32, #tpu.memory_space<vmem>>
      %dma_start3A_512 = arith.constant 512 : i32
      %dma_start3A_513 = tpu.memref_slice %arg5[%dma_start3A_506, %dma_start3A_512] : memref<2x2048xi32, #tpu.memory_space<vmem>> -> memref<1x128xi32, #tpu.memory_space<vmem>>
      %dma_start3A_514 = tpu.memref_squeeze %dma_start3A_513 : memref<1x128xi32, #tpu.memory_space<vmem>> -> memref<128xi32, #tpu.memory_space<vmem>>
      %dma_start3A_515 = arith.constant 0 : i32
      %dma_start3A_516 = arith.constant 0 : i32
      %dma_start3A_517 = tpu.memref_slice %arg10[%dma_start3A_515, %dma_start3A_516] : memref<100000x8xf32, #tpu.memory_space<vmem_shared>> -> memref<100000x8xf32, #tpu.memory_space<vmem_shared>>
      tpu.enqueue_indirect_dma source(%dma_start3A_517 : memref<100000x8xf32, #tpu.memory_space<vmem_shared>>) target(%dma_start3A_511 : memref<128x8xf32, #tpu.memory_space<vmem>>) offsets(%dma_start3A_514 : memref<128xi32, #tpu.memory_space<vmem>>) semaphore(%arg12 : memref<!tpu.dma_semaphore, #tpu.memory_space<semaphore_mem>>)
      %dma_start3A_518 = arith.constant 1 : i32
      %dma_start3A_519 = arith.constant 1 : i32
      %dma_start3A_520 = arith.constant 512 : i32
      %dma_start3A_521 = arith.constant 0 : i32
      %dma_start3A_522 = tpu.memref_slice %arg8[%dma_start3A_519, %dma_start3A_520, %dma_start3A_521] : memref<2x2048x8xf32, #tpu.memory_space<vmem>> -> memref<1x128x8xf32, #tpu.memory_space<vmem>>
      %dma_start3A_523 = tpu.memref_squeeze %dma_start3A_522 : memref<1x128x8xf32, #tpu.memory_space<vmem>> -> memref<128x8xf32, #tpu.memory_space<vmem>>
      %dma_start3A_524 = arith.constant 512 : i32
      %dma_start3A_525 = tpu.memref_slice %arg6[%dma_start3A_518, %dma_start3A_524] : memref<2x2048xi32, #tpu.memory_space<vmem>> -> memref<1x128xi32, #tpu.memory_space<vmem>>
      %dma_start3A_526 = tpu.memref_squeeze %dma_start3A_525 : memref<1x128xi32, #tpu.memory_space<vmem>> -> memref<128xi32, #tpu.memory_space<vmem>>
      %dma_start3A_527 = arith.constant 0 : i32
      %dma_start3A_528 = arith.constant 0 : i32
      %dma_start3A_529 = tpu.memref_slice %arg10[%dma_start3A_527, %dma_start3A_528] : memref<100000x8xf32, #tpu.memory_space<vmem_shared>> -> memref<100000x8xf32, #tpu.memory_space<vmem_shared>>
      tpu.enqueue_indirect_dma source(%dma_start3A_529 : memref<100000x8xf32, #tpu.memory_space<vmem_shared>>) target(%dma_start3A_523 : memref<128x8xf32, #tpu.memory_space<vmem>>) offsets(%dma_start3A_526 : memref<128xi32, #tpu.memory_space<vmem>>) semaphore(%arg12 : memref<!tpu.dma_semaphore, #tpu.memory_space<semaphore_mem>>)
      %dma_start3A_530 = arith.constant 1 : i32
      %dma_start3A_531 = arith.constant 1 : i32
      %dma_start3A_532 = arith.constant 640 : i32
      %dma_start3A_533 = arith.constant 0 : i32
      %dma_start3A_534 = tpu.memref_slice %arg7[%dma_start3A_531, %dma_start3A_532, %dma_start3A_533] : memref<2x2048x8xf32, #tpu.memory_space<vmem>> -> memref<1x128x8xf32, #tpu.memory_space<vmem>>
      %dma_start3A_535 = tpu.memref_squeeze %dma_start3A_534 : memref<1x128x8xf32, #tpu.memory_space<vmem>> -> memref<128x8xf32, #tpu.memory_space<vmem>>
      %dma_start3A_536 = arith.constant 640 : i32
      %dma_start3A_537 = tpu.memref_slice %arg5[%dma_start3A_530, %dma_start3A_536] : memref<2x2048xi32, #tpu.memory_space<vmem>> -> memref<1x128xi32, #tpu.memory_space<vmem>>
      %dma_start3A_538 = tpu.memref_squeeze %dma_start3A_537 : memref<1x128xi32, #tpu.memory_space<vmem>> -> memref<128xi32, #tpu.memory_space<vmem>>
      %dma_start3A_539 = arith.constant 0 : i32
      %dma_start3A_540 = arith.constant 0 : i32
      %dma_start3A_541 = tpu.memref_slice %arg10[%dma_start3A_539, %dma_start3A_540] : memref<100000x8xf32, #tpu.memory_space<vmem_shared>> -> memref<100000x8xf32, #tpu.memory_space<vmem_shared>>
      tpu.enqueue_indirect_dma source(%dma_start3A_541 : memref<100000x8xf32, #tpu.memory_space<vmem_shared>>) target(%dma_start3A_535 : memref<128x8xf32, #tpu.memory_space<vmem>>) offsets(%dma_start3A_538 : memref<128xi32, #tpu.memory_space<vmem>>) semaphore(%arg12 : memref<!tpu.dma_semaphore, #tpu.memory_space<semaphore_mem>>)
      %dma_start3A_542 = arith.constant 1 : i32
      %dma_start3A_543 = arith.constant 1 : i32
      %dma_start3A_544 = arith.constant 640 : i32
      %dma_start3A_545 = arith.constant 0 : i32
      %dma_start3A_546 = tpu.memref_slice %arg8[%dma_start3A_543, %dma_start3A_544, %dma_start3A_545] : memref<2x2048x8xf32, #tpu.memory_space<vmem>> -> memref<1x128x8xf32, #tpu.memory_space<vmem>>
      %dma_start3A_547 = tpu.memref_squeeze %dma_start3A_546 : memref<1x128x8xf32, #tpu.memory_space<vmem>> -> memref<128x8xf32, #tpu.memory_space<vmem>>
      %dma_start3A_548 = arith.constant 640 : i32
      %dma_start3A_549 = tpu.memref_slice %arg6[%dma_start3A_542, %dma_start3A_548] : memref<2x2048xi32, #tpu.memory_space<vmem>> -> memref<1x128xi32, #tpu.memory_space<vmem>>
      %dma_start3A_550 = tpu.memref_squeeze %dma_start3A_549 : memref<1x128xi32, #tpu.memory_space<vmem>> -> memref<128xi32, #tpu.memory_space<vmem>>
      %dma_start3A_551 = arith.constant 0 : i32
      %dma_start3A_552 = arith.constant 0 : i32
      %dma_start3A_553 = tpu.memref_slice %arg10[%dma_start3A_551, %dma_start3A_552] : memref<100000x8xf32, #tpu.memory_space<vmem_shared>> -> memref<100000x8xf32, #tpu.memory_space<vmem_shared>>
      tpu.enqueue_indirect_dma source(%dma_start3A_553 : memref<100000x8xf32, #tpu.memory_space<vmem_shared>>) target(%dma_start3A_547 : memref<128x8xf32, #tpu.memory_space<vmem>>) offsets(%dma_start3A_550 : memref<128xi32, #tpu.memory_space<vmem>>) semaphore(%arg12 : memref<!tpu.dma_semaphore, #tpu.memory_space<semaphore_mem>>)
      %dma_start3A_554 = arith.constant 1 : i32
      %dma_start3A_555 = arith.constant 1 : i32
      %dma_start3A_556 = arith.constant 768 : i32
      %dma_start3A_557 = arith.constant 0 : i32
      %dma_start3A_558 = tpu.memref_slice %arg7[%dma_start3A_555, %dma_start3A_556, %dma_start3A_557] : memref<2x2048x8xf32, #tpu.memory_space<vmem>> -> memref<1x128x8xf32, #tpu.memory_space<vmem>>
      %dma_start3A_559 = tpu.memref_squeeze %dma_start3A_558 : memref<1x128x8xf32, #tpu.memory_space<vmem>> -> memref<128x8xf32, #tpu.memory_space<vmem>>
      %dma_start3A_560 = arith.constant 768 : i32
      %dma_start3A_561 = tpu.memref_slice %arg5[%dma_start3A_554, %dma_start3A_560] : memref<2x2048xi32, #tpu.memory_space<vmem>> -> memref<1x128xi32, #tpu.memory_space<vmem>>
      %dma_start3A_562 = tpu.memref_squeeze %dma_start3A_561 : memref<1x128xi32, #tpu.memory_space<vmem>> -> memref<128xi32, #tpu.memory_space<vmem>>
      %dma_start3A_563 = arith.constant 0 : i32
      %dma_start3A_564 = arith.constant 0 : i32
      %dma_start3A_565 = tpu.memref_slice %arg10[%dma_start3A_563, %dma_start3A_564] : memref<100000x8xf32, #tpu.memory_space<vmem_shared>> -> memref<100000x8xf32, #tpu.memory_space<vmem_shared>>
      tpu.enqueue_indirect_dma source(%dma_start3A_565 : memref<100000x8xf32, #tpu.memory_space<vmem_shared>>) target(%dma_start3A_559 : memref<128x8xf32, #tpu.memory_space<vmem>>) offsets(%dma_start3A_562 : memref<128xi32, #tpu.memory_space<vmem>>) semaphore(%arg12 : memref<!tpu.dma_semaphore, #tpu.memory_space<semaphore_mem>>)
      %dma_start3A_566 = arith.constant 1 : i32
      %dma_start3A_567 = arith.constant 1 : i32
      %dma_start3A_568 = arith.constant 768 : i32
      %dma_start3A_569 = arith.constant 0 : i32
      %dma_start3A_570 = tpu.memref_slice %arg8[%dma_start3A_567, %dma_start3A_568, %dma_start3A_569] : memref<2x2048x8xf32, #tpu.memory_space<vmem>> -> memref<1x128x8xf32, #tpu.memory_space<vmem>>
      %dma_start3A_571 = tpu.memref_squeeze %dma_start3A_570 : memref<1x128x8xf32, #tpu.memory_space<vmem>> -> memref<128x8xf32, #tpu.memory_space<vmem>>
      %dma_start3A_572 = arith.constant 768 : i32
      %dma_start3A_573 = tpu.memref_slice %arg6[%dma_start3A_566, %dma_start3A_572] : memref<2x2048xi32, #tpu.memory_space<vmem>> -> memref<1x128xi32, #tpu.memory_space<vmem>>
      %dma_start3A_574 = tpu.memref_squeeze %dma_start3A_573 : memref<1x128xi32, #tpu.memory_space<vmem>> -> memref<128xi32, #tpu.memory_space<vmem>>
      %dma_start3A_575 = arith.constant 0 : i32
      %dma_start3A_576 = arith.constant 0 : i32
      %dma_start3A_577 = tpu.memref_slice %arg10[%dma_start3A_575, %dma_start3A_576] : memref<100000x8xf32, #tpu.memory_space<vmem_shared>> -> memref<100000x8xf32, #tpu.memory_space<vmem_shared>>
      tpu.enqueue_indirect_dma source(%dma_start3A_577 : memref<100000x8xf32, #tpu.memory_space<vmem_shared>>) target(%dma_start3A_571 : memref<128x8xf32, #tpu.memory_space<vmem>>) offsets(%dma_start3A_574 : memref<128xi32, #tpu.memory_space<vmem>>) semaphore(%arg12 : memref<!tpu.dma_semaphore, #tpu.memory_space<semaphore_mem>>)
      %dma_start3A_578 = arith.constant 1 : i32
      %dma_start3A_579 = arith.constant 1 : i32
      %dma_start3A_580 = arith.constant 896 : i32
      %dma_start3A_581 = arith.constant 0 : i32
      %dma_start3A_582 = tpu.memref_slice %arg7[%dma_start3A_579, %dma_start3A_580, %dma_start3A_581] : memref<2x2048x8xf32, #tpu.memory_space<vmem>> -> memref<1x128x8xf32, #tpu.memory_space<vmem>>
      %dma_start3A_583 = tpu.memref_squeeze %dma_start3A_582 : memref<1x128x8xf32, #tpu.memory_space<vmem>> -> memref<128x8xf32, #tpu.memory_space<vmem>>
      %dma_start3A_584 = arith.constant 896 : i32
      %dma_start3A_585 = tpu.memref_slice %arg5[%dma_start3A_578, %dma_start3A_584] : memref<2x2048xi32, #tpu.memory_space<vmem>> -> memref<1x128xi32, #tpu.memory_space<vmem>>
      %dma_start3A_586 = tpu.memref_squeeze %dma_start3A_585 : memref<1x128xi32, #tpu.memory_space<vmem>> -> memref<128xi32, #tpu.memory_space<vmem>>
      %dma_start3A_587 = arith.constant 0 : i32
      %dma_start3A_588 = arith.constant 0 : i32
      %dma_start3A_589 = tpu.memref_slice %arg10[%dma_start3A_587, %dma_start3A_588] : memref<100000x8xf32, #tpu.memory_space<vmem_shared>> -> memref<100000x8xf32, #tpu.memory_space<vmem_shared>>
      tpu.enqueue_indirect_dma source(%dma_start3A_589 : memref<100000x8xf32, #tpu.memory_space<vmem_shared>>) target(%dma_start3A_583 : memref<128x8xf32, #tpu.memory_space<vmem>>) offsets(%dma_start3A_586 : memref<128xi32, #tpu.memory_space<vmem>>) semaphore(%arg12 : memref<!tpu.dma_semaphore, #tpu.memory_space<semaphore_mem>>)
      %dma_start3A_590 = arith.constant 1 : i32
      %dma_start3A_591 = arith.constant 1 : i32
      %dma_start3A_592 = arith.constant 896 : i32
      %dma_start3A_593 = arith.constant 0 : i32
      %dma_start3A_594 = tpu.memref_slice %arg8[%dma_start3A_591, %dma_start3A_592, %dma_start3A_593] : memref<2x2048x8xf32, #tpu.memory_space<vmem>> -> memref<1x128x8xf32, #tpu.memory_space<vmem>>
      %dma_start3A_595 = tpu.memref_squeeze %dma_start3A_594 : memref<1x128x8xf32, #tpu.memory_space<vmem>> -> memref<128x8xf32, #tpu.memory_space<vmem>>
      %dma_start3A_596 = arith.constant 896 : i32
      %dma_start3A_597 = tpu.memref_slice %arg6[%dma_start3A_590, %dma_start3A_596] : memref<2x2048xi32, #tpu.memory_space<vmem>> -> memref<1x128xi32, #tpu.memory_space<vmem>>
      %dma_start3A_598 = tpu.memref_squeeze %dma_start3A_597 : memref<1x128xi32, #tpu.memory_space<vmem>> -> memref<128xi32, #tpu.memory_space<vmem>>
      %dma_start3A_599 = arith.constant 0 : i32
      %dma_start3A_600 = arith.constant 0 : i32
      %dma_start3A_601 = tpu.memref_slice %arg10[%dma_start3A_599, %dma_start3A_600] : memref<100000x8xf32, #tpu.memory_space<vmem_shared>> -> memref<100000x8xf32, #tpu.memory_space<vmem_shared>>
      tpu.enqueue_indirect_dma source(%dma_start3A_601 : memref<100000x8xf32, #tpu.memory_space<vmem_shared>>) target(%dma_start3A_595 : memref<128x8xf32, #tpu.memory_space<vmem>>) offsets(%dma_start3A_598 : memref<128xi32, #tpu.memory_space<vmem>>) semaphore(%arg12 : memref<!tpu.dma_semaphore, #tpu.memory_space<semaphore_mem>>)
      %dma_start3A_602 = arith.constant 1 : i32
      %dma_start3A_603 = arith.constant 1 : i32
      %dma_start3A_604 = arith.constant 1024 : i32
      %dma_start3A_605 = arith.constant 0 : i32
      %dma_start3A_606 = tpu.memref_slice %arg7[%dma_start3A_603, %dma_start3A_604, %dma_start3A_605] : memref<2x2048x8xf32, #tpu.memory_space<vmem>> -> memref<1x128x8xf32, #tpu.memory_space<vmem>>
      %dma_start3A_607 = tpu.memref_squeeze %dma_start3A_606 : memref<1x128x8xf32, #tpu.memory_space<vmem>> -> memref<128x8xf32, #tpu.memory_space<vmem>>
      %dma_start3A_608 = arith.constant 1024 : i32
      %dma_start3A_609 = tpu.memref_slice %arg5[%dma_start3A_602, %dma_start3A_608] : memref<2x2048xi32, #tpu.memory_space<vmem>> -> memref<1x128xi32, #tpu.memory_space<vmem>>
      %dma_start3A_610 = tpu.memref_squeeze %dma_start3A_609 : memref<1x128xi32, #tpu.memory_space<vmem>> -> memref<128xi32, #tpu.memory_space<vmem>>
      %dma_start3A_611 = arith.constant 0 : i32
      %dma_start3A_612 = arith.constant 0 : i32
      %dma_start3A_613 = tpu.memref_slice %arg10[%dma_start3A_611, %dma_start3A_612] : memref<100000x8xf32, #tpu.memory_space<vmem_shared>> -> memref<100000x8xf32, #tpu.memory_space<vmem_shared>>
      tpu.enqueue_indirect_dma source(%dma_start3A_613 : memref<100000x8xf32, #tpu.memory_space<vmem_shared>>) target(%dma_start3A_607 : memref<128x8xf32, #tpu.memory_space<vmem>>) offsets(%dma_start3A_610 : memref<128xi32, #tpu.memory_space<vmem>>) semaphore(%arg12 : memref<!tpu.dma_semaphore, #tpu.memory_space<semaphore_mem>>)
      %dma_start3A_614 = arith.constant 1 : i32
      %dma_start3A_615 = arith.constant 1 : i32
      %dma_start3A_616 = arith.constant 1024 : i32
      %dma_start3A_617 = arith.constant 0 : i32
      %dma_start3A_618 = tpu.memref_slice %arg8[%dma_start3A_615, %dma_start3A_616, %dma_start3A_617] : memref<2x2048x8xf32, #tpu.memory_space<vmem>> -> memref<1x128x8xf32, #tpu.memory_space<vmem>>
      %dma_start3A_619 = tpu.memref_squeeze %dma_start3A_618 : memref<1x128x8xf32, #tpu.memory_space<vmem>> -> memref<128x8xf32, #tpu.memory_space<vmem>>
      %dma_start3A_620 = arith.constant 1024 : i32
      %dma_start3A_621 = tpu.memref_slice %arg6[%dma_start3A_614, %dma_start3A_620] : memref<2x2048xi32, #tpu.memory_space<vmem>> -> memref<1x128xi32, #tpu.memory_space<vmem>>
      %dma_start3A_622 = tpu.memref_squeeze %dma_start3A_621 : memref<1x128xi32, #tpu.memory_space<vmem>> -> memref<128xi32, #tpu.memory_space<vmem>>
      %dma_start3A_623 = arith.constant 0 : i32
      %dma_start3A_624 = arith.constant 0 : i32
      %dma_start3A_625 = tpu.memref_slice %arg10[%dma_start3A_623, %dma_start3A_624] : memref<100000x8xf32, #tpu.memory_space<vmem_shared>> -> memref<100000x8xf32, #tpu.memory_space<vmem_shared>>
      tpu.enqueue_indirect_dma source(%dma_start3A_625 : memref<100000x8xf32, #tpu.memory_space<vmem_shared>>) target(%dma_start3A_619 : memref<128x8xf32, #tpu.memory_space<vmem>>) offsets(%dma_start3A_622 : memref<128xi32, #tpu.memory_space<vmem>>) semaphore(%arg12 : memref<!tpu.dma_semaphore, #tpu.memory_space<semaphore_mem>>)
      %dma_start3A_626 = arith.constant 1 : i32
      %dma_start3A_627 = arith.constant 1 : i32
      %dma_start3A_628 = arith.constant 1152 : i32
      %dma_start3A_629 = arith.constant 0 : i32
      %dma_start3A_630 = tpu.memref_slice %arg7[%dma_start3A_627, %dma_start3A_628, %dma_start3A_629] : memref<2x2048x8xf32, #tpu.memory_space<vmem>> -> memref<1x128x8xf32, #tpu.memory_space<vmem>>
      %dma_start3A_631 = tpu.memref_squeeze %dma_start3A_630 : memref<1x128x8xf32, #tpu.memory_space<vmem>> -> memref<128x8xf32, #tpu.memory_space<vmem>>
      %dma_start3A_632 = arith.constant 1152 : i32
      %dma_start3A_633 = tpu.memref_slice %arg5[%dma_start3A_626, %dma_start3A_632] : memref<2x2048xi32, #tpu.memory_space<vmem>> -> memref<1x128xi32, #tpu.memory_space<vmem>>
      %dma_start3A_634 = tpu.memref_squeeze %dma_start3A_633 : memref<1x128xi32, #tpu.memory_space<vmem>> -> memref<128xi32, #tpu.memory_space<vmem>>
      %dma_start3A_635 = arith.constant 0 : i32
      %dma_start3A_636 = arith.constant 0 : i32
      %dma_start3A_637 = tpu.memref_slice %arg10[%dma_start3A_635, %dma_start3A_636] : memref<100000x8xf32, #tpu.memory_space<vmem_shared>> -> memref<100000x8xf32, #tpu.memory_space<vmem_shared>>
      tpu.enqueue_indirect_dma source(%dma_start3A_637 : memref<100000x8xf32, #tpu.memory_space<vmem_shared>>) target(%dma_start3A_631 : memref<128x8xf32, #tpu.memory_space<vmem>>) offsets(%dma_start3A_634 : memref<128xi32, #tpu.memory_space<vmem>>) semaphore(%arg12 : memref<!tpu.dma_semaphore, #tpu.memory_space<semaphore_mem>>)
      %dma_start3A_638 = arith.constant 1 : i32
      %dma_start3A_639 = arith.constant 1 : i32
      %dma_start3A_640 = arith.constant 1152 : i32
      %dma_start3A_641 = arith.constant 0 : i32
      %dma_start3A_642 = tpu.memref_slice %arg8[%dma_start3A_639, %dma_start3A_640, %dma_start3A_641] : memref<2x2048x8xf32, #tpu.memory_space<vmem>> -> memref<1x128x8xf32, #tpu.memory_space<vmem>>
      %dma_start3A_643 = tpu.memref_squeeze %dma_start3A_642 : memref<1x128x8xf32, #tpu.memory_space<vmem>> -> memref<128x8xf32, #tpu.memory_space<vmem>>
      %dma_start3A_644 = arith.constant 1152 : i32
      %dma_start3A_645 = tpu.memref_slice %arg6[%dma_start3A_638, %dma_start3A_644] : memref<2x2048xi32, #tpu.memory_space<vmem>> -> memref<1x128xi32, #tpu.memory_space<vmem>>
      %dma_start3A_646 = tpu.memref_squeeze %dma_start3A_645 : memref<1x128xi32, #tpu.memory_space<vmem>> -> memref<128xi32, #tpu.memory_space<vmem>>
      %dma_start3A_647 = arith.constant 0 : i32
      %dma_start3A_648 = arith.constant 0 : i32
      %dma_start3A_649 = tpu.memref_slice %arg10[%dma_start3A_647, %dma_start3A_648] : memref<100000x8xf32, #tpu.memory_space<vmem_shared>> -> memref<100000x8xf32, #tpu.memory_space<vmem_shared>>
      tpu.enqueue_indirect_dma source(%dma_start3A_649 : memref<100000x8xf32, #tpu.memory_space<vmem_shared>>) target(%dma_start3A_643 : memref<128x8xf32, #tpu.memory_space<vmem>>) offsets(%dma_start3A_646 : memref<128xi32, #tpu.memory_space<vmem>>) semaphore(%arg12 : memref<!tpu.dma_semaphore, #tpu.memory_space<semaphore_mem>>)
      %dma_start3A_650 = arith.constant 1 : i32
      %dma_start3A_651 = arith.constant 1 : i32
      %dma_start3A_652 = arith.constant 1280 : i32
      %dma_start3A_653 = arith.constant 0 : i32
      %dma_start3A_654 = tpu.memref_slice %arg7[%dma_start3A_651, %dma_start3A_652, %dma_start3A_653] : memref<2x2048x8xf32, #tpu.memory_space<vmem>> -> memref<1x128x8xf32, #tpu.memory_space<vmem>>
      %dma_start3A_655 = tpu.memref_squeeze %dma_start3A_654 : memref<1x128x8xf32, #tpu.memory_space<vmem>> -> memref<128x8xf32, #tpu.memory_space<vmem>>
      %dma_start3A_656 = arith.constant 1280 : i32
      %dma_start3A_657 = tpu.memref_slice %arg5[%dma_start3A_650, %dma_start3A_656] : memref<2x2048xi32, #tpu.memory_space<vmem>> -> memref<1x128xi32, #tpu.memory_space<vmem>>
      %dma_start3A_658 = tpu.memref_squeeze %dma_start3A_657 : memref<1x128xi32, #tpu.memory_space<vmem>> -> memref<128xi32, #tpu.memory_space<vmem>>
      %dma_start3A_659 = arith.constant 0 : i32
      %dma_start3A_660 = arith.constant 0 : i32
      %dma_start3A_661 = tpu.memref_slice %arg10[%dma_start3A_659, %dma_start3A_660] : memref<100000x8xf32, #tpu.memory_space<vmem_shared>> -> memref<100000x8xf32, #tpu.memory_space<vmem_shared>>
      tpu.enqueue_indirect_dma source(%dma_start3A_661 : memref<100000x8xf32, #tpu.memory_space<vmem_shared>>) target(%dma_start3A_655 : memref<128x8xf32, #tpu.memory_space<vmem>>) offsets(%dma_start3A_658 : memref<128xi32, #tpu.memory_space<vmem>>) semaphore(%arg12 : memref<!tpu.dma_semaphore, #tpu.memory_space<semaphore_mem>>)
      %dma_start3A_662 = arith.constant 1 : i32
      %dma_start3A_663 = arith.constant 1 : i32
      %dma_start3A_664 = arith.constant 1280 : i32
      %dma_start3A_665 = arith.constant 0 : i32
      %dma_start3A_666 = tpu.memref_slice %arg8[%dma_start3A_663, %dma_start3A_664, %dma_start3A_665] : memref<2x2048x8xf32, #tpu.memory_space<vmem>> -> memref<1x128x8xf32, #tpu.memory_space<vmem>>
      %dma_start3A_667 = tpu.memref_squeeze %dma_start3A_666 : memref<1x128x8xf32, #tpu.memory_space<vmem>> -> memref<128x8xf32, #tpu.memory_space<vmem>>
      %dma_start3A_668 = arith.constant 1280 : i32
      %dma_start3A_669 = tpu.memref_slice %arg6[%dma_start3A_662, %dma_start3A_668] : memref<2x2048xi32, #tpu.memory_space<vmem>> -> memref<1x128xi32, #tpu.memory_space<vmem>>
      %dma_start3A_670 = tpu.memref_squeeze %dma_start3A_669 : memref<1x128xi32, #tpu.memory_space<vmem>> -> memref<128xi32, #tpu.memory_space<vmem>>
      %dma_start3A_671 = arith.constant 0 : i32
      %dma_start3A_672 = arith.constant 0 : i32
      %dma_start3A_673 = tpu.memref_slice %arg10[%dma_start3A_671, %dma_start3A_672] : memref<100000x8xf32, #tpu.memory_space<vmem_shared>> -> memref<100000x8xf32, #tpu.memory_space<vmem_shared>>
      tpu.enqueue_indirect_dma source(%dma_start3A_673 : memref<100000x8xf32, #tpu.memory_space<vmem_shared>>) target(%dma_start3A_667 : memref<128x8xf32, #tpu.memory_space<vmem>>) offsets(%dma_start3A_670 : memref<128xi32, #tpu.memory_space<vmem>>) semaphore(%arg12 : memref<!tpu.dma_semaphore, #tpu.memory_space<semaphore_mem>>)
      %dma_start3A_674 = arith.constant 1 : i32
      %dma_start3A_675 = arith.constant 1 : i32
      %dma_start3A_676 = arith.constant 1408 : i32
      %dma_start3A_677 = arith.constant 0 : i32
      %dma_start3A_678 = tpu.memref_slice %arg7[%dma_start3A_675, %dma_start3A_676, %dma_start3A_677] : memref<2x2048x8xf32, #tpu.memory_space<vmem>> -> memref<1x128x8xf32, #tpu.memory_space<vmem>>
      %dma_start3A_679 = tpu.memref_squeeze %dma_start3A_678 : memref<1x128x8xf32, #tpu.memory_space<vmem>> -> memref<128x8xf32, #tpu.memory_space<vmem>>
      %dma_start3A_680 = arith.constant 1408 : i32
      %dma_start3A_681 = tpu.memref_slice %arg5[%dma_start3A_674, %dma_start3A_680] : memref<2x2048xi32, #tpu.memory_space<vmem>> -> memref<1x128xi32, #tpu.memory_space<vmem>>
      %dma_start3A_682 = tpu.memref_squeeze %dma_start3A_681 : memref<1x128xi32, #tpu.memory_space<vmem>> -> memref<128xi32, #tpu.memory_space<vmem>>
      %dma_start3A_683 = arith.constant 0 : i32
      %dma_start3A_684 = arith.constant 0 : i32
      %dma_start3A_685 = tpu.memref_slice %arg10[%dma_start3A_683, %dma_start3A_684] : memref<100000x8xf32, #tpu.memory_space<vmem_shared>> -> memref<100000x8xf32, #tpu.memory_space<vmem_shared>>
      tpu.enqueue_indirect_dma source(%dma_start3A_685 : memref<100000x8xf32, #tpu.memory_space<vmem_shared>>) target(%dma_start3A_679 : memref<128x8xf32, #tpu.memory_space<vmem>>) offsets(%dma_start3A_682 : memref<128xi32, #tpu.memory_space<vmem>>) semaphore(%arg12 : memref<!tpu.dma_semaphore, #tpu.memory_space<semaphore_mem>>)
      %dma_start3A_686 = arith.constant 1 : i32
      %dma_start3A_687 = arith.constant 1 : i32
      %dma_start3A_688 = arith.constant 1408 : i32
      %dma_start3A_689 = arith.constant 0 : i32
      %dma_start3A_690 = tpu.memref_slice %arg8[%dma_start3A_687, %dma_start3A_688, %dma_start3A_689] : memref<2x2048x8xf32, #tpu.memory_space<vmem>> -> memref<1x128x8xf32, #tpu.memory_space<vmem>>
      %dma_start3A_691 = tpu.memref_squeeze %dma_start3A_690 : memref<1x128x8xf32, #tpu.memory_space<vmem>> -> memref<128x8xf32, #tpu.memory_space<vmem>>
      %dma_start3A_692 = arith.constant 1408 : i32
      %dma_start3A_693 = tpu.memref_slice %arg6[%dma_start3A_686, %dma_start3A_692] : memref<2x2048xi32, #tpu.memory_space<vmem>> -> memref<1x128xi32, #tpu.memory_space<vmem>>
      %dma_start3A_694 = tpu.memref_squeeze %dma_start3A_693 : memref<1x128xi32, #tpu.memory_space<vmem>> -> memref<128xi32, #tpu.memory_space<vmem>>
      %dma_start3A_695 = arith.constant 0 : i32
      %dma_start3A_696 = arith.constant 0 : i32
      %dma_start3A_697 = tpu.memref_slice %arg10[%dma_start3A_695, %dma_start3A_696] : memref<100000x8xf32, #tpu.memory_space<vmem_shared>> -> memref<100000x8xf32, #tpu.memory_space<vmem_shared>>
      tpu.enqueue_indirect_dma source(%dma_start3A_697 : memref<100000x8xf32, #tpu.memory_space<vmem_shared>>) target(%dma_start3A_691 : memref<128x8xf32, #tpu.memory_space<vmem>>) offsets(%dma_start3A_694 : memref<128xi32, #tpu.memory_space<vmem>>) semaphore(%arg12 : memref<!tpu.dma_semaphore, #tpu.memory_space<semaphore_mem>>)
      %dma_start3A_698 = arith.constant 1 : i32
      %dma_start3A_699 = arith.constant 1 : i32
      %dma_start3A_700 = arith.constant 1536 : i32
      %dma_start3A_701 = arith.constant 0 : i32
      %dma_start3A_702 = tpu.memref_slice %arg7[%dma_start3A_699, %dma_start3A_700, %dma_start3A_701] : memref<2x2048x8xf32, #tpu.memory_space<vmem>> -> memref<1x128x8xf32, #tpu.memory_space<vmem>>
      %dma_start3A_703 = tpu.memref_squeeze %dma_start3A_702 : memref<1x128x8xf32, #tpu.memory_space<vmem>> -> memref<128x8xf32, #tpu.memory_space<vmem>>
      %dma_start3A_704 = arith.constant 1536 : i32
      %dma_start3A_705 = tpu.memref_slice %arg5[%dma_start3A_698, %dma_start3A_704] : memref<2x2048xi32, #tpu.memory_space<vmem>> -> memref<1x128xi32, #tpu.memory_space<vmem>>
      %dma_start3A_706 = tpu.memref_squeeze %dma_start3A_705 : memref<1x128xi32, #tpu.memory_space<vmem>> -> memref<128xi32, #tpu.memory_space<vmem>>
      %dma_start3A_707 = arith.constant 0 : i32
      %dma_start3A_708 = arith.constant 0 : i32
      %dma_start3A_709 = tpu.memref_slice %arg10[%dma_start3A_707, %dma_start3A_708] : memref<100000x8xf32, #tpu.memory_space<vmem_shared>> -> memref<100000x8xf32, #tpu.memory_space<vmem_shared>>
      tpu.enqueue_indirect_dma source(%dma_start3A_709 : memref<100000x8xf32, #tpu.memory_space<vmem_shared>>) target(%dma_start3A_703 : memref<128x8xf32, #tpu.memory_space<vmem>>) offsets(%dma_start3A_706 : memref<128xi32, #tpu.memory_space<vmem>>) semaphore(%arg12 : memref<!tpu.dma_semaphore, #tpu.memory_space<semaphore_mem>>)
      %dma_start3A_710 = arith.constant 1 : i32
      %dma_start3A_711 = arith.constant 1 : i32
      %dma_start3A_712 = arith.constant 1536 : i32
      %dma_start3A_713 = arith.constant 0 : i32
      %dma_start3A_714 = tpu.memref_slice %arg8[%dma_start3A_711, %dma_start3A_712, %dma_start3A_713] : memref<2x2048x8xf32, #tpu.memory_space<vmem>> -> memref<1x128x8xf32, #tpu.memory_space<vmem>>
      %dma_start3A_715 = tpu.memref_squeeze %dma_start3A_714 : memref<1x128x8xf32, #tpu.memory_space<vmem>> -> memref<128x8xf32, #tpu.memory_space<vmem>>
      %dma_start3A_716 = arith.constant 1536 : i32
      %dma_start3A_717 = tpu.memref_slice %arg6[%dma_start3A_710, %dma_start3A_716] : memref<2x2048xi32, #tpu.memory_space<vmem>> -> memref<1x128xi32, #tpu.memory_space<vmem>>
      %dma_start3A_718 = tpu.memref_squeeze %dma_start3A_717 : memref<1x128xi32, #tpu.memory_space<vmem>> -> memref<128xi32, #tpu.memory_space<vmem>>
      %dma_start3A_719 = arith.constant 0 : i32
      %dma_start3A_720 = arith.constant 0 : i32
      %dma_start3A_721 = tpu.memref_slice %arg10[%dma_start3A_719, %dma_start3A_720] : memref<100000x8xf32, #tpu.memory_space<vmem_shared>> -> memref<100000x8xf32, #tpu.memory_space<vmem_shared>>
      tpu.enqueue_indirect_dma source(%dma_start3A_721 : memref<100000x8xf32, #tpu.memory_space<vmem_shared>>) target(%dma_start3A_715 : memref<128x8xf32, #tpu.memory_space<vmem>>) offsets(%dma_start3A_718 : memref<128xi32, #tpu.memory_space<vmem>>) semaphore(%arg12 : memref<!tpu.dma_semaphore, #tpu.memory_space<semaphore_mem>>)
      %dma_start3A_722 = arith.constant 1 : i32
      %dma_start3A_723 = arith.constant 1 : i32
      %dma_start3A_724 = arith.constant 1664 : i32
      %dma_start3A_725 = arith.constant 0 : i32
      %dma_start3A_726 = tpu.memref_slice %arg7[%dma_start3A_723, %dma_start3A_724, %dma_start3A_725] : memref<2x2048x8xf32, #tpu.memory_space<vmem>> -> memref<1x128x8xf32, #tpu.memory_space<vmem>>
      %dma_start3A_727 = tpu.memref_squeeze %dma_start3A_726 : memref<1x128x8xf32, #tpu.memory_space<vmem>> -> memref<128x8xf32, #tpu.memory_space<vmem>>
      %dma_start3A_728 = arith.constant 1664 : i32
      %dma_start3A_729 = tpu.memref_slice %arg5[%dma_start3A_722, %dma_start3A_728] : memref<2x2048xi32, #tpu.memory_space<vmem>> -> memref<1x128xi32, #tpu.memory_space<vmem>>
      %dma_start3A_730 = tpu.memref_squeeze %dma_start3A_729 : memref<1x128xi32, #tpu.memory_space<vmem>> -> memref<128xi32, #tpu.memory_space<vmem>>
      %dma_start3A_731 = arith.constant 0 : i32
      %dma_start3A_732 = arith.constant 0 : i32
      %dma_start3A_733 = tpu.memref_slice %arg10[%dma_start3A_731, %dma_start3A_732] : memref<100000x8xf32, #tpu.memory_space<vmem_shared>> -> memref<100000x8xf32, #tpu.memory_space<vmem_shared>>
      tpu.enqueue_indirect_dma source(%dma_start3A_733 : memref<100000x8xf32, #tpu.memory_space<vmem_shared>>) target(%dma_start3A_727 : memref<128x8xf32, #tpu.memory_space<vmem>>) offsets(%dma_start3A_730 : memref<128xi32, #tpu.memory_space<vmem>>) semaphore(%arg12 : memref<!tpu.dma_semaphore, #tpu.memory_space<semaphore_mem>>)
      %dma_start3A_734 = arith.constant 1 : i32
      %dma_start3A_735 = arith.constant 1 : i32
      %dma_start3A_736 = arith.constant 1664 : i32
      %dma_start3A_737 = arith.constant 0 : i32
      %dma_start3A_738 = tpu.memref_slice %arg8[%dma_start3A_735, %dma_start3A_736, %dma_start3A_737] : memref<2x2048x8xf32, #tpu.memory_space<vmem>> -> memref<1x128x8xf32, #tpu.memory_space<vmem>>
      %dma_start3A_739 = tpu.memref_squeeze %dma_start3A_738 : memref<1x128x8xf32, #tpu.memory_space<vmem>> -> memref<128x8xf32, #tpu.memory_space<vmem>>
      %dma_start3A_740 = arith.constant 1664 : i32
      %dma_start3A_741 = tpu.memref_slice %arg6[%dma_start3A_734, %dma_start3A_740] : memref<2x2048xi32, #tpu.memory_space<vmem>> -> memref<1x128xi32, #tpu.memory_space<vmem>>
      %dma_start3A_742 = tpu.memref_squeeze %dma_start3A_741 : memref<1x128xi32, #tpu.memory_space<vmem>> -> memref<128xi32, #tpu.memory_space<vmem>>
      %dma_start3A_743 = arith.constant 0 : i32
      %dma_start3A_744 = arith.constant 0 : i32
      %dma_start3A_745 = tpu.memref_slice %arg10[%dma_start3A_743, %dma_start3A_744] : memref<100000x8xf32, #tpu.memory_space<vmem_shared>> -> memref<100000x8xf32, #tpu.memory_space<vmem_shared>>
      tpu.enqueue_indirect_dma source(%dma_start3A_745 : memref<100000x8xf32, #tpu.memory_space<vmem_shared>>) target(%dma_start3A_739 : memref<128x8xf32, #tpu.memory_space<vmem>>) offsets(%dma_start3A_742 : memref<128xi32, #tpu.memory_space<vmem>>) semaphore(%arg12 : memref<!tpu.dma_semaphore, #tpu.memory_space<semaphore_mem>>)
      %dma_start3A_746 = arith.constant 1 : i32
      %dma_start3A_747 = arith.constant 1 : i32
      %dma_start3A_748 = arith.constant 1792 : i32
      %dma_start3A_749 = arith.constant 0 : i32
      %dma_start3A_750 = tpu.memref_slice %arg7[%dma_start3A_747, %dma_start3A_748, %dma_start3A_749] : memref<2x2048x8xf32, #tpu.memory_space<vmem>> -> memref<1x128x8xf32, #tpu.memory_space<vmem>>
      %dma_start3A_751 = tpu.memref_squeeze %dma_start3A_750 : memref<1x128x8xf32, #tpu.memory_space<vmem>> -> memref<128x8xf32, #tpu.memory_space<vmem>>
      %dma_start3A_752 = arith.constant 1792 : i32
      %dma_start3A_753 = tpu.memref_slice %arg5[%dma_start3A_746, %dma_start3A_752] : memref<2x2048xi32, #tpu.memory_space<vmem>> -> memref<1x128xi32, #tpu.memory_space<vmem>>
      %dma_start3A_754 = tpu.memref_squeeze %dma_start3A_753 : memref<1x128xi32, #tpu.memory_space<vmem>> -> memref<128xi32, #tpu.memory_space<vmem>>
      %dma_start3A_755 = arith.constant 0 : i32
      %dma_start3A_756 = arith.constant 0 : i32
      %dma_start3A_757 = tpu.memref_slice %arg10[%dma_start3A_755, %dma_start3A_756] : memref<100000x8xf32, #tpu.memory_space<vmem_shared>> -> memref<100000x8xf32, #tpu.memory_space<vmem_shared>>
      tpu.enqueue_indirect_dma source(%dma_start3A_757 : memref<100000x8xf32, #tpu.memory_space<vmem_shared>>) target(%dma_start3A_751 : memref<128x8xf32, #tpu.memory_space<vmem>>) offsets(%dma_start3A_754 : memref<128xi32, #tpu.memory_space<vmem>>) semaphore(%arg12 : memref<!tpu.dma_semaphore, #tpu.memory_space<semaphore_mem>>)
      %dma_start3A_758 = arith.constant 1 : i32
      %dma_start3A_759 = arith.constant 1 : i32
      %dma_start3A_760 = arith.constant 1792 : i32
      %dma_start3A_761 = arith.constant 0 : i32
      %dma_start3A_762 = tpu.memref_slice %arg8[%dma_start3A_759, %dma_start3A_760, %dma_start3A_761] : memref<2x2048x8xf32, #tpu.memory_space<vmem>> -> memref<1x128x8xf32, #tpu.memory_space<vmem>>
      %dma_start3A_763 = tpu.memref_squeeze %dma_start3A_762 : memref<1x128x8xf32, #tpu.memory_space<vmem>> -> memref<128x8xf32, #tpu.memory_space<vmem>>
      %dma_start3A_764 = arith.constant 1792 : i32
      %dma_start3A_765 = tpu.memref_slice %arg6[%dma_start3A_758, %dma_start3A_764] : memref<2x2048xi32, #tpu.memory_space<vmem>> -> memref<1x128xi32, #tpu.memory_space<vmem>>
      %dma_start3A_766 = tpu.memref_squeeze %dma_start3A_765 : memref<1x128xi32, #tpu.memory_space<vmem>> -> memref<128xi32, #tpu.memory_space<vmem>>
      %dma_start3A_767 = arith.constant 0 : i32
      %dma_start3A_768 = arith.constant 0 : i32
      %dma_start3A_769 = tpu.memref_slice %arg10[%dma_start3A_767, %dma_start3A_768] : memref<100000x8xf32, #tpu.memory_space<vmem_shared>> -> memref<100000x8xf32, #tpu.memory_space<vmem_shared>>
      tpu.enqueue_indirect_dma source(%dma_start3A_769 : memref<100000x8xf32, #tpu.memory_space<vmem_shared>>) target(%dma_start3A_763 : memref<128x8xf32, #tpu.memory_space<vmem>>) offsets(%dma_start3A_766 : memref<128xi32, #tpu.memory_space<vmem>>) semaphore(%arg12 : memref<!tpu.dma_semaphore, #tpu.memory_space<semaphore_mem>>)
      %dma_start3A_770 = arith.constant 1 : i32
      %dma_start3A_771 = arith.constant 1 : i32
      %dma_start3A_772 = arith.constant 1920 : i32
      %dma_start3A_773 = arith.constant 0 : i32
      %dma_start3A_774 = tpu.memref_slice %arg7[%dma_start3A_771, %dma_start3A_772, %dma_start3A_773] : memref<2x2048x8xf32, #tpu.memory_space<vmem>> -> memref<1x128x8xf32, #tpu.memory_space<vmem>>
      %dma_start3A_775 = tpu.memref_squeeze %dma_start3A_774 : memref<1x128x8xf32, #tpu.memory_space<vmem>> -> memref<128x8xf32, #tpu.memory_space<vmem>>
      %dma_start3A_776 = arith.constant 1920 : i32
      %dma_start3A_777 = tpu.memref_slice %arg5[%dma_start3A_770, %dma_start3A_776] : memref<2x2048xi32, #tpu.memory_space<vmem>> -> memref<1x128xi32, #tpu.memory_space<vmem>>
      %dma_start3A_778 = tpu.memref_squeeze %dma_start3A_777 : memref<1x128xi32, #tpu.memory_space<vmem>> -> memref<128xi32, #tpu.memory_space<vmem>>
      %dma_start3A_779 = arith.constant 0 : i32
      %dma_start3A_780 = arith.constant 0 : i32
      %dma_start3A_781 = tpu.memref_slice %arg10[%dma_start3A_779, %dma_start3A_780] : memref<100000x8xf32, #tpu.memory_space<vmem_shared>> -> memref<100000x8xf32, #tpu.memory_space<vmem_shared>>
      tpu.enqueue_indirect_dma source(%dma_start3A_781 : memref<100000x8xf32, #tpu.memory_space<vmem_shared>>) target(%dma_start3A_775 : memref<128x8xf32, #tpu.memory_space<vmem>>) offsets(%dma_start3A_778 : memref<128xi32, #tpu.memory_space<vmem>>) semaphore(%arg12 : memref<!tpu.dma_semaphore, #tpu.memory_space<semaphore_mem>>)
      %dma_start3A_782 = arith.constant 1 : i32
      %dma_start3A_783 = arith.constant 1 : i32
      %dma_start3A_784 = arith.constant 1920 : i32
      %dma_start3A_785 = arith.constant 0 : i32
      %dma_start3A_786 = tpu.memref_slice %arg8[%dma_start3A_783, %dma_start3A_784, %dma_start3A_785] : memref<2x2048x8xf32, #tpu.memory_space<vmem>> -> memref<1x128x8xf32, #tpu.memory_space<vmem>>
      %dma_start3A_787 = tpu.memref_squeeze %dma_start3A_786 : memref<1x128x8xf32, #tpu.memory_space<vmem>> -> memref<128x8xf32, #tpu.memory_space<vmem>>
      %dma_start3A_788 = arith.constant 1920 : i32
      %dma_start3A_789 = tpu.memref_slice %arg6[%dma_start3A_782, %dma_start3A_788] : memref<2x2048xi32, #tpu.memory_space<vmem>> -> memref<1x128xi32, #tpu.memory_space<vmem>>
      %dma_start3A_790 = tpu.memref_squeeze %dma_start3A_789 : memref<1x128xi32, #tpu.memory_space<vmem>> -> memref<128xi32, #tpu.memory_space<vmem>>
      %dma_start3A_791 = arith.constant 0 : i32
      %dma_start3A_792 = arith.constant 0 : i32
      %dma_start3A_793 = tpu.memref_slice %arg10[%dma_start3A_791, %dma_start3A_792] : memref<100000x8xf32, #tpu.memory_space<vmem_shared>> -> memref<100000x8xf32, #tpu.memory_space<vmem_shared>>
      tpu.enqueue_indirect_dma source(%dma_start3A_793 : memref<100000x8xf32, #tpu.memory_space<vmem_shared>>) target(%dma_start3A_787 : memref<128x8xf32, #tpu.memory_space<vmem>>) offsets(%dma_start3A_790 : memref<128xi32, #tpu.memory_space<vmem>>) semaphore(%arg12 : memref<!tpu.dma_semaphore, #tpu.memory_space<semaphore_mem>>)
      %mul3A_794 = arith.constant 2048 : i32
      %mul3A_795 = arith.muli %mul3A_398, %mul3A_794 : i32
      %min3A_796 = arith.constant 397952 : i32
      %min3A_797 = arith.minsi %mul3A_795, %min3A_796 : i32
      %add3A_798 = arith.addi %mul3A_0, %min3A_797 : i32
      %dma_wait3A = arith.constant 0 : i32
      %dma_wait3A_799 = arith.constant 0 : i32
      %dma_wait3A_800 = arith.constant 0 : i32
      %dma_wait3A_801 = arith.constant 0 : i32
      %dma_wait3A_802 = arith.constant 0 : i32
      %dma_wait3A_803 = tpu.memref_slice %arg7[%dma_wait3A_800, %dma_wait3A_801, %dma_wait3A_802] : memref<2x2048x8xf32, #tpu.memory_space<vmem>> -> memref<1x128x8xf32, #tpu.memory_space<vmem>>
      %dma_wait3A_804 = tpu.memref_squeeze %dma_wait3A_803 : memref<1x128x8xf32, #tpu.memory_space<vmem>> -> memref<128x8xf32, #tpu.memory_space<vmem>>
      %dma_wait3A_805 = arith.constant 0 : i32
      %dma_wait3A_806 = tpu.memref_slice %arg5[%dma_wait3A_799, %dma_wait3A_805] : memref<2x2048xi32, #tpu.memory_space<vmem>> -> memref<1x128xi32, #tpu.memory_space<vmem>>
      %dma_wait3A_807 = tpu.memref_squeeze %dma_wait3A_806 : memref<1x128xi32, #tpu.memory_space<vmem>> -> memref<128xi32, #tpu.memory_space<vmem>>
      %dma_wait3A_808 = arith.constant 0 : i32
      %dma_wait3A_809 = arith.constant 0 : i32
      %dma_wait3A_810 = tpu.memref_slice %arg2[%dma_wait3A, %dma_wait3A_808, %dma_wait3A_809] : memref<2x100000x8xf32, #tpu.memory_space<hbm>> -> memref<1x100000x8xf32, #tpu.memory_space<hbm>>
      %dma_wait3A_811 = tpu.memref_squeeze %dma_wait3A_810 : memref<1x100000x8xf32, #tpu.memory_space<hbm>> -> memref<100000x8xf32, #tpu.memory_space<hbm>>
      %dma_wait3A_812 = arith.constant 0 : i32
      %dma_wait3A_813 = arith.constant 0 : i32
      %dma_wait3A_814 = tpu.memref_slice %dma_wait3A_811[%dma_wait3A_812, %dma_wait3A_813] : memref<100000x8xf32, #tpu.memory_space<hbm>> -> memref<100000x8xf32, #tpu.memory_space<hbm>>
      tpu.wait_indirect_dma semaphore(%arg11 : memref<!tpu.dma_semaphore, #tpu.memory_space<semaphore_mem>>) src(%dma_wait3A_814 : memref<100000x8xf32, #tpu.memory_space<hbm>>) dst(%dma_wait3A_804 : memref<128x8xf32, #tpu.memory_space<vmem>>)
      %dma_wait3A_815 = arith.constant 0 : i32
      %dma_wait3A_816 = arith.constant 0 : i32
      %dma_wait3A_817 = arith.constant 0 : i32
      %dma_wait3A_818 = arith.constant 0 : i32
      %dma_wait3A_819 = arith.constant 0 : i32
      %dma_wait3A_820 = tpu.memref_slice %arg8[%dma_wait3A_817, %dma_wait3A_818, %dma_wait3A_819] : memref<2x2048x8xf32, #tpu.memory_space<vmem>> -> memref<1x128x8xf32, #tpu.memory_space<vmem>>
      %dma_wait3A_821 = tpu.memref_squeeze %dma_wait3A_820 : memref<1x128x8xf32, #tpu.memory_space<vmem>> -> memref<128x8xf32, #tpu.memory_space<vmem>>
      %dma_wait3A_822 = arith.constant 0 : i32
      %dma_wait3A_823 = tpu.memref_slice %arg6[%dma_wait3A_816, %dma_wait3A_822] : memref<2x2048xi32, #tpu.memory_space<vmem>> -> memref<1x128xi32, #tpu.memory_space<vmem>>
      %dma_wait3A_824 = tpu.memref_squeeze %dma_wait3A_823 : memref<1x128xi32, #tpu.memory_space<vmem>> -> memref<128xi32, #tpu.memory_space<vmem>>
      %dma_wait3A_825 = arith.constant 0 : i32
      %dma_wait3A_826 = arith.constant 0 : i32
      %dma_wait3A_827 = tpu.memref_slice %arg2[%dma_wait3A_815, %dma_wait3A_825, %dma_wait3A_826] : memref<2x100000x8xf32, #tpu.memory_space<hbm>> -> memref<1x100000x8xf32, #tpu.memory_space<hbm>>
      %dma_wait3A_828 = tpu.memref_squeeze %dma_wait3A_827 : memref<1x100000x8xf32, #tpu.memory_space<hbm>> -> memref<100000x8xf32, #tpu.memory_space<hbm>>
      %dma_wait3A_829 = arith.constant 0 : i32
      %dma_wait3A_830 = arith.constant 0 : i32
      %dma_wait3A_831 = tpu.memref_slice %dma_wait3A_828[%dma_wait3A_829, %dma_wait3A_830] : memref<100000x8xf32, #tpu.memory_space<hbm>> -> memref<100000x8xf32, #tpu.memory_space<hbm>>
      tpu.wait_indirect_dma semaphore(%arg11 : memref<!tpu.dma_semaphore, #tpu.memory_space<semaphore_mem>>) src(%dma_wait3A_831 : memref<100000x8xf32, #tpu.memory_space<hbm>>) dst(%dma_wait3A_821 : memref<128x8xf32, #tpu.memory_space<vmem>>)
      %dma_wait3A_832 = arith.constant 0 : i32
      %dma_wait3A_833 = arith.constant 0 : i32
      %dma_wait3A_834 = arith.constant 0 : i32
      %dma_wait3A_835 = arith.constant 128 : i32
      %dma_wait3A_836 = arith.constant 0 : i32
      %dma_wait3A_837 = tpu.memref_slice %arg7[%dma_wait3A_834, %dma_wait3A_835, %dma_wait3A_836] : memref<2x2048x8xf32, #tpu.memory_space<vmem>> -> memref<1x128x8xf32, #tpu.memory_space<vmem>>
      %dma_wait3A_838 = tpu.memref_squeeze %dma_wait3A_837 : memref<1x128x8xf32, #tpu.memory_space<vmem>> -> memref<128x8xf32, #tpu.memory_space<vmem>>
      %dma_wait3A_839 = arith.constant 128 : i32
      %dma_wait3A_840 = tpu.memref_slice %arg5[%dma_wait3A_833, %dma_wait3A_839] : memref<2x2048xi32, #tpu.memory_space<vmem>> -> memref<1x128xi32, #tpu.memory_space<vmem>>
      %dma_wait3A_841 = tpu.memref_squeeze %dma_wait3A_840 : memref<1x128xi32, #tpu.memory_space<vmem>> -> memref<128xi32, #tpu.memory_space<vmem>>
      %dma_wait3A_842 = arith.constant 0 : i32
      %dma_wait3A_843 = arith.constant 0 : i32
      %dma_wait3A_844 = tpu.memref_slice %arg2[%dma_wait3A_832, %dma_wait3A_842, %dma_wait3A_843] : memref<2x100000x8xf32, #tpu.memory_space<hbm>> -> memref<1x100000x8xf32, #tpu.memory_space<hbm>>
      %dma_wait3A_845 = tpu.memref_squeeze %dma_wait3A_844 : memref<1x100000x8xf32, #tpu.memory_space<hbm>> -> memref<100000x8xf32, #tpu.memory_space<hbm>>
      %dma_wait3A_846 = arith.constant 0 : i32
      %dma_wait3A_847 = arith.constant 0 : i32
      %dma_wait3A_848 = tpu.memref_slice %dma_wait3A_845[%dma_wait3A_846, %dma_wait3A_847] : memref<100000x8xf32, #tpu.memory_space<hbm>> -> memref<100000x8xf32, #tpu.memory_space<hbm>>
      tpu.wait_indirect_dma semaphore(%arg11 : memref<!tpu.dma_semaphore, #tpu.memory_space<semaphore_mem>>) src(%dma_wait3A_848 : memref<100000x8xf32, #tpu.memory_space<hbm>>) dst(%dma_wait3A_838 : memref<128x8xf32, #tpu.memory_space<vmem>>)
      %dma_wait3A_849 = arith.constant 0 : i32
      %dma_wait3A_850 = arith.constant 0 : i32
      %dma_wait3A_851 = arith.constant 0 : i32
      %dma_wait3A_852 = arith.constant 128 : i32
      %dma_wait3A_853 = arith.constant 0 : i32
      %dma_wait3A_854 = tpu.memref_slice %arg8[%dma_wait3A_851, %dma_wait3A_852, %dma_wait3A_853] : memref<2x2048x8xf32, #tpu.memory_space<vmem>> -> memref<1x128x8xf32, #tpu.memory_space<vmem>>
      %dma_wait3A_855 = tpu.memref_squeeze %dma_wait3A_854 : memref<1x128x8xf32, #tpu.memory_space<vmem>> -> memref<128x8xf32, #tpu.memory_space<vmem>>
      %dma_wait3A_856 = arith.constant 128 : i32
      %dma_wait3A_857 = tpu.memref_slice %arg6[%dma_wait3A_850, %dma_wait3A_856] : memref<2x2048xi32, #tpu.memory_space<vmem>> -> memref<1x128xi32, #tpu.memory_space<vmem>>
      %dma_wait3A_858 = tpu.memref_squeeze %dma_wait3A_857 : memref<1x128xi32, #tpu.memory_space<vmem>> -> memref<128xi32, #tpu.memory_space<vmem>>
      %dma_wait3A_859 = arith.constant 0 : i32
      %dma_wait3A_860 = arith.constant 0 : i32
      %dma_wait3A_861 = tpu.memref_slice %arg2[%dma_wait3A_849, %dma_wait3A_859, %dma_wait3A_860] : memref<2x100000x8xf32, #tpu.memory_space<hbm>> -> memref<1x100000x8xf32, #tpu.memory_space<hbm>>
      %dma_wait3A_862 = tpu.memref_squeeze %dma_wait3A_861 : memref<1x100000x8xf32, #tpu.memory_space<hbm>> -> memref<100000x8xf32, #tpu.memory_space<hbm>>
      %dma_wait3A_863 = arith.constant 0 : i32
      %dma_wait3A_864 = arith.constant 0 : i32
      %dma_wait3A_865 = tpu.memref_slice %dma_wait3A_862[%dma_wait3A_863, %dma_wait3A_864] : memref<100000x8xf32, #tpu.memory_space<hbm>> -> memref<100000x8xf32, #tpu.memory_space<hbm>>
      tpu.wait_indirect_dma semaphore(%arg11 : memref<!tpu.dma_semaphore, #tpu.memory_space<semaphore_mem>>) src(%dma_wait3A_865 : memref<100000x8xf32, #tpu.memory_space<hbm>>) dst(%dma_wait3A_855 : memref<128x8xf32, #tpu.memory_space<vmem>>)
      %dma_wait3A_866 = arith.constant 0 : i32
      %dma_wait3A_867 = arith.constant 0 : i32
      %dma_wait3A_868 = arith.constant 0 : i32
      %dma_wait3A_869 = arith.constant 256 : i32
      %dma_wait3A_870 = arith.constant 0 : i32
      %dma_wait3A_871 = tpu.memref_slice %arg7[%dma_wait3A_868, %dma_wait3A_869, %dma_wait3A_870] : memref<2x2048x8xf32, #tpu.memory_space<vmem>> -> memref<1x128x8xf32, #tpu.memory_space<vmem>>
      %dma_wait3A_872 = tpu.memref_squeeze %dma_wait3A_871 : memref<1x128x8xf32, #tpu.memory_space<vmem>> -> memref<128x8xf32, #tpu.memory_space<vmem>>
      %dma_wait3A_873 = arith.constant 256 : i32
      %dma_wait3A_874 = tpu.memref_slice %arg5[%dma_wait3A_867, %dma_wait3A_873] : memref<2x2048xi32, #tpu.memory_space<vmem>> -> memref<1x128xi32, #tpu.memory_space<vmem>>
      %dma_wait3A_875 = tpu.memref_squeeze %dma_wait3A_874 : memref<1x128xi32, #tpu.memory_space<vmem>> -> memref<128xi32, #tpu.memory_space<vmem>>
      %dma_wait3A_876 = arith.constant 0 : i32
      %dma_wait3A_877 = arith.constant 0 : i32
      %dma_wait3A_878 = tpu.memref_slice %arg2[%dma_wait3A_866, %dma_wait3A_876, %dma_wait3A_877] : memref<2x100000x8xf32, #tpu.memory_space<hbm>> -> memref<1x100000x8xf32, #tpu.memory_space<hbm>>
      %dma_wait3A_879 = tpu.memref_squeeze %dma_wait3A_878 : memref<1x100000x8xf32, #tpu.memory_space<hbm>> -> memref<100000x8xf32, #tpu.memory_space<hbm>>
      %dma_wait3A_880 = arith.constant 0 : i32
      %dma_wait3A_881 = arith.constant 0 : i32
      %dma_wait3A_882 = tpu.memref_slice %dma_wait3A_879[%dma_wait3A_880, %dma_wait3A_881] : memref<100000x8xf32, #tpu.memory_space<hbm>> -> memref<100000x8xf32, #tpu.memory_space<hbm>>
      tpu.wait_indirect_dma semaphore(%arg11 : memref<!tpu.dma_semaphore, #tpu.memory_space<semaphore_mem>>) src(%dma_wait3A_882 : memref<100000x8xf32, #tpu.memory_space<hbm>>) dst(%dma_wait3A_872 : memref<128x8xf32, #tpu.memory_space<vmem>>)
      %dma_wait3A_883 = arith.constant 0 : i32
      %dma_wait3A_884 = arith.constant 0 : i32
      %dma_wait3A_885 = arith.constant 0 : i32
      %dma_wait3A_886 = arith.constant 256 : i32
      %dma_wait3A_887 = arith.constant 0 : i32
      %dma_wait3A_888 = tpu.memref_slice %arg8[%dma_wait3A_885, %dma_wait3A_886, %dma_wait3A_887] : memref<2x2048x8xf32, #tpu.memory_space<vmem>> -> memref<1x128x8xf32, #tpu.memory_space<vmem>>
      %dma_wait3A_889 = tpu.memref_squeeze %dma_wait3A_888 : memref<1x128x8xf32, #tpu.memory_space<vmem>> -> memref<128x8xf32, #tpu.memory_space<vmem>>
      %dma_wait3A_890 = arith.constant 256 : i32
      %dma_wait3A_891 = tpu.memref_slice %arg6[%dma_wait3A_884, %dma_wait3A_890] : memref<2x2048xi32, #tpu.memory_space<vmem>> -> memref<1x128xi32, #tpu.memory_space<vmem>>
      %dma_wait3A_892 = tpu.memref_squeeze %dma_wait3A_891 : memref<1x128xi32, #tpu.memory_space<vmem>> -> memref<128xi32, #tpu.memory_space<vmem>>
      %dma_wait3A_893 = arith.constant 0 : i32
      %dma_wait3A_894 = arith.constant 0 : i32
      %dma_wait3A_895 = tpu.memref_slice %arg2[%dma_wait3A_883, %dma_wait3A_893, %dma_wait3A_894] : memref<2x100000x8xf32, #tpu.memory_space<hbm>> -> memref<1x100000x8xf32, #tpu.memory_space<hbm>>
      %dma_wait3A_896 = tpu.memref_squeeze %dma_wait3A_895 : memref<1x100000x8xf32, #tpu.memory_space<hbm>> -> memref<100000x8xf32, #tpu.memory_space<hbm>>
      %dma_wait3A_897 = arith.constant 0 : i32
      %dma_wait3A_898 = arith.constant 0 : i32
      %dma_wait3A_899 = tpu.memref_slice %dma_wait3A_896[%dma_wait3A_897, %dma_wait3A_898] : memref<100000x8xf32, #tpu.memory_space<hbm>> -> memref<100000x8xf32, #tpu.memory_space<hbm>>
      tpu.wait_indirect_dma semaphore(%arg11 : memref<!tpu.dma_semaphore, #tpu.memory_space<semaphore_mem>>) src(%dma_wait3A_899 : memref<100000x8xf32, #tpu.memory_space<hbm>>) dst(%dma_wait3A_889 : memref<128x8xf32, #tpu.memory_space<vmem>>)
      %dma_wait3A_900 = arith.constant 0 : i32
      %dma_wait3A_901 = arith.constant 0 : i32
      %dma_wait3A_902 = arith.constant 0 : i32
      %dma_wait3A_903 = arith.constant 384 : i32
      %dma_wait3A_904 = arith.constant 0 : i32
      %dma_wait3A_905 = tpu.memref_slice %arg7[%dma_wait3A_902, %dma_wait3A_903, %dma_wait3A_904] : memref<2x2048x8xf32, #tpu.memory_space<vmem>> -> memref<1x128x8xf32, #tpu.memory_space<vmem>>
      %dma_wait3A_906 = tpu.memref_squeeze %dma_wait3A_905 : memref<1x128x8xf32, #tpu.memory_space<vmem>> -> memref<128x8xf32, #tpu.memory_space<vmem>>
      %dma_wait3A_907 = arith.constant 384 : i32
      %dma_wait3A_908 = tpu.memref_slice %arg5[%dma_wait3A_901, %dma_wait3A_907] : memref<2x2048xi32, #tpu.memory_space<vmem>> -> memref<1x128xi32, #tpu.memory_space<vmem>>
      %dma_wait3A_909 = tpu.memref_squeeze %dma_wait3A_908 : memref<1x128xi32, #tpu.memory_space<vmem>> -> memref<128xi32, #tpu.memory_space<vmem>>
      %dma_wait3A_910 = arith.constant 0 : i32
      %dma_wait3A_911 = arith.constant 0 : i32
      %dma_wait3A_912 = tpu.memref_slice %arg2[%dma_wait3A_900, %dma_wait3A_910, %dma_wait3A_911] : memref<2x100000x8xf32, #tpu.memory_space<hbm>> -> memref<1x100000x8xf32, #tpu.memory_space<hbm>>
      %dma_wait3A_913 = tpu.memref_squeeze %dma_wait3A_912 : memref<1x100000x8xf32, #tpu.memory_space<hbm>> -> memref<100000x8xf32, #tpu.memory_space<hbm>>
      %dma_wait3A_914 = arith.constant 0 : i32
      %dma_wait3A_915 = arith.constant 0 : i32
      %dma_wait3A_916 = tpu.memref_slice %dma_wait3A_913[%dma_wait3A_914, %dma_wait3A_915] : memref<100000x8xf32, #tpu.memory_space<hbm>> -> memref<100000x8xf32, #tpu.memory_space<hbm>>
      tpu.wait_indirect_dma semaphore(%arg11 : memref<!tpu.dma_semaphore, #tpu.memory_space<semaphore_mem>>) src(%dma_wait3A_916 : memref<100000x8xf32, #tpu.memory_space<hbm>>) dst(%dma_wait3A_906 : memref<128x8xf32, #tpu.memory_space<vmem>>)
      %dma_wait3A_917 = arith.constant 0 : i32
      %dma_wait3A_918 = arith.constant 0 : i32
      %dma_wait3A_919 = arith.constant 0 : i32
      %dma_wait3A_920 = arith.constant 384 : i32
      %dma_wait3A_921 = arith.constant 0 : i32
      %dma_wait3A_922 = tpu.memref_slice %arg8[%dma_wait3A_919, %dma_wait3A_920, %dma_wait3A_921] : memref<2x2048x8xf32, #tpu.memory_space<vmem>> -> memref<1x128x8xf32, #tpu.memory_space<vmem>>
      %dma_wait3A_923 = tpu.memref_squeeze %dma_wait3A_922 : memref<1x128x8xf32, #tpu.memory_space<vmem>> -> memref<128x8xf32, #tpu.memory_space<vmem>>
      %dma_wait3A_924 = arith.constant 384 : i32
      %dma_wait3A_925 = tpu.memref_slice %arg6[%dma_wait3A_918, %dma_wait3A_924] : memref<2x2048xi32, #tpu.memory_space<vmem>> -> memref<1x128xi32, #tpu.memory_space<vmem>>
      %dma_wait3A_926 = tpu.memref_squeeze %dma_wait3A_925 : memref<1x128xi32, #tpu.memory_space<vmem>> -> memref<128xi32, #tpu.memory_space<vmem>>
      %dma_wait3A_927 = arith.constant 0 : i32
      %dma_wait3A_928 = arith.constant 0 : i32
      %dma_wait3A_929 = tpu.memref_slice %arg2[%dma_wait3A_917, %dma_wait3A_927, %dma_wait3A_928] : memref<2x100000x8xf32, #tpu.memory_space<hbm>> -> memref<1x100000x8xf32, #tpu.memory_space<hbm>>
      %dma_wait3A_930 = tpu.memref_squeeze %dma_wait3A_929 : memref<1x100000x8xf32, #tpu.memory_space<hbm>> -> memref<100000x8xf32, #tpu.memory_space<hbm>>
      %dma_wait3A_931 = arith.constant 0 : i32
      %dma_wait3A_932 = arith.constant 0 : i32
      %dma_wait3A_933 = tpu.memref_slice %dma_wait3A_930[%dma_wait3A_931, %dma_wait3A_932] : memref<100000x8xf32, #tpu.memory_space<hbm>> -> memref<100000x8xf32, #tpu.memory_space<hbm>>
      tpu.wait_indirect_dma semaphore(%arg11 : memref<!tpu.dma_semaphore, #tpu.memory_space<semaphore_mem>>) src(%dma_wait3A_933 : memref<100000x8xf32, #tpu.memory_space<hbm>>) dst(%dma_wait3A_923 : memref<128x8xf32, #tpu.memory_space<vmem>>)
      %dma_wait3A_934 = arith.constant 0 : i32
      %dma_wait3A_935 = arith.constant 0 : i32
      %dma_wait3A_936 = arith.constant 0 : i32
      %dma_wait3A_937 = arith.constant 512 : i32
      %dma_wait3A_938 = arith.constant 0 : i32
      %dma_wait3A_939 = tpu.memref_slice %arg7[%dma_wait3A_936, %dma_wait3A_937, %dma_wait3A_938] : memref<2x2048x8xf32, #tpu.memory_space<vmem>> -> memref<1x128x8xf32, #tpu.memory_space<vmem>>
      %dma_wait3A_940 = tpu.memref_squeeze %dma_wait3A_939 : memref<1x128x8xf32, #tpu.memory_space<vmem>> -> memref<128x8xf32, #tpu.memory_space<vmem>>
      %dma_wait3A_941 = arith.constant 512 : i32
      %dma_wait3A_942 = tpu.memref_slice %arg5[%dma_wait3A_935, %dma_wait3A_941] : memref<2x2048xi32, #tpu.memory_space<vmem>> -> memref<1x128xi32, #tpu.memory_space<vmem>>
      %dma_wait3A_943 = tpu.memref_squeeze %dma_wait3A_942 : memref<1x128xi32, #tpu.memory_space<vmem>> -> memref<128xi32, #tpu.memory_space<vmem>>
      %dma_wait3A_944 = arith.constant 0 : i32
      %dma_wait3A_945 = arith.constant 0 : i32
      %dma_wait3A_946 = tpu.memref_slice %arg2[%dma_wait3A_934, %dma_wait3A_944, %dma_wait3A_945] : memref<2x100000x8xf32, #tpu.memory_space<hbm>> -> memref<1x100000x8xf32, #tpu.memory_space<hbm>>
      %dma_wait3A_947 = tpu.memref_squeeze %dma_wait3A_946 : memref<1x100000x8xf32, #tpu.memory_space<hbm>> -> memref<100000x8xf32, #tpu.memory_space<hbm>>
      %dma_wait3A_948 = arith.constant 0 : i32
      %dma_wait3A_949 = arith.constant 0 : i32
      %dma_wait3A_950 = tpu.memref_slice %dma_wait3A_947[%dma_wait3A_948, %dma_wait3A_949] : memref<100000x8xf32, #tpu.memory_space<hbm>> -> memref<100000x8xf32, #tpu.memory_space<hbm>>
      tpu.wait_indirect_dma semaphore(%arg11 : memref<!tpu.dma_semaphore, #tpu.memory_space<semaphore_mem>>) src(%dma_wait3A_950 : memref<100000x8xf32, #tpu.memory_space<hbm>>) dst(%dma_wait3A_940 : memref<128x8xf32, #tpu.memory_space<vmem>>)
      %dma_wait3A_951 = arith.constant 0 : i32
      %dma_wait3A_952 = arith.constant 0 : i32
      %dma_wait3A_953 = arith.constant 0 : i32
      %dma_wait3A_954 = arith.constant 512 : i32
      %dma_wait3A_955 = arith.constant 0 : i32
      %dma_wait3A_956 = tpu.memref_slice %arg8[%dma_wait3A_953, %dma_wait3A_954, %dma_wait3A_955] : memref<2x2048x8xf32, #tpu.memory_space<vmem>> -> memref<1x128x8xf32, #tpu.memory_space<vmem>>
      %dma_wait3A_957 = tpu.memref_squeeze %dma_wait3A_956 : memref<1x128x8xf32, #tpu.memory_space<vmem>> -> memref<128x8xf32, #tpu.memory_space<vmem>>
      %dma_wait3A_958 = arith.constant 512 : i32
      %dma_wait3A_959 = tpu.memref_slice %arg6[%dma_wait3A_952, %dma_wait3A_958] : memref<2x2048xi32, #tpu.memory_space<vmem>> -> memref<1x128xi32, #tpu.memory_space<vmem>>
      %dma_wait3A_960 = tpu.memref_squeeze %dma_wait3A_959 : memref<1x128xi32, #tpu.memory_space<vmem>> -> memref<128xi32, #tpu.memory_space<vmem>>
      %dma_wait3A_961 = arith.constant 0 : i32
      %dma_wait3A_962 = arith.constant 0 : i32
      %dma_wait3A_963 = tpu.memref_slice %arg2[%dma_wait3A_951, %dma_wait3A_961, %dma_wait3A_962] : memref<2x100000x8xf32, #tpu.memory_space<hbm>> -> memref<1x100000x8xf32, #tpu.memory_space<hbm>>
      %dma_wait3A_964 = tpu.memref_squeeze %dma_wait3A_963 : memref<1x100000x8xf32, #tpu.memory_space<hbm>> -> memref<100000x8xf32, #tpu.memory_space<hbm>>
      %dma_wait3A_965 = arith.constant 0 : i32
      %dma_wait3A_966 = arith.constant 0 : i32
      %dma_wait3A_967 = tpu.memref_slice %dma_wait3A_964[%dma_wait3A_965, %dma_wait3A_966] : memref<100000x8xf32, #tpu.memory_space<hbm>> -> memref<100000x8xf32, #tpu.memory_space<hbm>>
      tpu.wait_indirect_dma semaphore(%arg11 : memref<!tpu.dma_semaphore, #tpu.memory_space<semaphore_mem>>) src(%dma_wait3A_967 : memref<100000x8xf32, #tpu.memory_space<hbm>>) dst(%dma_wait3A_957 : memref<128x8xf32, #tpu.memory_space<vmem>>)
      %dma_wait3A_968 = arith.constant 0 : i32
      %dma_wait3A_969 = arith.constant 0 : i32
      %dma_wait3A_970 = arith.constant 0 : i32
      %dma_wait3A_971 = arith.constant 640 : i32
      %dma_wait3A_972 = arith.constant 0 : i32
      %dma_wait3A_973 = tpu.memref_slice %arg7[%dma_wait3A_970, %dma_wait3A_971, %dma_wait3A_972] : memref<2x2048x8xf32, #tpu.memory_space<vmem>> -> memref<1x128x8xf32, #tpu.memory_space<vmem>>
      %dma_wait3A_974 = tpu.memref_squeeze %dma_wait3A_973 : memref<1x128x8xf32, #tpu.memory_space<vmem>> -> memref<128x8xf32, #tpu.memory_space<vmem>>
      %dma_wait3A_975 = arith.constant 640 : i32
      %dma_wait3A_976 = tpu.memref_slice %arg5[%dma_wait3A_969, %dma_wait3A_975] : memref<2x2048xi32, #tpu.memory_space<vmem>> -> memref<1x128xi32, #tpu.memory_space<vmem>>
      %dma_wait3A_977 = tpu.memref_squeeze %dma_wait3A_976 : memref<1x128xi32, #tpu.memory_space<vmem>> -> memref<128xi32, #tpu.memory_space<vmem>>
      %dma_wait3A_978 = arith.constant 0 : i32
      %dma_wait3A_979 = arith.constant 0 : i32
      %dma_wait3A_980 = tpu.memref_slice %arg2[%dma_wait3A_968, %dma_wait3A_978, %dma_wait3A_979] : memref<2x100000x8xf32, #tpu.memory_space<hbm>> -> memref<1x100000x8xf32, #tpu.memory_space<hbm>>
      %dma_wait3A_981 = tpu.memref_squeeze %dma_wait3A_980 : memref<1x100000x8xf32, #tpu.memory_space<hbm>> -> memref<100000x8xf32, #tpu.memory_space<hbm>>
      %dma_wait3A_982 = arith.constant 0 : i32
      %dma_wait3A_983 = arith.constant 0 : i32
      %dma_wait3A_984 = tpu.memref_slice %dma_wait3A_981[%dma_wait3A_982, %dma_wait3A_983] : memref<100000x8xf32, #tpu.memory_space<hbm>> -> memref<100000x8xf32, #tpu.memory_space<hbm>>
      tpu.wait_indirect_dma semaphore(%arg11 : memref<!tpu.dma_semaphore, #tpu.memory_space<semaphore_mem>>) src(%dma_wait3A_984 : memref<100000x8xf32, #tpu.memory_space<hbm>>) dst(%dma_wait3A_974 : memref<128x8xf32, #tpu.memory_space<vmem>>)
      %dma_wait3A_985 = arith.constant 0 : i32
      %dma_wait3A_986 = arith.constant 0 : i32
      %dma_wait3A_987 = arith.constant 0 : i32
      %dma_wait3A_988 = arith.constant 640 : i32
      %dma_wait3A_989 = arith.constant 0 : i32
      %dma_wait3A_990 = tpu.memref_slice %arg8[%dma_wait3A_987, %dma_wait3A_988, %dma_wait3A_989] : memref<2x2048x8xf32, #tpu.memory_space<vmem>> -> memref<1x128x8xf32, #tpu.memory_space<vmem>>
      %dma_wait3A_991 = tpu.memref_squeeze %dma_wait3A_990 : memref<1x128x8xf32, #tpu.memory_space<vmem>> -> memref<128x8xf32, #tpu.memory_space<vmem>>
      %dma_wait3A_992 = arith.constant 640 : i32
      %dma_wait3A_993 = tpu.memref_slice %arg6[%dma_wait3A_986, %dma_wait3A_992] : memref<2x2048xi32, #tpu.memory_space<vmem>> -> memref<1x128xi32, #tpu.memory_space<vmem>>
      %dma_wait3A_994 = tpu.memref_squeeze %dma_wait3A_993 : memref<1x128xi32, #tpu.memory_space<vmem>> -> memref<128xi32, #tpu.memory_space<vmem>>
      %dma_wait3A_995 = arith.constant 0 : i32
      %dma_wait3A_996 = arith.constant 0 : i32
      %dma_wait3A_997 = tpu.memref_slice %arg2[%dma_wait3A_985, %dma_wait3A_995, %dma_wait3A_996] : memref<2x100000x8xf32, #tpu.memory_space<hbm>> -> memref<1x100000x8xf32, #tpu.memory_space<hbm>>
      %dma_wait3A_998 = tpu.memref_squeeze %dma_wait3A_997 : memref<1x100000x8xf32, #tpu.memory_space<hbm>> -> memref<100000x8xf32, #tpu.memory_space<hbm>>
      %dma_wait3A_999 = arith.constant 0 : i32
      %dma_wait3A_1000 = arith.constant 0 : i32
      %dma_wait3A_1001 = tpu.memref_slice %dma_wait3A_998[%dma_wait3A_999, %dma_wait3A_1000] : memref<100000x8xf32, #tpu.memory_space<hbm>> -> memref<100000x8xf32, #tpu.memory_space<hbm>>
      tpu.wait_indirect_dma semaphore(%arg11 : memref<!tpu.dma_semaphore, #tpu.memory_space<semaphore_mem>>) src(%dma_wait3A_1001 : memref<100000x8xf32, #tpu.memory_space<hbm>>) dst(%dma_wait3A_991 : memref<128x8xf32, #tpu.memory_space<vmem>>)
      %dma_wait3A_1002 = arith.constant 0 : i32
      %dma_wait3A_1003 = arith.constant 0 : i32
      %dma_wait3A_1004 = arith.constant 0 : i32
      %dma_wait3A_1005 = arith.constant 768 : i32
      %dma_wait3A_1006 = arith.constant 0 : i32
      %dma_wait3A_1007 = tpu.memref_slice %arg7[%dma_wait3A_1004, %dma_wait3A_1005, %dma_wait3A_1006] : memref<2x2048x8xf32, #tpu.memory_space<vmem>> -> memref<1x128x8xf32, #tpu.memory_space<vmem>>
      %dma_wait3A_1008 = tpu.memref_squeeze %dma_wait3A_1007 : memref<1x128x8xf32, #tpu.memory_space<vmem>> -> memref<128x8xf32, #tpu.memory_space<vmem>>
      %dma_wait3A_1009 = arith.constant 768 : i32
      %dma_wait3A_1010 = tpu.memref_slice %arg5[%dma_wait3A_1003, %dma_wait3A_1009] : memref<2x2048xi32, #tpu.memory_space<vmem>> -> memref<1x128xi32, #tpu.memory_space<vmem>>
      %dma_wait3A_1011 = tpu.memref_squeeze %dma_wait3A_1010 : memref<1x128xi32, #tpu.memory_space<vmem>> -> memref<128xi32, #tpu.memory_space<vmem>>
      %dma_wait3A_1012 = arith.constant 0 : i32
      %dma_wait3A_1013 = arith.constant 0 : i32
      %dma_wait3A_1014 = tpu.memref_slice %arg2[%dma_wait3A_1002, %dma_wait3A_1012, %dma_wait3A_1013] : memref<2x100000x8xf32, #tpu.memory_space<hbm>> -> memref<1x100000x8xf32, #tpu.memory_space<hbm>>
      %dma_wait3A_1015 = tpu.memref_squeeze %dma_wait3A_1014 : memref<1x100000x8xf32, #tpu.memory_space<hbm>> -> memref<100000x8xf32, #tpu.memory_space<hbm>>
      %dma_wait3A_1016 = arith.constant 0 : i32
      %dma_wait3A_1017 = arith.constant 0 : i32
      %dma_wait3A_1018 = tpu.memref_slice %dma_wait3A_1015[%dma_wait3A_1016, %dma_wait3A_1017] : memref<100000x8xf32, #tpu.memory_space<hbm>> -> memref<100000x8xf32, #tpu.memory_space<hbm>>
      tpu.wait_indirect_dma semaphore(%arg11 : memref<!tpu.dma_semaphore, #tpu.memory_space<semaphore_mem>>) src(%dma_wait3A_1018 : memref<100000x8xf32, #tpu.memory_space<hbm>>) dst(%dma_wait3A_1008 : memref<128x8xf32, #tpu.memory_space<vmem>>)
      %dma_wait3A_1019 = arith.constant 0 : i32
      %dma_wait3A_1020 = arith.constant 0 : i32
      %dma_wait3A_1021 = arith.constant 0 : i32
      %dma_wait3A_1022 = arith.constant 768 : i32
      %dma_wait3A_1023 = arith.constant 0 : i32
      %dma_wait3A_1024 = tpu.memref_slice %arg8[%dma_wait3A_1021, %dma_wait3A_1022, %dma_wait3A_1023] : memref<2x2048x8xf32, #tpu.memory_space<vmem>> -> memref<1x128x8xf32, #tpu.memory_space<vmem>>
      %dma_wait3A_1025 = tpu.memref_squeeze %dma_wait3A_1024 : memref<1x128x8xf32, #tpu.memory_space<vmem>> -> memref<128x8xf32, #tpu.memory_space<vmem>>
      %dma_wait3A_1026 = arith.constant 768 : i32
      %dma_wait3A_1027 = tpu.memref_slice %arg6[%dma_wait3A_1020, %dma_wait3A_1026] : memref<2x2048xi32, #tpu.memory_space<vmem>> -> memref<1x128xi32, #tpu.memory_space<vmem>>
      %dma_wait3A_1028 = tpu.memref_squeeze %dma_wait3A_1027 : memref<1x128xi32, #tpu.memory_space<vmem>> -> memref<128xi32, #tpu.memory_space<vmem>>
      %dma_wait3A_1029 = arith.constant 0 : i32
      %dma_wait3A_1030 = arith.constant 0 : i32
      %dma_wait3A_1031 = tpu.memref_slice %arg2[%dma_wait3A_1019, %dma_wait3A_1029, %dma_wait3A_1030] : memref<2x100000x8xf32, #tpu.memory_space<hbm>> -> memref<1x100000x8xf32, #tpu.memory_space<hbm>>
      %dma_wait3A_1032 = tpu.memref_squeeze %dma_wait3A_1031 : memref<1x100000x8xf32, #tpu.memory_space<hbm>> -> memref<100000x8xf32, #tpu.memory_space<hbm>>
      %dma_wait3A_1033 = arith.constant 0 : i32
      %dma_wait3A_1034 = arith.constant 0 : i32
      %dma_wait3A_1035 = tpu.memref_slice %dma_wait3A_1032[%dma_wait3A_1033, %dma_wait3A_1034] : memref<100000x8xf32, #tpu.memory_space<hbm>> -> memref<100000x8xf32, #tpu.memory_space<hbm>>
      tpu.wait_indirect_dma semaphore(%arg11 : memref<!tpu.dma_semaphore, #tpu.memory_space<semaphore_mem>>) src(%dma_wait3A_1035 : memref<100000x8xf32, #tpu.memory_space<hbm>>) dst(%dma_wait3A_1025 : memref<128x8xf32, #tpu.memory_space<vmem>>)
      %dma_wait3A_1036 = arith.constant 0 : i32
      %dma_wait3A_1037 = arith.constant 0 : i32
      %dma_wait3A_1038 = arith.constant 0 : i32
      %dma_wait3A_1039 = arith.constant 896 : i32
      %dma_wait3A_1040 = arith.constant 0 : i32
      %dma_wait3A_1041 = tpu.memref_slice %arg7[%dma_wait3A_1038, %dma_wait3A_1039, %dma_wait3A_1040] : memref<2x2048x8xf32, #tpu.memory_space<vmem>> -> memref<1x128x8xf32, #tpu.memory_space<vmem>>
      %dma_wait3A_1042 = tpu.memref_squeeze %dma_wait3A_1041 : memref<1x128x8xf32, #tpu.memory_space<vmem>> -> memref<128x8xf32, #tpu.memory_space<vmem>>
      %dma_wait3A_1043 = arith.constant 896 : i32
      %dma_wait3A_1044 = tpu.memref_slice %arg5[%dma_wait3A_1037, %dma_wait3A_1043] : memref<2x2048xi32, #tpu.memory_space<vmem>> -> memref<1x128xi32, #tpu.memory_space<vmem>>
      %dma_wait3A_1045 = tpu.memref_squeeze %dma_wait3A_1044 : memref<1x128xi32, #tpu.memory_space<vmem>> -> memref<128xi32, #tpu.memory_space<vmem>>
      %dma_wait3A_1046 = arith.constant 0 : i32
      %dma_wait3A_1047 = arith.constant 0 : i32
      %dma_wait3A_1048 = tpu.memref_slice %arg2[%dma_wait3A_1036, %dma_wait3A_1046, %dma_wait3A_1047] : memref<2x100000x8xf32, #tpu.memory_space<hbm>> -> memref<1x100000x8xf32, #tpu.memory_space<hbm>>
      %dma_wait3A_1049 = tpu.memref_squeeze %dma_wait3A_1048 : memref<1x100000x8xf32, #tpu.memory_space<hbm>> -> memref<100000x8xf32, #tpu.memory_space<hbm>>
      %dma_wait3A_1050 = arith.constant 0 : i32
      %dma_wait3A_1051 = arith.constant 0 : i32
      %dma_wait3A_1052 = tpu.memref_slice %dma_wait3A_1049[%dma_wait3A_1050, %dma_wait3A_1051] : memref<100000x8xf32, #tpu.memory_space<hbm>> -> memref<100000x8xf32, #tpu.memory_space<hbm>>
      tpu.wait_indirect_dma semaphore(%arg11 : memref<!tpu.dma_semaphore, #tpu.memory_space<semaphore_mem>>) src(%dma_wait3A_1052 : memref<100000x8xf32, #tpu.memory_space<hbm>>) dst(%dma_wait3A_1042 : memref<128x8xf32, #tpu.memory_space<vmem>>)
      %dma_wait3A_1053 = arith.constant 0 : i32
      %dma_wait3A_1054 = arith.constant 0 : i32
      %dma_wait3A_1055 = arith.constant 0 : i32
      %dma_wait3A_1056 = arith.constant 896 : i32
      %dma_wait3A_1057 = arith.constant 0 : i32
      %dma_wait3A_1058 = tpu.memref_slice %arg8[%dma_wait3A_1055, %dma_wait3A_1056, %dma_wait3A_1057] : memref<2x2048x8xf32, #tpu.memory_space<vmem>> -> memref<1x128x8xf32, #tpu.memory_space<vmem>>
      %dma_wait3A_1059 = tpu.memref_squeeze %dma_wait3A_1058 : memref<1x128x8xf32, #tpu.memory_space<vmem>> -> memref<128x8xf32, #tpu.memory_space<vmem>>
      %dma_wait3A_1060 = arith.constant 896 : i32
      %dma_wait3A_1061 = tpu.memref_slice %arg6[%dma_wait3A_1054, %dma_wait3A_1060] : memref<2x2048xi32, #tpu.memory_space<vmem>> -> memref<1x128xi32, #tpu.memory_space<vmem>>
      %dma_wait3A_1062 = tpu.memref_squeeze %dma_wait3A_1061 : memref<1x128xi32, #tpu.memory_space<vmem>> -> memref<128xi32, #tpu.memory_space<vmem>>
      %dma_wait3A_1063 = arith.constant 0 : i32
      %dma_wait3A_1064 = arith.constant 0 : i32
      %dma_wait3A_1065 = tpu.memref_slice %arg2[%dma_wait3A_1053, %dma_wait3A_1063, %dma_wait3A_1064] : memref<2x100000x8xf32, #tpu.memory_space<hbm>> -> memref<1x100000x8xf32, #tpu.memory_space<hbm>>
      %dma_wait3A_1066 = tpu.memref_squeeze %dma_wait3A_1065 : memref<1x100000x8xf32, #tpu.memory_space<hbm>> -> memref<100000x8xf32, #tpu.memory_space<hbm>>
      %dma_wait3A_1067 = arith.constant 0 : i32
      %dma_wait3A_1068 = arith.constant 0 : i32
      %dma_wait3A_1069 = tpu.memref_slice %dma_wait3A_1066[%dma_wait3A_1067, %dma_wait3A_1068] : memref<100000x8xf32, #tpu.memory_space<hbm>> -> memref<100000x8xf32, #tpu.memory_space<hbm>>
      tpu.wait_indirect_dma semaphore(%arg11 : memref<!tpu.dma_semaphore, #tpu.memory_space<semaphore_mem>>) src(%dma_wait3A_1069 : memref<100000x8xf32, #tpu.memory_space<hbm>>) dst(%dma_wait3A_1059 : memref<128x8xf32, #tpu.memory_space<vmem>>)
      %dma_wait3A_1070 = arith.constant 0 : i32
      %dma_wait3A_1071 = arith.constant 0 : i32
      %dma_wait3A_1072 = arith.constant 0 : i32
      %dma_wait3A_1073 = arith.constant 1024 : i32
      %dma_wait3A_1074 = arith.constant 0 : i32
      %dma_wait3A_1075 = tpu.memref_slice %arg7[%dma_wait3A_1072, %dma_wait3A_1073, %dma_wait3A_1074] : memref<2x2048x8xf32, #tpu.memory_space<vmem>> -> memref<1x128x8xf32, #tpu.memory_space<vmem>>
      %dma_wait3A_1076 = tpu.memref_squeeze %dma_wait3A_1075 : memref<1x128x8xf32, #tpu.memory_space<vmem>> -> memref<128x8xf32, #tpu.memory_space<vmem>>
      %dma_wait3A_1077 = arith.constant 1024 : i32
      %dma_wait3A_1078 = tpu.memref_slice %arg5[%dma_wait3A_1071, %dma_wait3A_1077] : memref<2x2048xi32, #tpu.memory_space<vmem>> -> memref<1x128xi32, #tpu.memory_space<vmem>>
      %dma_wait3A_1079 = tpu.memref_squeeze %dma_wait3A_1078 : memref<1x128xi32, #tpu.memory_space<vmem>> -> memref<128xi32, #tpu.memory_space<vmem>>
      %dma_wait3A_1080 = arith.constant 0 : i32
      %dma_wait3A_1081 = arith.constant 0 : i32
      %dma_wait3A_1082 = tpu.memref_slice %arg2[%dma_wait3A_1070, %dma_wait3A_1080, %dma_wait3A_1081] : memref<2x100000x8xf32, #tpu.memory_space<hbm>> -> memref<1x100000x8xf32, #tpu.memory_space<hbm>>
      %dma_wait3A_1083 = tpu.memref_squeeze %dma_wait3A_1082 : memref<1x100000x8xf32, #tpu.memory_space<hbm>> -> memref<100000x8xf32, #tpu.memory_space<hbm>>
      %dma_wait3A_1084 = arith.constant 0 : i32
      %dma_wait3A_1085 = arith.constant 0 : i32
      %dma_wait3A_1086 = tpu.memref_slice %dma_wait3A_1083[%dma_wait3A_1084, %dma_wait3A_1085] : memref<100000x8xf32, #tpu.memory_space<hbm>> -> memref<100000x8xf32, #tpu.memory_space<hbm>>
      tpu.wait_indirect_dma semaphore(%arg11 : memref<!tpu.dma_semaphore, #tpu.memory_space<semaphore_mem>>) src(%dma_wait3A_1086 : memref<100000x8xf32, #tpu.memory_space<hbm>>) dst(%dma_wait3A_1076 : memref<128x8xf32, #tpu.memory_space<vmem>>)
      %dma_wait3A_1087 = arith.constant 0 : i32
      %dma_wait3A_1088 = arith.constant 0 : i32
      %dma_wait3A_1089 = arith.constant 0 : i32
      %dma_wait3A_1090 = arith.constant 1024 : i32
      %dma_wait3A_1091 = arith.constant 0 : i32
      %dma_wait3A_1092 = tpu.memref_slice %arg8[%dma_wait3A_1089, %dma_wait3A_1090, %dma_wait3A_1091] : memref<2x2048x8xf32, #tpu.memory_space<vmem>> -> memref<1x128x8xf32, #tpu.memory_space<vmem>>
      %dma_wait3A_1093 = tpu.memref_squeeze %dma_wait3A_1092 : memref<1x128x8xf32, #tpu.memory_space<vmem>> -> memref<128x8xf32, #tpu.memory_space<vmem>>
      %dma_wait3A_1094 = arith.constant 1024 : i32
      %dma_wait3A_1095 = tpu.memref_slice %arg6[%dma_wait3A_1088, %dma_wait3A_1094] : memref<2x2048xi32, #tpu.memory_space<vmem>> -> memref<1x128xi32, #tpu.memory_space<vmem>>
      %dma_wait3A_1096 = tpu.memref_squeeze %dma_wait3A_1095 : memref<1x128xi32, #tpu.memory_space<vmem>> -> memref<128xi32, #tpu.memory_space<vmem>>
      %dma_wait3A_1097 = arith.constant 0 : i32
      %dma_wait3A_1098 = arith.constant 0 : i32
      %dma_wait3A_1099 = tpu.memref_slice %arg2[%dma_wait3A_1087, %dma_wait3A_1097, %dma_wait3A_1098] : memref<2x100000x8xf32, #tpu.memory_space<hbm>> -> memref<1x100000x8xf32, #tpu.memory_space<hbm>>
      %dma_wait3A_1100 = tpu.memref_squeeze %dma_wait3A_1099 : memref<1x100000x8xf32, #tpu.memory_space<hbm>> -> memref<100000x8xf32, #tpu.memory_space<hbm>>
      %dma_wait3A_1101 = arith.constant 0 : i32
      %dma_wait3A_1102 = arith.constant 0 : i32
      %dma_wait3A_1103 = tpu.memref_slice %dma_wait3A_1100[%dma_wait3A_1101, %dma_wait3A_1102] : memref<100000x8xf32, #tpu.memory_space<hbm>> -> memref<100000x8xf32, #tpu.memory_space<hbm>>
      tpu.wait_indirect_dma semaphore(%arg11 : memref<!tpu.dma_semaphore, #tpu.memory_space<semaphore_mem>>) src(%dma_wait3A_1103 : memref<100000x8xf32, #tpu.memory_space<hbm>>) dst(%dma_wait3A_1093 : memref<128x8xf32, #tpu.memory_space<vmem>>)
      %dma_wait3A_1104 = arith.constant 0 : i32
      %dma_wait3A_1105 = arith.constant 0 : i32
      %dma_wait3A_1106 = arith.constant 0 : i32
      %dma_wait3A_1107 = arith.constant 1152 : i32
      %dma_wait3A_1108 = arith.constant 0 : i32
      %dma_wait3A_1109 = tpu.memref_slice %arg7[%dma_wait3A_1106, %dma_wait3A_1107, %dma_wait3A_1108] : memref<2x2048x8xf32, #tpu.memory_space<vmem>> -> memref<1x128x8xf32, #tpu.memory_space<vmem>>
      %dma_wait3A_1110 = tpu.memref_squeeze %dma_wait3A_1109 : memref<1x128x8xf32, #tpu.memory_space<vmem>> -> memref<128x8xf32, #tpu.memory_space<vmem>>
      %dma_wait3A_1111 = arith.constant 1152 : i32
      %dma_wait3A_1112 = tpu.memref_slice %arg5[%dma_wait3A_1105, %dma_wait3A_1111] : memref<2x2048xi32, #tpu.memory_space<vmem>> -> memref<1x128xi32, #tpu.memory_space<vmem>>
      %dma_wait3A_1113 = tpu.memref_squeeze %dma_wait3A_1112 : memref<1x128xi32, #tpu.memory_space<vmem>> -> memref<128xi32, #tpu.memory_space<vmem>>
      %dma_wait3A_1114 = arith.constant 0 : i32
      %dma_wait3A_1115 = arith.constant 0 : i32
      %dma_wait3A_1116 = tpu.memref_slice %arg2[%dma_wait3A_1104, %dma_wait3A_1114, %dma_wait3A_1115] : memref<2x100000x8xf32, #tpu.memory_space<hbm>> -> memref<1x100000x8xf32, #tpu.memory_space<hbm>>
      %dma_wait3A_1117 = tpu.memref_squeeze %dma_wait3A_1116 : memref<1x100000x8xf32, #tpu.memory_space<hbm>> -> memref<100000x8xf32, #tpu.memory_space<hbm>>
      %dma_wait3A_1118 = arith.constant 0 : i32
      %dma_wait3A_1119 = arith.constant 0 : i32
      %dma_wait3A_1120 = tpu.memref_slice %dma_wait3A_1117[%dma_wait3A_1118, %dma_wait3A_1119] : memref<100000x8xf32, #tpu.memory_space<hbm>> -> memref<100000x8xf32, #tpu.memory_space<hbm>>
      tpu.wait_indirect_dma semaphore(%arg11 : memref<!tpu.dma_semaphore, #tpu.memory_space<semaphore_mem>>) src(%dma_wait3A_1120 : memref<100000x8xf32, #tpu.memory_space<hbm>>) dst(%dma_wait3A_1110 : memref<128x8xf32, #tpu.memory_space<vmem>>)
      %dma_wait3A_1121 = arith.constant 0 : i32
      %dma_wait3A_1122 = arith.constant 0 : i32
      %dma_wait3A_1123 = arith.constant 0 : i32
      %dma_wait3A_1124 = arith.constant 1152 : i32
      %dma_wait3A_1125 = arith.constant 0 : i32
      %dma_wait3A_1126 = tpu.memref_slice %arg8[%dma_wait3A_1123, %dma_wait3A_1124, %dma_wait3A_1125] : memref<2x2048x8xf32, #tpu.memory_space<vmem>> -> memref<1x128x8xf32, #tpu.memory_space<vmem>>
      %dma_wait3A_1127 = tpu.memref_squeeze %dma_wait3A_1126 : memref<1x128x8xf32, #tpu.memory_space<vmem>> -> memref<128x8xf32, #tpu.memory_space<vmem>>
      %dma_wait3A_1128 = arith.constant 1152 : i32
      %dma_wait3A_1129 = tpu.memref_slice %arg6[%dma_wait3A_1122, %dma_wait3A_1128] : memref<2x2048xi32, #tpu.memory_space<vmem>> -> memref<1x128xi32, #tpu.memory_space<vmem>>
      %dma_wait3A_1130 = tpu.memref_squeeze %dma_wait3A_1129 : memref<1x128xi32, #tpu.memory_space<vmem>> -> memref<128xi32, #tpu.memory_space<vmem>>
      %dma_wait3A_1131 = arith.constant 0 : i32
      %dma_wait3A_1132 = arith.constant 0 : i32
      %dma_wait3A_1133 = tpu.memref_slice %arg2[%dma_wait3A_1121, %dma_wait3A_1131, %dma_wait3A_1132] : memref<2x100000x8xf32, #tpu.memory_space<hbm>> -> memref<1x100000x8xf32, #tpu.memory_space<hbm>>
      %dma_wait3A_1134 = tpu.memref_squeeze %dma_wait3A_1133 : memref<1x100000x8xf32, #tpu.memory_space<hbm>> -> memref<100000x8xf32, #tpu.memory_space<hbm>>
      %dma_wait3A_1135 = arith.constant 0 : i32
      %dma_wait3A_1136 = arith.constant 0 : i32
      %dma_wait3A_1137 = tpu.memref_slice %dma_wait3A_1134[%dma_wait3A_1135, %dma_wait3A_1136] : memref<100000x8xf32, #tpu.memory_space<hbm>> -> memref<100000x8xf32, #tpu.memory_space<hbm>>
      tpu.wait_indirect_dma semaphore(%arg11 : memref<!tpu.dma_semaphore, #tpu.memory_space<semaphore_mem>>) src(%dma_wait3A_1137 : memref<100000x8xf32, #tpu.memory_space<hbm>>) dst(%dma_wait3A_1127 : memref<128x8xf32, #tpu.memory_space<vmem>>)
      %dma_wait3A_1138 = arith.constant 0 : i32
      %dma_wait3A_1139 = arith.constant 0 : i32
      %dma_wait3A_1140 = arith.constant 0 : i32
      %dma_wait3A_1141 = arith.constant 1280 : i32
      %dma_wait3A_1142 = arith.constant 0 : i32
      %dma_wait3A_1143 = tpu.memref_slice %arg7[%dma_wait3A_1140, %dma_wait3A_1141, %dma_wait3A_1142] : memref<2x2048x8xf32, #tpu.memory_space<vmem>> -> memref<1x128x8xf32, #tpu.memory_space<vmem>>
      %dma_wait3A_1144 = tpu.memref_squeeze %dma_wait3A_1143 : memref<1x128x8xf32, #tpu.memory_space<vmem>> -> memref<128x8xf32, #tpu.memory_space<vmem>>
      %dma_wait3A_1145 = arith.constant 1280 : i32
      %dma_wait3A_1146 = tpu.memref_slice %arg5[%dma_wait3A_1139, %dma_wait3A_1145] : memref<2x2048xi32, #tpu.memory_space<vmem>> -> memref<1x128xi32, #tpu.memory_space<vmem>>
      %dma_wait3A_1147 = tpu.memref_squeeze %dma_wait3A_1146 : memref<1x128xi32, #tpu.memory_space<vmem>> -> memref<128xi32, #tpu.memory_space<vmem>>
      %dma_wait3A_1148 = arith.constant 0 : i32
      %dma_wait3A_1149 = arith.constant 0 : i32
      %dma_wait3A_1150 = tpu.memref_slice %arg2[%dma_wait3A_1138, %dma_wait3A_1148, %dma_wait3A_1149] : memref<2x100000x8xf32, #tpu.memory_space<hbm>> -> memref<1x100000x8xf32, #tpu.memory_space<hbm>>
      %dma_wait3A_1151 = tpu.memref_squeeze %dma_wait3A_1150 : memref<1x100000x8xf32, #tpu.memory_space<hbm>> -> memref<100000x8xf32, #tpu.memory_space<hbm>>
      %dma_wait3A_1152 = arith.constant 0 : i32
      %dma_wait3A_1153 = arith.constant 0 : i32
      %dma_wait3A_1154 = tpu.memref_slice %dma_wait3A_1151[%dma_wait3A_1152, %dma_wait3A_1153] : memref<100000x8xf32, #tpu.memory_space<hbm>> -> memref<100000x8xf32, #tpu.memory_space<hbm>>
      tpu.wait_indirect_dma semaphore(%arg11 : memref<!tpu.dma_semaphore, #tpu.memory_space<semaphore_mem>>) src(%dma_wait3A_1154 : memref<100000x8xf32, #tpu.memory_space<hbm>>) dst(%dma_wait3A_1144 : memref<128x8xf32, #tpu.memory_space<vmem>>)
      %dma_wait3A_1155 = arith.constant 0 : i32
      %dma_wait3A_1156 = arith.constant 0 : i32
      %dma_wait3A_1157 = arith.constant 0 : i32
      %dma_wait3A_1158 = arith.constant 1280 : i32
      %dma_wait3A_1159 = arith.constant 0 : i32
      %dma_wait3A_1160 = tpu.memref_slice %arg8[%dma_wait3A_1157, %dma_wait3A_1158, %dma_wait3A_1159] : memref<2x2048x8xf32, #tpu.memory_space<vmem>> -> memref<1x128x8xf32, #tpu.memory_space<vmem>>
      %dma_wait3A_1161 = tpu.memref_squeeze %dma_wait3A_1160 : memref<1x128x8xf32, #tpu.memory_space<vmem>> -> memref<128x8xf32, #tpu.memory_space<vmem>>
      %dma_wait3A_1162 = arith.constant 1280 : i32
      %dma_wait3A_1163 = tpu.memref_slice %arg6[%dma_wait3A_1156, %dma_wait3A_1162] : memref<2x2048xi32, #tpu.memory_space<vmem>> -> memref<1x128xi32, #tpu.memory_space<vmem>>
      %dma_wait3A_1164 = tpu.memref_squeeze %dma_wait3A_1163 : memref<1x128xi32, #tpu.memory_space<vmem>> -> memref<128xi32, #tpu.memory_space<vmem>>
      %dma_wait3A_1165 = arith.constant 0 : i32
      %dma_wait3A_1166 = arith.constant 0 : i32
      %dma_wait3A_1167 = tpu.memref_slice %arg2[%dma_wait3A_1155, %dma_wait3A_1165, %dma_wait3A_1166] : memref<2x100000x8xf32, #tpu.memory_space<hbm>> -> memref<1x100000x8xf32, #tpu.memory_space<hbm>>
      %dma_wait3A_1168 = tpu.memref_squeeze %dma_wait3A_1167 : memref<1x100000x8xf32, #tpu.memory_space<hbm>> -> memref<100000x8xf32, #tpu.memory_space<hbm>>
      %dma_wait3A_1169 = arith.constant 0 : i32
      %dma_wait3A_1170 = arith.constant 0 : i32
      %dma_wait3A_1171 = tpu.memref_slice %dma_wait3A_1168[%dma_wait3A_1169, %dma_wait3A_1170] : memref<100000x8xf32, #tpu.memory_space<hbm>> -> memref<100000x8xf32, #tpu.memory_space<hbm>>
      tpu.wait_indirect_dma semaphore(%arg11 : memref<!tpu.dma_semaphore, #tpu.memory_space<semaphore_mem>>) src(%dma_wait3A_1171 : memref<100000x8xf32, #tpu.memory_space<hbm>>) dst(%dma_wait3A_1161 : memref<128x8xf32, #tpu.memory_space<vmem>>)
      %dma_wait3A_1172 = arith.constant 0 : i32
      %dma_wait3A_1173 = arith.constant 0 : i32
      %dma_wait3A_1174 = arith.constant 0 : i32
      %dma_wait3A_1175 = arith.constant 1408 : i32
      %dma_wait3A_1176 = arith.constant 0 : i32
      %dma_wait3A_1177 = tpu.memref_slice %arg7[%dma_wait3A_1174, %dma_wait3A_1175, %dma_wait3A_1176] : memref<2x2048x8xf32, #tpu.memory_space<vmem>> -> memref<1x128x8xf32, #tpu.memory_space<vmem>>
      %dma_wait3A_1178 = tpu.memref_squeeze %dma_wait3A_1177 : memref<1x128x8xf32, #tpu.memory_space<vmem>> -> memref<128x8xf32, #tpu.memory_space<vmem>>
      %dma_wait3A_1179 = arith.constant 1408 : i32
      %dma_wait3A_1180 = tpu.memref_slice %arg5[%dma_wait3A_1173, %dma_wait3A_1179] : memref<2x2048xi32, #tpu.memory_space<vmem>> -> memref<1x128xi32, #tpu.memory_space<vmem>>
      %dma_wait3A_1181 = tpu.memref_squeeze %dma_wait3A_1180 : memref<1x128xi32, #tpu.memory_space<vmem>> -> memref<128xi32, #tpu.memory_space<vmem>>
      %dma_wait3A_1182 = arith.constant 0 : i32
      %dma_wait3A_1183 = arith.constant 0 : i32
      %dma_wait3A_1184 = tpu.memref_slice %arg2[%dma_wait3A_1172, %dma_wait3A_1182, %dma_wait3A_1183] : memref<2x100000x8xf32, #tpu.memory_space<hbm>> -> memref<1x100000x8xf32, #tpu.memory_space<hbm>>
      %dma_wait3A_1185 = tpu.memref_squeeze %dma_wait3A_1184 : memref<1x100000x8xf32, #tpu.memory_space<hbm>> -> memref<100000x8xf32, #tpu.memory_space<hbm>>
      %dma_wait3A_1186 = arith.constant 0 : i32
      %dma_wait3A_1187 = arith.constant 0 : i32
      %dma_wait3A_1188 = tpu.memref_slice %dma_wait3A_1185[%dma_wait3A_1186, %dma_wait3A_1187] : memref<100000x8xf32, #tpu.memory_space<hbm>> -> memref<100000x8xf32, #tpu.memory_space<hbm>>
      tpu.wait_indirect_dma semaphore(%arg11 : memref<!tpu.dma_semaphore, #tpu.memory_space<semaphore_mem>>) src(%dma_wait3A_1188 : memref<100000x8xf32, #tpu.memory_space<hbm>>) dst(%dma_wait3A_1178 : memref<128x8xf32, #tpu.memory_space<vmem>>)
      %dma_wait3A_1189 = arith.constant 0 : i32
      %dma_wait3A_1190 = arith.constant 0 : i32
      %dma_wait3A_1191 = arith.constant 0 : i32
      %dma_wait3A_1192 = arith.constant 1408 : i32
      %dma_wait3A_1193 = arith.constant 0 : i32
      %dma_wait3A_1194 = tpu.memref_slice %arg8[%dma_wait3A_1191, %dma_wait3A_1192, %dma_wait3A_1193] : memref<2x2048x8xf32, #tpu.memory_space<vmem>> -> memref<1x128x8xf32, #tpu.memory_space<vmem>>
      %dma_wait3A_1195 = tpu.memref_squeeze %dma_wait3A_1194 : memref<1x128x8xf32, #tpu.memory_space<vmem>> -> memref<128x8xf32, #tpu.memory_space<vmem>>
      %dma_wait3A_1196 = arith.constant 1408 : i32
      %dma_wait3A_1197 = tpu.memref_slice %arg6[%dma_wait3A_1190, %dma_wait3A_1196] : memref<2x2048xi32, #tpu.memory_space<vmem>> -> memref<1x128xi32, #tpu.memory_space<vmem>>
      %dma_wait3A_1198 = tpu.memref_squeeze %dma_wait3A_1197 : memref<1x128xi32, #tpu.memory_space<vmem>> -> memref<128xi32, #tpu.memory_space<vmem>>
      %dma_wait3A_1199 = arith.constant 0 : i32
      %dma_wait3A_1200 = arith.constant 0 : i32
      %dma_wait3A_1201 = tpu.memref_slice %arg2[%dma_wait3A_1189, %dma_wait3A_1199, %dma_wait3A_1200] : memref<2x100000x8xf32, #tpu.memory_space<hbm>> -> memref<1x100000x8xf32, #tpu.memory_space<hbm>>
      %dma_wait3A_1202 = tpu.memref_squeeze %dma_wait3A_1201 : memref<1x100000x8xf32, #tpu.memory_space<hbm>> -> memref<100000x8xf32, #tpu.memory_space<hbm>>
      %dma_wait3A_1203 = arith.constant 0 : i32
      %dma_wait3A_1204 = arith.constant 0 : i32
      %dma_wait3A_1205 = tpu.memref_slice %dma_wait3A_1202[%dma_wait3A_1203, %dma_wait3A_1204] : memref<100000x8xf32, #tpu.memory_space<hbm>> -> memref<100000x8xf32, #tpu.memory_space<hbm>>
      tpu.wait_indirect_dma semaphore(%arg11 : memref<!tpu.dma_semaphore, #tpu.memory_space<semaphore_mem>>) src(%dma_wait3A_1205 : memref<100000x8xf32, #tpu.memory_space<hbm>>) dst(%dma_wait3A_1195 : memref<128x8xf32, #tpu.memory_space<vmem>>)
      %dma_wait3A_1206 = arith.constant 0 : i32
      %dma_wait3A_1207 = arith.constant 0 : i32
      %dma_wait3A_1208 = arith.constant 0 : i32
      %dma_wait3A_1209 = arith.constant 1536 : i32
      %dma_wait3A_1210 = arith.constant 0 : i32
      %dma_wait3A_1211 = tpu.memref_slice %arg7[%dma_wait3A_1208, %dma_wait3A_1209, %dma_wait3A_1210] : memref<2x2048x8xf32, #tpu.memory_space<vmem>> -> memref<1x128x8xf32, #tpu.memory_space<vmem>>
      %dma_wait3A_1212 = tpu.memref_squeeze %dma_wait3A_1211 : memref<1x128x8xf32, #tpu.memory_space<vmem>> -> memref<128x8xf32, #tpu.memory_space<vmem>>
      %dma_wait3A_1213 = arith.constant 1536 : i32
      %dma_wait3A_1214 = tpu.memref_slice %arg5[%dma_wait3A_1207, %dma_wait3A_1213] : memref<2x2048xi32, #tpu.memory_space<vmem>> -> memref<1x128xi32, #tpu.memory_space<vmem>>
      %dma_wait3A_1215 = tpu.memref_squeeze %dma_wait3A_1214 : memref<1x128xi32, #tpu.memory_space<vmem>> -> memref<128xi32, #tpu.memory_space<vmem>>
      %dma_wait3A_1216 = arith.constant 0 : i32
      %dma_wait3A_1217 = arith.constant 0 : i32
      %dma_wait3A_1218 = tpu.memref_slice %arg2[%dma_wait3A_1206, %dma_wait3A_1216, %dma_wait3A_1217] : memref<2x100000x8xf32, #tpu.memory_space<hbm>> -> memref<1x100000x8xf32, #tpu.memory_space<hbm>>
      %dma_wait3A_1219 = tpu.memref_squeeze %dma_wait3A_1218 : memref<1x100000x8xf32, #tpu.memory_space<hbm>> -> memref<100000x8xf32, #tpu.memory_space<hbm>>
      %dma_wait3A_1220 = arith.constant 0 : i32
      %dma_wait3A_1221 = arith.constant 0 : i32
      %dma_wait3A_1222 = tpu.memref_slice %dma_wait3A_1219[%dma_wait3A_1220, %dma_wait3A_1221] : memref<100000x8xf32, #tpu.memory_space<hbm>> -> memref<100000x8xf32, #tpu.memory_space<hbm>>
      tpu.wait_indirect_dma semaphore(%arg11 : memref<!tpu.dma_semaphore, #tpu.memory_space<semaphore_mem>>) src(%dma_wait3A_1222 : memref<100000x8xf32, #tpu.memory_space<hbm>>) dst(%dma_wait3A_1212 : memref<128x8xf32, #tpu.memory_space<vmem>>)
      %dma_wait3A_1223 = arith.constant 0 : i32
      %dma_wait3A_1224 = arith.constant 0 : i32
      %dma_wait3A_1225 = arith.constant 0 : i32
      %dma_wait3A_1226 = arith.constant 1536 : i32
      %dma_wait3A_1227 = arith.constant 0 : i32
      %dma_wait3A_1228 = tpu.memref_slice %arg8[%dma_wait3A_1225, %dma_wait3A_1226, %dma_wait3A_1227] : memref<2x2048x8xf32, #tpu.memory_space<vmem>> -> memref<1x128x8xf32, #tpu.memory_space<vmem>>
      %dma_wait3A_1229 = tpu.memref_squeeze %dma_wait3A_1228 : memref<1x128x8xf32, #tpu.memory_space<vmem>> -> memref<128x8xf32, #tpu.memory_space<vmem>>
      %dma_wait3A_1230 = arith.constant 1536 : i32
      %dma_wait3A_1231 = tpu.memref_slice %arg6[%dma_wait3A_1224, %dma_wait3A_1230] : memref<2x2048xi32, #tpu.memory_space<vmem>> -> memref<1x128xi32, #tpu.memory_space<vmem>>
      %dma_wait3A_1232 = tpu.memref_squeeze %dma_wait3A_1231 : memref<1x128xi32, #tpu.memory_space<vmem>> -> memref<128xi32, #tpu.memory_space<vmem>>
      %dma_wait3A_1233 = arith.constant 0 : i32
      %dma_wait3A_1234 = arith.constant 0 : i32
      %dma_wait3A_1235 = tpu.memref_slice %arg2[%dma_wait3A_1223, %dma_wait3A_1233, %dma_wait3A_1234] : memref<2x100000x8xf32, #tpu.memory_space<hbm>> -> memref<1x100000x8xf32, #tpu.memory_space<hbm>>
      %dma_wait3A_1236 = tpu.memref_squeeze %dma_wait3A_1235 : memref<1x100000x8xf32, #tpu.memory_space<hbm>> -> memref<100000x8xf32, #tpu.memory_space<hbm>>
      %dma_wait3A_1237 = arith.constant 0 : i32
      %dma_wait3A_1238 = arith.constant 0 : i32
      %dma_wait3A_1239 = tpu.memref_slice %dma_wait3A_1236[%dma_wait3A_1237, %dma_wait3A_1238] : memref<100000x8xf32, #tpu.memory_space<hbm>> -> memref<100000x8xf32, #tpu.memory_space<hbm>>
      tpu.wait_indirect_dma semaphore(%arg11 : memref<!tpu.dma_semaphore, #tpu.memory_space<semaphore_mem>>) src(%dma_wait3A_1239 : memref<100000x8xf32, #tpu.memory_space<hbm>>) dst(%dma_wait3A_1229 : memref<128x8xf32, #tpu.memory_space<vmem>>)
      %dma_wait3A_1240 = arith.constant 0 : i32
      %dma_wait3A_1241 = arith.constant 0 : i32
      %dma_wait3A_1242 = arith.constant 0 : i32
      %dma_wait3A_1243 = arith.constant 1664 : i32
      %dma_wait3A_1244 = arith.constant 0 : i32
      %dma_wait3A_1245 = tpu.memref_slice %arg7[%dma_wait3A_1242, %dma_wait3A_1243, %dma_wait3A_1244] : memref<2x2048x8xf32, #tpu.memory_space<vmem>> -> memref<1x128x8xf32, #tpu.memory_space<vmem>>
      %dma_wait3A_1246 = tpu.memref_squeeze %dma_wait3A_1245 : memref<1x128x8xf32, #tpu.memory_space<vmem>> -> memref<128x8xf32, #tpu.memory_space<vmem>>
      %dma_wait3A_1247 = arith.constant 1664 : i32
      %dma_wait3A_1248 = tpu.memref_slice %arg5[%dma_wait3A_1241, %dma_wait3A_1247] : memref<2x2048xi32, #tpu.memory_space<vmem>> -> memref<1x128xi32, #tpu.memory_space<vmem>>
      %dma_wait3A_1249 = tpu.memref_squeeze %dma_wait3A_1248 : memref<1x128xi32, #tpu.memory_space<vmem>> -> memref<128xi32, #tpu.memory_space<vmem>>
      %dma_wait3A_1250 = arith.constant 0 : i32
      %dma_wait3A_1251 = arith.constant 0 : i32
      %dma_wait3A_1252 = tpu.memref_slice %arg2[%dma_wait3A_1240, %dma_wait3A_1250, %dma_wait3A_1251] : memref<2x100000x8xf32, #tpu.memory_space<hbm>> -> memref<1x100000x8xf32, #tpu.memory_space<hbm>>
      %dma_wait3A_1253 = tpu.memref_squeeze %dma_wait3A_1252 : memref<1x100000x8xf32, #tpu.memory_space<hbm>> -> memref<100000x8xf32, #tpu.memory_space<hbm>>
      %dma_wait3A_1254 = arith.constant 0 : i32
      %dma_wait3A_1255 = arith.constant 0 : i32
      %dma_wait3A_1256 = tpu.memref_slice %dma_wait3A_1253[%dma_wait3A_1254, %dma_wait3A_1255] : memref<100000x8xf32, #tpu.memory_space<hbm>> -> memref<100000x8xf32, #tpu.memory_space<hbm>>
      tpu.wait_indirect_dma semaphore(%arg11 : memref<!tpu.dma_semaphore, #tpu.memory_space<semaphore_mem>>) src(%dma_wait3A_1256 : memref<100000x8xf32, #tpu.memory_space<hbm>>) dst(%dma_wait3A_1246 : memref<128x8xf32, #tpu.memory_space<vmem>>)
      %dma_wait3A_1257 = arith.constant 0 : i32
      %dma_wait3A_1258 = arith.constant 0 : i32
      %dma_wait3A_1259 = arith.constant 0 : i32
      %dma_wait3A_1260 = arith.constant 1664 : i32
      %dma_wait3A_1261 = arith.constant 0 : i32
      %dma_wait3A_1262 = tpu.memref_slice %arg8[%dma_wait3A_1259, %dma_wait3A_1260, %dma_wait3A_1261] : memref<2x2048x8xf32, #tpu.memory_space<vmem>> -> memref<1x128x8xf32, #tpu.memory_space<vmem>>
      %dma_wait3A_1263 = tpu.memref_squeeze %dma_wait3A_1262 : memref<1x128x8xf32, #tpu.memory_space<vmem>> -> memref<128x8xf32, #tpu.memory_space<vmem>>
      %dma_wait3A_1264 = arith.constant 1664 : i32
      %dma_wait3A_1265 = tpu.memref_slice %arg6[%dma_wait3A_1258, %dma_wait3A_1264] : memref<2x2048xi32, #tpu.memory_space<vmem>> -> memref<1x128xi32, #tpu.memory_space<vmem>>
      %dma_wait3A_1266 = tpu.memref_squeeze %dma_wait3A_1265 : memref<1x128xi32, #tpu.memory_space<vmem>> -> memref<128xi32, #tpu.memory_space<vmem>>
      %dma_wait3A_1267 = arith.constant 0 : i32
      %dma_wait3A_1268 = arith.constant 0 : i32
      %dma_wait3A_1269 = tpu.memref_slice %arg2[%dma_wait3A_1257, %dma_wait3A_1267, %dma_wait3A_1268] : memref<2x100000x8xf32, #tpu.memory_space<hbm>> -> memref<1x100000x8xf32, #tpu.memory_space<hbm>>
      %dma_wait3A_1270 = tpu.memref_squeeze %dma_wait3A_1269 : memref<1x100000x8xf32, #tpu.memory_space<hbm>> -> memref<100000x8xf32, #tpu.memory_space<hbm>>
      %dma_wait3A_1271 = arith.constant 0 : i32
      %dma_wait3A_1272 = arith.constant 0 : i32
      %dma_wait3A_1273 = tpu.memref_slice %dma_wait3A_1270[%dma_wait3A_1271, %dma_wait3A_1272] : memref<100000x8xf32, #tpu.memory_space<hbm>> -> memref<100000x8xf32, #tpu.memory_space<hbm>>
      tpu.wait_indirect_dma semaphore(%arg11 : memref<!tpu.dma_semaphore, #tpu.memory_space<semaphore_mem>>) src(%dma_wait3A_1273 : memref<100000x8xf32, #tpu.memory_space<hbm>>) dst(%dma_wait3A_1263 : memref<128x8xf32, #tpu.memory_space<vmem>>)
      %dma_wait3A_1274 = arith.constant 0 : i32
      %dma_wait3A_1275 = arith.constant 0 : i32
      %dma_wait3A_1276 = arith.constant 0 : i32
      %dma_wait3A_1277 = arith.constant 1792 : i32
      %dma_wait3A_1278 = arith.constant 0 : i32
      %dma_wait3A_1279 = tpu.memref_slice %arg7[%dma_wait3A_1276, %dma_wait3A_1277, %dma_wait3A_1278] : memref<2x2048x8xf32, #tpu.memory_space<vmem>> -> memref<1x128x8xf32, #tpu.memory_space<vmem>>
      %dma_wait3A_1280 = tpu.memref_squeeze %dma_wait3A_1279 : memref<1x128x8xf32, #tpu.memory_space<vmem>> -> memref<128x8xf32, #tpu.memory_space<vmem>>
      %dma_wait3A_1281 = arith.constant 1792 : i32
      %dma_wait3A_1282 = tpu.memref_slice %arg5[%dma_wait3A_1275, %dma_wait3A_1281] : memref<2x2048xi32, #tpu.memory_space<vmem>> -> memref<1x128xi32, #tpu.memory_space<vmem>>
      %dma_wait3A_1283 = tpu.memref_squeeze %dma_wait3A_1282 : memref<1x128xi32, #tpu.memory_space<vmem>> -> memref<128xi32, #tpu.memory_space<vmem>>
      %dma_wait3A_1284 = arith.constant 0 : i32
      %dma_wait3A_1285 = arith.constant 0 : i32
      %dma_wait3A_1286 = tpu.memref_slice %arg2[%dma_wait3A_1274, %dma_wait3A_1284, %dma_wait3A_1285] : memref<2x100000x8xf32, #tpu.memory_space<hbm>> -> memref<1x100000x8xf32, #tpu.memory_space<hbm>>
      %dma_wait3A_1287 = tpu.memref_squeeze %dma_wait3A_1286 : memref<1x100000x8xf32, #tpu.memory_space<hbm>> -> memref<100000x8xf32, #tpu.memory_space<hbm>>
      %dma_wait3A_1288 = arith.constant 0 : i32
      %dma_wait3A_1289 = arith.constant 0 : i32
      %dma_wait3A_1290 = tpu.memref_slice %dma_wait3A_1287[%dma_wait3A_1288, %dma_wait3A_1289] : memref<100000x8xf32, #tpu.memory_space<hbm>> -> memref<100000x8xf32, #tpu.memory_space<hbm>>
      tpu.wait_indirect_dma semaphore(%arg11 : memref<!tpu.dma_semaphore, #tpu.memory_space<semaphore_mem>>) src(%dma_wait3A_1290 : memref<100000x8xf32, #tpu.memory_space<hbm>>) dst(%dma_wait3A_1280 : memref<128x8xf32, #tpu.memory_space<vmem>>)
      %dma_wait3A_1291 = arith.constant 0 : i32
      %dma_wait3A_1292 = arith.constant 0 : i32
      %dma_wait3A_1293 = arith.constant 0 : i32
      %dma_wait3A_1294 = arith.constant 1792 : i32
      %dma_wait3A_1295 = arith.constant 0 : i32
      %dma_wait3A_1296 = tpu.memref_slice %arg8[%dma_wait3A_1293, %dma_wait3A_1294, %dma_wait3A_1295] : memref<2x2048x8xf32, #tpu.memory_space<vmem>> -> memref<1x128x8xf32, #tpu.memory_space<vmem>>
      %dma_wait3A_1297 = tpu.memref_squeeze %dma_wait3A_1296 : memref<1x128x8xf32, #tpu.memory_space<vmem>> -> memref<128x8xf32, #tpu.memory_space<vmem>>
      %dma_wait3A_1298 = arith.constant 1792 : i32
      %dma_wait3A_1299 = tpu.memref_slice %arg6[%dma_wait3A_1292, %dma_wait3A_1298] : memref<2x2048xi32, #tpu.memory_space<vmem>> -> memref<1x128xi32, #tpu.memory_space<vmem>>
      %dma_wait3A_1300 = tpu.memref_squeeze %dma_wait3A_1299 : memref<1x128xi32, #tpu.memory_space<vmem>> -> memref<128xi32, #tpu.memory_space<vmem>>
      %dma_wait3A_1301 = arith.constant 0 : i32
      %dma_wait3A_1302 = arith.constant 0 : i32
      %dma_wait3A_1303 = tpu.memref_slice %arg2[%dma_wait3A_1291, %dma_wait3A_1301, %dma_wait3A_1302] : memref<2x100000x8xf32, #tpu.memory_space<hbm>> -> memref<1x100000x8xf32, #tpu.memory_space<hbm>>
      %dma_wait3A_1304 = tpu.memref_squeeze %dma_wait3A_1303 : memref<1x100000x8xf32, #tpu.memory_space<hbm>> -> memref<100000x8xf32, #tpu.memory_space<hbm>>
      %dma_wait3A_1305 = arith.constant 0 : i32
      %dma_wait3A_1306 = arith.constant 0 : i32
      %dma_wait3A_1307 = tpu.memref_slice %dma_wait3A_1304[%dma_wait3A_1305, %dma_wait3A_1306] : memref<100000x8xf32, #tpu.memory_space<hbm>> -> memref<100000x8xf32, #tpu.memory_space<hbm>>
      tpu.wait_indirect_dma semaphore(%arg11 : memref<!tpu.dma_semaphore, #tpu.memory_space<semaphore_mem>>) src(%dma_wait3A_1307 : memref<100000x8xf32, #tpu.memory_space<hbm>>) dst(%dma_wait3A_1297 : memref<128x8xf32, #tpu.memory_space<vmem>>)
      %dma_wait3A_1308 = arith.constant 0 : i32
      %dma_wait3A_1309 = arith.constant 0 : i32
      %dma_wait3A_1310 = arith.constant 0 : i32
      %dma_wait3A_1311 = arith.constant 1920 : i32
      %dma_wait3A_1312 = arith.constant 0 : i32
      %dma_wait3A_1313 = tpu.memref_slice %arg7[%dma_wait3A_1310, %dma_wait3A_1311, %dma_wait3A_1312] : memref<2x2048x8xf32, #tpu.memory_space<vmem>> -> memref<1x128x8xf32, #tpu.memory_space<vmem>>
      %dma_wait3A_1314 = tpu.memref_squeeze %dma_wait3A_1313 : memref<1x128x8xf32, #tpu.memory_space<vmem>> -> memref<128x8xf32, #tpu.memory_space<vmem>>
      %dma_wait3A_1315 = arith.constant 1920 : i32
      %dma_wait3A_1316 = tpu.memref_slice %arg5[%dma_wait3A_1309, %dma_wait3A_1315] : memref<2x2048xi32, #tpu.memory_space<vmem>> -> memref<1x128xi32, #tpu.memory_space<vmem>>
      %dma_wait3A_1317 = tpu.memref_squeeze %dma_wait3A_1316 : memref<1x128xi32, #tpu.memory_space<vmem>> -> memref<128xi32, #tpu.memory_space<vmem>>
      %dma_wait3A_1318 = arith.constant 0 : i32
      %dma_wait3A_1319 = arith.constant 0 : i32
      %dma_wait3A_1320 = tpu.memref_slice %arg2[%dma_wait3A_1308, %dma_wait3A_1318, %dma_wait3A_1319] : memref<2x100000x8xf32, #tpu.memory_space<hbm>> -> memref<1x100000x8xf32, #tpu.memory_space<hbm>>
      %dma_wait3A_1321 = tpu.memref_squeeze %dma_wait3A_1320 : memref<1x100000x8xf32, #tpu.memory_space<hbm>> -> memref<100000x8xf32, #tpu.memory_space<hbm>>
      %dma_wait3A_1322 = arith.constant 0 : i32
      %dma_wait3A_1323 = arith.constant 0 : i32
      %dma_wait3A_1324 = tpu.memref_slice %dma_wait3A_1321[%dma_wait3A_1322, %dma_wait3A_1323] : memref<100000x8xf32, #tpu.memory_space<hbm>> -> memref<100000x8xf32, #tpu.memory_space<hbm>>
      tpu.wait_indirect_dma semaphore(%arg11 : memref<!tpu.dma_semaphore, #tpu.memory_space<semaphore_mem>>) src(%dma_wait3A_1324 : memref<100000x8xf32, #tpu.memory_space<hbm>>) dst(%dma_wait3A_1314 : memref<128x8xf32, #tpu.memory_space<vmem>>)
      %dma_wait3A_1325 = arith.constant 0 : i32
      %dma_wait3A_1326 = arith.constant 0 : i32
      %dma_wait3A_1327 = arith.constant 0 : i32
      %dma_wait3A_1328 = arith.constant 1920 : i32
      %dma_wait3A_1329 = arith.constant 0 : i32
      %dma_wait3A_1330 = tpu.memref_slice %arg8[%dma_wait3A_1327, %dma_wait3A_1328, %dma_wait3A_1329] : memref<2x2048x8xf32, #tpu.memory_space<vmem>> -> memref<1x128x8xf32, #tpu.memory_space<vmem>>
      %dma_wait3A_1331 = tpu.memref_squeeze %dma_wait3A_1330 : memref<1x128x8xf32, #tpu.memory_space<vmem>> -> memref<128x8xf32, #tpu.memory_space<vmem>>
      %dma_wait3A_1332 = arith.constant 1920 : i32
      %dma_wait3A_1333 = tpu.memref_slice %arg6[%dma_wait3A_1326, %dma_wait3A_1332] : memref<2x2048xi32, #tpu.memory_space<vmem>> -> memref<1x128xi32, #tpu.memory_space<vmem>>
      %dma_wait3A_1334 = tpu.memref_squeeze %dma_wait3A_1333 : memref<1x128xi32, #tpu.memory_space<vmem>> -> memref<128xi32, #tpu.memory_space<vmem>>
      %dma_wait3A_1335 = arith.constant 0 : i32
      %dma_wait3A_1336 = arith.constant 0 : i32
      %dma_wait3A_1337 = tpu.memref_slice %arg2[%dma_wait3A_1325, %dma_wait3A_1335, %dma_wait3A_1336] : memref<2x100000x8xf32, #tpu.memory_space<hbm>> -> memref<1x100000x8xf32, #tpu.memory_space<hbm>>
      %dma_wait3A_1338 = tpu.memref_squeeze %dma_wait3A_1337 : memref<1x100000x8xf32, #tpu.memory_space<hbm>> -> memref<100000x8xf32, #tpu.memory_space<hbm>>
      %dma_wait3A_1339 = arith.constant 0 : i32
      %dma_wait3A_1340 = arith.constant 0 : i32
      %dma_wait3A_1341 = tpu.memref_slice %dma_wait3A_1338[%dma_wait3A_1339, %dma_wait3A_1340] : memref<100000x8xf32, #tpu.memory_space<hbm>> -> memref<100000x8xf32, #tpu.memory_space<hbm>>
      tpu.wait_indirect_dma semaphore(%arg11 : memref<!tpu.dma_semaphore, #tpu.memory_space<semaphore_mem>>) src(%dma_wait3A_1341 : memref<100000x8xf32, #tpu.memory_space<hbm>>) dst(%dma_wait3A_1331 : memref<128x8xf32, #tpu.memory_space<vmem>>)
      %scan3A_1342 = arith.constant 0 : i32
      %scan3A_1343 = arith.constant 0 : i32
      %scan3A_1344 = arith.constant 0 : i32
      %scan3A_1345 = arith.constant 0 : i32
      %scan3A_1346 = arith.constant 128 : i32
      %scan3A_1347 = arith.addi %scan3A_1345, %scan3A_1346 : i32
      %scan3A_1348 = arith.constant 4 : i32
      scf.for %scan3A_1915 = %scan3A_1345 to %scan3A_1347 step %scan3A_1348  : i32 {
        %mul3A_1916 = arith.constant 16 : i32
        %mul3A_1917 = arith.muli %scan3A_1915, %mul3A_1916 : i32
        %add3A_1918 = vector.broadcast %mul3A_1917 : i32 to vector<16xi32>
        %add3A_1919 = arith.addi %iota3A, %add3A_1918 : vector<16xi32>
        %broadcast_in_dim3A = arith.constant 0 : i32
        %broadcast_in_dim3A_1920 = vector.broadcast %broadcast_in_dim3A : i32 to vector<16xi32>
        %broadcast_in_dim3A_1921 = arith.constant 1 : i32
        %broadcast_in_dim3A_1922 = vector.broadcast %broadcast_in_dim3A_1921 : i32 to vector<16xi32>
        %broadcast_in_dim3A_1923 = arith.constant 2 : i32
        %broadcast_in_dim3A_1924 = vector.broadcast %broadcast_in_dim3A_1923 : i32 to vector<16xi32>
        %broadcast_in_dim3A_1925 = arith.constant 3 : i32
        %broadcast_in_dim3A_1926 = vector.broadcast %broadcast_in_dim3A_1925 : i32 to vector<16xi32>
        %gather3A = arith.constant 0 : i32
        %gather3A_1927 = arith.constant 0 : i32
        %gather3A_1928 = tpu.memref_slice %arg7[%scan3A_1343, %gather3A, %gather3A_1927] : memref<2x2048x8xf32, #tpu.memory_space<vmem>> -> memref<1x2048x8xf32, #tpu.memory_space<vmem>>
        %gather3A_1929 = tpu.memref_squeeze %gather3A_1928 : memref<1x2048x8xf32, #tpu.memory_space<vmem>> -> memref<2048x8xf32, #tpu.memory_space<vmem>>
        %gather3A_1930 = tpu.vector_load_idx %gather3A_1929[%add3A_1919, %broadcast_in_dim3A_1920] : memref<2048x8xf32, #tpu.memory_space<vmem>>[vector<16xi32>, vector<16xi32>], vector<16xf32>,
        %gather3A_1931 = arith.constant 0 : i32
        %gather3A_1932 = arith.constant 0 : i32
        %gather3A_1933 = tpu.memref_slice %arg7[%scan3A_1343, %gather3A_1931, %gather3A_1932] : memref<2x2048x8xf32, #tpu.memory_space<vmem>> -> memref<1x2048x8xf32, #tpu.memory_space<vmem>>
        %gather3A_1934 = tpu.memref_squeeze %gather3A_1933 : memref<1x2048x8xf32, #tpu.memory_space<vmem>> -> memref<2048x8xf32, #tpu.memory_space<vmem>>
        %gather3A_1935 = tpu.vector_load_idx %gather3A_1934[%add3A_1919, %broadcast_in_dim3A_1922] : memref<2048x8xf32, #tpu.memory_space<vmem>>[vector<16xi32>, vector<16xi32>], vector<16xf32>,
        %gather3A_1936 = arith.constant 0 : i32
        %gather3A_1937 = arith.constant 0 : i32
        %gather3A_1938 = tpu.memref_slice %arg7[%scan3A_1343, %gather3A_1936, %gather3A_1937] : memref<2x2048x8xf32, #tpu.memory_space<vmem>> -> memref<1x2048x8xf32, #tpu.memory_space<vmem>>
        %gather3A_1939 = tpu.memref_squeeze %gather3A_1938 : memref<1x2048x8xf32, #tpu.memory_space<vmem>> -> memref<2048x8xf32, #tpu.memory_space<vmem>>
        %gather3A_1940 = tpu.vector_load_idx %gather3A_1939[%add3A_1919, %broadcast_in_dim3A_1924] : memref<2048x8xf32, #tpu.memory_space<vmem>>[vector<16xi32>, vector<16xi32>], vector<16xf32>,
        %gather3A_1941 = arith.constant 0 : i32
        %gather3A_1942 = arith.constant 0 : i32
        %gather3A_1943 = tpu.memref_slice %arg7[%scan3A_1343, %gather3A_1941, %gather3A_1942] : memref<2x2048x8xf32, #tpu.memory_space<vmem>> -> memref<1x2048x8xf32, #tpu.memory_space<vmem>>
        %gather3A_1944 = tpu.memref_squeeze %gather3A_1943 : memref<1x2048x8xf32, #tpu.memory_space<vmem>> -> memref<2048x8xf32, #tpu.memory_space<vmem>>
        %gather3A_1945 = tpu.vector_load_idx %gather3A_1944[%add3A_1919, %broadcast_in_dim3A_1926] : memref<2048x8xf32, #tpu.memory_space<vmem>>[vector<16xi32>, vector<16xi32>], vector<16xf32>,
        %gather3A_1946 = arith.constant 0 : i32
        %gather3A_1947 = arith.constant 0 : i32
        %gather3A_1948 = tpu.memref_slice %arg8[%scan3A_1344, %gather3A_1946, %gather3A_1947] : memref<2x2048x8xf32, #tpu.memory_space<vmem>> -> memref<1x2048x8xf32, #tpu.memory_space<vmem>>
        %gather3A_1949 = tpu.memref_squeeze %gather3A_1948 : memref<1x2048x8xf32, #tpu.memory_space<vmem>> -> memref<2048x8xf32, #tpu.memory_space<vmem>>
        %gather3A_1950 = tpu.vector_load_idx %gather3A_1949[%add3A_1919, %broadcast_in_dim3A_1920] : memref<2048x8xf32, #tpu.memory_space<vmem>>[vector<16xi32>, vector<16xi32>], vector<16xf32>,
        %gather3A_1951 = arith.constant 0 : i32
        %gather3A_1952 = arith.constant 0 : i32
        %gather3A_1953 = tpu.memref_slice %arg8[%scan3A_1344, %gather3A_1951, %gather3A_1952] : memref<2x2048x8xf32, #tpu.memory_space<vmem>> -> memref<1x2048x8xf32, #tpu.memory_space<vmem>>
        %gather3A_1954 = tpu.memref_squeeze %gather3A_1953 : memref<1x2048x8xf32, #tpu.memory_space<vmem>> -> memref<2048x8xf32, #tpu.memory_space<vmem>>
        %gather3A_1955 = tpu.vector_load_idx %gather3A_1954[%add3A_1919, %broadcast_in_dim3A_1922] : memref<2048x8xf32, #tpu.memory_space<vmem>>[vector<16xi32>, vector<16xi32>], vector<16xf32>,
        %gather3A_1956 = arith.constant 0 : i32
        %gather3A_1957 = arith.constant 0 : i32
        %gather3A_1958 = tpu.memref_slice %arg8[%scan3A_1344, %gather3A_1956, %gather3A_1957] : memref<2x2048x8xf32, #tpu.memory_space<vmem>> -> memref<1x2048x8xf32, #tpu.memory_space<vmem>>
        %gather3A_1959 = tpu.memref_squeeze %gather3A_1958 : memref<1x2048x8xf32, #tpu.memory_space<vmem>> -> memref<2048x8xf32, #tpu.memory_space<vmem>>
        %gather3A_1960 = tpu.vector_load_idx %gather3A_1959[%add3A_1919, %broadcast_in_dim3A_1924] : memref<2048x8xf32, #tpu.memory_space<vmem>>[vector<16xi32>, vector<16xi32>], vector<16xf32>,
        %gather3A_1961 = arith.constant 0 : i32
        %gather3A_1962 = arith.constant 0 : i32
        %gather3A_1963 = tpu.memref_slice %arg8[%scan3A_1344, %gather3A_1961, %gather3A_1962] : memref<2x2048x8xf32, #tpu.memory_space<vmem>> -> memref<1x2048x8xf32, #tpu.memory_space<vmem>>
        %gather3A_1964 = tpu.memref_squeeze %gather3A_1963 : memref<1x2048x8xf32, #tpu.memory_space<vmem>> -> memref<2048x8xf32, #tpu.memory_space<vmem>>
        %gather3A_1965 = tpu.vector_load_idx %gather3A_1964[%add3A_1919, %broadcast_in_dim3A_1926] : memref<2048x8xf32, #tpu.memory_space<vmem>>[vector<16xi32>, vector<16xi32>], vector<16xf32>,
        %mul3A_1966 = arith.mulf %gather3A_1930, %gather3A_1960 : vector<16xf32>
        %mul3A_1967 = arith.mulf %gather3A_1940, %gather3A_1950 : vector<16xf32>
        %add3A_1968 = arith.addf %mul3A_1966, %mul3A_1967 : vector<16xf32>
        %mul3A_1969 = arith.mulf %gather3A_1935, %gather3A_1955 : vector<16xf32>
        %mul3A_1970 = arith.constant 2.100000e+00 : f32
        %mul3A_1971 = vector.broadcast %mul3A_1970 : f32 to vector<16xf32>
        %mul3A_1972 = arith.mulf %mul3A_1971, %mul3A_1969 : vector<16xf32>
        %add3A_1973 = arith.addf %add3A_1968, %mul3A_1972 : vector<16xf32>
        %mul3A_1974 = arith.mulf %gather3A_1945, %gather3A_1965 : vector<16xf32>
        %mul3A_1975 = arith.mulf %add3A_1973, %mul3A_1974 : vector<16xf32>
        %mul3A_1976 = arith.mulf %gather3A_1930, %gather3A_1965 : vector<16xf32>
        %mul3A_1977 = arith.mulf %gather3A_1950, %gather3A_1945 : vector<16xf32>
        %add3A_1978 = arith.addf %mul3A_1976, %mul3A_1977 : vector<16xf32>
        %add3A_1979 = arith.addf %mul3A_1975, %mul3A_1975 : vector<16xf32>
        %div3A = arith.divf %add3A_1979, %add3A_1978 : vector<16xf32>
        %mul3A_1980 = arith.constant 16 : i32
        %mul3A_1981 = arith.muli %scan3A_1915, %mul3A_1980 : i32
        %swap3A = arith.constant 0 : i32
        %swap3A_1982 = arith.index_cast %swap3A : i32 to index
        %swap3A_1983 = arith.index_cast %mul3A_1981 : i32 to index
        %swap3A_1984 = tpu.vector_load %arg9[%swap3A_1982, %swap3A_1983] {strides = array<i32>} : memref<2x2048xf32, #tpu.memory_space<vmem>>, vector<16xf32>,
        tpu.vector_store %arg9[%swap3A_1982, %swap3A_1983], %div3A {strides = array<i32>} : memref<2x2048xf32, #tpu.memory_space<vmem>>, vector<16xf32>,
        %broadcast_in_dim3A_1985 = arith.constant 4 : i32
        %broadcast_in_dim3A_1986 = vector.broadcast %broadcast_in_dim3A_1985 : i32 to vector<16xi32>
        %broadcast_in_dim3A_1987 = arith.constant 5 : i32
        %broadcast_in_dim3A_1988 = vector.broadcast %broadcast_in_dim3A_1987 : i32 to vector<16xi32>
        %broadcast_in_dim3A_1989 = arith.constant 6 : i32
        %broadcast_in_dim3A_1990 = vector.broadcast %broadcast_in_dim3A_1989 : i32 to vector<16xi32>
        %broadcast_in_dim3A_1991 = arith.constant 7 : i32
        %broadcast_in_dim3A_1992 = vector.broadcast %broadcast_in_dim3A_1991 : i32 to vector<16xi32>
        %gather3A_1993 = arith.constant 0 : i32
        %gather3A_1994 = arith.constant 0 : i32
        %gather3A_1995 = tpu.memref_slice %arg7[%scan3A_1343, %gather3A_1993, %gather3A_1994] : memref<2x2048x8xf32, #tpu.memory_space<vmem>> -> memref<1x2048x8xf32, #tpu.memory_space<vmem>>
        %gather3A_1996 = tpu.memref_squeeze %gather3A_1995 : memref<1x2048x8xf32, #tpu.memory_space<vmem>> -> memref<2048x8xf32, #tpu.memory_space<vmem>>
        %gather3A_1997 = tpu.vector_load_idx %gather3A_1996[%add3A_1919, %broadcast_in_dim3A_1986] : memref<2048x8xf32, #tpu.memory_space<vmem>>[vector<16xi32>, vector<16xi32>], vector<16xf32>,
        %gather3A_1998 = arith.constant 0 : i32
        %gather3A_1999 = arith.constant 0 : i32
        %gather3A_2000 = tpu.memref_slice %arg7[%scan3A_1343, %gather3A_1998, %gather3A_1999] : memref<2x2048x8xf32, #tpu.memory_space<vmem>> -> memref<1x2048x8xf32, #tpu.memory_space<vmem>>
        %gather3A_2001 = tpu.memref_squeeze %gather3A_2000 : memref<1x2048x8xf32, #tpu.memory_space<vmem>> -> memref<2048x8xf32, #tpu.memory_space<vmem>>
        %gather3A_2002 = tpu.vector_load_idx %gather3A_2001[%add3A_1919, %broadcast_in_dim3A_1988] : memref<2048x8xf32, #tpu.memory_space<vmem>>[vector<16xi32>, vector<16xi32>], vector<16xf32>,
        %gather3A_2003 = arith.constant 0 : i32
        %gather3A_2004 = arith.constant 0 : i32
        %gather3A_2005 = tpu.memref_slice %arg7[%scan3A_1343, %gather3A_2003, %gather3A_2004] : memref<2x2048x8xf32, #tpu.memory_space<vmem>> -> memref<1x2048x8xf32, #tpu.memory_space<vmem>>
        %gather3A_2006 = tpu.memref_squeeze %gather3A_2005 : memref<1x2048x8xf32, #tpu.memory_space<vmem>> -> memref<2048x8xf32, #tpu.memory_space<vmem>>
        %gather3A_2007 = tpu.vector_load_idx %gather3A_2006[%add3A_1919, %broadcast_in_dim3A_1990] : memref<2048x8xf32, #tpu.memory_space<vmem>>[vector<16xi32>, vector<16xi32>], vector<16xf32>,
        %gather3A_2008 = arith.constant 0 : i32
        %gather3A_2009 = arith.constant 0 : i32
        %gather3A_2010 = tpu.memref_slice %arg7[%scan3A_1343, %gather3A_2008, %gather3A_2009] : memref<2x2048x8xf32, #tpu.memory_space<vmem>> -> memref<1x2048x8xf32, #tpu.memory_space<vmem>>
        %gather3A_2011 = tpu.memref_squeeze %gather3A_2010 : memref<1x2048x8xf32, #tpu.memory_space<vmem>> -> memref<2048x8xf32, #tpu.memory_space<vmem>>
        %gather3A_2012 = tpu.vector_load_idx %gather3A_2011[%add3A_1919, %broadcast_in_dim3A_1992] : memref<2048x8xf32, #tpu.memory_space<vmem>>[vector<16xi32>, vector<16xi32>], vector<16xf32>,
        %gather3A_2013 = arith.constant 0 : i32
        %gather3A_2014 = arith.constant 0 : i32
        %gather3A_2015 = tpu.memref_slice %arg8[%scan3A_1344, %gather3A_2013, %gather3A_2014] : memref<2x2048x8xf32, #tpu.memory_space<vmem>> -> memref<1x2048x8xf32, #tpu.memory_space<vmem>>
        %gather3A_2016 = tpu.memref_squeeze %gather3A_2015 : memref<1x2048x8xf32, #tpu.memory_space<vmem>> -> memref<2048x8xf32, #tpu.memory_space<vmem>>
        %gather3A_2017 = tpu.vector_load_idx %gather3A_2016[%add3A_1919, %broadcast_in_dim3A_1986] : memref<2048x8xf32, #tpu.memory_space<vmem>>[vector<16xi32>, vector<16xi32>], vector<16xf32>,
        %gather3A_2018 = arith.constant 0 : i32
        %gather3A_2019 = arith.constant 0 : i32
        %gather3A_2020 = tpu.memref_slice %arg8[%scan3A_1344, %gather3A_2018, %gather3A_2019] : memref<2x2048x8xf32, #tpu.memory_space<vmem>> -> memref<1x2048x8xf32, #tpu.memory_space<vmem>>
        %gather3A_2021 = tpu.memref_squeeze %gather3A_2020 : memref<1x2048x8xf32, #tpu.memory_space<vmem>> -> memref<2048x8xf32, #tpu.memory_space<vmem>>
        %gather3A_2022 = tpu.vector_load_idx %gather3A_2021[%add3A_1919, %broadcast_in_dim3A_1988] : memref<2048x8xf32, #tpu.memory_space<vmem>>[vector<16xi32>, vector<16xi32>], vector<16xf32>,
        %gather3A_2023 = arith.constant 0 : i32
        %gather3A_2024 = arith.constant 0 : i32
        %gather3A_2025 = tpu.memref_slice %arg8[%scan3A_1344, %gather3A_2023, %gather3A_2024] : memref<2x2048x8xf32, #tpu.memory_space<vmem>> -> memref<1x2048x8xf32, #tpu.memory_space<vmem>>
        %gather3A_2026 = tpu.memref_squeeze %gather3A_2025 : memref<1x2048x8xf32, #tpu.memory_space<vmem>> -> memref<2048x8xf32, #tpu.memory_space<vmem>>
        %gather3A_2027 = tpu.vector_load_idx %gather3A_2026[%add3A_1919, %broadcast_in_dim3A_1990] : memref<2048x8xf32, #tpu.memory_space<vmem>>[vector<16xi32>, vector<16xi32>], vector<16xf32>,
        %gather3A_2028 = arith.constant 0 : i32
        %gather3A_2029 = arith.constant 0 : i32
        %gather3A_2030 = tpu.memref_slice %arg8[%scan3A_1344, %gather3A_2028, %gather3A_2029] : memref<2x2048x8xf32, #tpu.memory_space<vmem>> -> memref<1x2048x8xf32, #tpu.memory_space<vmem>>
        %gather3A_2031 = tpu.memref_squeeze %gather3A_2030 : memref<1x2048x8xf32, #tpu.memory_space<vmem>> -> memref<2048x8xf32, #tpu.memory_space<vmem>>
        %gather3A_2032 = tpu.vector_load_idx %gather3A_2031[%add3A_1919, %broadcast_in_dim3A_1992] : memref<2048x8xf32, #tpu.memory_space<vmem>>[vector<16xi32>, vector<16xi32>], vector<16xf32>,
        %mul3A_2033 = arith.mulf %gather3A_1997, %gather3A_2027 : vector<16xf32>
        %mul3A_2034 = arith.mulf %gather3A_2007, %gather3A_2017 : vector<16xf32>
        %add3A_2035 = arith.addf %mul3A_2033, %mul3A_2034 : vector<16xf32>
        %mul3A_2036 = arith.mulf %gather3A_2002, %gather3A_2022 : vector<16xf32>
        %mul3A_2037 = arith.constant 2.100000e+00 : f32
        %mul3A_2038 = vector.broadcast %mul3A_2037 : f32 to vector<16xf32>
        %mul3A_2039 = arith.mulf %mul3A_2038, %mul3A_2036 : vector<16xf32>
        %add3A_2040 = arith.addf %add3A_2035, %mul3A_2039 : vector<16xf32>
        %mul3A_2041 = arith.mulf %gather3A_2012, %gather3A_2032 : vector<16xf32>
        %mul3A_2042 = arith.mulf %add3A_2040, %mul3A_2041 : vector<16xf32>
        %mul3A_2043 = arith.mulf %gather3A_1997, %gather3A_2032 : vector<16xf32>
        %mul3A_2044 = arith.mulf %gather3A_2017, %gather3A_2012 : vector<16xf32>
        %add3A_2045 = arith.addf %mul3A_2043, %mul3A_2044 : vector<16xf32>
        %add3A_2046 = arith.addf %mul3A_2042, %mul3A_2042 : vector<16xf32>
        %div3A_2047 = arith.divf %add3A_2046, %add3A_2045 : vector<16xf32>
        %mul3A_2048 = arith.constant 16 : i32
        %mul3A_2049 = arith.muli %scan3A_1915, %mul3A_2048 : i32
        %swap3A_2050 = arith.constant 1 : i32
        %swap3A_2051 = arith.index_cast %swap3A_2050 : i32 to index
        %swap3A_2052 = arith.index_cast %mul3A_2049 : i32 to index
        %swap3A_2053 = tpu.vector_load %arg9[%swap3A_2051, %swap3A_2052] {strides = array<i32>} : memref<2x2048xf32, #tpu.memory_space<vmem>>, vector<16xf32>,
        tpu.vector_store %arg9[%swap3A_2051, %swap3A_2052], %div3A_2047 {strides = array<i32>} : memref<2x2048xf32, #tpu.memory_space<vmem>>, vector<16xf32>,
        %scan3A_2054 = arith.constant 1 : i32
        %scan3A_2055 = arith.addi %scan3A_1915, %scan3A_2054 : i32
        %mul3A_2056 = arith.constant 16 : i32
        %mul3A_2057 = arith.muli %scan3A_2055, %mul3A_2056 : i32
        %add3A_2058 = vector.broadcast %mul3A_2057 : i32 to vector<16xi32>
        %add3A_2059 = arith.addi %iota3A, %add3A_2058 : vector<16xi32>
        %broadcast_in_dim3A_2060 = arith.constant 0 : i32
        %broadcast_in_dim3A_2061 = vector.broadcast %broadcast_in_dim3A_2060 : i32 to vector<16xi32>
        %broadcast_in_dim3A_2062 = arith.constant 1 : i32
        %broadcast_in_dim3A_2063 = vector.broadcast %broadcast_in_dim3A_2062 : i32 to vector<16xi32>
        %broadcast_in_dim3A_2064 = arith.constant 2 : i32
        %broadcast_in_dim3A_2065 = vector.broadcast %broadcast_in_dim3A_2064 : i32 to vector<16xi32>
        %broadcast_in_dim3A_2066 = arith.constant 3 : i32
        %broadcast_in_dim3A_2067 = vector.broadcast %broadcast_in_dim3A_2066 : i32 to vector<16xi32>
        %gather3A_2068 = arith.constant 0 : i32
        %gather3A_2069 = arith.constant 0 : i32
        %gather3A_2070 = tpu.memref_slice %arg7[%scan3A_1343, %gather3A_2068, %gather3A_2069] : memref<2x2048x8xf32, #tpu.memory_space<vmem>> -> memref<1x2048x8xf32, #tpu.memory_space<vmem>>
        %gather3A_2071 = tpu.memref_squeeze %gather3A_2070 : memref<1x2048x8xf32, #tpu.memory_space<vmem>> -> memref<2048x8xf32, #tpu.memory_space<vmem>>
        %gather3A_2072 = tpu.vector_load_idx %gather3A_2071[%add3A_2059, %broadcast_in_dim3A_2061] : memref<2048x8xf32, #tpu.memory_space<vmem>>[vector<16xi32>, vector<16xi32>], vector<16xf32>,
        %gather3A_2073 = arith.constant 0 : i32
        %gather3A_2074 = arith.constant 0 : i32
        %gather3A_2075 = tpu.memref_slice %arg7[%scan3A_1343, %gather3A_2073, %gather3A_2074] : memref<2x2048x8xf32, #tpu.memory_space<vmem>> -> memref<1x2048x8xf32, #tpu.memory_space<vmem>>
        %gather3A_2076 = tpu.memref_squeeze %gather3A_2075 : memref<1x2048x8xf32, #tpu.memory_space<vmem>> -> memref<2048x8xf32, #tpu.memory_space<vmem>>
        %gather3A_2077 = tpu.vector_load_idx %gather3A_2076[%add3A_2059, %broadcast_in_dim3A_2063] : memref<2048x8xf32, #tpu.memory_space<vmem>>[vector<16xi32>, vector<16xi32>], vector<16xf32>,
        %gather3A_2078 = arith.constant 0 : i32
        %gather3A_2079 = arith.constant 0 : i32
        %gather3A_2080 = tpu.memref_slice %arg7[%scan3A_1343, %gather3A_2078, %gather3A_2079] : memref<2x2048x8xf32, #tpu.memory_space<vmem>> -> memref<1x2048x8xf32, #tpu.memory_space<vmem>>
        %gather3A_2081 = tpu.memref_squeeze %gather3A_2080 : memref<1x2048x8xf32, #tpu.memory_space<vmem>> -> memref<2048x8xf32, #tpu.memory_space<vmem>>
        %gather3A_2082 = tpu.vector_load_idx %gather3A_2081[%add3A_2059, %broadcast_in_dim3A_2065] : memref<2048x8xf32, #tpu.memory_space<vmem>>[vector<16xi32>, vector<16xi32>], vector<16xf32>,
        %gather3A_2083 = arith.constant 0 : i32
        %gather3A_2084 = arith.constant 0 : i32
        %gather3A_2085 = tpu.memref_slice %arg7[%scan3A_1343, %gather3A_2083, %gather3A_2084] : memref<2x2048x8xf32, #tpu.memory_space<vmem>> -> memref<1x2048x8xf32, #tpu.memory_space<vmem>>
        %gather3A_2086 = tpu.memref_squeeze %gather3A_2085 : memref<1x2048x8xf32, #tpu.memory_space<vmem>> -> memref<2048x8xf32, #tpu.memory_space<vmem>>
        %gather3A_2087 = tpu.vector_load_idx %gather3A_2086[%add3A_2059, %broadcast_in_dim3A_2067] : memref<2048x8xf32, #tpu.memory_space<vmem>>[vector<16xi32>, vector<16xi32>], vector<16xf32>,
        %gather3A_2088 = arith.constant 0 : i32
        %gather3A_2089 = arith.constant 0 : i32
        %gather3A_2090 = tpu.memref_slice %arg8[%scan3A_1344, %gather3A_2088, %gather3A_2089] : memref<2x2048x8xf32, #tpu.memory_space<vmem>> -> memref<1x2048x8xf32, #tpu.memory_space<vmem>>
        %gather3A_2091 = tpu.memref_squeeze %gather3A_2090 : memref<1x2048x8xf32, #tpu.memory_space<vmem>> -> memref<2048x8xf32, #tpu.memory_space<vmem>>
        %gather3A_2092 = tpu.vector_load_idx %gather3A_2091[%add3A_2059, %broadcast_in_dim3A_2061] : memref<2048x8xf32, #tpu.memory_space<vmem>>[vector<16xi32>, vector<16xi32>], vector<16xf32>,
        %gather3A_2093 = arith.constant 0 : i32
        %gather3A_2094 = arith.constant 0 : i32
        %gather3A_2095 = tpu.memref_slice %arg8[%scan3A_1344, %gather3A_2093, %gather3A_2094] : memref<2x2048x8xf32, #tpu.memory_space<vmem>> -> memref<1x2048x8xf32, #tpu.memory_space<vmem>>
        %gather3A_2096 = tpu.memref_squeeze %gather3A_2095 : memref<1x2048x8xf32, #tpu.memory_space<vmem>> -> memref<2048x8xf32, #tpu.memory_space<vmem>>
        %gather3A_2097 = tpu.vector_load_idx %gather3A_2096[%add3A_2059, %broadcast_in_dim3A_2063] : memref<2048x8xf32, #tpu.memory_space<vmem>>[vector<16xi32>, vector<16xi32>], vector<16xf32>,
        %gather3A_2098 = arith.constant 0 : i32
        %gather3A_2099 = arith.constant 0 : i32
        %gather3A_2100 = tpu.memref_slice %arg8[%scan3A_1344, %gather3A_2098, %gather3A_2099] : memref<2x2048x8xf32, #tpu.memory_space<vmem>> -> memref<1x2048x8xf32, #tpu.memory_space<vmem>>
        %gather3A_2101 = tpu.memref_squeeze %gather3A_2100 : memref<1x2048x8xf32, #tpu.memory_space<vmem>> -> memref<2048x8xf32, #tpu.memory_space<vmem>>
        %gather3A_2102 = tpu.vector_load_idx %gather3A_2101[%add3A_2059, %broadcast_in_dim3A_2065] : memref<2048x8xf32, #tpu.memory_space<vmem>>[vector<16xi32>, vector<16xi32>], vector<16xf32>,
        %gather3A_2103 = arith.constant 0 : i32
        %gather3A_2104 = arith.constant 0 : i32
        %gather3A_2105 = tpu.memref_slice %arg8[%scan3A_1344, %gather3A_2103, %gather3A_2104] : memref<2x2048x8xf32, #tpu.memory_space<vmem>> -> memref<1x2048x8xf32, #tpu.memory_space<vmem>>
        %gather3A_2106 = tpu.memref_squeeze %gather3A_2105 : memref<1x2048x8xf32, #tpu.memory_space<vmem>> -> memref<2048x8xf32, #tpu.memory_space<vmem>>
        %gather3A_2107 = tpu.vector_load_idx %gather3A_2106[%add3A_2059, %broadcast_in_dim3A_2067] : memref<2048x8xf32, #tpu.memory_space<vmem>>[vector<16xi32>, vector<16xi32>], vector<16xf32>,
        %mul3A_2108 = arith.mulf %gather3A_2072, %gather3A_2102 : vector<16xf32>
        %mul3A_2109 = arith.mulf %gather3A_2082, %gather3A_2092 : vector<16xf32>
        %add3A_2110 = arith.addf %mul3A_2108, %mul3A_2109 : vector<16xf32>
        %mul3A_2111 = arith.mulf %gather3A_2077, %gather3A_2097 : vector<16xf32>
        %mul3A_2112 = arith.constant 2.100000e+00 : f32
        %mul3A_2113 = vector.broadcast %mul3A_2112 : f32 to vector<16xf32>
        %mul3A_2114 = arith.mulf %mul3A_2113, %mul3A_2111 : vector<16xf32>
        %add3A_2115 = arith.addf %add3A_2110, %mul3A_2114 : vector<16xf32>
        %mul3A_2116 = arith.mulf %gather3A_2087, %gather3A_2107 : vector<16xf32>
        %mul3A_2117 = arith.mulf %add3A_2115, %mul3A_2116 : vector<16xf32>
        %mul3A_2118 = arith.mulf %gather3A_2072, %gather3A_2107 : vector<16xf32>
        %mul3A_2119 = arith.mulf %gather3A_2092, %gather3A_2087 : vector<16xf32>
        %add3A_2120 = arith.addf %mul3A_2118, %mul3A_2119 : vector<16xf32>
        %add3A_2121 = arith.addf %mul3A_2117, %mul3A_2117 : vector<16xf32>
        %div3A_2122 = arith.divf %add3A_2121, %add3A_2120 : vector<16xf32>
        %mul3A_2123 = arith.constant 16 : i32
        %mul3A_2124 = arith.muli %scan3A_2055, %mul3A_2123 : i32
        %swap3A_2125 = arith.constant 0 : i32
        %swap3A_2126 = arith.index_cast %swap3A_2125 : i32 to index
        %swap3A_2127 = arith.index_cast %mul3A_2124 : i32 to index
        %swap3A_2128 = tpu.vector_load %arg9[%swap3A_2126, %swap3A_2127] {strides = array<i32>} : memref<2x2048xf32, #tpu.memory_space<vmem>>, vector<16xf32>,
        tpu.vector_store %arg9[%swap3A_2126, %swap3A_2127], %div3A_2122 {strides = array<i32>} : memref<2x2048xf32, #tpu.memory_space<vmem>>, vector<16xf32>,
        %broadcast_in_dim3A_2129 = arith.constant 4 : i32
        %broadcast_in_dim3A_2130 = vector.broadcast %broadcast_in_dim3A_2129 : i32 to vector<16xi32>
        %broadcast_in_dim3A_2131 = arith.constant 5 : i32
        %broadcast_in_dim3A_2132 = vector.broadcast %broadcast_in_dim3A_2131 : i32 to vector<16xi32>
        %broadcast_in_dim3A_2133 = arith.constant 6 : i32
        %broadcast_in_dim3A_2134 = vector.broadcast %broadcast_in_dim3A_2133 : i32 to vector<16xi32>
        %broadcast_in_dim3A_2135 = arith.constant 7 : i32
        %broadcast_in_dim3A_2136 = vector.broadcast %broadcast_in_dim3A_2135 : i32 to vector<16xi32>
        %gather3A_2137 = arith.constant 0 : i32
        %gather3A_2138 = arith.constant 0 : i32
        %gather3A_2139 = tpu.memref_slice %arg7[%scan3A_1343, %gather3A_2137, %gather3A_2138] : memref<2x2048x8xf32, #tpu.memory_space<vmem>> -> memref<1x2048x8xf32, #tpu.memory_space<vmem>>
        %gather3A_2140 = tpu.memref_squeeze %gather3A_2139 : memref<1x2048x8xf32, #tpu.memory_space<vmem>> -> memref<2048x8xf32, #tpu.memory_space<vmem>>
        %gather3A_2141 = tpu.vector_load_idx %gather3A_2140[%add3A_2059, %broadcast_in_dim3A_2130] : memref<2048x8xf32, #tpu.memory_space<vmem>>[vector<16xi32>, vector<16xi32>], vector<16xf32>,
        %gather3A_2142 = arith.constant 0 : i32
        %gather3A_2143 = arith.constant 0 : i32
        %gather3A_2144 = tpu.memref_slice %arg7[%scan3A_1343, %gather3A_2142, %gather3A_2143] : memref<2x2048x8xf32, #tpu.memory_space<vmem>> -> memref<1x2048x8xf32, #tpu.memory_space<vmem>>
        %gather3A_2145 = tpu.memref_squeeze %gather3A_2144 : memref<1x2048x8xf32, #tpu.memory_space<vmem>> -> memref<2048x8xf32, #tpu.memory_space<vmem>>
        %gather3A_2146 = tpu.vector_load_idx %gather3A_2145[%add3A_2059, %broadcast_in_dim3A_2132] : memref<2048x8xf32, #tpu.memory_space<vmem>>[vector<16xi32>, vector<16xi32>], vector<16xf32>,
        %gather3A_2147 = arith.constant 0 : i32
        %gather3A_2148 = arith.constant 0 : i32
        %gather3A_2149 = tpu.memref_slice %arg7[%scan3A_1343, %gather3A_2147, %gather3A_2148] : memref<2x2048x8xf32, #tpu.memory_space<vmem>> -> memref<1x2048x8xf32, #tpu.memory_space<vmem>>
        %gather3A_2150 = tpu.memref_squeeze %gather3A_2149 : memref<1x2048x8xf32, #tpu.memory_space<vmem>> -> memref<2048x8xf32, #tpu.memory_space<vmem>>
        %gather3A_2151 = tpu.vector_load_idx %gather3A_2150[%add3A_2059, %broadcast_in_dim3A_2134] : memref<2048x8xf32, #tpu.memory_space<vmem>>[vector<16xi32>, vector<16xi32>], vector<16xf32>,
        %gather3A_2152 = arith.constant 0 : i32
        %gather3A_2153 = arith.constant 0 : i32
        %gather3A_2154 = tpu.memref_slice %arg7[%scan3A_1343, %gather3A_2152, %gather3A_2153] : memref<2x2048x8xf32, #tpu.memory_space<vmem>> -> memref<1x2048x8xf32, #tpu.memory_space<vmem>>
        %gather3A_2155 = tpu.memref_squeeze %gather3A_2154 : memref<1x2048x8xf32, #tpu.memory_space<vmem>> -> memref<2048x8xf32, #tpu.memory_space<vmem>>
        %gather3A_2156 = tpu.vector_load_idx %gather3A_2155[%add3A_2059, %broadcast_in_dim3A_2136] : memref<2048x8xf32, #tpu.memory_space<vmem>>[vector<16xi32>, vector<16xi32>], vector<16xf32>,
        %gather3A_2157 = arith.constant 0 : i32
        %gather3A_2158 = arith.constant 0 : i32
        %gather3A_2159 = tpu.memref_slice %arg8[%scan3A_1344, %gather3A_2157, %gather3A_2158] : memref<2x2048x8xf32, #tpu.memory_space<vmem>> -> memref<1x2048x8xf32, #tpu.memory_space<vmem>>
        %gather3A_2160 = tpu.memref_squeeze %gather3A_2159 : memref<1x2048x8xf32, #tpu.memory_space<vmem>> -> memref<2048x8xf32, #tpu.memory_space<vmem>>
        %gather3A_2161 = tpu.vector_load_idx %gather3A_2160[%add3A_2059, %broadcast_in_dim3A_2130] : memref<2048x8xf32, #tpu.memory_space<vmem>>[vector<16xi32>, vector<16xi32>], vector<16xf32>,
        %gather3A_2162 = arith.constant 0 : i32
        %gather3A_2163 = arith.constant 0 : i32
        %gather3A_2164 = tpu.memref_slice %arg8[%scan3A_1344, %gather3A_2162, %gather3A_2163] : memref<2x2048x8xf32, #tpu.memory_space<vmem>> -> memref<1x2048x8xf32, #tpu.memory_space<vmem>>
        %gather3A_2165 = tpu.memref_squeeze %gather3A_2164 : memref<1x2048x8xf32, #tpu.memory_space<vmem>> -> memref<2048x8xf32, #tpu.memory_space<vmem>>
        %gather3A_2166 = tpu.vector_load_idx %gather3A_2165[%add3A_2059, %broadcast_in_dim3A_2132] : memref<2048x8xf32, #tpu.memory_space<vmem>>[vector<16xi32>, vector<16xi32>], vector<16xf32>,
        %gather3A_2167 = arith.constant 0 : i32
        %gather3A_2168 = arith.constant 0 : i32
        %gather3A_2169 = tpu.memref_slice %arg8[%scan3A_1344, %gather3A_2167, %gather3A_2168] : memref<2x2048x8xf32, #tpu.memory_space<vmem>> -> memref<1x2048x8xf32, #tpu.memory_space<vmem>>
        %gather3A_2170 = tpu.memref_squeeze %gather3A_2169 : memref<1x2048x8xf32, #tpu.memory_space<vmem>> -> memref<2048x8xf32, #tpu.memory_space<vmem>>
        %gather3A_2171 = tpu.vector_load_idx %gather3A_2170[%add3A_2059, %broadcast_in_dim3A_2134] : memref<2048x8xf32, #tpu.memory_space<vmem>>[vector<16xi32>, vector<16xi32>], vector<16xf32>,
        %gather3A_2172 = arith.constant 0 : i32
        %gather3A_2173 = arith.constant 0 : i32
        %gather3A_2174 = tpu.memref_slice %arg8[%scan3A_1344, %gather3A_2172, %gather3A_2173] : memref<2x2048x8xf32, #tpu.memory_space<vmem>> -> memref<1x2048x8xf32, #tpu.memory_space<vmem>>
        %gather3A_2175 = tpu.memref_squeeze %gather3A_2174 : memref<1x2048x8xf32, #tpu.memory_space<vmem>> -> memref<2048x8xf32, #tpu.memory_space<vmem>>
        %gather3A_2176 = tpu.vector_load_idx %gather3A_2175[%add3A_2059, %broadcast_in_dim3A_2136] : memref<2048x8xf32, #tpu.memory_space<vmem>>[vector<16xi32>, vector<16xi32>], vector<16xf32>,
        %mul3A_2177 = arith.mulf %gather3A_2141, %gather3A_2171 : vector<16xf32>
        %mul3A_2178 = arith.mulf %gather3A_2151, %gather3A_2161 : vector<16xf32>
        %add3A_2179 = arith.addf %mul3A_2177, %mul3A_2178 : vector<16xf32>
        %mul3A_2180 = arith.mulf %gather3A_2146, %gather3A_2166 : vector<16xf32>
        %mul3A_2181 = arith.constant 2.100000e+00 : f32
        %mul3A_2182 = vector.broadcast %mul3A_2181 : f32 to vector<16xf32>
        %mul3A_2183 = arith.mulf %mul3A_2182, %mul3A_2180 : vector<16xf32>
        %add3A_2184 = arith.addf %add3A_2179, %mul3A_2183 : vector<16xf32>
        %mul3A_2185 = arith.mulf %gather3A_2156, %gather3A_2176 : vector<16xf32>
        %mul3A_2186 = arith.mulf %add3A_2184, %mul3A_2185 : vector<16xf32>
        %mul3A_2187 = arith.mulf %gather3A_2141, %gather3A_2176 : vector<16xf32>
        %mul3A_2188 = arith.mulf %gather3A_2161, %gather3A_2156 : vector<16xf32>
        %add3A_2189 = arith.addf %mul3A_2187, %mul3A_2188 : vector<16xf32>
        %add3A_2190 = arith.addf %mul3A_2186, %mul3A_2186 : vector<16xf32>
        %div3A_2191 = arith.divf %add3A_2190, %add3A_2189 : vector<16xf32>
        %mul3A_2192 = arith.constant 16 : i32
        %mul3A_2193 = arith.muli %scan3A_2055, %mul3A_2192 : i32
        %swap3A_2194 = arith.constant 1 : i32
        %swap3A_2195 = arith.index_cast %swap3A_2194 : i32 to index
        %swap3A_2196 = arith.index_cast %mul3A_2193 : i32 to index
        %swap3A_2197 = tpu.vector_load %arg9[%swap3A_2195, %swap3A_2196] {strides = array<i32>} : memref<2x2048xf32, #tpu.memory_space<vmem>>, vector<16xf32>,
        tpu.vector_store %arg9[%swap3A_2195, %swap3A_2196], %div3A_2191 {strides = array<i32>} : memref<2x2048xf32, #tpu.memory_space<vmem>>, vector<16xf32>,
        %scan3A_2198 = arith.constant 2 : i32
        %scan3A_2199 = arith.addi %scan3A_1915, %scan3A_2198 : i32
        %mul3A_2200 = arith.constant 16 : i32
        %mul3A_2201 = arith.muli %scan3A_2199, %mul3A_2200 : i32
        %add3A_2202 = vector.broadcast %mul3A_2201 : i32 to vector<16xi32>
        %add3A_2203 = arith.addi %iota3A, %add3A_2202 : vector<16xi32>
        %broadcast_in_dim3A_2204 = arith.constant 0 : i32
        %broadcast_in_dim3A_2205 = vector.broadcast %broadcast_in_dim3A_2204 : i32 to vector<16xi32>
        %broadcast_in_dim3A_2206 = arith.constant 1 : i32
        %broadcast_in_dim3A_2207 = vector.broadcast %broadcast_in_dim3A_2206 : i32 to vector<16xi32>
        %broadcast_in_dim3A_2208 = arith.constant 2 : i32
        %broadcast_in_dim3A_2209 = vector.broadcast %broadcast_in_dim3A_2208 : i32 to vector<16xi32>
        %broadcast_in_dim3A_2210 = arith.constant 3 : i32
        %broadcast_in_dim3A_2211 = vector.broadcast %broadcast_in_dim3A_2210 : i32 to vector<16xi32>
        %gather3A_2212 = arith.constant 0 : i32
        %gather3A_2213 = arith.constant 0 : i32
        %gather3A_2214 = tpu.memref_slice %arg7[%scan3A_1343, %gather3A_2212, %gather3A_2213] : memref<2x2048x8xf32, #tpu.memory_space<vmem>> -> memref<1x2048x8xf32, #tpu.memory_space<vmem>>
        %gather3A_2215 = tpu.memref_squeeze %gather3A_2214 : memref<1x2048x8xf32, #tpu.memory_space<vmem>> -> memref<2048x8xf32, #tpu.memory_space<vmem>>
        %gather3A_2216 = tpu.vector_load_idx %gather3A_2215[%add3A_2203, %broadcast_in_dim3A_2205] : memref<2048x8xf32, #tpu.memory_space<vmem>>[vector<16xi32>, vector<16xi32>], vector<16xf32>,
        %gather3A_2217 = arith.constant 0 : i32
        %gather3A_2218 = arith.constant 0 : i32
        %gather3A_2219 = tpu.memref_slice %arg7[%scan3A_1343, %gather3A_2217, %gather3A_2218] : memref<2x2048x8xf32, #tpu.memory_space<vmem>> -> memref<1x2048x8xf32, #tpu.memory_space<vmem>>
        %gather3A_2220 = tpu.memref_squeeze %gather3A_2219 : memref<1x2048x8xf32, #tpu.memory_space<vmem>> -> memref<2048x8xf32, #tpu.memory_space<vmem>>
        %gather3A_2221 = tpu.vector_load_idx %gather3A_2220[%add3A_2203, %broadcast_in_dim3A_2207] : memref<2048x8xf32, #tpu.memory_space<vmem>>[vector<16xi32>, vector<16xi32>], vector<16xf32>,
        %gather3A_2222 = arith.constant 0 : i32
        %gather3A_2223 = arith.constant 0 : i32
        %gather3A_2224 = tpu.memref_slice %arg7[%scan3A_1343, %gather3A_2222, %gather3A_2223] : memref<2x2048x8xf32, #tpu.memory_space<vmem>> -> memref<1x2048x8xf32, #tpu.memory_space<vmem>>
        %gather3A_2225 = tpu.memref_squeeze %gather3A_2224 : memref<1x2048x8xf32, #tpu.memory_space<vmem>> -> memref<2048x8xf32, #tpu.memory_space<vmem>>
        %gather3A_2226 = tpu.vector_load_idx %gather3A_2225[%add3A_2203, %broadcast_in_dim3A_2209] : memref<2048x8xf32, #tpu.memory_space<vmem>>[vector<16xi32>, vector<16xi32>], vector<16xf32>,
        %gather3A_2227 = arith.constant 0 : i32
        %gather3A_2228 = arith.constant 0 : i32
        %gather3A_2229 = tpu.memref_slice %arg7[%scan3A_1343, %gather3A_2227, %gather3A_2228] : memref<2x2048x8xf32, #tpu.memory_space<vmem>> -> memref<1x2048x8xf32, #tpu.memory_space<vmem>>
        %gather3A_2230 = tpu.memref_squeeze %gather3A_2229 : memref<1x2048x8xf32, #tpu.memory_space<vmem>> -> memref<2048x8xf32, #tpu.memory_space<vmem>>
        %gather3A_2231 = tpu.vector_load_idx %gather3A_2230[%add3A_2203, %broadcast_in_dim3A_2211] : memref<2048x8xf32, #tpu.memory_space<vmem>>[vector<16xi32>, vector<16xi32>], vector<16xf32>,
        %gather3A_2232 = arith.constant 0 : i32
        %gather3A_2233 = arith.constant 0 : i32
        %gather3A_2234 = tpu.memref_slice %arg8[%scan3A_1344, %gather3A_2232, %gather3A_2233] : memref<2x2048x8xf32, #tpu.memory_space<vmem>> -> memref<1x2048x8xf32, #tpu.memory_space<vmem>>
        %gather3A_2235 = tpu.memref_squeeze %gather3A_2234 : memref<1x2048x8xf32, #tpu.memory_space<vmem>> -> memref<2048x8xf32, #tpu.memory_space<vmem>>
        %gather3A_2236 = tpu.vector_load_idx %gather3A_2235[%add3A_2203, %broadcast_in_dim3A_2205] : memref<2048x8xf32, #tpu.memory_space<vmem>>[vector<16xi32>, vector<16xi32>], vector<16xf32>,
        %gather3A_2237 = arith.constant 0 : i32
        %gather3A_2238 = arith.constant 0 : i32
        %gather3A_2239 = tpu.memref_slice %arg8[%scan3A_1344, %gather3A_2237, %gather3A_2238] : memref<2x2048x8xf32, #tpu.memory_space<vmem>> -> memref<1x2048x8xf32, #tpu.memory_space<vmem>>
        %gather3A_2240 = tpu.memref_squeeze %gather3A_2239 : memref<1x2048x8xf32, #tpu.memory_space<vmem>> -> memref<2048x8xf32, #tpu.memory_space<vmem>>
        %gather3A_2241 = tpu.vector_load_idx %gather3A_2240[%add3A_2203, %broadcast_in_dim3A_2207] : memref<2048x8xf32, #tpu.memory_space<vmem>>[vector<16xi32>, vector<16xi32>], vector<16xf32>,
        %gather3A_2242 = arith.constant 0 : i32
        %gather3A_2243 = arith.constant 0 : i32
        %gather3A_2244 = tpu.memref_slice %arg8[%scan3A_1344, %gather3A_2242, %gather3A_2243] : memref<2x2048x8xf32, #tpu.memory_space<vmem>> -> memref<1x2048x8xf32, #tpu.memory_space<vmem>>
        %gather3A_2245 = tpu.memref_squeeze %gather3A_2244 : memref<1x2048x8xf32, #tpu.memory_space<vmem>> -> memref<2048x8xf32, #tpu.memory_space<vmem>>
        %gather3A_2246 = tpu.vector_load_idx %gather3A_2245[%add3A_2203, %broadcast_in_dim3A_2209] : memref<2048x8xf32, #tpu.memory_space<vmem>>[vector<16xi32>, vector<16xi32>], vector<16xf32>,
        %gather3A_2247 = arith.constant 0 : i32
        %gather3A_2248 = arith.constant 0 : i32
        %gather3A_2249 = tpu.memref_slice %arg8[%scan3A_1344, %gather3A_2247, %gather3A_2248] : memref<2x2048x8xf32, #tpu.memory_space<vmem>> -> memref<1x2048x8xf32, #tpu.memory_space<vmem>>
        %gather3A_2250 = tpu.memref_squeeze %gather3A_2249 : memref<1x2048x8xf32, #tpu.memory_space<vmem>> -> memref<2048x8xf32, #tpu.memory_space<vmem>>
        %gather3A_2251 = tpu.vector_load_idx %gather3A_2250[%add3A_2203, %broadcast_in_dim3A_2211] : memref<2048x8xf32, #tpu.memory_space<vmem>>[vector<16xi32>, vector<16xi32>], vector<16xf32>,
        %mul3A_2252 = arith.mulf %gather3A_2216, %gather3A_2246 : vector<16xf32>
        %mul3A_2253 = arith.mulf %gather3A_2226, %gather3A_2236 : vector<16xf32>
        %add3A_2254 = arith.addf %mul3A_2252, %mul3A_2253 : vector<16xf32>
        %mul3A_2255 = arith.mulf %gather3A_2221, %gather3A_2241 : vector<16xf32>
        %mul3A_2256 = arith.constant 2.100000e+00 : f32
        %mul3A_2257 = vector.broadcast %mul3A_2256 : f32 to vector<16xf32>
        %mul3A_2258 = arith.mulf %mul3A_2257, %mul3A_2255 : vector<16xf32>
        %add3A_2259 = arith.addf %add3A_2254, %mul3A_2258 : vector<16xf32>
        %mul3A_2260 = arith.mulf %gather3A_2231, %gather3A_2251 : vector<16xf32>
        %mul3A_2261 = arith.mulf %add3A_2259, %mul3A_2260 : vector<16xf32>
        %mul3A_2262 = arith.mulf %gather3A_2216, %gather3A_2251 : vector<16xf32>
        %mul3A_2263 = arith.mulf %gather3A_2236, %gather3A_2231 : vector<16xf32>
        %add3A_2264 = arith.addf %mul3A_2262, %mul3A_2263 : vector<16xf32>
        %add3A_2265 = arith.addf %mul3A_2261, %mul3A_2261 : vector<16xf32>
        %div3A_2266 = arith.divf %add3A_2265, %add3A_2264 : vector<16xf32>
        %mul3A_2267 = arith.constant 16 : i32
        %mul3A_2268 = arith.muli %scan3A_2199, %mul3A_2267 : i32
        %swap3A_2269 = arith.constant 0 : i32
        %swap3A_2270 = arith.index_cast %swap3A_2269 : i32 to index
        %swap3A_2271 = arith.index_cast %mul3A_2268 : i32 to index
        %swap3A_2272 = tpu.vector_load %arg9[%swap3A_2270, %swap3A_2271] {strides = array<i32>} : memref<2x2048xf32, #tpu.memory_space<vmem>>, vector<16xf32>,
        tpu.vector_store %arg9[%swap3A_2270, %swap3A_2271], %div3A_2266 {strides = array<i32>} : memref<2x2048xf32, #tpu.memory_space<vmem>>, vector<16xf32>,
        %broadcast_in_dim3A_2273 = arith.constant 4 : i32
        %broadcast_in_dim3A_2274 = vector.broadcast %broadcast_in_dim3A_2273 : i32 to vector<16xi32>
        %broadcast_in_dim3A_2275 = arith.constant 5 : i32
        %broadcast_in_dim3A_2276 = vector.broadcast %broadcast_in_dim3A_2275 : i32 to vector<16xi32>
        %broadcast_in_dim3A_2277 = arith.constant 6 : i32
        %broadcast_in_dim3A_2278 = vector.broadcast %broadcast_in_dim3A_2277 : i32 to vector<16xi32>
        %broadcast_in_dim3A_2279 = arith.constant 7 : i32
        %broadcast_in_dim3A_2280 = vector.broadcast %broadcast_in_dim3A_2279 : i32 to vector<16xi32>
        %gather3A_2281 = arith.constant 0 : i32
        %gather3A_2282 = arith.constant 0 : i32
        %gather3A_2283 = tpu.memref_slice %arg7[%scan3A_1343, %gather3A_2281, %gather3A_2282] : memref<2x2048x8xf32, #tpu.memory_space<vmem>> -> memref<1x2048x8xf32, #tpu.memory_space<vmem>>
        %gather3A_2284 = tpu.memref_squeeze %gather3A_2283 : memref<1x2048x8xf32, #tpu.memory_space<vmem>> -> memref<2048x8xf32, #tpu.memory_space<vmem>>
        %gather3A_2285 = tpu.vector_load_idx %gather3A_2284[%add3A_2203, %broadcast_in_dim3A_2274] : memref<2048x8xf32, #tpu.memory_space<vmem>>[vector<16xi32>, vector<16xi32>], vector<16xf32>,
        %gather3A_2286 = arith.constant 0 : i32
        %gather3A_2287 = arith.constant 0 : i32
        %gather3A_2288 = tpu.memref_slice %arg7[%scan3A_1343, %gather3A_2286, %gather3A_2287] : memref<2x2048x8xf32, #tpu.memory_space<vmem>> -> memref<1x2048x8xf32, #tpu.memory_space<vmem>>
        %gather3A_2289 = tpu.memref_squeeze %gather3A_2288 : memref<1x2048x8xf32, #tpu.memory_space<vmem>> -> memref<2048x8xf32, #tpu.memory_space<vmem>>
        %gather3A_2290 = tpu.vector_load_idx %gather3A_2289[%add3A_2203, %broadcast_in_dim3A_2276] : memref<2048x8xf32, #tpu.memory_space<vmem>>[vector<16xi32>, vector<16xi32>], vector<16xf32>,
        %gather3A_2291 = arith.constant 0 : i32
        %gather3A_2292 = arith.constant 0 : i32
        %gather3A_2293 = tpu.memref_slice %arg7[%scan3A_1343, %gather3A_2291, %gather3A_2292] : memref<2x2048x8xf32, #tpu.memory_space<vmem>> -> memref<1x2048x8xf32, #tpu.memory_space<vmem>>
        %gather3A_2294 = tpu.memref_squeeze %gather3A_2293 : memref<1x2048x8xf32, #tpu.memory_space<vmem>> -> memref<2048x8xf32, #tpu.memory_space<vmem>>
        %gather3A_2295 = tpu.vector_load_idx %gather3A_2294[%add3A_2203, %broadcast_in_dim3A_2278] : memref<2048x8xf32, #tpu.memory_space<vmem>>[vector<16xi32>, vector<16xi32>], vector<16xf32>,
        %gather3A_2296 = arith.constant 0 : i32
        %gather3A_2297 = arith.constant 0 : i32
        %gather3A_2298 = tpu.memref_slice %arg7[%scan3A_1343, %gather3A_2296, %gather3A_2297] : memref<2x2048x8xf32, #tpu.memory_space<vmem>> -> memref<1x2048x8xf32, #tpu.memory_space<vmem>>
        %gather3A_2299 = tpu.memref_squeeze %gather3A_2298 : memref<1x2048x8xf32, #tpu.memory_space<vmem>> -> memref<2048x8xf32, #tpu.memory_space<vmem>>
        %gather3A_2300 = tpu.vector_load_idx %gather3A_2299[%add3A_2203, %broadcast_in_dim3A_2280] : memref<2048x8xf32, #tpu.memory_space<vmem>>[vector<16xi32>, vector<16xi32>], vector<16xf32>,
        %gather3A_2301 = arith.constant 0 : i32
        %gather3A_2302 = arith.constant 0 : i32
        %gather3A_2303 = tpu.memref_slice %arg8[%scan3A_1344, %gather3A_2301, %gather3A_2302] : memref<2x2048x8xf32, #tpu.memory_space<vmem>> -> memref<1x2048x8xf32, #tpu.memory_space<vmem>>
        %gather3A_2304 = tpu.memref_squeeze %gather3A_2303 : memref<1x2048x8xf32, #tpu.memory_space<vmem>> -> memref<2048x8xf32, #tpu.memory_space<vmem>>
        %gather3A_2305 = tpu.vector_load_idx %gather3A_2304[%add3A_2203, %broadcast_in_dim3A_2274] : memref<2048x8xf32, #tpu.memory_space<vmem>>[vector<16xi32>, vector<16xi32>], vector<16xf32>,
        %gather3A_2306 = arith.constant 0 : i32
        %gather3A_2307 = arith.constant 0 : i32
        %gather3A_2308 = tpu.memref_slice %arg8[%scan3A_1344, %gather3A_2306, %gather3A_2307] : memref<2x2048x8xf32, #tpu.memory_space<vmem>> -> memref<1x2048x8xf32, #tpu.memory_space<vmem>>
        %gather3A_2309 = tpu.memref_squeeze %gather3A_2308 : memref<1x2048x8xf32, #tpu.memory_space<vmem>> -> memref<2048x8xf32, #tpu.memory_space<vmem>>
        %gather3A_2310 = tpu.vector_load_idx %gather3A_2309[%add3A_2203, %broadcast_in_dim3A_2276] : memref<2048x8xf32, #tpu.memory_space<vmem>>[vector<16xi32>, vector<16xi32>], vector<16xf32>,
        %gather3A_2311 = arith.constant 0 : i32
        %gather3A_2312 = arith.constant 0 : i32
        %gather3A_2313 = tpu.memref_slice %arg8[%scan3A_1344, %gather3A_2311, %gather3A_2312] : memref<2x2048x8xf32, #tpu.memory_space<vmem>> -> memref<1x2048x8xf32, #tpu.memory_space<vmem>>
        %gather3A_2314 = tpu.memref_squeeze %gather3A_2313 : memref<1x2048x8xf32, #tpu.memory_space<vmem>> -> memref<2048x8xf32, #tpu.memory_space<vmem>>
        %gather3A_2315 = tpu.vector_load_idx %gather3A_2314[%add3A_2203, %broadcast_in_dim3A_2278] : memref<2048x8xf32, #tpu.memory_space<vmem>>[vector<16xi32>, vector<16xi32>], vector<16xf32>,
        %gather3A_2316 = arith.constant 0 : i32
        %gather3A_2317 = arith.constant 0 : i32
        %gather3A_2318 = tpu.memref_slice %arg8[%scan3A_1344, %gather3A_2316, %gather3A_2317] : memref<2x2048x8xf32, #tpu.memory_space<vmem>> -> memref<1x2048x8xf32, #tpu.memory_space<vmem>>
        %gather3A_2319 = tpu.memref_squeeze %gather3A_2318 : memref<1x2048x8xf32, #tpu.memory_space<vmem>> -> memref<2048x8xf32, #tpu.memory_space<vmem>>
        %gather3A_2320 = tpu.vector_load_idx %gather3A_2319[%add3A_2203, %broadcast_in_dim3A_2280] : memref<2048x8xf32, #tpu.memory_space<vmem>>[vector<16xi32>, vector<16xi32>], vector<16xf32>,
        %mul3A_2321 = arith.mulf %gather3A_2285, %gather3A_2315 : vector<16xf32>
        %mul3A_2322 = arith.mulf %gather3A_2295, %gather3A_2305 : vector<16xf32>
        %add3A_2323 = arith.addf %mul3A_2321, %mul3A_2322 : vector<16xf32>
        %mul3A_2324 = arith.mulf %gather3A_2290, %gather3A_2310 : vector<16xf32>
        %mul3A_2325 = arith.constant 2.100000e+00 : f32
        %mul3A_2326 = vector.broadcast %mul3A_2325 : f32 to vector<16xf32>
        %mul3A_2327 = arith.mulf %mul3A_2326, %mul3A_2324 : vector<16xf32>
        %add3A_2328 = arith.addf %add3A_2323, %mul3A_2327 : vector<16xf32>
        %mul3A_2329 = arith.mulf %gather3A_2300, %gather3A_2320 : vector<16xf32>
        %mul3A_2330 = arith.mulf %add3A_2328, %mul3A_2329 : vector<16xf32>
        %mul3A_2331 = arith.mulf %gather3A_2285, %gather3A_2320 : vector<16xf32>
        %mul3A_2332 = arith.mulf %gather3A_2305, %gather3A_2300 : vector<16xf32>
        %add3A_2333 = arith.addf %mul3A_2331, %mul3A_2332 : vector<16xf32>
        %add3A_2334 = arith.addf %mul3A_2330, %mul3A_2330 : vector<16xf32>
        %div3A_2335 = arith.divf %add3A_2334, %add3A_2333 : vector<16xf32>
        %mul3A_2336 = arith.constant 16 : i32
        %mul3A_2337 = arith.muli %scan3A_2199, %mul3A_2336 : i32
        %swap3A_2338 = arith.constant 1 : i32
        %swap3A_2339 = arith.index_cast %swap3A_2338 : i32 to index
        %swap3A_2340 = arith.index_cast %mul3A_2337 : i32 to index
        %swap3A_2341 = tpu.vector_load %arg9[%swap3A_2339, %swap3A_2340] {strides = array<i32>} : memref<2x2048xf32, #tpu.memory_space<vmem>>, vector<16xf32>,
        tpu.vector_store %arg9[%swap3A_2339, %swap3A_2340], %div3A_2335 {strides = array<i32>} : memref<2x2048xf32, #tpu.memory_space<vmem>>, vector<16xf32>,
        %scan3A_2342 = arith.constant 3 : i32
        %scan3A_2343 = arith.addi %scan3A_1915, %scan3A_2342 : i32
        %mul3A_2344 = arith.constant 16 : i32
        %mul3A_2345 = arith.muli %scan3A_2343, %mul3A_2344 : i32
        %add3A_2346 = vector.broadcast %mul3A_2345 : i32 to vector<16xi32>
        %add3A_2347 = arith.addi %iota3A, %add3A_2346 : vector<16xi32>
        %broadcast_in_dim3A_2348 = arith.constant 0 : i32
        %broadcast_in_dim3A_2349 = vector.broadcast %broadcast_in_dim3A_2348 : i32 to vector<16xi32>
        %broadcast_in_dim3A_2350 = arith.constant 1 : i32
        %broadcast_in_dim3A_2351 = vector.broadcast %broadcast_in_dim3A_2350 : i32 to vector<16xi32>
        %broadcast_in_dim3A_2352 = arith.constant 2 : i32
        %broadcast_in_dim3A_2353 = vector.broadcast %broadcast_in_dim3A_2352 : i32 to vector<16xi32>
        %broadcast_in_dim3A_2354 = arith.constant 3 : i32
        %broadcast_in_dim3A_2355 = vector.broadcast %broadcast_in_dim3A_2354 : i32 to vector<16xi32>
        %gather3A_2356 = arith.constant 0 : i32
        %gather3A_2357 = arith.constant 0 : i32
        %gather3A_2358 = tpu.memref_slice %arg7[%scan3A_1343, %gather3A_2356, %gather3A_2357] : memref<2x2048x8xf32, #tpu.memory_space<vmem>> -> memref<1x2048x8xf32, #tpu.memory_space<vmem>>
        %gather3A_2359 = tpu.memref_squeeze %gather3A_2358 : memref<1x2048x8xf32, #tpu.memory_space<vmem>> -> memref<2048x8xf32, #tpu.memory_space<vmem>>
        %gather3A_2360 = tpu.vector_load_idx %gather3A_2359[%add3A_2347, %broadcast_in_dim3A_2349] : memref<2048x8xf32, #tpu.memory_space<vmem>>[vector<16xi32>, vector<16xi32>], vector<16xf32>,
        %gather3A_2361 = arith.constant 0 : i32
        %gather3A_2362 = arith.constant 0 : i32
        %gather3A_2363 = tpu.memref_slice %arg7[%scan3A_1343, %gather3A_2361, %gather3A_2362] : memref<2x2048x8xf32, #tpu.memory_space<vmem>> -> memref<1x2048x8xf32, #tpu.memory_space<vmem>>
        %gather3A_2364 = tpu.memref_squeeze %gather3A_2363 : memref<1x2048x8xf32, #tpu.memory_space<vmem>> -> memref<2048x8xf32, #tpu.memory_space<vmem>>
        %gather3A_2365 = tpu.vector_load_idx %gather3A_2364[%add3A_2347, %broadcast_in_dim3A_2351] : memref<2048x8xf32, #tpu.memory_space<vmem>>[vector<16xi32>, vector<16xi32>], vector<16xf32>,
        %gather3A_2366 = arith.constant 0 : i32
        %gather3A_2367 = arith.constant 0 : i32
        %gather3A_2368 = tpu.memref_slice %arg7[%scan3A_1343, %gather3A_2366, %gather3A_2367] : memref<2x2048x8xf32, #tpu.memory_space<vmem>> -> memref<1x2048x8xf32, #tpu.memory_space<vmem>>
        %gather3A_2369 = tpu.memref_squeeze %gather3A_2368 : memref<1x2048x8xf32, #tpu.memory_space<vmem>> -> memref<2048x8xf32, #tpu.memory_space<vmem>>
        %gather3A_2370 = tpu.vector_load_idx %gather3A_2369[%add3A_2347, %broadcast_in_dim3A_2353] : memref<2048x8xf32, #tpu.memory_space<vmem>>[vector<16xi32>, vector<16xi32>], vector<16xf32>,
        %gather3A_2371 = arith.constant 0 : i32
        %gather3A_2372 = arith.constant 0 : i32
        %gather3A_2373 = tpu.memref_slice %arg7[%scan3A_1343, %gather3A_2371, %gather3A_2372] : memref<2x2048x8xf32, #tpu.memory_space<vmem>> -> memref<1x2048x8xf32, #tpu.memory_space<vmem>>
        %gather3A_2374 = tpu.memref_squeeze %gather3A_2373 : memref<1x2048x8xf32, #tpu.memory_space<vmem>> -> memref<2048x8xf32, #tpu.memory_space<vmem>>
        %gather3A_2375 = tpu.vector_load_idx %gather3A_2374[%add3A_2347, %broadcast_in_dim3A_2355] : memref<2048x8xf32, #tpu.memory_space<vmem>>[vector<16xi32>, vector<16xi32>], vector<16xf32>,
        %gather3A_2376 = arith.constant 0 : i32
        %gather3A_2377 = arith.constant 0 : i32
        %gather3A_2378 = tpu.memref_slice %arg8[%scan3A_1344, %gather3A_2376, %gather3A_2377] : memref<2x2048x8xf32, #tpu.memory_space<vmem>> -> memref<1x2048x8xf32, #tpu.memory_space<vmem>>
        %gather3A_2379 = tpu.memref_squeeze %gather3A_2378 : memref<1x2048x8xf32, #tpu.memory_space<vmem>> -> memref<2048x8xf32, #tpu.memory_space<vmem>>
        %gather3A_2380 = tpu.vector_load_idx %gather3A_2379[%add3A_2347, %broadcast_in_dim3A_2349] : memref<2048x8xf32, #tpu.memory_space<vmem>>[vector<16xi32>, vector<16xi32>], vector<16xf32>,
        %gather3A_2381 = arith.constant 0 : i32
        %gather3A_2382 = arith.constant 0 : i32
        %gather3A_2383 = tpu.memref_slice %arg8[%scan3A_1344, %gather3A_2381, %gather3A_2382] : memref<2x2048x8xf32, #tpu.memory_space<vmem>> -> memref<1x2048x8xf32, #tpu.memory_space<vmem>>
        %gather3A_2384 = tpu.memref_squeeze %gather3A_2383 : memref<1x2048x8xf32, #tpu.memory_space<vmem>> -> memref<2048x8xf32, #tpu.memory_space<vmem>>
        %gather3A_2385 = tpu.vector_load_idx %gather3A_2384[%add3A_2347, %broadcast_in_dim3A_2351] : memref<2048x8xf32, #tpu.memory_space<vmem>>[vector<16xi32>, vector<16xi32>], vector<16xf32>,
        %gather3A_2386 = arith.constant 0 : i32
        %gather3A_2387 = arith.constant 0 : i32
        %gather3A_2388 = tpu.memref_slice %arg8[%scan3A_1344, %gather3A_2386, %gather3A_2387] : memref<2x2048x8xf32, #tpu.memory_space<vmem>> -> memref<1x2048x8xf32, #tpu.memory_space<vmem>>
        %gather3A_2389 = tpu.memref_squeeze %gather3A_2388 : memref<1x2048x8xf32, #tpu.memory_space<vmem>> -> memref<2048x8xf32, #tpu.memory_space<vmem>>
        %gather3A_2390 = tpu.vector_load_idx %gather3A_2389[%add3A_2347, %broadcast_in_dim3A_2353] : memref<2048x8xf32, #tpu.memory_space<vmem>>[vector<16xi32>, vector<16xi32>], vector<16xf32>,
        %gather3A_2391 = arith.constant 0 : i32
        %gather3A_2392 = arith.constant 0 : i32
        %gather3A_2393 = tpu.memref_slice %arg8[%scan3A_1344, %gather3A_2391, %gather3A_2392] : memref<2x2048x8xf32, #tpu.memory_space<vmem>> -> memref<1x2048x8xf32, #tpu.memory_space<vmem>>
        %gather3A_2394 = tpu.memref_squeeze %gather3A_2393 : memref<1x2048x8xf32, #tpu.memory_space<vmem>> -> memref<2048x8xf32, #tpu.memory_space<vmem>>
        %gather3A_2395 = tpu.vector_load_idx %gather3A_2394[%add3A_2347, %broadcast_in_dim3A_2355] : memref<2048x8xf32, #tpu.memory_space<vmem>>[vector<16xi32>, vector<16xi32>], vector<16xf32>,
        %mul3A_2396 = arith.mulf %gather3A_2360, %gather3A_2390 : vector<16xf32>
        %mul3A_2397 = arith.mulf %gather3A_2370, %gather3A_2380 : vector<16xf32>
        %add3A_2398 = arith.addf %mul3A_2396, %mul3A_2397 : vector<16xf32>
        %mul3A_2399 = arith.mulf %gather3A_2365, %gather3A_2385 : vector<16xf32>
        %mul3A_2400 = arith.constant 2.100000e+00 : f32
        %mul3A_2401 = vector.broadcast %mul3A_2400 : f32 to vector<16xf32>
        %mul3A_2402 = arith.mulf %mul3A_2401, %mul3A_2399 : vector<16xf32>
        %add3A_2403 = arith.addf %add3A_2398, %mul3A_2402 : vector<16xf32>
        %mul3A_2404 = arith.mulf %gather3A_2375, %gather3A_2395 : vector<16xf32>
        %mul3A_2405 = arith.mulf %add3A_2403, %mul3A_2404 : vector<16xf32>
        %mul3A_2406 = arith.mulf %gather3A_2360, %gather3A_2395 : vector<16xf32>
        %mul3A_2407 = arith.mulf %gather3A_2380, %gather3A_2375 : vector<16xf32>
        %add3A_2408 = arith.addf %mul3A_2406, %mul3A_2407 : vector<16xf32>
        %add3A_2409 = arith.addf %mul3A_2405, %mul3A_2405 : vector<16xf32>
        %div3A_2410 = arith.divf %add3A_2409, %add3A_2408 : vector<16xf32>
        %mul3A_2411 = arith.constant 16 : i32
        %mul3A_2412 = arith.muli %scan3A_2343, %mul3A_2411 : i32
        %swap3A_2413 = arith.constant 0 : i32
        %swap3A_2414 = arith.index_cast %swap3A_2413 : i32 to index
        %swap3A_2415 = arith.index_cast %mul3A_2412 : i32 to index
        %swap3A_2416 = tpu.vector_load %arg9[%swap3A_2414, %swap3A_2415] {strides = array<i32>} : memref<2x2048xf32, #tpu.memory_space<vmem>>, vector<16xf32>,
        tpu.vector_store %arg9[%swap3A_2414, %swap3A_2415], %div3A_2410 {strides = array<i32>} : memref<2x2048xf32, #tpu.memory_space<vmem>>, vector<16xf32>,
        %broadcast_in_dim3A_2417 = arith.constant 4 : i32
        %broadcast_in_dim3A_2418 = vector.broadcast %broadcast_in_dim3A_2417 : i32 to vector<16xi32>
        %broadcast_in_dim3A_2419 = arith.constant 5 : i32
        %broadcast_in_dim3A_2420 = vector.broadcast %broadcast_in_dim3A_2419 : i32 to vector<16xi32>
        %broadcast_in_dim3A_2421 = arith.constant 6 : i32
        %broadcast_in_dim3A_2422 = vector.broadcast %broadcast_in_dim3A_2421 : i32 to vector<16xi32>
        %broadcast_in_dim3A_2423 = arith.constant 7 : i32
        %broadcast_in_dim3A_2424 = vector.broadcast %broadcast_in_dim3A_2423 : i32 to vector<16xi32>
        %gather3A_2425 = arith.constant 0 : i32
        %gather3A_2426 = arith.constant 0 : i32
        %gather3A_2427 = tpu.memref_slice %arg7[%scan3A_1343, %gather3A_2425, %gather3A_2426] : memref<2x2048x8xf32, #tpu.memory_space<vmem>> -> memref<1x2048x8xf32, #tpu.memory_space<vmem>>
        %gather3A_2428 = tpu.memref_squeeze %gather3A_2427 : memref<1x2048x8xf32, #tpu.memory_space<vmem>> -> memref<2048x8xf32, #tpu.memory_space<vmem>>
        %gather3A_2429 = tpu.vector_load_idx %gather3A_2428[%add3A_2347, %broadcast_in_dim3A_2418] : memref<2048x8xf32, #tpu.memory_space<vmem>>[vector<16xi32>, vector<16xi32>], vector<16xf32>,
        %gather3A_2430 = arith.constant 0 : i32
        %gather3A_2431 = arith.constant 0 : i32
        %gather3A_2432 = tpu.memref_slice %arg7[%scan3A_1343, %gather3A_2430, %gather3A_2431] : memref<2x2048x8xf32, #tpu.memory_space<vmem>> -> memref<1x2048x8xf32, #tpu.memory_space<vmem>>
        %gather3A_2433 = tpu.memref_squeeze %gather3A_2432 : memref<1x2048x8xf32, #tpu.memory_space<vmem>> -> memref<2048x8xf32, #tpu.memory_space<vmem>>
        %gather3A_2434 = tpu.vector_load_idx %gather3A_2433[%add3A_2347, %broadcast_in_dim3A_2420] : memref<2048x8xf32, #tpu.memory_space<vmem>>[vector<16xi32>, vector<16xi32>], vector<16xf32>,
        %gather3A_2435 = arith.constant 0 : i32
        %gather3A_2436 = arith.constant 0 : i32
        %gather3A_2437 = tpu.memref_slice %arg7[%scan3A_1343, %gather3A_2435, %gather3A_2436] : memref<2x2048x8xf32, #tpu.memory_space<vmem>> -> memref<1x2048x8xf32, #tpu.memory_space<vmem>>
        %gather3A_2438 = tpu.memref_squeeze %gather3A_2437 : memref<1x2048x8xf32, #tpu.memory_space<vmem>> -> memref<2048x8xf32, #tpu.memory_space<vmem>>
        %gather3A_2439 = tpu.vector_load_idx %gather3A_2438[%add3A_2347, %broadcast_in_dim3A_2422] : memref<2048x8xf32, #tpu.memory_space<vmem>>[vector<16xi32>, vector<16xi32>], vector<16xf32>,
        %gather3A_2440 = arith.constant 0 : i32
        %gather3A_2441 = arith.constant 0 : i32
        %gather3A_2442 = tpu.memref_slice %arg7[%scan3A_1343, %gather3A_2440, %gather3A_2441] : memref<2x2048x8xf32, #tpu.memory_space<vmem>> -> memref<1x2048x8xf32, #tpu.memory_space<vmem>>
        %gather3A_2443 = tpu.memref_squeeze %gather3A_2442 : memref<1x2048x8xf32, #tpu.memory_space<vmem>> -> memref<2048x8xf32, #tpu.memory_space<vmem>>
        %gather3A_2444 = tpu.vector_load_idx %gather3A_2443[%add3A_2347, %broadcast_in_dim3A_2424] : memref<2048x8xf32, #tpu.memory_space<vmem>>[vector<16xi32>, vector<16xi32>], vector<16xf32>,
        %gather3A_2445 = arith.constant 0 : i32
        %gather3A_2446 = arith.constant 0 : i32
        %gather3A_2447 = tpu.memref_slice %arg8[%scan3A_1344, %gather3A_2445, %gather3A_2446] : memref<2x2048x8xf32, #tpu.memory_space<vmem>> -> memref<1x2048x8xf32, #tpu.memory_space<vmem>>
        %gather3A_2448 = tpu.memref_squeeze %gather3A_2447 : memref<1x2048x8xf32, #tpu.memory_space<vmem>> -> memref<2048x8xf32, #tpu.memory_space<vmem>>
        %gather3A_2449 = tpu.vector_load_idx %gather3A_2448[%add3A_2347, %broadcast_in_dim3A_2418] : memref<2048x8xf32, #tpu.memory_space<vmem>>[vector<16xi32>, vector<16xi32>], vector<16xf32>,
        %gather3A_2450 = arith.constant 0 : i32
        %gather3A_2451 = arith.constant 0 : i32
        %gather3A_2452 = tpu.memref_slice %arg8[%scan3A_1344, %gather3A_2450, %gather3A_2451] : memref<2x2048x8xf32, #tpu.memory_space<vmem>> -> memref<1x2048x8xf32, #tpu.memory_space<vmem>>
        %gather3A_2453 = tpu.memref_squeeze %gather3A_2452 : memref<1x2048x8xf32, #tpu.memory_space<vmem>> -> memref<2048x8xf32, #tpu.memory_space<vmem>>
        %gather3A_2454 = tpu.vector_load_idx %gather3A_2453[%add3A_2347, %broadcast_in_dim3A_2420] : memref<2048x8xf32, #tpu.memory_space<vmem>>[vector<16xi32>, vector<16xi32>], vector<16xf32>,
        %gather3A_2455 = arith.constant 0 : i32
        %gather3A_2456 = arith.constant 0 : i32
        %gather3A_2457 = tpu.memref_slice %arg8[%scan3A_1344, %gather3A_2455, %gather3A_2456] : memref<2x2048x8xf32, #tpu.memory_space<vmem>> -> memref<1x2048x8xf32, #tpu.memory_space<vmem>>
        %gather3A_2458 = tpu.memref_squeeze %gather3A_2457 : memref<1x2048x8xf32, #tpu.memory_space<vmem>> -> memref<2048x8xf32, #tpu.memory_space<vmem>>
        %gather3A_2459 = tpu.vector_load_idx %gather3A_2458[%add3A_2347, %broadcast_in_dim3A_2422] : memref<2048x8xf32, #tpu.memory_space<vmem>>[vector<16xi32>, vector<16xi32>], vector<16xf32>,
        %gather3A_2460 = arith.constant 0 : i32
        %gather3A_2461 = arith.constant 0 : i32
        %gather3A_2462 = tpu.memref_slice %arg8[%scan3A_1344, %gather3A_2460, %gather3A_2461] : memref<2x2048x8xf32, #tpu.memory_space<vmem>> -> memref<1x2048x8xf32, #tpu.memory_space<vmem>>
        %gather3A_2463 = tpu.memref_squeeze %gather3A_2462 : memref<1x2048x8xf32, #tpu.memory_space<vmem>> -> memref<2048x8xf32, #tpu.memory_space<vmem>>
        %gather3A_2464 = tpu.vector_load_idx %gather3A_2463[%add3A_2347, %broadcast_in_dim3A_2424] : memref<2048x8xf32, #tpu.memory_space<vmem>>[vector<16xi32>, vector<16xi32>], vector<16xf32>,
        %mul3A_2465 = arith.mulf %gather3A_2429, %gather3A_2459 : vector<16xf32>
        %mul3A_2466 = arith.mulf %gather3A_2439, %gather3A_2449 : vector<16xf32>
        %add3A_2467 = arith.addf %mul3A_2465, %mul3A_2466 : vector<16xf32>
        %mul3A_2468 = arith.mulf %gather3A_2434, %gather3A_2454 : vector<16xf32>
        %mul3A_2469 = arith.constant 2.100000e+00 : f32
        %mul3A_2470 = vector.broadcast %mul3A_2469 : f32 to vector<16xf32>
        %mul3A_2471 = arith.mulf %mul3A_2470, %mul3A_2468 : vector<16xf32>
        %add3A_2472 = arith.addf %add3A_2467, %mul3A_2471 : vector<16xf32>
        %mul3A_2473 = arith.mulf %gather3A_2444, %gather3A_2464 : vector<16xf32>
        %mul3A_2474 = arith.mulf %add3A_2472, %mul3A_2473 : vector<16xf32>
        %mul3A_2475 = arith.mulf %gather3A_2429, %gather3A_2464 : vector<16xf32>
        %mul3A_2476 = arith.mulf %gather3A_2449, %gather3A_2444 : vector<16xf32>
        %add3A_2477 = arith.addf %mul3A_2475, %mul3A_2476 : vector<16xf32>
        %add3A_2478 = arith.addf %mul3A_2474, %mul3A_2474 : vector<16xf32>
        %div3A_2479 = arith.divf %add3A_2478, %add3A_2477 : vector<16xf32>
        %mul3A_2480 = arith.constant 16 : i32
        %mul3A_2481 = arith.muli %scan3A_2343, %mul3A_2480 : i32
        %swap3A_2482 = arith.constant 1 : i32
        %swap3A_2483 = arith.index_cast %swap3A_2482 : i32 to index
        %swap3A_2484 = arith.index_cast %mul3A_2481 : i32 to index
        %swap3A_2485 = tpu.vector_load %arg9[%swap3A_2483, %swap3A_2484] {strides = array<i32>} : memref<2x2048xf32, #tpu.memory_space<vmem>>, vector<16xf32>,
        tpu.vector_store %arg9[%swap3A_2483, %swap3A_2484], %div3A_2479 {strides = array<i32>} : memref<2x2048xf32, #tpu.memory_space<vmem>>, vector<16xf32>,
      }
      %scan3A_1349 = arith.constant 128 : i32
      %mul3A_1350 = arith.constant 2 : i32
      %mul3A_1351 = arith.muli %mul3A_1350, %arg0 : i32
      "tpu.region"() ({
        %run_scoped3A_1915 = tpu.sem_alloc : memref<!tpu.dma_semaphore, #tpu.memory_space<semaphore_mem>>
        %dma_start3A_1916 = tpu.memref_slice %arg4[%mul3A_1351, %add3A_798] : memref<4x6400000xf32, #tpu.memory_space<hbm>> -> memref<2x2048xf32, #tpu.memory_space<hbm>>
        %dma_start3A_1917 = tpu.memref_slice %arg4[%mul3A_1351, %add3A_798] : memref<4x6400000xf32, #tpu.memory_space<hbm>> -> memref<2x2048xf32, #tpu.memory_space<hbm>>
        tpu.enqueue_dma source(%arg9 : memref<2x2048xf32, #tpu.memory_space<vmem>>) target(%dma_start3A_1917 : memref<2x2048xf32, #tpu.memory_space<hbm>>) target_semaphore(%run_scoped3A_1915 : memref<!tpu.dma_semaphore, #tpu.memory_space<semaphore_mem>>)
        %dma_wait3A_1918 = tpu.memref_slice %arg4[%mul3A_1351, %add3A_798] : memref<4x6400000xf32, #tpu.memory_space<hbm>> -> memref<2x2048xf32, #tpu.memory_space<hbm>>
        %dma_wait3A_1919 = tpu.memref_slice %arg4[%mul3A_1351, %add3A_798] : memref<4x6400000xf32, #tpu.memory_space<hbm>> -> memref<2x2048xf32, #tpu.memory_space<hbm>>
        tpu.wait_dma2 semaphore(%run_scoped3A_1915 : memref<!tpu.dma_semaphore, #tpu.memory_space<semaphore_mem>>) src(%arg9 : memref<2x2048xf32, #tpu.memory_space<vmem>>) dst(%dma_wait3A_1919 : memref<2x2048xf32, #tpu.memory_space<hbm>>)
        tpu.yield
      }) : () -> ()
      %lt3A = arith.constant 97 : i32
      %lt3A_1352 = arith.cmpi slt, %scan3A_396, %lt3A : i32
      %convert_element_type3A = arith.extui %lt3A_1352 : i1 to i32
      %cond3A = arith.constant 0 : i32
      %cond3A_1353 = arith.cmpi ne, %convert_element_type3A, %cond3A : i32
      scf.if %cond3A_1353 {
        %add3A_1915 = arith.constant 2 : i32
        %add3A_1916 = arith.addi %mul3A_398, %add3A_1915 : i32
        %mul3A_1917 = arith.constant 2048 : i32
        %mul3A_1918 = arith.muli %add3A_1916, %mul3A_1917 : i32
        %min3A_1919 = arith.constant 397952 : i32
        %min3A_1920 = arith.minsi %mul3A_1918, %min3A_1919 : i32
        %add3A_1921 = arith.addi %mul3A_0, %min3A_1920 : i32
        %run_scoped3A_1922 = arith.constant 0 : i32
        %run_scoped3A_1923 = arith.constant 0 : i32
        "tpu.region"() ({
          %run_scoped3A_2310 = tpu.sem_alloc : memref<!tpu.dma_semaphore, #tpu.memory_space<semaphore_mem>>
          %dma_start3A_2311 = arith.constant 0 : i32
          %dma_start3A_2312 = tpu.memref_slice %arg5[%run_scoped3A_1923, %dma_start3A_2311] : memref<2x2048xi32, #tpu.memory_space<vmem>> -> memref<1x2048xi32, #tpu.memory_space<vmem>>
          %dma_start3A_2313 = tpu.memref_squeeze %dma_start3A_2312 : memref<1x2048xi32, #tpu.memory_space<vmem>> -> memref<2048xi32, #tpu.memory_space<vmem>>
          %dma_start3A_2314 = tpu.memref_slice %arg3[%run_scoped3A_1922, %add3A_1921] : memref<2x6400000xi32, #tpu.memory_space<hbm>> -> memref<1x2048xi32, #tpu.memory_space<hbm>>
          %dma_start3A_2315 = tpu.memref_squeeze %dma_start3A_2314 : memref<1x2048xi32, #tpu.memory_space<hbm>> -> memref<2048xi32, #tpu.memory_space<hbm>>
          %dma_start3A_2316 = arith.constant 0 : i32
          %dma_start3A_2317 = tpu.memref_slice %arg5[%run_scoped3A_1923, %dma_start3A_2316] : memref<2x2048xi32, #tpu.memory_space<vmem>> -> memref<1x2048xi32, #tpu.memory_space<vmem>>
          %dma_start3A_2318 = tpu.memref_squeeze %dma_start3A_2317 : memref<1x2048xi32, #tpu.memory_space<vmem>> -> memref<2048xi32, #tpu.memory_space<vmem>>
          %dma_start3A_2319 = tpu.memref_slice %arg3[%run_scoped3A_1922, %add3A_1921] : memref<2x6400000xi32, #tpu.memory_space<hbm>> -> memref<1x2048xi32, #tpu.memory_space<hbm>>
          %dma_start3A_2320 = tpu.memref_squeeze %dma_start3A_2319 : memref<1x2048xi32, #tpu.memory_space<hbm>> -> memref<2048xi32, #tpu.memory_space<hbm>>
          tpu.enqueue_dma source(%dma_start3A_2320 : memref<2048xi32, #tpu.memory_space<hbm>>) target(%dma_start3A_2318 : memref<2048xi32, #tpu.memory_space<vmem>>) target_semaphore(%run_scoped3A_2310 : memref<!tpu.dma_semaphore, #tpu.memory_space<semaphore_mem>>)
          %dma_wait3A_2321 = arith.constant 0 : i32
          %dma_wait3A_2322 = tpu.memref_slice %arg5[%run_scoped3A_1923, %dma_wait3A_2321] : memref<2x2048xi32, #tpu.memory_space<vmem>> -> memref<1x2048xi32, #tpu.memory_space<vmem>>
          %dma_wait3A_2323 = tpu.memref_squeeze %dma_wait3A_2322 : memref<1x2048xi32, #tpu.memory_space<vmem>> -> memref<2048xi32, #tpu.memory_space<vmem>>
          %dma_wait3A_2324 = tpu.memref_slice %arg3[%run_scoped3A_1922, %add3A_1921] : memref<2x6400000xi32, #tpu.memory_space<hbm>> -> memref<1x2048xi32, #tpu.memory_space<hbm>>
          %dma_wait3A_2325 = tpu.memref_squeeze %dma_wait3A_2324 : memref<1x2048xi32, #tpu.memory_space<hbm>> -> memref<2048xi32, #tpu.memory_space<hbm>>
          %dma_wait3A_2326 = arith.constant 0 : i32
          %dma_wait3A_2327 = tpu.memref_slice %arg5[%run_scoped3A_1923, %dma_wait3A_2326] : memref<2x2048xi32, #tpu.memory_space<vmem>> -> memref<1x2048xi32, #tpu.memory_space<vmem>>
          %dma_wait3A_2328 = tpu.memref_squeeze %dma_wait3A_2327 : memref<1x2048xi32, #tpu.memory_space<vmem>> -> memref<2048xi32, #tpu.memory_space<vmem>>
          %dma_wait3A_2329 = tpu.memref_slice %arg3[%run_scoped3A_1922, %add3A_1921] : memref<2x6400000xi32, #tpu.memory_space<hbm>> -> memref<1x2048xi32, #tpu.memory_space<hbm>>
          %dma_wait3A_2330 = tpu.memref_squeeze %dma_wait3A_2329 : memref<1x2048xi32, #tpu.memory_space<hbm>> -> memref<2048xi32, #tpu.memory_space<hbm>>
          tpu.wait_dma2 semaphore(%run_scoped3A_2310 : memref<!tpu.dma_semaphore, #tpu.memory_space<semaphore_mem>>) src(%dma_wait3A_2330 : memref<2048xi32, #tpu.memory_space<hbm>>) dst(%dma_wait3A_2328 : memref<2048xi32, #tpu.memory_space<vmem>>)
          tpu.yield
        }) : () -> ()
        %run_scoped3A_1924 = arith.constant 1 : i32
        %run_scoped3A_1925 = arith.constant 0 : i32
        "tpu.region"() ({
          %run_scoped3A_2310 = tpu.sem_alloc : memref<!tpu.dma_semaphore, #tpu.memory_space<semaphore_mem>>
          %dma_start3A_2311 = arith.constant 0 : i32
          %dma_start3A_2312 = tpu.memref_slice %arg6[%run_scoped3A_1925, %dma_start3A_2311] : memref<2x2048xi32, #tpu.memory_space<vmem>> -> memref<1x2048xi32, #tpu.memory_space<vmem>>
          %dma_start3A_2313 = tpu.memref_squeeze %dma_start3A_2312 : memref<1x2048xi32, #tpu.memory_space<vmem>> -> memref<2048xi32, #tpu.memory_space<vmem>>
          %dma_start3A_2314 = tpu.memref_slice %arg3[%run_scoped3A_1924, %add3A_1921] : memref<2x6400000xi32, #tpu.memory_space<hbm>> -> memref<1x2048xi32, #tpu.memory_space<hbm>>
          %dma_start3A_2315 = tpu.memref_squeeze %dma_start3A_2314 : memref<1x2048xi32, #tpu.memory_space<hbm>> -> memref<2048xi32, #tpu.memory_space<hbm>>
          %dma_start3A_2316 = arith.constant 0 : i32
          %dma_start3A_2317 = tpu.memref_slice %arg6[%run_scoped3A_1925, %dma_start3A_2316] : memref<2x2048xi32, #tpu.memory_space<vmem>> -> memref<1x2048xi32, #tpu.memory_space<vmem>>
          %dma_start3A_2318 = tpu.memref_squeeze %dma_start3A_2317 : memref<1x2048xi32, #tpu.memory_space<vmem>> -> memref<2048xi32, #tpu.memory_space<vmem>>
          %dma_start3A_2319 = tpu.memref_slice %arg3[%run_scoped3A_1924, %add3A_1921] : memref<2x6400000xi32, #tpu.memory_space<hbm>> -> memref<1x2048xi32, #tpu.memory_space<hbm>>
          %dma_start3A_2320 = tpu.memref_squeeze %dma_start3A_2319 : memref<1x2048xi32, #tpu.memory_space<hbm>> -> memref<2048xi32, #tpu.memory_space<hbm>>
          tpu.enqueue_dma source(%dma_start3A_2320 : memref<2048xi32, #tpu.memory_space<hbm>>) target(%dma_start3A_2318 : memref<2048xi32, #tpu.memory_space<vmem>>) target_semaphore(%run_scoped3A_2310 : memref<!tpu.dma_semaphore, #tpu.memory_space<semaphore_mem>>)
          %dma_wait3A_2321 = arith.constant 0 : i32
          %dma_wait3A_2322 = tpu.memref_slice %arg6[%run_scoped3A_1925, %dma_wait3A_2321] : memref<2x2048xi32, #tpu.memory_space<vmem>> -> memref<1x2048xi32, #tpu.memory_space<vmem>>
          %dma_wait3A_2323 = tpu.memref_squeeze %dma_wait3A_2322 : memref<1x2048xi32, #tpu.memory_space<vmem>> -> memref<2048xi32, #tpu.memory_space<vmem>>
          %dma_wait3A_2324 = tpu.memref_slice %arg3[%run_scoped3A_1924, %add3A_1921] : memref<2x6400000xi32, #tpu.memory_space<hbm>> -> memref<1x2048xi32, #tpu.memory_space<hbm>>
          %dma_wait3A_2325 = tpu.memref_squeeze %dma_wait3A_2324 : memref<1x2048xi32, #tpu.memory_space<hbm>> -> memref<2048xi32, #tpu.memory_space<hbm>>
          %dma_wait3A_2326 = arith.constant 0 : i32
          %dma_wait3A_2327 = tpu.memref_slice %arg6[%run_scoped3A_1925, %dma_wait3A_2326] : memref<2x2048xi32, #tpu.memory_space<vmem>> -> memref<1x2048xi32, #tpu.memory_space<vmem>>
          %dma_wait3A_2328 = tpu.memref_squeeze %dma_wait3A_2327 : memref<1x2048xi32, #tpu.memory_space<vmem>> -> memref<2048xi32, #tpu.memory_space<vmem>>
          %dma_wait3A_2329 = tpu.memref_slice %arg3[%run_scoped3A_1924, %add3A_1921] : memref<2x6400000xi32, #tpu.memory_space<hbm>> -> memref<1x2048xi32, #tpu.memory_space<hbm>>
          %dma_wait3A_2330 = tpu.memref_squeeze %dma_wait3A_2329 : memref<1x2048xi32, #tpu.memory_space<hbm>> -> memref<2048xi32, #tpu.memory_space<hbm>>
          tpu.wait_dma2 semaphore(%run_scoped3A_2310 : memref<!tpu.dma_semaphore, #tpu.memory_space<semaphore_mem>>) src(%dma_wait3A_2330 : memref<2048xi32, #tpu.memory_space<hbm>>) dst(%dma_wait3A_2328 : memref<2048xi32, #tpu.memory_space<vmem>>)
          tpu.yield
        }) : () -> ()
        %dma_start3A_1926 = arith.constant 0 : i32
        %dma_start3A_1927 = arith.constant 0 : i32
        %dma_start3A_1928 = arith.constant 0 : i32
        %dma_start3A_1929 = arith.constant 0 : i32
        %dma_start3A_1930 = tpu.memref_slice %arg7[%dma_start3A_1927, %dma_start3A_1928, %dma_start3A_1929] : memref<2x2048x8xf32, #tpu.memory_space<vmem>> -> memref<1x128x8xf32, #tpu.memory_space<vmem>>
        %dma_start3A_1931 = tpu.memref_squeeze %dma_start3A_1930 : memref<1x128x8xf32, #tpu.memory_space<vmem>> -> memref<128x8xf32, #tpu.memory_space<vmem>>
        %dma_start3A_1932 = arith.constant 0 : i32
        %dma_start3A_1933 = tpu.memref_slice %arg5[%dma_start3A_1926, %dma_start3A_1932] : memref<2x2048xi32, #tpu.memory_space<vmem>> -> memref<1x128xi32, #tpu.memory_space<vmem>>
        %dma_start3A_1934 = tpu.memref_squeeze %dma_start3A_1933 : memref<1x128xi32, #tpu.memory_space<vmem>> -> memref<128xi32, #tpu.memory_space<vmem>>
        %dma_start3A_1935 = arith.constant 0 : i32
        %dma_start3A_1936 = arith.constant 0 : i32
        %dma_start3A_1937 = tpu.memref_slice %arg10[%dma_start3A_1935, %dma_start3A_1936] : memref<100000x8xf32, #tpu.memory_space<vmem_shared>> -> memref<100000x8xf32, #tpu.memory_space<vmem_shared>>
        tpu.enqueue_indirect_dma source(%dma_start3A_1937 : memref<100000x8xf32, #tpu.memory_space<vmem_shared>>) target(%dma_start3A_1931 : memref<128x8xf32, #tpu.memory_space<vmem>>) offsets(%dma_start3A_1934 : memref<128xi32, #tpu.memory_space<vmem>>) semaphore(%arg11 : memref<!tpu.dma_semaphore, #tpu.memory_space<semaphore_mem>>)
        %dma_start3A_1938 = arith.constant 0 : i32
        %dma_start3A_1939 = arith.constant 0 : i32
        %dma_start3A_1940 = arith.constant 0 : i32
        %dma_start3A_1941 = arith.constant 0 : i32
        %dma_start3A_1942 = tpu.memref_slice %arg8[%dma_start3A_1939, %dma_start3A_1940, %dma_start3A_1941] : memref<2x2048x8xf32, #tpu.memory_space<vmem>> -> memref<1x128x8xf32, #tpu.memory_space<vmem>>
        %dma_start3A_1943 = tpu.memref_squeeze %dma_start3A_1942 : memref<1x128x8xf32, #tpu.memory_space<vmem>> -> memref<128x8xf32, #tpu.memory_space<vmem>>
        %dma_start3A_1944 = arith.constant 0 : i32
        %dma_start3A_1945 = tpu.memref_slice %arg6[%dma_start3A_1938, %dma_start3A_1944] : memref<2x2048xi32, #tpu.memory_space<vmem>> -> memref<1x128xi32, #tpu.memory_space<vmem>>
        %dma_start3A_1946 = tpu.memref_squeeze %dma_start3A_1945 : memref<1x128xi32, #tpu.memory_space<vmem>> -> memref<128xi32, #tpu.memory_space<vmem>>
        %dma_start3A_1947 = arith.constant 0 : i32
        %dma_start3A_1948 = arith.constant 0 : i32
        %dma_start3A_1949 = tpu.memref_slice %arg10[%dma_start3A_1947, %dma_start3A_1948] : memref<100000x8xf32, #tpu.memory_space<vmem_shared>> -> memref<100000x8xf32, #tpu.memory_space<vmem_shared>>
        tpu.enqueue_indirect_dma source(%dma_start3A_1949 : memref<100000x8xf32, #tpu.memory_space<vmem_shared>>) target(%dma_start3A_1943 : memref<128x8xf32, #tpu.memory_space<vmem>>) offsets(%dma_start3A_1946 : memref<128xi32, #tpu.memory_space<vmem>>) semaphore(%arg11 : memref<!tpu.dma_semaphore, #tpu.memory_space<semaphore_mem>>)
        %dma_start3A_1950 = arith.constant 0 : i32
        %dma_start3A_1951 = arith.constant 0 : i32
        %dma_start3A_1952 = arith.constant 128 : i32
        %dma_start3A_1953 = arith.constant 0 : i32
        %dma_start3A_1954 = tpu.memref_slice %arg7[%dma_start3A_1951, %dma_start3A_1952, %dma_start3A_1953] : memref<2x2048x8xf32, #tpu.memory_space<vmem>> -> memref<1x128x8xf32, #tpu.memory_space<vmem>>
        %dma_start3A_1955 = tpu.memref_squeeze %dma_start3A_1954 : memref<1x128x8xf32, #tpu.memory_space<vmem>> -> memref<128x8xf32, #tpu.memory_space<vmem>>
        %dma_start3A_1956 = arith.constant 128 : i32
        %dma_start3A_1957 = tpu.memref_slice %arg5[%dma_start3A_1950, %dma_start3A_1956] : memref<2x2048xi32, #tpu.memory_space<vmem>> -> memref<1x128xi32, #tpu.memory_space<vmem>>
        %dma_start3A_1958 = tpu.memref_squeeze %dma_start3A_1957 : memref<1x128xi32, #tpu.memory_space<vmem>> -> memref<128xi32, #tpu.memory_space<vmem>>
        %dma_start3A_1959 = arith.constant 0 : i32
        %dma_start3A_1960 = arith.constant 0 : i32
        %dma_start3A_1961 = tpu.memref_slice %arg10[%dma_start3A_1959, %dma_start3A_1960] : memref<100000x8xf32, #tpu.memory_space<vmem_shared>> -> memref<100000x8xf32, #tpu.memory_space<vmem_shared>>
        tpu.enqueue_indirect_dma source(%dma_start3A_1961 : memref<100000x8xf32, #tpu.memory_space<vmem_shared>>) target(%dma_start3A_1955 : memref<128x8xf32, #tpu.memory_space<vmem>>) offsets(%dma_start3A_1958 : memref<128xi32, #tpu.memory_space<vmem>>) semaphore(%arg11 : memref<!tpu.dma_semaphore, #tpu.memory_space<semaphore_mem>>)
        %dma_start3A_1962 = arith.constant 0 : i32
        %dma_start3A_1963 = arith.constant 0 : i32
        %dma_start3A_1964 = arith.constant 128 : i32
        %dma_start3A_1965 = arith.constant 0 : i32
        %dma_start3A_1966 = tpu.memref_slice %arg8[%dma_start3A_1963, %dma_start3A_1964, %dma_start3A_1965] : memref<2x2048x8xf32, #tpu.memory_space<vmem>> -> memref<1x128x8xf32, #tpu.memory_space<vmem>>
        %dma_start3A_1967 = tpu.memref_squeeze %dma_start3A_1966 : memref<1x128x8xf32, #tpu.memory_space<vmem>> -> memref<128x8xf32, #tpu.memory_space<vmem>>
        %dma_start3A_1968 = arith.constant 128 : i32
        %dma_start3A_1969 = tpu.memref_slice %arg6[%dma_start3A_1962, %dma_start3A_1968] : memref<2x2048xi32, #tpu.memory_space<vmem>> -> memref<1x128xi32, #tpu.memory_space<vmem>>
        %dma_start3A_1970 = tpu.memref_squeeze %dma_start3A_1969 : memref<1x128xi32, #tpu.memory_space<vmem>> -> memref<128xi32, #tpu.memory_space<vmem>>
        %dma_start3A_1971 = arith.constant 0 : i32
        %dma_start3A_1972 = arith.constant 0 : i32
        %dma_start3A_1973 = tpu.memref_slice %arg10[%dma_start3A_1971, %dma_start3A_1972] : memref<100000x8xf32, #tpu.memory_space<vmem_shared>> -> memref<100000x8xf32, #tpu.memory_space<vmem_shared>>
        tpu.enqueue_indirect_dma source(%dma_start3A_1973 : memref<100000x8xf32, #tpu.memory_space<vmem_shared>>) target(%dma_start3A_1967 : memref<128x8xf32, #tpu.memory_space<vmem>>) offsets(%dma_start3A_1970 : memref<128xi32, #tpu.memory_space<vmem>>) semaphore(%arg11 : memref<!tpu.dma_semaphore, #tpu.memory_space<semaphore_mem>>)
        %dma_start3A_1974 = arith.constant 0 : i32
        %dma_start3A_1975 = arith.constant 0 : i32
        %dma_start3A_1976 = arith.constant 256 : i32
        %dma_start3A_1977 = arith.constant 0 : i32
        %dma_start3A_1978 = tpu.memref_slice %arg7[%dma_start3A_1975, %dma_start3A_1976, %dma_start3A_1977] : memref<2x2048x8xf32, #tpu.memory_space<vmem>> -> memref<1x128x8xf32, #tpu.memory_space<vmem>>
        %dma_start3A_1979 = tpu.memref_squeeze %dma_start3A_1978 : memref<1x128x8xf32, #tpu.memory_space<vmem>> -> memref<128x8xf32, #tpu.memory_space<vmem>>
        %dma_start3A_1980 = arith.constant 256 : i32
        %dma_start3A_1981 = tpu.memref_slice %arg5[%dma_start3A_1974, %dma_start3A_1980] : memref<2x2048xi32, #tpu.memory_space<vmem>> -> memref<1x128xi32, #tpu.memory_space<vmem>>
        %dma_start3A_1982 = tpu.memref_squeeze %dma_start3A_1981 : memref<1x128xi32, #tpu.memory_space<vmem>> -> memref<128xi32, #tpu.memory_space<vmem>>
        %dma_start3A_1983 = arith.constant 0 : i32
        %dma_start3A_1984 = arith.constant 0 : i32
        %dma_start3A_1985 = tpu.memref_slice %arg10[%dma_start3A_1983, %dma_start3A_1984] : memref<100000x8xf32, #tpu.memory_space<vmem_shared>> -> memref<100000x8xf32, #tpu.memory_space<vmem_shared>>
        tpu.enqueue_indirect_dma source(%dma_start3A_1985 : memref<100000x8xf32, #tpu.memory_space<vmem_shared>>) target(%dma_start3A_1979 : memref<128x8xf32, #tpu.memory_space<vmem>>) offsets(%dma_start3A_1982 : memref<128xi32, #tpu.memory_space<vmem>>) semaphore(%arg11 : memref<!tpu.dma_semaphore, #tpu.memory_space<semaphore_mem>>)
        %dma_start3A_1986 = arith.constant 0 : i32
        %dma_start3A_1987 = arith.constant 0 : i32
        %dma_start3A_1988 = arith.constant 256 : i32
        %dma_start3A_1989 = arith.constant 0 : i32
        %dma_start3A_1990 = tpu.memref_slice %arg8[%dma_start3A_1987, %dma_start3A_1988, %dma_start3A_1989] : memref<2x2048x8xf32, #tpu.memory_space<vmem>> -> memref<1x128x8xf32, #tpu.memory_space<vmem>>
        %dma_start3A_1991 = tpu.memref_squeeze %dma_start3A_1990 : memref<1x128x8xf32, #tpu.memory_space<vmem>> -> memref<128x8xf32, #tpu.memory_space<vmem>>
        %dma_start3A_1992 = arith.constant 256 : i32
        %dma_start3A_1993 = tpu.memref_slice %arg6[%dma_start3A_1986, %dma_start3A_1992] : memref<2x2048xi32, #tpu.memory_space<vmem>> -> memref<1x128xi32, #tpu.memory_space<vmem>>
        %dma_start3A_1994 = tpu.memref_squeeze %dma_start3A_1993 : memref<1x128xi32, #tpu.memory_space<vmem>> -> memref<128xi32, #tpu.memory_space<vmem>>
        %dma_start3A_1995 = arith.constant 0 : i32
        %dma_start3A_1996 = arith.constant 0 : i32
        %dma_start3A_1997 = tpu.memref_slice %arg10[%dma_start3A_1995, %dma_start3A_1996] : memref<100000x8xf32, #tpu.memory_space<vmem_shared>> -> memref<100000x8xf32, #tpu.memory_space<vmem_shared>>
        tpu.enqueue_indirect_dma source(%dma_start3A_1997 : memref<100000x8xf32, #tpu.memory_space<vmem_shared>>) target(%dma_start3A_1991 : memref<128x8xf32, #tpu.memory_space<vmem>>) offsets(%dma_start3A_1994 : memref<128xi32, #tpu.memory_space<vmem>>) semaphore(%arg11 : memref<!tpu.dma_semaphore, #tpu.memory_space<semaphore_mem>>)
        %dma_start3A_1998 = arith.constant 0 : i32
        %dma_start3A_1999 = arith.constant 0 : i32
        %dma_start3A_2000 = arith.constant 384 : i32
        %dma_start3A_2001 = arith.constant 0 : i32
        %dma_start3A_2002 = tpu.memref_slice %arg7[%dma_start3A_1999, %dma_start3A_2000, %dma_start3A_2001] : memref<2x2048x8xf32, #tpu.memory_space<vmem>> -> memref<1x128x8xf32, #tpu.memory_space<vmem>>
        %dma_start3A_2003 = tpu.memref_squeeze %dma_start3A_2002 : memref<1x128x8xf32, #tpu.memory_space<vmem>> -> memref<128x8xf32, #tpu.memory_space<vmem>>
        %dma_start3A_2004 = arith.constant 384 : i32
        %dma_start3A_2005 = tpu.memref_slice %arg5[%dma_start3A_1998, %dma_start3A_2004] : memref<2x2048xi32, #tpu.memory_space<vmem>> -> memref<1x128xi32, #tpu.memory_space<vmem>>
        %dma_start3A_2006 = tpu.memref_squeeze %dma_start3A_2005 : memref<1x128xi32, #tpu.memory_space<vmem>> -> memref<128xi32, #tpu.memory_space<vmem>>
        %dma_start3A_2007 = arith.constant 0 : i32
        %dma_start3A_2008 = arith.constant 0 : i32
        %dma_start3A_2009 = tpu.memref_slice %arg10[%dma_start3A_2007, %dma_start3A_2008] : memref<100000x8xf32, #tpu.memory_space<vmem_shared>> -> memref<100000x8xf32, #tpu.memory_space<vmem_shared>>
        tpu.enqueue_indirect_dma source(%dma_start3A_2009 : memref<100000x8xf32, #tpu.memory_space<vmem_shared>>) target(%dma_start3A_2003 : memref<128x8xf32, #tpu.memory_space<vmem>>) offsets(%dma_start3A_2006 : memref<128xi32, #tpu.memory_space<vmem>>) semaphore(%arg11 : memref<!tpu.dma_semaphore, #tpu.memory_space<semaphore_mem>>)
        %dma_start3A_2010 = arith.constant 0 : i32
        %dma_start3A_2011 = arith.constant 0 : i32
        %dma_start3A_2012 = arith.constant 384 : i32
        %dma_start3A_2013 = arith.constant 0 : i32
        %dma_start3A_2014 = tpu.memref_slice %arg8[%dma_start3A_2011, %dma_start3A_2012, %dma_start3A_2013] : memref<2x2048x8xf32, #tpu.memory_space<vmem>> -> memref<1x128x8xf32, #tpu.memory_space<vmem>>
        %dma_start3A_2015 = tpu.memref_squeeze %dma_start3A_2014 : memref<1x128x8xf32, #tpu.memory_space<vmem>> -> memref<128x8xf32, #tpu.memory_space<vmem>>
        %dma_start3A_2016 = arith.constant 384 : i32
        %dma_start3A_2017 = tpu.memref_slice %arg6[%dma_start3A_2010, %dma_start3A_2016] : memref<2x2048xi32, #tpu.memory_space<vmem>> -> memref<1x128xi32, #tpu.memory_space<vmem>>
        %dma_start3A_2018 = tpu.memref_squeeze %dma_start3A_2017 : memref<1x128xi32, #tpu.memory_space<vmem>> -> memref<128xi32, #tpu.memory_space<vmem>>
        %dma_start3A_2019 = arith.constant 0 : i32
        %dma_start3A_2020 = arith.constant 0 : i32
        %dma_start3A_2021 = tpu.memref_slice %arg10[%dma_start3A_2019, %dma_start3A_2020] : memref<100000x8xf32, #tpu.memory_space<vmem_shared>> -> memref<100000x8xf32, #tpu.memory_space<vmem_shared>>
        tpu.enqueue_indirect_dma source(%dma_start3A_2021 : memref<100000x8xf32, #tpu.memory_space<vmem_shared>>) target(%dma_start3A_2015 : memref<128x8xf32, #tpu.memory_space<vmem>>) offsets(%dma_start3A_2018 : memref<128xi32, #tpu.memory_space<vmem>>) semaphore(%arg11 : memref<!tpu.dma_semaphore, #tpu.memory_space<semaphore_mem>>)
        %dma_start3A_2022 = arith.constant 0 : i32
        %dma_start3A_2023 = arith.constant 0 : i32
        %dma_start3A_2024 = arith.constant 512 : i32
        %dma_start3A_2025 = arith.constant 0 : i32
        %dma_start3A_2026 = tpu.memref_slice %arg7[%dma_start3A_2023, %dma_start3A_2024, %dma_start3A_2025] : memref<2x2048x8xf32, #tpu.memory_space<vmem>> -> memref<1x128x8xf32, #tpu.memory_space<vmem>>
        %dma_start3A_2027 = tpu.memref_squeeze %dma_start3A_2026 : memref<1x128x8xf32, #tpu.memory_space<vmem>> -> memref<128x8xf32, #tpu.memory_space<vmem>>
        %dma_start3A_2028 = arith.constant 512 : i32
        %dma_start3A_2029 = tpu.memref_slice %arg5[%dma_start3A_2022, %dma_start3A_2028] : memref<2x2048xi32, #tpu.memory_space<vmem>> -> memref<1x128xi32, #tpu.memory_space<vmem>>
        %dma_start3A_2030 = tpu.memref_squeeze %dma_start3A_2029 : memref<1x128xi32, #tpu.memory_space<vmem>> -> memref<128xi32, #tpu.memory_space<vmem>>
        %dma_start3A_2031 = arith.constant 0 : i32
        %dma_start3A_2032 = arith.constant 0 : i32
        %dma_start3A_2033 = tpu.memref_slice %arg10[%dma_start3A_2031, %dma_start3A_2032] : memref<100000x8xf32, #tpu.memory_space<vmem_shared>> -> memref<100000x8xf32, #tpu.memory_space<vmem_shared>>
        tpu.enqueue_indirect_dma source(%dma_start3A_2033 : memref<100000x8xf32, #tpu.memory_space<vmem_shared>>) target(%dma_start3A_2027 : memref<128x8xf32, #tpu.memory_space<vmem>>) offsets(%dma_start3A_2030 : memref<128xi32, #tpu.memory_space<vmem>>) semaphore(%arg11 : memref<!tpu.dma_semaphore, #tpu.memory_space<semaphore_mem>>)
        %dma_start3A_2034 = arith.constant 0 : i32
        %dma_start3A_2035 = arith.constant 0 : i32
        %dma_start3A_2036 = arith.constant 512 : i32
        %dma_start3A_2037 = arith.constant 0 : i32
        %dma_start3A_2038 = tpu.memref_slice %arg8[%dma_start3A_2035, %dma_start3A_2036, %dma_start3A_2037] : memref<2x2048x8xf32, #tpu.memory_space<vmem>> -> memref<1x128x8xf32, #tpu.memory_space<vmem>>
        %dma_start3A_2039 = tpu.memref_squeeze %dma_start3A_2038 : memref<1x128x8xf32, #tpu.memory_space<vmem>> -> memref<128x8xf32, #tpu.memory_space<vmem>>
        %dma_start3A_2040 = arith.constant 512 : i32
        %dma_start3A_2041 = tpu.memref_slice %arg6[%dma_start3A_2034, %dma_start3A_2040] : memref<2x2048xi32, #tpu.memory_space<vmem>> -> memref<1x128xi32, #tpu.memory_space<vmem>>
        %dma_start3A_2042 = tpu.memref_squeeze %dma_start3A_2041 : memref<1x128xi32, #tpu.memory_space<vmem>> -> memref<128xi32, #tpu.memory_space<vmem>>
        %dma_start3A_2043 = arith.constant 0 : i32
        %dma_start3A_2044 = arith.constant 0 : i32
        %dma_start3A_2045 = tpu.memref_slice %arg10[%dma_start3A_2043, %dma_start3A_2044] : memref<100000x8xf32, #tpu.memory_space<vmem_shared>> -> memref<100000x8xf32, #tpu.memory_space<vmem_shared>>
        tpu.enqueue_indirect_dma source(%dma_start3A_2045 : memref<100000x8xf32, #tpu.memory_space<vmem_shared>>) target(%dma_start3A_2039 : memref<128x8xf32, #tpu.memory_space<vmem>>) offsets(%dma_start3A_2042 : memref<128xi32, #tpu.memory_space<vmem>>) semaphore(%arg11 : memref<!tpu.dma_semaphore, #tpu.memory_space<semaphore_mem>>)
        %dma_start3A_2046 = arith.constant 0 : i32
        %dma_start3A_2047 = arith.constant 0 : i32
        %dma_start3A_2048 = arith.constant 640 : i32
        %dma_start3A_2049 = arith.constant 0 : i32
        %dma_start3A_2050 = tpu.memref_slice %arg7[%dma_start3A_2047, %dma_start3A_2048, %dma_start3A_2049] : memref<2x2048x8xf32, #tpu.memory_space<vmem>> -> memref<1x128x8xf32, #tpu.memory_space<vmem>>
        %dma_start3A_2051 = tpu.memref_squeeze %dma_start3A_2050 : memref<1x128x8xf32, #tpu.memory_space<vmem>> -> memref<128x8xf32, #tpu.memory_space<vmem>>
        %dma_start3A_2052 = arith.constant 640 : i32
        %dma_start3A_2053 = tpu.memref_slice %arg5[%dma_start3A_2046, %dma_start3A_2052] : memref<2x2048xi32, #tpu.memory_space<vmem>> -> memref<1x128xi32, #tpu.memory_space<vmem>>
        %dma_start3A_2054 = tpu.memref_squeeze %dma_start3A_2053 : memref<1x128xi32, #tpu.memory_space<vmem>> -> memref<128xi32, #tpu.memory_space<vmem>>
        %dma_start3A_2055 = arith.constant 0 : i32
        %dma_start3A_2056 = arith.constant 0 : i32
        %dma_start3A_2057 = tpu.memref_slice %arg10[%dma_start3A_2055, %dma_start3A_2056] : memref<100000x8xf32, #tpu.memory_space<vmem_shared>> -> memref<100000x8xf32, #tpu.memory_space<vmem_shared>>
        tpu.enqueue_indirect_dma source(%dma_start3A_2057 : memref<100000x8xf32, #tpu.memory_space<vmem_shared>>) target(%dma_start3A_2051 : memref<128x8xf32, #tpu.memory_space<vmem>>) offsets(%dma_start3A_2054 : memref<128xi32, #tpu.memory_space<vmem>>) semaphore(%arg11 : memref<!tpu.dma_semaphore, #tpu.memory_space<semaphore_mem>>)
        %dma_start3A_2058 = arith.constant 0 : i32
        %dma_start3A_2059 = arith.constant 0 : i32
        %dma_start3A_2060 = arith.constant 640 : i32
        %dma_start3A_2061 = arith.constant 0 : i32
        %dma_start3A_2062 = tpu.memref_slice %arg8[%dma_start3A_2059, %dma_start3A_2060, %dma_start3A_2061] : memref<2x2048x8xf32, #tpu.memory_space<vmem>> -> memref<1x128x8xf32, #tpu.memory_space<vmem>>
        %dma_start3A_2063 = tpu.memref_squeeze %dma_start3A_2062 : memref<1x128x8xf32, #tpu.memory_space<vmem>> -> memref<128x8xf32, #tpu.memory_space<vmem>>
        %dma_start3A_2064 = arith.constant 640 : i32
        %dma_start3A_2065 = tpu.memref_slice %arg6[%dma_start3A_2058, %dma_start3A_2064] : memref<2x2048xi32, #tpu.memory_space<vmem>> -> memref<1x128xi32, #tpu.memory_space<vmem>>
        %dma_start3A_2066 = tpu.memref_squeeze %dma_start3A_2065 : memref<1x128xi32, #tpu.memory_space<vmem>> -> memref<128xi32, #tpu.memory_space<vmem>>
        %dma_start3A_2067 = arith.constant 0 : i32
        %dma_start3A_2068 = arith.constant 0 : i32
        %dma_start3A_2069 = tpu.memref_slice %arg10[%dma_start3A_2067, %dma_start3A_2068] : memref<100000x8xf32, #tpu.memory_space<vmem_shared>> -> memref<100000x8xf32, #tpu.memory_space<vmem_shared>>
        tpu.enqueue_indirect_dma source(%dma_start3A_2069 : memref<100000x8xf32, #tpu.memory_space<vmem_shared>>) target(%dma_start3A_2063 : memref<128x8xf32, #tpu.memory_space<vmem>>) offsets(%dma_start3A_2066 : memref<128xi32, #tpu.memory_space<vmem>>) semaphore(%arg11 : memref<!tpu.dma_semaphore, #tpu.memory_space<semaphore_mem>>)
        %dma_start3A_2070 = arith.constant 0 : i32
        %dma_start3A_2071 = arith.constant 0 : i32
        %dma_start3A_2072 = arith.constant 768 : i32
        %dma_start3A_2073 = arith.constant 0 : i32
        %dma_start3A_2074 = tpu.memref_slice %arg7[%dma_start3A_2071, %dma_start3A_2072, %dma_start3A_2073] : memref<2x2048x8xf32, #tpu.memory_space<vmem>> -> memref<1x128x8xf32, #tpu.memory_space<vmem>>
        %dma_start3A_2075 = tpu.memref_squeeze %dma_start3A_2074 : memref<1x128x8xf32, #tpu.memory_space<vmem>> -> memref<128x8xf32, #tpu.memory_space<vmem>>
        %dma_start3A_2076 = arith.constant 768 : i32
        %dma_start3A_2077 = tpu.memref_slice %arg5[%dma_start3A_2070, %dma_start3A_2076] : memref<2x2048xi32, #tpu.memory_space<vmem>> -> memref<1x128xi32, #tpu.memory_space<vmem>>
        %dma_start3A_2078 = tpu.memref_squeeze %dma_start3A_2077 : memref<1x128xi32, #tpu.memory_space<vmem>> -> memref<128xi32, #tpu.memory_space<vmem>>
        %dma_start3A_2079 = arith.constant 0 : i32
        %dma_start3A_2080 = arith.constant 0 : i32
        %dma_start3A_2081 = tpu.memref_slice %arg10[%dma_start3A_2079, %dma_start3A_2080] : memref<100000x8xf32, #tpu.memory_space<vmem_shared>> -> memref<100000x8xf32, #tpu.memory_space<vmem_shared>>
        tpu.enqueue_indirect_dma source(%dma_start3A_2081 : memref<100000x8xf32, #tpu.memory_space<vmem_shared>>) target(%dma_start3A_2075 : memref<128x8xf32, #tpu.memory_space<vmem>>) offsets(%dma_start3A_2078 : memref<128xi32, #tpu.memory_space<vmem>>) semaphore(%arg11 : memref<!tpu.dma_semaphore, #tpu.memory_space<semaphore_mem>>)
        %dma_start3A_2082 = arith.constant 0 : i32
        %dma_start3A_2083 = arith.constant 0 : i32
        %dma_start3A_2084 = arith.constant 768 : i32
        %dma_start3A_2085 = arith.constant 0 : i32
        %dma_start3A_2086 = tpu.memref_slice %arg8[%dma_start3A_2083, %dma_start3A_2084, %dma_start3A_2085] : memref<2x2048x8xf32, #tpu.memory_space<vmem>> -> memref<1x128x8xf32, #tpu.memory_space<vmem>>
        %dma_start3A_2087 = tpu.memref_squeeze %dma_start3A_2086 : memref<1x128x8xf32, #tpu.memory_space<vmem>> -> memref<128x8xf32, #tpu.memory_space<vmem>>
        %dma_start3A_2088 = arith.constant 768 : i32
        %dma_start3A_2089 = tpu.memref_slice %arg6[%dma_start3A_2082, %dma_start3A_2088] : memref<2x2048xi32, #tpu.memory_space<vmem>> -> memref<1x128xi32, #tpu.memory_space<vmem>>
        %dma_start3A_2090 = tpu.memref_squeeze %dma_start3A_2089 : memref<1x128xi32, #tpu.memory_space<vmem>> -> memref<128xi32, #tpu.memory_space<vmem>>
        %dma_start3A_2091 = arith.constant 0 : i32
        %dma_start3A_2092 = arith.constant 0 : i32
        %dma_start3A_2093 = tpu.memref_slice %arg10[%dma_start3A_2091, %dma_start3A_2092] : memref<100000x8xf32, #tpu.memory_space<vmem_shared>> -> memref<100000x8xf32, #tpu.memory_space<vmem_shared>>
        tpu.enqueue_indirect_dma source(%dma_start3A_2093 : memref<100000x8xf32, #tpu.memory_space<vmem_shared>>) target(%dma_start3A_2087 : memref<128x8xf32, #tpu.memory_space<vmem>>) offsets(%dma_start3A_2090 : memref<128xi32, #tpu.memory_space<vmem>>) semaphore(%arg11 : memref<!tpu.dma_semaphore, #tpu.memory_space<semaphore_mem>>)
        %dma_start3A_2094 = arith.constant 0 : i32
        %dma_start3A_2095 = arith.constant 0 : i32
        %dma_start3A_2096 = arith.constant 896 : i32
        %dma_start3A_2097 = arith.constant 0 : i32
        %dma_start3A_2098 = tpu.memref_slice %arg7[%dma_start3A_2095, %dma_start3A_2096, %dma_start3A_2097] : memref<2x2048x8xf32, #tpu.memory_space<vmem>> -> memref<1x128x8xf32, #tpu.memory_space<vmem>>
        %dma_start3A_2099 = tpu.memref_squeeze %dma_start3A_2098 : memref<1x128x8xf32, #tpu.memory_space<vmem>> -> memref<128x8xf32, #tpu.memory_space<vmem>>
        %dma_start3A_2100 = arith.constant 896 : i32
        %dma_start3A_2101 = tpu.memref_slice %arg5[%dma_start3A_2094, %dma_start3A_2100] : memref<2x2048xi32, #tpu.memory_space<vmem>> -> memref<1x128xi32, #tpu.memory_space<vmem>>
        %dma_start3A_2102 = tpu.memref_squeeze %dma_start3A_2101 : memref<1x128xi32, #tpu.memory_space<vmem>> -> memref<128xi32, #tpu.memory_space<vmem>>
        %dma_start3A_2103 = arith.constant 0 : i32
        %dma_start3A_2104 = arith.constant 0 : i32
        %dma_start3A_2105 = tpu.memref_slice %arg10[%dma_start3A_2103, %dma_start3A_2104] : memref<100000x8xf32, #tpu.memory_space<vmem_shared>> -> memref<100000x8xf32, #tpu.memory_space<vmem_shared>>
        tpu.enqueue_indirect_dma source(%dma_start3A_2105 : memref<100000x8xf32, #tpu.memory_space<vmem_shared>>) target(%dma_start3A_2099 : memref<128x8xf32, #tpu.memory_space<vmem>>) offsets(%dma_start3A_2102 : memref<128xi32, #tpu.memory_space<vmem>>) semaphore(%arg11 : memref<!tpu.dma_semaphore, #tpu.memory_space<semaphore_mem>>)
        %dma_start3A_2106 = arith.constant 0 : i32
        %dma_start3A_2107 = arith.constant 0 : i32
        %dma_start3A_2108 = arith.constant 896 : i32
        %dma_start3A_2109 = arith.constant 0 : i32
        %dma_start3A_2110 = tpu.memref_slice %arg8[%dma_start3A_2107, %dma_start3A_2108, %dma_start3A_2109] : memref<2x2048x8xf32, #tpu.memory_space<vmem>> -> memref<1x128x8xf32, #tpu.memory_space<vmem>>
        %dma_start3A_2111 = tpu.memref_squeeze %dma_start3A_2110 : memref<1x128x8xf32, #tpu.memory_space<vmem>> -> memref<128x8xf32, #tpu.memory_space<vmem>>
        %dma_start3A_2112 = arith.constant 896 : i32
        %dma_start3A_2113 = tpu.memref_slice %arg6[%dma_start3A_2106, %dma_start3A_2112] : memref<2x2048xi32, #tpu.memory_space<vmem>> -> memref<1x128xi32, #tpu.memory_space<vmem>>
        %dma_start3A_2114 = tpu.memref_squeeze %dma_start3A_2113 : memref<1x128xi32, #tpu.memory_space<vmem>> -> memref<128xi32, #tpu.memory_space<vmem>>
        %dma_start3A_2115 = arith.constant 0 : i32
        %dma_start3A_2116 = arith.constant 0 : i32
        %dma_start3A_2117 = tpu.memref_slice %arg10[%dma_start3A_2115, %dma_start3A_2116] : memref<100000x8xf32, #tpu.memory_space<vmem_shared>> -> memref<100000x8xf32, #tpu.memory_space<vmem_shared>>
        tpu.enqueue_indirect_dma source(%dma_start3A_2117 : memref<100000x8xf32, #tpu.memory_space<vmem_shared>>) target(%dma_start3A_2111 : memref<128x8xf32, #tpu.memory_space<vmem>>) offsets(%dma_start3A_2114 : memref<128xi32, #tpu.memory_space<vmem>>) semaphore(%arg11 : memref<!tpu.dma_semaphore, #tpu.memory_space<semaphore_mem>>)
        %dma_start3A_2118 = arith.constant 0 : i32
        %dma_start3A_2119 = arith.constant 0 : i32
        %dma_start3A_2120 = arith.constant 1024 : i32
        %dma_start3A_2121 = arith.constant 0 : i32
        %dma_start3A_2122 = tpu.memref_slice %arg7[%dma_start3A_2119, %dma_start3A_2120, %dma_start3A_2121] : memref<2x2048x8xf32, #tpu.memory_space<vmem>> -> memref<1x128x8xf32, #tpu.memory_space<vmem>>
        %dma_start3A_2123 = tpu.memref_squeeze %dma_start3A_2122 : memref<1x128x8xf32, #tpu.memory_space<vmem>> -> memref<128x8xf32, #tpu.memory_space<vmem>>
        %dma_start3A_2124 = arith.constant 1024 : i32
        %dma_start3A_2125 = tpu.memref_slice %arg5[%dma_start3A_2118, %dma_start3A_2124] : memref<2x2048xi32, #tpu.memory_space<vmem>> -> memref<1x128xi32, #tpu.memory_space<vmem>>
        %dma_start3A_2126 = tpu.memref_squeeze %dma_start3A_2125 : memref<1x128xi32, #tpu.memory_space<vmem>> -> memref<128xi32, #tpu.memory_space<vmem>>
        %dma_start3A_2127 = arith.constant 0 : i32
        %dma_start3A_2128 = arith.constant 0 : i32
        %dma_start3A_2129 = tpu.memref_slice %arg10[%dma_start3A_2127, %dma_start3A_2128] : memref<100000x8xf32, #tpu.memory_space<vmem_shared>> -> memref<100000x8xf32, #tpu.memory_space<vmem_shared>>
        tpu.enqueue_indirect_dma source(%dma_start3A_2129 : memref<100000x8xf32, #tpu.memory_space<vmem_shared>>) target(%dma_start3A_2123 : memref<128x8xf32, #tpu.memory_space<vmem>>) offsets(%dma_start3A_2126 : memref<128xi32, #tpu.memory_space<vmem>>) semaphore(%arg11 : memref<!tpu.dma_semaphore, #tpu.memory_space<semaphore_mem>>)
        %dma_start3A_2130 = arith.constant 0 : i32
        %dma_start3A_2131 = arith.constant 0 : i32
        %dma_start3A_2132 = arith.constant 1024 : i32
        %dma_start3A_2133 = arith.constant 0 : i32
        %dma_start3A_2134 = tpu.memref_slice %arg8[%dma_start3A_2131, %dma_start3A_2132, %dma_start3A_2133] : memref<2x2048x8xf32, #tpu.memory_space<vmem>> -> memref<1x128x8xf32, #tpu.memory_space<vmem>>
        %dma_start3A_2135 = tpu.memref_squeeze %dma_start3A_2134 : memref<1x128x8xf32, #tpu.memory_space<vmem>> -> memref<128x8xf32, #tpu.memory_space<vmem>>
        %dma_start3A_2136 = arith.constant 1024 : i32
        %dma_start3A_2137 = tpu.memref_slice %arg6[%dma_start3A_2130, %dma_start3A_2136] : memref<2x2048xi32, #tpu.memory_space<vmem>> -> memref<1x128xi32, #tpu.memory_space<vmem>>
        %dma_start3A_2138 = tpu.memref_squeeze %dma_start3A_2137 : memref<1x128xi32, #tpu.memory_space<vmem>> -> memref<128xi32, #tpu.memory_space<vmem>>
        %dma_start3A_2139 = arith.constant 0 : i32
        %dma_start3A_2140 = arith.constant 0 : i32
        %dma_start3A_2141 = tpu.memref_slice %arg10[%dma_start3A_2139, %dma_start3A_2140] : memref<100000x8xf32, #tpu.memory_space<vmem_shared>> -> memref<100000x8xf32, #tpu.memory_space<vmem_shared>>
        tpu.enqueue_indirect_dma source(%dma_start3A_2141 : memref<100000x8xf32, #tpu.memory_space<vmem_shared>>) target(%dma_start3A_2135 : memref<128x8xf32, #tpu.memory_space<vmem>>) offsets(%dma_start3A_2138 : memref<128xi32, #tpu.memory_space<vmem>>) semaphore(%arg11 : memref<!tpu.dma_semaphore, #tpu.memory_space<semaphore_mem>>)
        %dma_start3A_2142 = arith.constant 0 : i32
        %dma_start3A_2143 = arith.constant 0 : i32
        %dma_start3A_2144 = arith.constant 1152 : i32
        %dma_start3A_2145 = arith.constant 0 : i32
        %dma_start3A_2146 = tpu.memref_slice %arg7[%dma_start3A_2143, %dma_start3A_2144, %dma_start3A_2145] : memref<2x2048x8xf32, #tpu.memory_space<vmem>> -> memref<1x128x8xf32, #tpu.memory_space<vmem>>
        %dma_start3A_2147 = tpu.memref_squeeze %dma_start3A_2146 : memref<1x128x8xf32, #tpu.memory_space<vmem>> -> memref<128x8xf32, #tpu.memory_space<vmem>>
        %dma_start3A_2148 = arith.constant 1152 : i32
        %dma_start3A_2149 = tpu.memref_slice %arg5[%dma_start3A_2142, %dma_start3A_2148] : memref<2x2048xi32, #tpu.memory_space<vmem>> -> memref<1x128xi32, #tpu.memory_space<vmem>>
        %dma_start3A_2150 = tpu.memref_squeeze %dma_start3A_2149 : memref<1x128xi32, #tpu.memory_space<vmem>> -> memref<128xi32, #tpu.memory_space<vmem>>
        %dma_start3A_2151 = arith.constant 0 : i32
        %dma_start3A_2152 = arith.constant 0 : i32
        %dma_start3A_2153 = tpu.memref_slice %arg10[%dma_start3A_2151, %dma_start3A_2152] : memref<100000x8xf32, #tpu.memory_space<vmem_shared>> -> memref<100000x8xf32, #tpu.memory_space<vmem_shared>>
        tpu.enqueue_indirect_dma source(%dma_start3A_2153 : memref<100000x8xf32, #tpu.memory_space<vmem_shared>>) target(%dma_start3A_2147 : memref<128x8xf32, #tpu.memory_space<vmem>>) offsets(%dma_start3A_2150 : memref<128xi32, #tpu.memory_space<vmem>>) semaphore(%arg11 : memref<!tpu.dma_semaphore, #tpu.memory_space<semaphore_mem>>)
        %dma_start3A_2154 = arith.constant 0 : i32
        %dma_start3A_2155 = arith.constant 0 : i32
        %dma_start3A_2156 = arith.constant 1152 : i32
        %dma_start3A_2157 = arith.constant 0 : i32
        %dma_start3A_2158 = tpu.memref_slice %arg8[%dma_start3A_2155, %dma_start3A_2156, %dma_start3A_2157] : memref<2x2048x8xf32, #tpu.memory_space<vmem>> -> memref<1x128x8xf32, #tpu.memory_space<vmem>>
        %dma_start3A_2159 = tpu.memref_squeeze %dma_start3A_2158 : memref<1x128x8xf32, #tpu.memory_space<vmem>> -> memref<128x8xf32, #tpu.memory_space<vmem>>
        %dma_start3A_2160 = arith.constant 1152 : i32
        %dma_start3A_2161 = tpu.memref_slice %arg6[%dma_start3A_2154, %dma_start3A_2160] : memref<2x2048xi32, #tpu.memory_space<vmem>> -> memref<1x128xi32, #tpu.memory_space<vmem>>
        %dma_start3A_2162 = tpu.memref_squeeze %dma_start3A_2161 : memref<1x128xi32, #tpu.memory_space<vmem>> -> memref<128xi32, #tpu.memory_space<vmem>>
        %dma_start3A_2163 = arith.constant 0 : i32
        %dma_start3A_2164 = arith.constant 0 : i32
        %dma_start3A_2165 = tpu.memref_slice %arg10[%dma_start3A_2163, %dma_start3A_2164] : memref<100000x8xf32, #tpu.memory_space<vmem_shared>> -> memref<100000x8xf32, #tpu.memory_space<vmem_shared>>
        tpu.enqueue_indirect_dma source(%dma_start3A_2165 : memref<100000x8xf32, #tpu.memory_space<vmem_shared>>) target(%dma_start3A_2159 : memref<128x8xf32, #tpu.memory_space<vmem>>) offsets(%dma_start3A_2162 : memref<128xi32, #tpu.memory_space<vmem>>) semaphore(%arg11 : memref<!tpu.dma_semaphore, #tpu.memory_space<semaphore_mem>>)
        %dma_start3A_2166 = arith.constant 0 : i32
        %dma_start3A_2167 = arith.constant 0 : i32
        %dma_start3A_2168 = arith.constant 1280 : i32
        %dma_start3A_2169 = arith.constant 0 : i32
        %dma_start3A_2170 = tpu.memref_slice %arg7[%dma_start3A_2167, %dma_start3A_2168, %dma_start3A_2169] : memref<2x2048x8xf32, #tpu.memory_space<vmem>> -> memref<1x128x8xf32, #tpu.memory_space<vmem>>
        %dma_start3A_2171 = tpu.memref_squeeze %dma_start3A_2170 : memref<1x128x8xf32, #tpu.memory_space<vmem>> -> memref<128x8xf32, #tpu.memory_space<vmem>>
        %dma_start3A_2172 = arith.constant 1280 : i32
        %dma_start3A_2173 = tpu.memref_slice %arg5[%dma_start3A_2166, %dma_start3A_2172] : memref<2x2048xi32, #tpu.memory_space<vmem>> -> memref<1x128xi32, #tpu.memory_space<vmem>>
        %dma_start3A_2174 = tpu.memref_squeeze %dma_start3A_2173 : memref<1x128xi32, #tpu.memory_space<vmem>> -> memref<128xi32, #tpu.memory_space<vmem>>
        %dma_start3A_2175 = arith.constant 0 : i32
        %dma_start3A_2176 = arith.constant 0 : i32
        %dma_start3A_2177 = tpu.memref_slice %arg10[%dma_start3A_2175, %dma_start3A_2176] : memref<100000x8xf32, #tpu.memory_space<vmem_shared>> -> memref<100000x8xf32, #tpu.memory_space<vmem_shared>>
        tpu.enqueue_indirect_dma source(%dma_start3A_2177 : memref<100000x8xf32, #tpu.memory_space<vmem_shared>>) target(%dma_start3A_2171 : memref<128x8xf32, #tpu.memory_space<vmem>>) offsets(%dma_start3A_2174 : memref<128xi32, #tpu.memory_space<vmem>>) semaphore(%arg11 : memref<!tpu.dma_semaphore, #tpu.memory_space<semaphore_mem>>)
        %dma_start3A_2178 = arith.constant 0 : i32
        %dma_start3A_2179 = arith.constant 0 : i32
        %dma_start3A_2180 = arith.constant 1280 : i32
        %dma_start3A_2181 = arith.constant 0 : i32
        %dma_start3A_2182 = tpu.memref_slice %arg8[%dma_start3A_2179, %dma_start3A_2180, %dma_start3A_2181] : memref<2x2048x8xf32, #tpu.memory_space<vmem>> -> memref<1x128x8xf32, #tpu.memory_space<vmem>>
        %dma_start3A_2183 = tpu.memref_squeeze %dma_start3A_2182 : memref<1x128x8xf32, #tpu.memory_space<vmem>> -> memref<128x8xf32, #tpu.memory_space<vmem>>
        %dma_start3A_2184 = arith.constant 1280 : i32
        %dma_start3A_2185 = tpu.memref_slice %arg6[%dma_start3A_2178, %dma_start3A_2184] : memref<2x2048xi32, #tpu.memory_space<vmem>> -> memref<1x128xi32, #tpu.memory_space<vmem>>
        %dma_start3A_2186 = tpu.memref_squeeze %dma_start3A_2185 : memref<1x128xi32, #tpu.memory_space<vmem>> -> memref<128xi32, #tpu.memory_space<vmem>>
        %dma_start3A_2187 = arith.constant 0 : i32
        %dma_start3A_2188 = arith.constant 0 : i32
        %dma_start3A_2189 = tpu.memref_slice %arg10[%dma_start3A_2187, %dma_start3A_2188] : memref<100000x8xf32, #tpu.memory_space<vmem_shared>> -> memref<100000x8xf32, #tpu.memory_space<vmem_shared>>
        tpu.enqueue_indirect_dma source(%dma_start3A_2189 : memref<100000x8xf32, #tpu.memory_space<vmem_shared>>) target(%dma_start3A_2183 : memref<128x8xf32, #tpu.memory_space<vmem>>) offsets(%dma_start3A_2186 : memref<128xi32, #tpu.memory_space<vmem>>) semaphore(%arg11 : memref<!tpu.dma_semaphore, #tpu.memory_space<semaphore_mem>>)
        %dma_start3A_2190 = arith.constant 0 : i32
        %dma_start3A_2191 = arith.constant 0 : i32
        %dma_start3A_2192 = arith.constant 1408 : i32
        %dma_start3A_2193 = arith.constant 0 : i32
        %dma_start3A_2194 = tpu.memref_slice %arg7[%dma_start3A_2191, %dma_start3A_2192, %dma_start3A_2193] : memref<2x2048x8xf32, #tpu.memory_space<vmem>> -> memref<1x128x8xf32, #tpu.memory_space<vmem>>
        %dma_start3A_2195 = tpu.memref_squeeze %dma_start3A_2194 : memref<1x128x8xf32, #tpu.memory_space<vmem>> -> memref<128x8xf32, #tpu.memory_space<vmem>>
        %dma_start3A_2196 = arith.constant 1408 : i32
        %dma_start3A_2197 = tpu.memref_slice %arg5[%dma_start3A_2190, %dma_start3A_2196] : memref<2x2048xi32, #tpu.memory_space<vmem>> -> memref<1x128xi32, #tpu.memory_space<vmem>>
        %dma_start3A_2198 = tpu.memref_squeeze %dma_start3A_2197 : memref<1x128xi32, #tpu.memory_space<vmem>> -> memref<128xi32, #tpu.memory_space<vmem>>
        %dma_start3A_2199 = arith.constant 0 : i32
        %dma_start3A_2200 = arith.constant 0 : i32
        %dma_start3A_2201 = tpu.memref_slice %arg10[%dma_start3A_2199, %dma_start3A_2200] : memref<100000x8xf32, #tpu.memory_space<vmem_shared>> -> memref<100000x8xf32, #tpu.memory_space<vmem_shared>>
        tpu.enqueue_indirect_dma source(%dma_start3A_2201 : memref<100000x8xf32, #tpu.memory_space<vmem_shared>>) target(%dma_start3A_2195 : memref<128x8xf32, #tpu.memory_space<vmem>>) offsets(%dma_start3A_2198 : memref<128xi32, #tpu.memory_space<vmem>>) semaphore(%arg11 : memref<!tpu.dma_semaphore, #tpu.memory_space<semaphore_mem>>)
        %dma_start3A_2202 = arith.constant 0 : i32
        %dma_start3A_2203 = arith.constant 0 : i32
        %dma_start3A_2204 = arith.constant 1408 : i32
        %dma_start3A_2205 = arith.constant 0 : i32
        %dma_start3A_2206 = tpu.memref_slice %arg8[%dma_start3A_2203, %dma_start3A_2204, %dma_start3A_2205] : memref<2x2048x8xf32, #tpu.memory_space<vmem>> -> memref<1x128x8xf32, #tpu.memory_space<vmem>>
        %dma_start3A_2207 = tpu.memref_squeeze %dma_start3A_2206 : memref<1x128x8xf32, #tpu.memory_space<vmem>> -> memref<128x8xf32, #tpu.memory_space<vmem>>
        %dma_start3A_2208 = arith.constant 1408 : i32
        %dma_start3A_2209 = tpu.memref_slice %arg6[%dma_start3A_2202, %dma_start3A_2208] : memref<2x2048xi32, #tpu.memory_space<vmem>> -> memref<1x128xi32, #tpu.memory_space<vmem>>
        %dma_start3A_2210 = tpu.memref_squeeze %dma_start3A_2209 : memref<1x128xi32, #tpu.memory_space<vmem>> -> memref<128xi32, #tpu.memory_space<vmem>>
        %dma_start3A_2211 = arith.constant 0 : i32
        %dma_start3A_2212 = arith.constant 0 : i32
        %dma_start3A_2213 = tpu.memref_slice %arg10[%dma_start3A_2211, %dma_start3A_2212] : memref<100000x8xf32, #tpu.memory_space<vmem_shared>> -> memref<100000x8xf32, #tpu.memory_space<vmem_shared>>
        tpu.enqueue_indirect_dma source(%dma_start3A_2213 : memref<100000x8xf32, #tpu.memory_space<vmem_shared>>) target(%dma_start3A_2207 : memref<128x8xf32, #tpu.memory_space<vmem>>) offsets(%dma_start3A_2210 : memref<128xi32, #tpu.memory_space<vmem>>) semaphore(%arg11 : memref<!tpu.dma_semaphore, #tpu.memory_space<semaphore_mem>>)
        %dma_start3A_2214 = arith.constant 0 : i32
        %dma_start3A_2215 = arith.constant 0 : i32
        %dma_start3A_2216 = arith.constant 1536 : i32
        %dma_start3A_2217 = arith.constant 0 : i32
        %dma_start3A_2218 = tpu.memref_slice %arg7[%dma_start3A_2215, %dma_start3A_2216, %dma_start3A_2217] : memref<2x2048x8xf32, #tpu.memory_space<vmem>> -> memref<1x128x8xf32, #tpu.memory_space<vmem>>
        %dma_start3A_2219 = tpu.memref_squeeze %dma_start3A_2218 : memref<1x128x8xf32, #tpu.memory_space<vmem>> -> memref<128x8xf32, #tpu.memory_space<vmem>>
        %dma_start3A_2220 = arith.constant 1536 : i32
        %dma_start3A_2221 = tpu.memref_slice %arg5[%dma_start3A_2214, %dma_start3A_2220] : memref<2x2048xi32, #tpu.memory_space<vmem>> -> memref<1x128xi32, #tpu.memory_space<vmem>>
        %dma_start3A_2222 = tpu.memref_squeeze %dma_start3A_2221 : memref<1x128xi32, #tpu.memory_space<vmem>> -> memref<128xi32, #tpu.memory_space<vmem>>
        %dma_start3A_2223 = arith.constant 0 : i32
        %dma_start3A_2224 = arith.constant 0 : i32
        %dma_start3A_2225 = tpu.memref_slice %arg10[%dma_start3A_2223, %dma_start3A_2224] : memref<100000x8xf32, #tpu.memory_space<vmem_shared>> -> memref<100000x8xf32, #tpu.memory_space<vmem_shared>>
        tpu.enqueue_indirect_dma source(%dma_start3A_2225 : memref<100000x8xf32, #tpu.memory_space<vmem_shared>>) target(%dma_start3A_2219 : memref<128x8xf32, #tpu.memory_space<vmem>>) offsets(%dma_start3A_2222 : memref<128xi32, #tpu.memory_space<vmem>>) semaphore(%arg11 : memref<!tpu.dma_semaphore, #tpu.memory_space<semaphore_mem>>)
        %dma_start3A_2226 = arith.constant 0 : i32
        %dma_start3A_2227 = arith.constant 0 : i32
        %dma_start3A_2228 = arith.constant 1536 : i32
        %dma_start3A_2229 = arith.constant 0 : i32
        %dma_start3A_2230 = tpu.memref_slice %arg8[%dma_start3A_2227, %dma_start3A_2228, %dma_start3A_2229] : memref<2x2048x8xf32, #tpu.memory_space<vmem>> -> memref<1x128x8xf32, #tpu.memory_space<vmem>>
        %dma_start3A_2231 = tpu.memref_squeeze %dma_start3A_2230 : memref<1x128x8xf32, #tpu.memory_space<vmem>> -> memref<128x8xf32, #tpu.memory_space<vmem>>
        %dma_start3A_2232 = arith.constant 1536 : i32
        %dma_start3A_2233 = tpu.memref_slice %arg6[%dma_start3A_2226, %dma_start3A_2232] : memref<2x2048xi32, #tpu.memory_space<vmem>> -> memref<1x128xi32, #tpu.memory_space<vmem>>
        %dma_start3A_2234 = tpu.memref_squeeze %dma_start3A_2233 : memref<1x128xi32, #tpu.memory_space<vmem>> -> memref<128xi32, #tpu.memory_space<vmem>>
        %dma_start3A_2235 = arith.constant 0 : i32
        %dma_start3A_2236 = arith.constant 0 : i32
        %dma_start3A_2237 = tpu.memref_slice %arg10[%dma_start3A_2235, %dma_start3A_2236] : memref<100000x8xf32, #tpu.memory_space<vmem_shared>> -> memref<100000x8xf32, #tpu.memory_space<vmem_shared>>
        tpu.enqueue_indirect_dma source(%dma_start3A_2237 : memref<100000x8xf32, #tpu.memory_space<vmem_shared>>) target(%dma_start3A_2231 : memref<128x8xf32, #tpu.memory_space<vmem>>) offsets(%dma_start3A_2234 : memref<128xi32, #tpu.memory_space<vmem>>) semaphore(%arg11 : memref<!tpu.dma_semaphore, #tpu.memory_space<semaphore_mem>>)
        %dma_start3A_2238 = arith.constant 0 : i32
        %dma_start3A_2239 = arith.constant 0 : i32
        %dma_start3A_2240 = arith.constant 1664 : i32
        %dma_start3A_2241 = arith.constant 0 : i32
        %dma_start3A_2242 = tpu.memref_slice %arg7[%dma_start3A_2239, %dma_start3A_2240, %dma_start3A_2241] : memref<2x2048x8xf32, #tpu.memory_space<vmem>> -> memref<1x128x8xf32, #tpu.memory_space<vmem>>
        %dma_start3A_2243 = tpu.memref_squeeze %dma_start3A_2242 : memref<1x128x8xf32, #tpu.memory_space<vmem>> -> memref<128x8xf32, #tpu.memory_space<vmem>>
        %dma_start3A_2244 = arith.constant 1664 : i32
        %dma_start3A_2245 = tpu.memref_slice %arg5[%dma_start3A_2238, %dma_start3A_2244] : memref<2x2048xi32, #tpu.memory_space<vmem>> -> memref<1x128xi32, #tpu.memory_space<vmem>>
        %dma_start3A_2246 = tpu.memref_squeeze %dma_start3A_2245 : memref<1x128xi32, #tpu.memory_space<vmem>> -> memref<128xi32, #tpu.memory_space<vmem>>
        %dma_start3A_2247 = arith.constant 0 : i32
        %dma_start3A_2248 = arith.constant 0 : i32
        %dma_start3A_2249 = tpu.memref_slice %arg10[%dma_start3A_2247, %dma_start3A_2248] : memref<100000x8xf32, #tpu.memory_space<vmem_shared>> -> memref<100000x8xf32, #tpu.memory_space<vmem_shared>>
        tpu.enqueue_indirect_dma source(%dma_start3A_2249 : memref<100000x8xf32, #tpu.memory_space<vmem_shared>>) target(%dma_start3A_2243 : memref<128x8xf32, #tpu.memory_space<vmem>>) offsets(%dma_start3A_2246 : memref<128xi32, #tpu.memory_space<vmem>>) semaphore(%arg11 : memref<!tpu.dma_semaphore, #tpu.memory_space<semaphore_mem>>)
        %dma_start3A_2250 = arith.constant 0 : i32
        %dma_start3A_2251 = arith.constant 0 : i32
        %dma_start3A_2252 = arith.constant 1664 : i32
        %dma_start3A_2253 = arith.constant 0 : i32
        %dma_start3A_2254 = tpu.memref_slice %arg8[%dma_start3A_2251, %dma_start3A_2252, %dma_start3A_2253] : memref<2x2048x8xf32, #tpu.memory_space<vmem>> -> memref<1x128x8xf32, #tpu.memory_space<vmem>>
        %dma_start3A_2255 = tpu.memref_squeeze %dma_start3A_2254 : memref<1x128x8xf32, #tpu.memory_space<vmem>> -> memref<128x8xf32, #tpu.memory_space<vmem>>
        %dma_start3A_2256 = arith.constant 1664 : i32
        %dma_start3A_2257 = tpu.memref_slice %arg6[%dma_start3A_2250, %dma_start3A_2256] : memref<2x2048xi32, #tpu.memory_space<vmem>> -> memref<1x128xi32, #tpu.memory_space<vmem>>
        %dma_start3A_2258 = tpu.memref_squeeze %dma_start3A_2257 : memref<1x128xi32, #tpu.memory_space<vmem>> -> memref<128xi32, #tpu.memory_space<vmem>>
        %dma_start3A_2259 = arith.constant 0 : i32
        %dma_start3A_2260 = arith.constant 0 : i32
        %dma_start3A_2261 = tpu.memref_slice %arg10[%dma_start3A_2259, %dma_start3A_2260] : memref<100000x8xf32, #tpu.memory_space<vmem_shared>> -> memref<100000x8xf32, #tpu.memory_space<vmem_shared>>
        tpu.enqueue_indirect_dma source(%dma_start3A_2261 : memref<100000x8xf32, #tpu.memory_space<vmem_shared>>) target(%dma_start3A_2255 : memref<128x8xf32, #tpu.memory_space<vmem>>) offsets(%dma_start3A_2258 : memref<128xi32, #tpu.memory_space<vmem>>) semaphore(%arg11 : memref<!tpu.dma_semaphore, #tpu.memory_space<semaphore_mem>>)
        %dma_start3A_2262 = arith.constant 0 : i32
        %dma_start3A_2263 = arith.constant 0 : i32
        %dma_start3A_2264 = arith.constant 1792 : i32
        %dma_start3A_2265 = arith.constant 0 : i32
        %dma_start3A_2266 = tpu.memref_slice %arg7[%dma_start3A_2263, %dma_start3A_2264, %dma_start3A_2265] : memref<2x2048x8xf32, #tpu.memory_space<vmem>> -> memref<1x128x8xf32, #tpu.memory_space<vmem>>
        %dma_start3A_2267 = tpu.memref_squeeze %dma_start3A_2266 : memref<1x128x8xf32, #tpu.memory_space<vmem>> -> memref<128x8xf32, #tpu.memory_space<vmem>>
        %dma_start3A_2268 = arith.constant 1792 : i32
        %dma_start3A_2269 = tpu.memref_slice %arg5[%dma_start3A_2262, %dma_start3A_2268] : memref<2x2048xi32, #tpu.memory_space<vmem>> -> memref<1x128xi32, #tpu.memory_space<vmem>>
        %dma_start3A_2270 = tpu.memref_squeeze %dma_start3A_2269 : memref<1x128xi32, #tpu.memory_space<vmem>> -> memref<128xi32, #tpu.memory_space<vmem>>
        %dma_start3A_2271 = arith.constant 0 : i32
        %dma_start3A_2272 = arith.constant 0 : i32
        %dma_start3A_2273 = tpu.memref_slice %arg10[%dma_start3A_2271, %dma_start3A_2272] : memref<100000x8xf32, #tpu.memory_space<vmem_shared>> -> memref<100000x8xf32, #tpu.memory_space<vmem_shared>>
        tpu.enqueue_indirect_dma source(%dma_start3A_2273 : memref<100000x8xf32, #tpu.memory_space<vmem_shared>>) target(%dma_start3A_2267 : memref<128x8xf32, #tpu.memory_space<vmem>>) offsets(%dma_start3A_2270 : memref<128xi32, #tpu.memory_space<vmem>>) semaphore(%arg11 : memref<!tpu.dma_semaphore, #tpu.memory_space<semaphore_mem>>)
        %dma_start3A_2274 = arith.constant 0 : i32
        %dma_start3A_2275 = arith.constant 0 : i32
        %dma_start3A_2276 = arith.constant 1792 : i32
        %dma_start3A_2277 = arith.constant 0 : i32
        %dma_start3A_2278 = tpu.memref_slice %arg8[%dma_start3A_2275, %dma_start3A_2276, %dma_start3A_2277] : memref<2x2048x8xf32, #tpu.memory_space<vmem>> -> memref<1x128x8xf32, #tpu.memory_space<vmem>>
        %dma_start3A_2279 = tpu.memref_squeeze %dma_start3A_2278 : memref<1x128x8xf32, #tpu.memory_space<vmem>> -> memref<128x8xf32, #tpu.memory_space<vmem>>
        %dma_start3A_2280 = arith.constant 1792 : i32
        %dma_start3A_2281 = tpu.memref_slice %arg6[%dma_start3A_2274, %dma_start3A_2280] : memref<2x2048xi32, #tpu.memory_space<vmem>> -> memref<1x128xi32, #tpu.memory_space<vmem>>
        %dma_start3A_2282 = tpu.memref_squeeze %dma_start3A_2281 : memref<1x128xi32, #tpu.memory_space<vmem>> -> memref<128xi32, #tpu.memory_space<vmem>>
        %dma_start3A_2283 = arith.constant 0 : i32
        %dma_start3A_2284 = arith.constant 0 : i32
        %dma_start3A_2285 = tpu.memref_slice %arg10[%dma_start3A_2283, %dma_start3A_2284] : memref<100000x8xf32, #tpu.memory_space<vmem_shared>> -> memref<100000x8xf32, #tpu.memory_space<vmem_shared>>
        tpu.enqueue_indirect_dma source(%dma_start3A_2285 : memref<100000x8xf32, #tpu.memory_space<vmem_shared>>) target(%dma_start3A_2279 : memref<128x8xf32, #tpu.memory_space<vmem>>) offsets(%dma_start3A_2282 : memref<128xi32, #tpu.memory_space<vmem>>) semaphore(%arg11 : memref<!tpu.dma_semaphore, #tpu.memory_space<semaphore_mem>>)
        %dma_start3A_2286 = arith.constant 0 : i32
        %dma_start3A_2287 = arith.constant 0 : i32
        %dma_start3A_2288 = arith.constant 1920 : i32
        %dma_start3A_2289 = arith.constant 0 : i32
        %dma_start3A_2290 = tpu.memref_slice %arg7[%dma_start3A_2287, %dma_start3A_2288, %dma_start3A_2289] : memref<2x2048x8xf32, #tpu.memory_space<vmem>> -> memref<1x128x8xf32, #tpu.memory_space<vmem>>
        %dma_start3A_2291 = tpu.memref_squeeze %dma_start3A_2290 : memref<1x128x8xf32, #tpu.memory_space<vmem>> -> memref<128x8xf32, #tpu.memory_space<vmem>>
        %dma_start3A_2292 = arith.constant 1920 : i32
        %dma_start3A_2293 = tpu.memref_slice %arg5[%dma_start3A_2286, %dma_start3A_2292] : memref<2x2048xi32, #tpu.memory_space<vmem>> -> memref<1x128xi32, #tpu.memory_space<vmem>>
        %dma_start3A_2294 = tpu.memref_squeeze %dma_start3A_2293 : memref<1x128xi32, #tpu.memory_space<vmem>> -> memref<128xi32, #tpu.memory_space<vmem>>
        %dma_start3A_2295 = arith.constant 0 : i32
        %dma_start3A_2296 = arith.constant 0 : i32
        %dma_start3A_2297 = tpu.memref_slice %arg10[%dma_start3A_2295, %dma_start3A_2296] : memref<100000x8xf32, #tpu.memory_space<vmem_shared>> -> memref<100000x8xf32, #tpu.memory_space<vmem_shared>>
        tpu.enqueue_indirect_dma source(%dma_start3A_2297 : memref<100000x8xf32, #tpu.memory_space<vmem_shared>>) target(%dma_start3A_2291 : memref<128x8xf32, #tpu.memory_space<vmem>>) offsets(%dma_start3A_2294 : memref<128xi32, #tpu.memory_space<vmem>>) semaphore(%arg11 : memref<!tpu.dma_semaphore, #tpu.memory_space<semaphore_mem>>)
        %dma_start3A_2298 = arith.constant 0 : i32
        %dma_start3A_2299 = arith.constant 0 : i32
        %dma_start3A_2300 = arith.constant 1920 : i32
        %dma_start3A_2301 = arith.constant 0 : i32
        %dma_start3A_2302 = tpu.memref_slice %arg8[%dma_start3A_2299, %dma_start3A_2300, %dma_start3A_2301] : memref<2x2048x8xf32, #tpu.memory_space<vmem>> -> memref<1x128x8xf32, #tpu.memory_space<vmem>>
        %dma_start3A_2303 = tpu.memref_squeeze %dma_start3A_2302 : memref<1x128x8xf32, #tpu.memory_space<vmem>> -> memref<128x8xf32, #tpu.memory_space<vmem>>
        %dma_start3A_2304 = arith.constant 1920 : i32
        %dma_start3A_2305 = tpu.memref_slice %arg6[%dma_start3A_2298, %dma_start3A_2304] : memref<2x2048xi32, #tpu.memory_space<vmem>> -> memref<1x128xi32, #tpu.memory_space<vmem>>
        %dma_start3A_2306 = tpu.memref_squeeze %dma_start3A_2305 : memref<1x128xi32, #tpu.memory_space<vmem>> -> memref<128xi32, #tpu.memory_space<vmem>>
        %dma_start3A_2307 = arith.constant 0 : i32
        %dma_start3A_2308 = arith.constant 0 : i32
        %dma_start3A_2309 = tpu.memref_slice %arg10[%dma_start3A_2307, %dma_start3A_2308] : memref<100000x8xf32, #tpu.memory_space<vmem_shared>> -> memref<100000x8xf32, #tpu.memory_space<vmem_shared>>
        tpu.enqueue_indirect_dma source(%dma_start3A_2309 : memref<100000x8xf32, #tpu.memory_space<vmem_shared>>) target(%dma_start3A_2303 : memref<128x8xf32, #tpu.memory_space<vmem>>) offsets(%dma_start3A_2306 : memref<128xi32, #tpu.memory_space<vmem>>) semaphore(%arg11 : memref<!tpu.dma_semaphore, #tpu.memory_space<semaphore_mem>>)
      } else {
      }
      %add3A_1354 = arith.constant 1 : i32
      %add3A_1355 = arith.addi %mul3A_398, %add3A_1354 : i32
      %mul3A_1356 = arith.constant 2048 : i32
      %mul3A_1357 = arith.muli %add3A_1355, %mul3A_1356 : i32
      %min3A_1358 = arith.constant 397952 : i32
      %min3A_1359 = arith.minsi %mul3A_1357, %min3A_1358 : i32
      %add3A_1360 = arith.addi %mul3A_0, %min3A_1359 : i32
      %dma_wait3A_1361 = arith.constant 0 : i32
      %dma_wait3A_1362 = arith.constant 1 : i32
      %dma_wait3A_1363 = arith.constant 1 : i32
      %dma_wait3A_1364 = arith.constant 0 : i32
      %dma_wait3A_1365 = arith.constant 0 : i32
      %dma_wait3A_1366 = tpu.memref_slice %arg7[%dma_wait3A_1363, %dma_wait3A_1364, %dma_wait3A_1365] : memref<2x2048x8xf32, #tpu.memory_space<vmem>> -> memref<1x128x8xf32, #tpu.memory_space<vmem>>
      %dma_wait3A_1367 = tpu.memref_squeeze %dma_wait3A_1366 : memref<1x128x8xf32, #tpu.memory_space<vmem>> -> memref<128x8xf32, #tpu.memory_space<vmem>>
      %dma_wait3A_1368 = arith.constant 0 : i32
      %dma_wait3A_1369 = tpu.memref_slice %arg5[%dma_wait3A_1362, %dma_wait3A_1368] : memref<2x2048xi32, #tpu.memory_space<vmem>> -> memref<1x128xi32, #tpu.memory_space<vmem>>
      %dma_wait3A_1370 = tpu.memref_squeeze %dma_wait3A_1369 : memref<1x128xi32, #tpu.memory_space<vmem>> -> memref<128xi32, #tpu.memory_space<vmem>>
      %dma_wait3A_1371 = arith.constant 0 : i32
      %dma_wait3A_1372 = arith.constant 0 : i32
      %dma_wait3A_1373 = tpu.memref_slice %arg2[%dma_wait3A_1361, %dma_wait3A_1371, %dma_wait3A_1372] : memref<2x100000x8xf32, #tpu.memory_space<hbm>> -> memref<1x100000x8xf32, #tpu.memory_space<hbm>>
      %dma_wait3A_1374 = tpu.memref_squeeze %dma_wait3A_1373 : memref<1x100000x8xf32, #tpu.memory_space<hbm>> -> memref<100000x8xf32, #tpu.memory_space<hbm>>
      %dma_wait3A_1375 = arith.constant 0 : i32
      %dma_wait3A_1376 = arith.constant 0 : i32
      %dma_wait3A_1377 = tpu.memref_slice %dma_wait3A_1374[%dma_wait3A_1375, %dma_wait3A_1376] : memref<100000x8xf32, #tpu.memory_space<hbm>> -> memref<100000x8xf32, #tpu.memory_space<hbm>>
      tpu.wait_indirect_dma semaphore(%arg12 : memref<!tpu.dma_semaphore, #tpu.memory_space<semaphore_mem>>) src(%dma_wait3A_1377 : memref<100000x8xf32, #tpu.memory_space<hbm>>) dst(%dma_wait3A_1367 : memref<128x8xf32, #tpu.memory_space<vmem>>)
      %dma_wait3A_1378 = arith.constant 0 : i32
      %dma_wait3A_1379 = arith.constant 1 : i32
      %dma_wait3A_1380 = arith.constant 1 : i32
      %dma_wait3A_1381 = arith.constant 0 : i32
      %dma_wait3A_1382 = arith.constant 0 : i32
      %dma_wait3A_1383 = tpu.memref_slice %arg8[%dma_wait3A_1380, %dma_wait3A_1381, %dma_wait3A_1382] : memref<2x2048x8xf32, #tpu.memory_space<vmem>> -> memref<1x128x8xf32, #tpu.memory_space<vmem>>
      %dma_wait3A_1384 = tpu.memref_squeeze %dma_wait3A_1383 : memref<1x128x8xf32, #tpu.memory_space<vmem>> -> memref<128x8xf32, #tpu.memory_space<vmem>>
      %dma_wait3A_1385 = arith.constant 0 : i32
      %dma_wait3A_1386 = tpu.memref_slice %arg6[%dma_wait3A_1379, %dma_wait3A_1385] : memref<2x2048xi32, #tpu.memory_space<vmem>> -> memref<1x128xi32, #tpu.memory_space<vmem>>
      %dma_wait3A_1387 = tpu.memref_squeeze %dma_wait3A_1386 : memref<1x128xi32, #tpu.memory_space<vmem>> -> memref<128xi32, #tpu.memory_space<vmem>>
      %dma_wait3A_1388 = arith.constant 0 : i32
      %dma_wait3A_1389 = arith.constant 0 : i32
      %dma_wait3A_1390 = tpu.memref_slice %arg2[%dma_wait3A_1378, %dma_wait3A_1388, %dma_wait3A_1389] : memref<2x100000x8xf32, #tpu.memory_space<hbm>> -> memref<1x100000x8xf32, #tpu.memory_space<hbm>>
      %dma_wait3A_1391 = tpu.memref_squeeze %dma_wait3A_1390 : memref<1x100000x8xf32, #tpu.memory_space<hbm>> -> memref<100000x8xf32, #tpu.memory_space<hbm>>
      %dma_wait3A_1392 = arith.constant 0 : i32
      %dma_wait3A_1393 = arith.constant 0 : i32
      %dma_wait3A_1394 = tpu.memref_slice %dma_wait3A_1391[%dma_wait3A_1392, %dma_wait3A_1393] : memref<100000x8xf32, #tpu.memory_space<hbm>> -> memref<100000x8xf32, #tpu.memory_space<hbm>>
      tpu.wait_indirect_dma semaphore(%arg12 : memref<!tpu.dma_semaphore, #tpu.memory_space<semaphore_mem>>) src(%dma_wait3A_1394 : memref<100000x8xf32, #tpu.memory_space<hbm>>) dst(%dma_wait3A_1384 : memref<128x8xf32, #tpu.memory_space<vmem>>)
      %dma_wait3A_1395 = arith.constant 0 : i32
      %dma_wait3A_1396 = arith.constant 1 : i32
      %dma_wait3A_1397 = arith.constant 1 : i32
      %dma_wait3A_1398 = arith.constant 128 : i32
      %dma_wait3A_1399 = arith.constant 0 : i32
      %dma_wait3A_1400 = tpu.memref_slice %arg7[%dma_wait3A_1397, %dma_wait3A_1398, %dma_wait3A_1399] : memref<2x2048x8xf32, #tpu.memory_space<vmem>> -> memref<1x128x8xf32, #tpu.memory_space<vmem>>
      %dma_wait3A_1401 = tpu.memref_squeeze %dma_wait3A_1400 : memref<1x128x8xf32, #tpu.memory_space<vmem>> -> memref<128x8xf32, #tpu.memory_space<vmem>>
      %dma_wait3A_1402 = arith.constant 128 : i32
      %dma_wait3A_1403 = tpu.memref_slice %arg5[%dma_wait3A_1396, %dma_wait3A_1402] : memref<2x2048xi32, #tpu.memory_space<vmem>> -> memref<1x128xi32, #tpu.memory_space<vmem>>
      %dma_wait3A_1404 = tpu.memref_squeeze %dma_wait3A_1403 : memref<1x128xi32, #tpu.memory_space<vmem>> -> memref<128xi32, #tpu.memory_space<vmem>>
      %dma_wait3A_1405 = arith.constant 0 : i32
      %dma_wait3A_1406 = arith.constant 0 : i32
      %dma_wait3A_1407 = tpu.memref_slice %arg2[%dma_wait3A_1395, %dma_wait3A_1405, %dma_wait3A_1406] : memref<2x100000x8xf32, #tpu.memory_space<hbm>> -> memref<1x100000x8xf32, #tpu.memory_space<hbm>>
      %dma_wait3A_1408 = tpu.memref_squeeze %dma_wait3A_1407 : memref<1x100000x8xf32, #tpu.memory_space<hbm>> -> memref<100000x8xf32, #tpu.memory_space<hbm>>
      %dma_wait3A_1409 = arith.constant 0 : i32
      %dma_wait3A_1410 = arith.constant 0 : i32
      %dma_wait3A_1411 = tpu.memref_slice %dma_wait3A_1408[%dma_wait3A_1409, %dma_wait3A_1410] : memref<100000x8xf32, #tpu.memory_space<hbm>> -> memref<100000x8xf32, #tpu.memory_space<hbm>>
      tpu.wait_indirect_dma semaphore(%arg12 : memref<!tpu.dma_semaphore, #tpu.memory_space<semaphore_mem>>) src(%dma_wait3A_1411 : memref<100000x8xf32, #tpu.memory_space<hbm>>) dst(%dma_wait3A_1401 : memref<128x8xf32, #tpu.memory_space<vmem>>)
      %dma_wait3A_1412 = arith.constant 0 : i32
      %dma_wait3A_1413 = arith.constant 1 : i32
      %dma_wait3A_1414 = arith.constant 1 : i32
      %dma_wait3A_1415 = arith.constant 128 : i32
      %dma_wait3A_1416 = arith.constant 0 : i32
      %dma_wait3A_1417 = tpu.memref_slice %arg8[%dma_wait3A_1414, %dma_wait3A_1415, %dma_wait3A_1416] : memref<2x2048x8xf32, #tpu.memory_space<vmem>> -> memref<1x128x8xf32, #tpu.memory_space<vmem>>
      %dma_wait3A_1418 = tpu.memref_squeeze %dma_wait3A_1417 : memref<1x128x8xf32, #tpu.memory_space<vmem>> -> memref<128x8xf32, #tpu.memory_space<vmem>>
      %dma_wait3A_1419 = arith.constant 128 : i32
      %dma_wait3A_1420 = tpu.memref_slice %arg6[%dma_wait3A_1413, %dma_wait3A_1419] : memref<2x2048xi32, #tpu.memory_space<vmem>> -> memref<1x128xi32, #tpu.memory_space<vmem>>
      %dma_wait3A_1421 = tpu.memref_squeeze %dma_wait3A_1420 : memref<1x128xi32, #tpu.memory_space<vmem>> -> memref<128xi32, #tpu.memory_space<vmem>>
      %dma_wait3A_1422 = arith.constant 0 : i32
      %dma_wait3A_1423 = arith.constant 0 : i32
      %dma_wait3A_1424 = tpu.memref_slice %arg2[%dma_wait3A_1412, %dma_wait3A_1422, %dma_wait3A_1423] : memref<2x100000x8xf32, #tpu.memory_space<hbm>> -> memref<1x100000x8xf32, #tpu.memory_space<hbm>>
      %dma_wait3A_1425 = tpu.memref_squeeze %dma_wait3A_1424 : memref<1x100000x8xf32, #tpu.memory_space<hbm>> -> memref<100000x8xf32, #tpu.memory_space<hbm>>
      %dma_wait3A_1426 = arith.constant 0 : i32
      %dma_wait3A_1427 = arith.constant 0 : i32
      %dma_wait3A_1428 = tpu.memref_slice %dma_wait3A_1425[%dma_wait3A_1426, %dma_wait3A_1427] : memref<100000x8xf32, #tpu.memory_space<hbm>> -> memref<100000x8xf32, #tpu.memory_space<hbm>>
      tpu.wait_indirect_dma semaphore(%arg12 : memref<!tpu.dma_semaphore, #tpu.memory_space<semaphore_mem>>) src(%dma_wait3A_1428 : memref<100000x8xf32, #tpu.memory_space<hbm>>) dst(%dma_wait3A_1418 : memref<128x8xf32, #tpu.memory_space<vmem>>)
      %dma_wait3A_1429 = arith.constant 0 : i32
      %dma_wait3A_1430 = arith.constant 1 : i32
      %dma_wait3A_1431 = arith.constant 1 : i32
      %dma_wait3A_1432 = arith.constant 256 : i32
      %dma_wait3A_1433 = arith.constant 0 : i32
      %dma_wait3A_1434 = tpu.memref_slice %arg7[%dma_wait3A_1431, %dma_wait3A_1432, %dma_wait3A_1433] : memref<2x2048x8xf32, #tpu.memory_space<vmem>> -> memref<1x128x8xf32, #tpu.memory_space<vmem>>
      %dma_wait3A_1435 = tpu.memref_squeeze %dma_wait3A_1434 : memref<1x128x8xf32, #tpu.memory_space<vmem>> -> memref<128x8xf32, #tpu.memory_space<vmem>>
      %dma_wait3A_1436 = arith.constant 256 : i32
      %dma_wait3A_1437 = tpu.memref_slice %arg5[%dma_wait3A_1430, %dma_wait3A_1436] : memref<2x2048xi32, #tpu.memory_space<vmem>> -> memref<1x128xi32, #tpu.memory_space<vmem>>
      %dma_wait3A_1438 = tpu.memref_squeeze %dma_wait3A_1437 : memref<1x128xi32, #tpu.memory_space<vmem>> -> memref<128xi32, #tpu.memory_space<vmem>>
      %dma_wait3A_1439 = arith.constant 0 : i32
      %dma_wait3A_1440 = arith.constant 0 : i32
      %dma_wait3A_1441 = tpu.memref_slice %arg2[%dma_wait3A_1429, %dma_wait3A_1439, %dma_wait3A_1440] : memref<2x100000x8xf32, #tpu.memory_space<hbm>> -> memref<1x100000x8xf32, #tpu.memory_space<hbm>>
      %dma_wait3A_1442 = tpu.memref_squeeze %dma_wait3A_1441 : memref<1x100000x8xf32, #tpu.memory_space<hbm>> -> memref<100000x8xf32, #tpu.memory_space<hbm>>
      %dma_wait3A_1443 = arith.constant 0 : i32
      %dma_wait3A_1444 = arith.constant 0 : i32
      %dma_wait3A_1445 = tpu.memref_slice %dma_wait3A_1442[%dma_wait3A_1443, %dma_wait3A_1444] : memref<100000x8xf32, #tpu.memory_space<hbm>> -> memref<100000x8xf32, #tpu.memory_space<hbm>>
      tpu.wait_indirect_dma semaphore(%arg12 : memref<!tpu.dma_semaphore, #tpu.memory_space<semaphore_mem>>) src(%dma_wait3A_1445 : memref<100000x8xf32, #tpu.memory_space<hbm>>) dst(%dma_wait3A_1435 : memref<128x8xf32, #tpu.memory_space<vmem>>)
      %dma_wait3A_1446 = arith.constant 0 : i32
      %dma_wait3A_1447 = arith.constant 1 : i32
      %dma_wait3A_1448 = arith.constant 1 : i32
      %dma_wait3A_1449 = arith.constant 256 : i32
      %dma_wait3A_1450 = arith.constant 0 : i32
      %dma_wait3A_1451 = tpu.memref_slice %arg8[%dma_wait3A_1448, %dma_wait3A_1449, %dma_wait3A_1450] : memref<2x2048x8xf32, #tpu.memory_space<vmem>> -> memref<1x128x8xf32, #tpu.memory_space<vmem>>
      %dma_wait3A_1452 = tpu.memref_squeeze %dma_wait3A_1451 : memref<1x128x8xf32, #tpu.memory_space<vmem>> -> memref<128x8xf32, #tpu.memory_space<vmem>>
      %dma_wait3A_1453 = arith.constant 256 : i32
      %dma_wait3A_1454 = tpu.memref_slice %arg6[%dma_wait3A_1447, %dma_wait3A_1453] : memref<2x2048xi32, #tpu.memory_space<vmem>> -> memref<1x128xi32, #tpu.memory_space<vmem>>
      %dma_wait3A_1455 = tpu.memref_squeeze %dma_wait3A_1454 : memref<1x128xi32, #tpu.memory_space<vmem>> -> memref<128xi32, #tpu.memory_space<vmem>>
      %dma_wait3A_1456 = arith.constant 0 : i32
      %dma_wait3A_1457 = arith.constant 0 : i32
      %dma_wait3A_1458 = tpu.memref_slice %arg2[%dma_wait3A_1446, %dma_wait3A_1456, %dma_wait3A_1457] : memref<2x100000x8xf32, #tpu.memory_space<hbm>> -> memref<1x100000x8xf32, #tpu.memory_space<hbm>>
      %dma_wait3A_1459 = tpu.memref_squeeze %dma_wait3A_1458 : memref<1x100000x8xf32, #tpu.memory_space<hbm>> -> memref<100000x8xf32, #tpu.memory_space<hbm>>
      %dma_wait3A_1460 = arith.constant 0 : i32
      %dma_wait3A_1461 = arith.constant 0 : i32
      %dma_wait3A_1462 = tpu.memref_slice %dma_wait3A_1459[%dma_wait3A_1460, %dma_wait3A_1461] : memref<100000x8xf32, #tpu.memory_space<hbm>> -> memref<100000x8xf32, #tpu.memory_space<hbm>>
      tpu.wait_indirect_dma semaphore(%arg12 : memref<!tpu.dma_semaphore, #tpu.memory_space<semaphore_mem>>) src(%dma_wait3A_1462 : memref<100000x8xf32, #tpu.memory_space<hbm>>) dst(%dma_wait3A_1452 : memref<128x8xf32, #tpu.memory_space<vmem>>)
      %dma_wait3A_1463 = arith.constant 0 : i32
      %dma_wait3A_1464 = arith.constant 1 : i32
      %dma_wait3A_1465 = arith.constant 1 : i32
      %dma_wait3A_1466 = arith.constant 384 : i32
      %dma_wait3A_1467 = arith.constant 0 : i32
      %dma_wait3A_1468 = tpu.memref_slice %arg7[%dma_wait3A_1465, %dma_wait3A_1466, %dma_wait3A_1467] : memref<2x2048x8xf32, #tpu.memory_space<vmem>> -> memref<1x128x8xf32, #tpu.memory_space<vmem>>
      %dma_wait3A_1469 = tpu.memref_squeeze %dma_wait3A_1468 : memref<1x128x8xf32, #tpu.memory_space<vmem>> -> memref<128x8xf32, #tpu.memory_space<vmem>>
      %dma_wait3A_1470 = arith.constant 384 : i32
      %dma_wait3A_1471 = tpu.memref_slice %arg5[%dma_wait3A_1464, %dma_wait3A_1470] : memref<2x2048xi32, #tpu.memory_space<vmem>> -> memref<1x128xi32, #tpu.memory_space<vmem>>
      %dma_wait3A_1472 = tpu.memref_squeeze %dma_wait3A_1471 : memref<1x128xi32, #tpu.memory_space<vmem>> -> memref<128xi32, #tpu.memory_space<vmem>>
      %dma_wait3A_1473 = arith.constant 0 : i32
      %dma_wait3A_1474 = arith.constant 0 : i32
      %dma_wait3A_1475 = tpu.memref_slice %arg2[%dma_wait3A_1463, %dma_wait3A_1473, %dma_wait3A_1474] : memref<2x100000x8xf32, #tpu.memory_space<hbm>> -> memref<1x100000x8xf32, #tpu.memory_space<hbm>>
      %dma_wait3A_1476 = tpu.memref_squeeze %dma_wait3A_1475 : memref<1x100000x8xf32, #tpu.memory_space<hbm>> -> memref<100000x8xf32, #tpu.memory_space<hbm>>
      %dma_wait3A_1477 = arith.constant 0 : i32
      %dma_wait3A_1478 = arith.constant 0 : i32
      %dma_wait3A_1479 = tpu.memref_slice %dma_wait3A_1476[%dma_wait3A_1477, %dma_wait3A_1478] : memref<100000x8xf32, #tpu.memory_space<hbm>> -> memref<100000x8xf32, #tpu.memory_space<hbm>>
      tpu.wait_indirect_dma semaphore(%arg12 : memref<!tpu.dma_semaphore, #tpu.memory_space<semaphore_mem>>) src(%dma_wait3A_1479 : memref<100000x8xf32, #tpu.memory_space<hbm>>) dst(%dma_wait3A_1469 : memref<128x8xf32, #tpu.memory_space<vmem>>)
      %dma_wait3A_1480 = arith.constant 0 : i32
      %dma_wait3A_1481 = arith.constant 1 : i32
      %dma_wait3A_1482 = arith.constant 1 : i32
      %dma_wait3A_1483 = arith.constant 384 : i32
      %dma_wait3A_1484 = arith.constant 0 : i32
      %dma_wait3A_1485 = tpu.memref_slice %arg8[%dma_wait3A_1482, %dma_wait3A_1483, %dma_wait3A_1484] : memref<2x2048x8xf32, #tpu.memory_space<vmem>> -> memref<1x128x8xf32, #tpu.memory_space<vmem>>
      %dma_wait3A_1486 = tpu.memref_squeeze %dma_wait3A_1485 : memref<1x128x8xf32, #tpu.memory_space<vmem>> -> memref<128x8xf32, #tpu.memory_space<vmem>>
      %dma_wait3A_1487 = arith.constant 384 : i32
      %dma_wait3A_1488 = tpu.memref_slice %arg6[%dma_wait3A_1481, %dma_wait3A_1487] : memref<2x2048xi32, #tpu.memory_space<vmem>> -> memref<1x128xi32, #tpu.memory_space<vmem>>
      %dma_wait3A_1489 = tpu.memref_squeeze %dma_wait3A_1488 : memref<1x128xi32, #tpu.memory_space<vmem>> -> memref<128xi32, #tpu.memory_space<vmem>>
      %dma_wait3A_1490 = arith.constant 0 : i32
      %dma_wait3A_1491 = arith.constant 0 : i32
      %dma_wait3A_1492 = tpu.memref_slice %arg2[%dma_wait3A_1480, %dma_wait3A_1490, %dma_wait3A_1491] : memref<2x100000x8xf32, #tpu.memory_space<hbm>> -> memref<1x100000x8xf32, #tpu.memory_space<hbm>>
      %dma_wait3A_1493 = tpu.memref_squeeze %dma_wait3A_1492 : memref<1x100000x8xf32, #tpu.memory_space<hbm>> -> memref<100000x8xf32, #tpu.memory_space<hbm>>
      %dma_wait3A_1494 = arith.constant 0 : i32
      %dma_wait3A_1495 = arith.constant 0 : i32
      %dma_wait3A_1496 = tpu.memref_slice %dma_wait3A_1493[%dma_wait3A_1494, %dma_wait3A_1495] : memref<100000x8xf32, #tpu.memory_space<hbm>> -> memref<100000x8xf32, #tpu.memory_space<hbm>>
      tpu.wait_indirect_dma semaphore(%arg12 : memref<!tpu.dma_semaphore, #tpu.memory_space<semaphore_mem>>) src(%dma_wait3A_1496 : memref<100000x8xf32, #tpu.memory_space<hbm>>) dst(%dma_wait3A_1486 : memref<128x8xf32, #tpu.memory_space<vmem>>)
      %dma_wait3A_1497 = arith.constant 0 : i32
      %dma_wait3A_1498 = arith.constant 1 : i32
      %dma_wait3A_1499 = arith.constant 1 : i32
      %dma_wait3A_1500 = arith.constant 512 : i32
      %dma_wait3A_1501 = arith.constant 0 : i32
      %dma_wait3A_1502 = tpu.memref_slice %arg7[%dma_wait3A_1499, %dma_wait3A_1500, %dma_wait3A_1501] : memref<2x2048x8xf32, #tpu.memory_space<vmem>> -> memref<1x128x8xf32, #tpu.memory_space<vmem>>
      %dma_wait3A_1503 = tpu.memref_squeeze %dma_wait3A_1502 : memref<1x128x8xf32, #tpu.memory_space<vmem>> -> memref<128x8xf32, #tpu.memory_space<vmem>>
      %dma_wait3A_1504 = arith.constant 512 : i32
      %dma_wait3A_1505 = tpu.memref_slice %arg5[%dma_wait3A_1498, %dma_wait3A_1504] : memref<2x2048xi32, #tpu.memory_space<vmem>> -> memref<1x128xi32, #tpu.memory_space<vmem>>
      %dma_wait3A_1506 = tpu.memref_squeeze %dma_wait3A_1505 : memref<1x128xi32, #tpu.memory_space<vmem>> -> memref<128xi32, #tpu.memory_space<vmem>>
      %dma_wait3A_1507 = arith.constant 0 : i32
      %dma_wait3A_1508 = arith.constant 0 : i32
      %dma_wait3A_1509 = tpu.memref_slice %arg2[%dma_wait3A_1497, %dma_wait3A_1507, %dma_wait3A_1508] : memref<2x100000x8xf32, #tpu.memory_space<hbm>> -> memref<1x100000x8xf32, #tpu.memory_space<hbm>>
      %dma_wait3A_1510 = tpu.memref_squeeze %dma_wait3A_1509 : memref<1x100000x8xf32, #tpu.memory_space<hbm>> -> memref<100000x8xf32, #tpu.memory_space<hbm>>
      %dma_wait3A_1511 = arith.constant 0 : i32
      %dma_wait3A_1512 = arith.constant 0 : i32
      %dma_wait3A_1513 = tpu.memref_slice %dma_wait3A_1510[%dma_wait3A_1511, %dma_wait3A_1512] : memref<100000x8xf32, #tpu.memory_space<hbm>> -> memref<100000x8xf32, #tpu.memory_space<hbm>>
      tpu.wait_indirect_dma semaphore(%arg12 : memref<!tpu.dma_semaphore, #tpu.memory_space<semaphore_mem>>) src(%dma_wait3A_1513 : memref<100000x8xf32, #tpu.memory_space<hbm>>) dst(%dma_wait3A_1503 : memref<128x8xf32, #tpu.memory_space<vmem>>)
      %dma_wait3A_1514 = arith.constant 0 : i32
      %dma_wait3A_1515 = arith.constant 1 : i32
      %dma_wait3A_1516 = arith.constant 1 : i32
      %dma_wait3A_1517 = arith.constant 512 : i32
      %dma_wait3A_1518 = arith.constant 0 : i32
      %dma_wait3A_1519 = tpu.memref_slice %arg8[%dma_wait3A_1516, %dma_wait3A_1517, %dma_wait3A_1518] : memref<2x2048x8xf32, #tpu.memory_space<vmem>> -> memref<1x128x8xf32, #tpu.memory_space<vmem>>
      %dma_wait3A_1520 = tpu.memref_squeeze %dma_wait3A_1519 : memref<1x128x8xf32, #tpu.memory_space<vmem>> -> memref<128x8xf32, #tpu.memory_space<vmem>>
      %dma_wait3A_1521 = arith.constant 512 : i32
      %dma_wait3A_1522 = tpu.memref_slice %arg6[%dma_wait3A_1515, %dma_wait3A_1521] : memref<2x2048xi32, #tpu.memory_space<vmem>> -> memref<1x128xi32, #tpu.memory_space<vmem>>
      %dma_wait3A_1523 = tpu.memref_squeeze %dma_wait3A_1522 : memref<1x128xi32, #tpu.memory_space<vmem>> -> memref<128xi32, #tpu.memory_space<vmem>>
      %dma_wait3A_1524 = arith.constant 0 : i32
      %dma_wait3A_1525 = arith.constant 0 : i32
      %dma_wait3A_1526 = tpu.memref_slice %arg2[%dma_wait3A_1514, %dma_wait3A_1524, %dma_wait3A_1525] : memref<2x100000x8xf32, #tpu.memory_space<hbm>> -> memref<1x100000x8xf32, #tpu.memory_space<hbm>>
      %dma_wait3A_1527 = tpu.memref_squeeze %dma_wait3A_1526 : memref<1x100000x8xf32, #tpu.memory_space<hbm>> -> memref<100000x8xf32, #tpu.memory_space<hbm>>
      %dma_wait3A_1528 = arith.constant 0 : i32
      %dma_wait3A_1529 = arith.constant 0 : i32
      %dma_wait3A_1530 = tpu.memref_slice %dma_wait3A_1527[%dma_wait3A_1528, %dma_wait3A_1529] : memref<100000x8xf32, #tpu.memory_space<hbm>> -> memref<100000x8xf32, #tpu.memory_space<hbm>>
      tpu.wait_indirect_dma semaphore(%arg12 : memref<!tpu.dma_semaphore, #tpu.memory_space<semaphore_mem>>) src(%dma_wait3A_1530 : memref<100000x8xf32, #tpu.memory_space<hbm>>) dst(%dma_wait3A_1520 : memref<128x8xf32, #tpu.memory_space<vmem>>)
      %dma_wait3A_1531 = arith.constant 0 : i32
      %dma_wait3A_1532 = arith.constant 1 : i32
      %dma_wait3A_1533 = arith.constant 1 : i32
      %dma_wait3A_1534 = arith.constant 640 : i32
      %dma_wait3A_1535 = arith.constant 0 : i32
      %dma_wait3A_1536 = tpu.memref_slice %arg7[%dma_wait3A_1533, %dma_wait3A_1534, %dma_wait3A_1535] : memref<2x2048x8xf32, #tpu.memory_space<vmem>> -> memref<1x128x8xf32, #tpu.memory_space<vmem>>
      %dma_wait3A_1537 = tpu.memref_squeeze %dma_wait3A_1536 : memref<1x128x8xf32, #tpu.memory_space<vmem>> -> memref<128x8xf32, #tpu.memory_space<vmem>>
      %dma_wait3A_1538 = arith.constant 640 : i32
      %dma_wait3A_1539 = tpu.memref_slice %arg5[%dma_wait3A_1532, %dma_wait3A_1538] : memref<2x2048xi32, #tpu.memory_space<vmem>> -> memref<1x128xi32, #tpu.memory_space<vmem>>
      %dma_wait3A_1540 = tpu.memref_squeeze %dma_wait3A_1539 : memref<1x128xi32, #tpu.memory_space<vmem>> -> memref<128xi32, #tpu.memory_space<vmem>>
      %dma_wait3A_1541 = arith.constant 0 : i32
      %dma_wait3A_1542 = arith.constant 0 : i32
      %dma_wait3A_1543 = tpu.memref_slice %arg2[%dma_wait3A_1531, %dma_wait3A_1541, %dma_wait3A_1542] : memref<2x100000x8xf32, #tpu.memory_space<hbm>> -> memref<1x100000x8xf32, #tpu.memory_space<hbm>>
      %dma_wait3A_1544 = tpu.memref_squeeze %dma_wait3A_1543 : memref<1x100000x8xf32, #tpu.memory_space<hbm>> -> memref<100000x8xf32, #tpu.memory_space<hbm>>
      %dma_wait3A_1545 = arith.constant 0 : i32
      %dma_wait3A_1546 = arith.constant 0 : i32
      %dma_wait3A_1547 = tpu.memref_slice %dma_wait3A_1544[%dma_wait3A_1545, %dma_wait3A_1546] : memref<100000x8xf32, #tpu.memory_space<hbm>> -> memref<100000x8xf32, #tpu.memory_space<hbm>>
      tpu.wait_indirect_dma semaphore(%arg12 : memref<!tpu.dma_semaphore, #tpu.memory_space<semaphore_mem>>) src(%dma_wait3A_1547 : memref<100000x8xf32, #tpu.memory_space<hbm>>) dst(%dma_wait3A_1537 : memref<128x8xf32, #tpu.memory_space<vmem>>)
      %dma_wait3A_1548 = arith.constant 0 : i32
      %dma_wait3A_1549 = arith.constant 1 : i32
      %dma_wait3A_1550 = arith.constant 1 : i32
      %dma_wait3A_1551 = arith.constant 640 : i32
      %dma_wait3A_1552 = arith.constant 0 : i32
      %dma_wait3A_1553 = tpu.memref_slice %arg8[%dma_wait3A_1550, %dma_wait3A_1551, %dma_wait3A_1552] : memref<2x2048x8xf32, #tpu.memory_space<vmem>> -> memref<1x128x8xf32, #tpu.memory_space<vmem>>
      %dma_wait3A_1554 = tpu.memref_squeeze %dma_wait3A_1553 : memref<1x128x8xf32, #tpu.memory_space<vmem>> -> memref<128x8xf32, #tpu.memory_space<vmem>>
      %dma_wait3A_1555 = arith.constant 640 : i32
      %dma_wait3A_1556 = tpu.memref_slice %arg6[%dma_wait3A_1549, %dma_wait3A_1555] : memref<2x2048xi32, #tpu.memory_space<vmem>> -> memref<1x128xi32, #tpu.memory_space<vmem>>
      %dma_wait3A_1557 = tpu.memref_squeeze %dma_wait3A_1556 : memref<1x128xi32, #tpu.memory_space<vmem>> -> memref<128xi32, #tpu.memory_space<vmem>>
      %dma_wait3A_1558 = arith.constant 0 : i32
      %dma_wait3A_1559 = arith.constant 0 : i32
      %dma_wait3A_1560 = tpu.memref_slice %arg2[%dma_wait3A_1548, %dma_wait3A_1558, %dma_wait3A_1559] : memref<2x100000x8xf32, #tpu.memory_space<hbm>> -> memref<1x100000x8xf32, #tpu.memory_space<hbm>>
      %dma_wait3A_1561 = tpu.memref_squeeze %dma_wait3A_1560 : memref<1x100000x8xf32, #tpu.memory_space<hbm>> -> memref<100000x8xf32, #tpu.memory_space<hbm>>
      %dma_wait3A_1562 = arith.constant 0 : i32
      %dma_wait3A_1563 = arith.constant 0 : i32
      %dma_wait3A_1564 = tpu.memref_slice %dma_wait3A_1561[%dma_wait3A_1562, %dma_wait3A_1563] : memref<100000x8xf32, #tpu.memory_space<hbm>> -> memref<100000x8xf32, #tpu.memory_space<hbm>>
      tpu.wait_indirect_dma semaphore(%arg12 : memref<!tpu.dma_semaphore, #tpu.memory_space<semaphore_mem>>) src(%dma_wait3A_1564 : memref<100000x8xf32, #tpu.memory_space<hbm>>) dst(%dma_wait3A_1554 : memref<128x8xf32, #tpu.memory_space<vmem>>)
      %dma_wait3A_1565 = arith.constant 0 : i32
      %dma_wait3A_1566 = arith.constant 1 : i32
      %dma_wait3A_1567 = arith.constant 1 : i32
      %dma_wait3A_1568 = arith.constant 768 : i32
      %dma_wait3A_1569 = arith.constant 0 : i32
      %dma_wait3A_1570 = tpu.memref_slice %arg7[%dma_wait3A_1567, %dma_wait3A_1568, %dma_wait3A_1569] : memref<2x2048x8xf32, #tpu.memory_space<vmem>> -> memref<1x128x8xf32, #tpu.memory_space<vmem>>
      %dma_wait3A_1571 = tpu.memref_squeeze %dma_wait3A_1570 : memref<1x128x8xf32, #tpu.memory_space<vmem>> -> memref<128x8xf32, #tpu.memory_space<vmem>>
      %dma_wait3A_1572 = arith.constant 768 : i32
      %dma_wait3A_1573 = tpu.memref_slice %arg5[%dma_wait3A_1566, %dma_wait3A_1572] : memref<2x2048xi32, #tpu.memory_space<vmem>> -> memref<1x128xi32, #tpu.memory_space<vmem>>
      %dma_wait3A_1574 = tpu.memref_squeeze %dma_wait3A_1573 : memref<1x128xi32, #tpu.memory_space<vmem>> -> memref<128xi32, #tpu.memory_space<vmem>>
      %dma_wait3A_1575 = arith.constant 0 : i32
      %dma_wait3A_1576 = arith.constant 0 : i32
      %dma_wait3A_1577 = tpu.memref_slice %arg2[%dma_wait3A_1565, %dma_wait3A_1575, %dma_wait3A_1576] : memref<2x100000x8xf32, #tpu.memory_space<hbm>> -> memref<1x100000x8xf32, #tpu.memory_space<hbm>>
      %dma_wait3A_1578 = tpu.memref_squeeze %dma_wait3A_1577 : memref<1x100000x8xf32, #tpu.memory_space<hbm>> -> memref<100000x8xf32, #tpu.memory_space<hbm>>
      %dma_wait3A_1579 = arith.constant 0 : i32
      %dma_wait3A_1580 = arith.constant 0 : i32
      %dma_wait3A_1581 = tpu.memref_slice %dma_wait3A_1578[%dma_wait3A_1579, %dma_wait3A_1580] : memref<100000x8xf32, #tpu.memory_space<hbm>> -> memref<100000x8xf32, #tpu.memory_space<hbm>>
      tpu.wait_indirect_dma semaphore(%arg12 : memref<!tpu.dma_semaphore, #tpu.memory_space<semaphore_mem>>) src(%dma_wait3A_1581 : memref<100000x8xf32, #tpu.memory_space<hbm>>) dst(%dma_wait3A_1571 : memref<128x8xf32, #tpu.memory_space<vmem>>)
      %dma_wait3A_1582 = arith.constant 0 : i32
      %dma_wait3A_1583 = arith.constant 1 : i32
      %dma_wait3A_1584 = arith.constant 1 : i32
      %dma_wait3A_1585 = arith.constant 768 : i32
      %dma_wait3A_1586 = arith.constant 0 : i32
      %dma_wait3A_1587 = tpu.memref_slice %arg8[%dma_wait3A_1584, %dma_wait3A_1585, %dma_wait3A_1586] : memref<2x2048x8xf32, #tpu.memory_space<vmem>> -> memref<1x128x8xf32, #tpu.memory_space<vmem>>
      %dma_wait3A_1588 = tpu.memref_squeeze %dma_wait3A_1587 : memref<1x128x8xf32, #tpu.memory_space<vmem>> -> memref<128x8xf32, #tpu.memory_space<vmem>>
      %dma_wait3A_1589 = arith.constant 768 : i32
      %dma_wait3A_1590 = tpu.memref_slice %arg6[%dma_wait3A_1583, %dma_wait3A_1589] : memref<2x2048xi32, #tpu.memory_space<vmem>> -> memref<1x128xi32, #tpu.memory_space<vmem>>
      %dma_wait3A_1591 = tpu.memref_squeeze %dma_wait3A_1590 : memref<1x128xi32, #tpu.memory_space<vmem>> -> memref<128xi32, #tpu.memory_space<vmem>>
      %dma_wait3A_1592 = arith.constant 0 : i32
      %dma_wait3A_1593 = arith.constant 0 : i32
      %dma_wait3A_1594 = tpu.memref_slice %arg2[%dma_wait3A_1582, %dma_wait3A_1592, %dma_wait3A_1593] : memref<2x100000x8xf32, #tpu.memory_space<hbm>> -> memref<1x100000x8xf32, #tpu.memory_space<hbm>>
      %dma_wait3A_1595 = tpu.memref_squeeze %dma_wait3A_1594 : memref<1x100000x8xf32, #tpu.memory_space<hbm>> -> memref<100000x8xf32, #tpu.memory_space<hbm>>
      %dma_wait3A_1596 = arith.constant 0 : i32
      %dma_wait3A_1597 = arith.constant 0 : i32
      %dma_wait3A_1598 = tpu.memref_slice %dma_wait3A_1595[%dma_wait3A_1596, %dma_wait3A_1597] : memref<100000x8xf32, #tpu.memory_space<hbm>> -> memref<100000x8xf32, #tpu.memory_space<hbm>>
      tpu.wait_indirect_dma semaphore(%arg12 : memref<!tpu.dma_semaphore, #tpu.memory_space<semaphore_mem>>) src(%dma_wait3A_1598 : memref<100000x8xf32, #tpu.memory_space<hbm>>) dst(%dma_wait3A_1588 : memref<128x8xf32, #tpu.memory_space<vmem>>)
      %dma_wait3A_1599 = arith.constant 0 : i32
      %dma_wait3A_1600 = arith.constant 1 : i32
      %dma_wait3A_1601 = arith.constant 1 : i32
      %dma_wait3A_1602 = arith.constant 896 : i32
      %dma_wait3A_1603 = arith.constant 0 : i32
      %dma_wait3A_1604 = tpu.memref_slice %arg7[%dma_wait3A_1601, %dma_wait3A_1602, %dma_wait3A_1603] : memref<2x2048x8xf32, #tpu.memory_space<vmem>> -> memref<1x128x8xf32, #tpu.memory_space<vmem>>
      %dma_wait3A_1605 = tpu.memref_squeeze %dma_wait3A_1604 : memref<1x128x8xf32, #tpu.memory_space<vmem>> -> memref<128x8xf32, #tpu.memory_space<vmem>>
      %dma_wait3A_1606 = arith.constant 896 : i32
      %dma_wait3A_1607 = tpu.memref_slice %arg5[%dma_wait3A_1600, %dma_wait3A_1606] : memref<2x2048xi32, #tpu.memory_space<vmem>> -> memref<1x128xi32, #tpu.memory_space<vmem>>
      %dma_wait3A_1608 = tpu.memref_squeeze %dma_wait3A_1607 : memref<1x128xi32, #tpu.memory_space<vmem>> -> memref<128xi32, #tpu.memory_space<vmem>>
      %dma_wait3A_1609 = arith.constant 0 : i32
      %dma_wait3A_1610 = arith.constant 0 : i32
      %dma_wait3A_1611 = tpu.memref_slice %arg2[%dma_wait3A_1599, %dma_wait3A_1609, %dma_wait3A_1610] : memref<2x100000x8xf32, #tpu.memory_space<hbm>> -> memref<1x100000x8xf32, #tpu.memory_space<hbm>>
      %dma_wait3A_1612 = tpu.memref_squeeze %dma_wait3A_1611 : memref<1x100000x8xf32, #tpu.memory_space<hbm>> -> memref<100000x8xf32, #tpu.memory_space<hbm>>
      %dma_wait3A_1613 = arith.constant 0 : i32
      %dma_wait3A_1614 = arith.constant 0 : i32
      %dma_wait3A_1615 = tpu.memref_slice %dma_wait3A_1612[%dma_wait3A_1613, %dma_wait3A_1614] : memref<100000x8xf32, #tpu.memory_space<hbm>> -> memref<100000x8xf32, #tpu.memory_space<hbm>>
      tpu.wait_indirect_dma semaphore(%arg12 : memref<!tpu.dma_semaphore, #tpu.memory_space<semaphore_mem>>) src(%dma_wait3A_1615 : memref<100000x8xf32, #tpu.memory_space<hbm>>) dst(%dma_wait3A_1605 : memref<128x8xf32, #tpu.memory_space<vmem>>)
      %dma_wait3A_1616 = arith.constant 0 : i32
      %dma_wait3A_1617 = arith.constant 1 : i32
      %dma_wait3A_1618 = arith.constant 1 : i32
      %dma_wait3A_1619 = arith.constant 896 : i32
      %dma_wait3A_1620 = arith.constant 0 : i32
      %dma_wait3A_1621 = tpu.memref_slice %arg8[%dma_wait3A_1618, %dma_wait3A_1619, %dma_wait3A_1620] : memref<2x2048x8xf32, #tpu.memory_space<vmem>> -> memref<1x128x8xf32, #tpu.memory_space<vmem>>
      %dma_wait3A_1622 = tpu.memref_squeeze %dma_wait3A_1621 : memref<1x128x8xf32, #tpu.memory_space<vmem>> -> memref<128x8xf32, #tpu.memory_space<vmem>>
      %dma_wait3A_1623 = arith.constant 896 : i32
      %dma_wait3A_1624 = tpu.memref_slice %arg6[%dma_wait3A_1617, %dma_wait3A_1623] : memref<2x2048xi32, #tpu.memory_space<vmem>> -> memref<1x128xi32, #tpu.memory_space<vmem>>
      %dma_wait3A_1625 = tpu.memref_squeeze %dma_wait3A_1624 : memref<1x128xi32, #tpu.memory_space<vmem>> -> memref<128xi32, #tpu.memory_space<vmem>>
      %dma_wait3A_1626 = arith.constant 0 : i32
      %dma_wait3A_1627 = arith.constant 0 : i32
      %dma_wait3A_1628 = tpu.memref_slice %arg2[%dma_wait3A_1616, %dma_wait3A_1626, %dma_wait3A_1627] : memref<2x100000x8xf32, #tpu.memory_space<hbm>> -> memref<1x100000x8xf32, #tpu.memory_space<hbm>>
      %dma_wait3A_1629 = tpu.memref_squeeze %dma_wait3A_1628 : memref<1x100000x8xf32, #tpu.memory_space<hbm>> -> memref<100000x8xf32, #tpu.memory_space<hbm>>
      %dma_wait3A_1630 = arith.constant 0 : i32
      %dma_wait3A_1631 = arith.constant 0 : i32
      %dma_wait3A_1632 = tpu.memref_slice %dma_wait3A_1629[%dma_wait3A_1630, %dma_wait3A_1631] : memref<100000x8xf32, #tpu.memory_space<hbm>> -> memref<100000x8xf32, #tpu.memory_space<hbm>>
      tpu.wait_indirect_dma semaphore(%arg12 : memref<!tpu.dma_semaphore, #tpu.memory_space<semaphore_mem>>) src(%dma_wait3A_1632 : memref<100000x8xf32, #tpu.memory_space<hbm>>) dst(%dma_wait3A_1622 : memref<128x8xf32, #tpu.memory_space<vmem>>)
      %dma_wait3A_1633 = arith.constant 0 : i32
      %dma_wait3A_1634 = arith.constant 1 : i32
      %dma_wait3A_1635 = arith.constant 1 : i32
      %dma_wait3A_1636 = arith.constant 1024 : i32
      %dma_wait3A_1637 = arith.constant 0 : i32
      %dma_wait3A_1638 = tpu.memref_slice %arg7[%dma_wait3A_1635, %dma_wait3A_1636, %dma_wait3A_1637] : memref<2x2048x8xf32, #tpu.memory_space<vmem>> -> memref<1x128x8xf32, #tpu.memory_space<vmem>>
      %dma_wait3A_1639 = tpu.memref_squeeze %dma_wait3A_1638 : memref<1x128x8xf32, #tpu.memory_space<vmem>> -> memref<128x8xf32, #tpu.memory_space<vmem>>
      %dma_wait3A_1640 = arith.constant 1024 : i32
      %dma_wait3A_1641 = tpu.memref_slice %arg5[%dma_wait3A_1634, %dma_wait3A_1640] : memref<2x2048xi32, #tpu.memory_space<vmem>> -> memref<1x128xi32, #tpu.memory_space<vmem>>
      %dma_wait3A_1642 = tpu.memref_squeeze %dma_wait3A_1641 : memref<1x128xi32, #tpu.memory_space<vmem>> -> memref<128xi32, #tpu.memory_space<vmem>>
      %dma_wait3A_1643 = arith.constant 0 : i32
      %dma_wait3A_1644 = arith.constant 0 : i32
      %dma_wait3A_1645 = tpu.memref_slice %arg2[%dma_wait3A_1633, %dma_wait3A_1643, %dma_wait3A_1644] : memref<2x100000x8xf32, #tpu.memory_space<hbm>> -> memref<1x100000x8xf32, #tpu.memory_space<hbm>>
      %dma_wait3A_1646 = tpu.memref_squeeze %dma_wait3A_1645 : memref<1x100000x8xf32, #tpu.memory_space<hbm>> -> memref<100000x8xf32, #tpu.memory_space<hbm>>
      %dma_wait3A_1647 = arith.constant 0 : i32
      %dma_wait3A_1648 = arith.constant 0 : i32
      %dma_wait3A_1649 = tpu.memref_slice %dma_wait3A_1646[%dma_wait3A_1647, %dma_wait3A_1648] : memref<100000x8xf32, #tpu.memory_space<hbm>> -> memref<100000x8xf32, #tpu.memory_space<hbm>>
      tpu.wait_indirect_dma semaphore(%arg12 : memref<!tpu.dma_semaphore, #tpu.memory_space<semaphore_mem>>) src(%dma_wait3A_1649 : memref<100000x8xf32, #tpu.memory_space<hbm>>) dst(%dma_wait3A_1639 : memref<128x8xf32, #tpu.memory_space<vmem>>)
      %dma_wait3A_1650 = arith.constant 0 : i32
      %dma_wait3A_1651 = arith.constant 1 : i32
      %dma_wait3A_1652 = arith.constant 1 : i32
      %dma_wait3A_1653 = arith.constant 1024 : i32
      %dma_wait3A_1654 = arith.constant 0 : i32
      %dma_wait3A_1655 = tpu.memref_slice %arg8[%dma_wait3A_1652, %dma_wait3A_1653, %dma_wait3A_1654] : memref<2x2048x8xf32, #tpu.memory_space<vmem>> -> memref<1x128x8xf32, #tpu.memory_space<vmem>>
      %dma_wait3A_1656 = tpu.memref_squeeze %dma_wait3A_1655 : memref<1x128x8xf32, #tpu.memory_space<vmem>> -> memref<128x8xf32, #tpu.memory_space<vmem>>
      %dma_wait3A_1657 = arith.constant 1024 : i32
      %dma_wait3A_1658 = tpu.memref_slice %arg6[%dma_wait3A_1651, %dma_wait3A_1657] : memref<2x2048xi32, #tpu.memory_space<vmem>> -> memref<1x128xi32, #tpu.memory_space<vmem>>
      %dma_wait3A_1659 = tpu.memref_squeeze %dma_wait3A_1658 : memref<1x128xi32, #tpu.memory_space<vmem>> -> memref<128xi32, #tpu.memory_space<vmem>>
      %dma_wait3A_1660 = arith.constant 0 : i32
      %dma_wait3A_1661 = arith.constant 0 : i32
      %dma_wait3A_1662 = tpu.memref_slice %arg2[%dma_wait3A_1650, %dma_wait3A_1660, %dma_wait3A_1661] : memref<2x100000x8xf32, #tpu.memory_space<hbm>> -> memref<1x100000x8xf32, #tpu.memory_space<hbm>>
      %dma_wait3A_1663 = tpu.memref_squeeze %dma_wait3A_1662 : memref<1x100000x8xf32, #tpu.memory_space<hbm>> -> memref<100000x8xf32, #tpu.memory_space<hbm>>
      %dma_wait3A_1664 = arith.constant 0 : i32
      %dma_wait3A_1665 = arith.constant 0 : i32
      %dma_wait3A_1666 = tpu.memref_slice %dma_wait3A_1663[%dma_wait3A_1664, %dma_wait3A_1665] : memref<100000x8xf32, #tpu.memory_space<hbm>> -> memref<100000x8xf32, #tpu.memory_space<hbm>>
      tpu.wait_indirect_dma semaphore(%arg12 : memref<!tpu.dma_semaphore, #tpu.memory_space<semaphore_mem>>) src(%dma_wait3A_1666 : memref<100000x8xf32, #tpu.memory_space<hbm>>) dst(%dma_wait3A_1656 : memref<128x8xf32, #tpu.memory_space<vmem>>)
      %dma_wait3A_1667 = arith.constant 0 : i32
      %dma_wait3A_1668 = arith.constant 1 : i32
      %dma_wait3A_1669 = arith.constant 1 : i32
      %dma_wait3A_1670 = arith.constant 1152 : i32
      %dma_wait3A_1671 = arith.constant 0 : i32
      %dma_wait3A_1672 = tpu.memref_slice %arg7[%dma_wait3A_1669, %dma_wait3A_1670, %dma_wait3A_1671] : memref<2x2048x8xf32, #tpu.memory_space<vmem>> -> memref<1x128x8xf32, #tpu.memory_space<vmem>>
      %dma_wait3A_1673 = tpu.memref_squeeze %dma_wait3A_1672 : memref<1x128x8xf32, #tpu.memory_space<vmem>> -> memref<128x8xf32, #tpu.memory_space<vmem>>
      %dma_wait3A_1674 = arith.constant 1152 : i32
      %dma_wait3A_1675 = tpu.memref_slice %arg5[%dma_wait3A_1668, %dma_wait3A_1674] : memref<2x2048xi32, #tpu.memory_space<vmem>> -> memref<1x128xi32, #tpu.memory_space<vmem>>
      %dma_wait3A_1676 = tpu.memref_squeeze %dma_wait3A_1675 : memref<1x128xi32, #tpu.memory_space<vmem>> -> memref<128xi32, #tpu.memory_space<vmem>>
      %dma_wait3A_1677 = arith.constant 0 : i32
      %dma_wait3A_1678 = arith.constant 0 : i32
      %dma_wait3A_1679 = tpu.memref_slice %arg2[%dma_wait3A_1667, %dma_wait3A_1677, %dma_wait3A_1678] : memref<2x100000x8xf32, #tpu.memory_space<hbm>> -> memref<1x100000x8xf32, #tpu.memory_space<hbm>>
      %dma_wait3A_1680 = tpu.memref_squeeze %dma_wait3A_1679 : memref<1x100000x8xf32, #tpu.memory_space<hbm>> -> memref<100000x8xf32, #tpu.memory_space<hbm>>
      %dma_wait3A_1681 = arith.constant 0 : i32
      %dma_wait3A_1682 = arith.constant 0 : i32
      %dma_wait3A_1683 = tpu.memref_slice %dma_wait3A_1680[%dma_wait3A_1681, %dma_wait3A_1682] : memref<100000x8xf32, #tpu.memory_space<hbm>> -> memref<100000x8xf32, #tpu.memory_space<hbm>>
      tpu.wait_indirect_dma semaphore(%arg12 : memref<!tpu.dma_semaphore, #tpu.memory_space<semaphore_mem>>) src(%dma_wait3A_1683 : memref<100000x8xf32, #tpu.memory_space<hbm>>) dst(%dma_wait3A_1673 : memref<128x8xf32, #tpu.memory_space<vmem>>)
      %dma_wait3A_1684 = arith.constant 0 : i32
      %dma_wait3A_1685 = arith.constant 1 : i32
      %dma_wait3A_1686 = arith.constant 1 : i32
      %dma_wait3A_1687 = arith.constant 1152 : i32
      %dma_wait3A_1688 = arith.constant 0 : i32
      %dma_wait3A_1689 = tpu.memref_slice %arg8[%dma_wait3A_1686, %dma_wait3A_1687, %dma_wait3A_1688] : memref<2x2048x8xf32, #tpu.memory_space<vmem>> -> memref<1x128x8xf32, #tpu.memory_space<vmem>>
      %dma_wait3A_1690 = tpu.memref_squeeze %dma_wait3A_1689 : memref<1x128x8xf32, #tpu.memory_space<vmem>> -> memref<128x8xf32, #tpu.memory_space<vmem>>
      %dma_wait3A_1691 = arith.constant 1152 : i32
      %dma_wait3A_1692 = tpu.memref_slice %arg6[%dma_wait3A_1685, %dma_wait3A_1691] : memref<2x2048xi32, #tpu.memory_space<vmem>> -> memref<1x128xi32, #tpu.memory_space<vmem>>
      %dma_wait3A_1693 = tpu.memref_squeeze %dma_wait3A_1692 : memref<1x128xi32, #tpu.memory_space<vmem>> -> memref<128xi32, #tpu.memory_space<vmem>>
      %dma_wait3A_1694 = arith.constant 0 : i32
      %dma_wait3A_1695 = arith.constant 0 : i32
      %dma_wait3A_1696 = tpu.memref_slice %arg2[%dma_wait3A_1684, %dma_wait3A_1694, %dma_wait3A_1695] : memref<2x100000x8xf32, #tpu.memory_space<hbm>> -> memref<1x100000x8xf32, #tpu.memory_space<hbm>>
      %dma_wait3A_1697 = tpu.memref_squeeze %dma_wait3A_1696 : memref<1x100000x8xf32, #tpu.memory_space<hbm>> -> memref<100000x8xf32, #tpu.memory_space<hbm>>
      %dma_wait3A_1698 = arith.constant 0 : i32
      %dma_wait3A_1699 = arith.constant 0 : i32
      %dma_wait3A_1700 = tpu.memref_slice %dma_wait3A_1697[%dma_wait3A_1698, %dma_wait3A_1699] : memref<100000x8xf32, #tpu.memory_space<hbm>> -> memref<100000x8xf32, #tpu.memory_space<hbm>>
      tpu.wait_indirect_dma semaphore(%arg12 : memref<!tpu.dma_semaphore, #tpu.memory_space<semaphore_mem>>) src(%dma_wait3A_1700 : memref<100000x8xf32, #tpu.memory_space<hbm>>) dst(%dma_wait3A_1690 : memref<128x8xf32, #tpu.memory_space<vmem>>)
      %dma_wait3A_1701 = arith.constant 0 : i32
      %dma_wait3A_1702 = arith.constant 1 : i32
      %dma_wait3A_1703 = arith.constant 1 : i32
      %dma_wait3A_1704 = arith.constant 1280 : i32
      %dma_wait3A_1705 = arith.constant 0 : i32
      %dma_wait3A_1706 = tpu.memref_slice %arg7[%dma_wait3A_1703, %dma_wait3A_1704, %dma_wait3A_1705] : memref<2x2048x8xf32, #tpu.memory_space<vmem>> -> memref<1x128x8xf32, #tpu.memory_space<vmem>>
      %dma_wait3A_1707 = tpu.memref_squeeze %dma_wait3A_1706 : memref<1x128x8xf32, #tpu.memory_space<vmem>> -> memref<128x8xf32, #tpu.memory_space<vmem>>
      %dma_wait3A_1708 = arith.constant 1280 : i32
      %dma_wait3A_1709 = tpu.memref_slice %arg5[%dma_wait3A_1702, %dma_wait3A_1708] : memref<2x2048xi32, #tpu.memory_space<vmem>> -> memref<1x128xi32, #tpu.memory_space<vmem>>
      %dma_wait3A_1710 = tpu.memref_squeeze %dma_wait3A_1709 : memref<1x128xi32, #tpu.memory_space<vmem>> -> memref<128xi32, #tpu.memory_space<vmem>>
      %dma_wait3A_1711 = arith.constant 0 : i32
      %dma_wait3A_1712 = arith.constant 0 : i32
      %dma_wait3A_1713 = tpu.memref_slice %arg2[%dma_wait3A_1701, %dma_wait3A_1711, %dma_wait3A_1712] : memref<2x100000x8xf32, #tpu.memory_space<hbm>> -> memref<1x100000x8xf32, #tpu.memory_space<hbm>>
      %dma_wait3A_1714 = tpu.memref_squeeze %dma_wait3A_1713 : memref<1x100000x8xf32, #tpu.memory_space<hbm>> -> memref<100000x8xf32, #tpu.memory_space<hbm>>
      %dma_wait3A_1715 = arith.constant 0 : i32
      %dma_wait3A_1716 = arith.constant 0 : i32
      %dma_wait3A_1717 = tpu.memref_slice %dma_wait3A_1714[%dma_wait3A_1715, %dma_wait3A_1716] : memref<100000x8xf32, #tpu.memory_space<hbm>> -> memref<100000x8xf32, #tpu.memory_space<hbm>>
      tpu.wait_indirect_dma semaphore(%arg12 : memref<!tpu.dma_semaphore, #tpu.memory_space<semaphore_mem>>) src(%dma_wait3A_1717 : memref<100000x8xf32, #tpu.memory_space<hbm>>) dst(%dma_wait3A_1707 : memref<128x8xf32, #tpu.memory_space<vmem>>)
      %dma_wait3A_1718 = arith.constant 0 : i32
      %dma_wait3A_1719 = arith.constant 1 : i32
      %dma_wait3A_1720 = arith.constant 1 : i32
      %dma_wait3A_1721 = arith.constant 1280 : i32
      %dma_wait3A_1722 = arith.constant 0 : i32
      %dma_wait3A_1723 = tpu.memref_slice %arg8[%dma_wait3A_1720, %dma_wait3A_1721, %dma_wait3A_1722] : memref<2x2048x8xf32, #tpu.memory_space<vmem>> -> memref<1x128x8xf32, #tpu.memory_space<vmem>>
      %dma_wait3A_1724 = tpu.memref_squeeze %dma_wait3A_1723 : memref<1x128x8xf32, #tpu.memory_space<vmem>> -> memref<128x8xf32, #tpu.memory_space<vmem>>
      %dma_wait3A_1725 = arith.constant 1280 : i32
      %dma_wait3A_1726 = tpu.memref_slice %arg6[%dma_wait3A_1719, %dma_wait3A_1725] : memref<2x2048xi32, #tpu.memory_space<vmem>> -> memref<1x128xi32, #tpu.memory_space<vmem>>
      %dma_wait3A_1727 = tpu.memref_squeeze %dma_wait3A_1726 : memref<1x128xi32, #tpu.memory_space<vmem>> -> memref<128xi32, #tpu.memory_space<vmem>>
      %dma_wait3A_1728 = arith.constant 0 : i32
      %dma_wait3A_1729 = arith.constant 0 : i32
      %dma_wait3A_1730 = tpu.memref_slice %arg2[%dma_wait3A_1718, %dma_wait3A_1728, %dma_wait3A_1729] : memref<2x100000x8xf32, #tpu.memory_space<hbm>> -> memref<1x100000x8xf32, #tpu.memory_space<hbm>>
      %dma_wait3A_1731 = tpu.memref_squeeze %dma_wait3A_1730 : memref<1x100000x8xf32, #tpu.memory_space<hbm>> -> memref<100000x8xf32, #tpu.memory_space<hbm>>
      %dma_wait3A_1732 = arith.constant 0 : i32
      %dma_wait3A_1733 = arith.constant 0 : i32
      %dma_wait3A_1734 = tpu.memref_slice %dma_wait3A_1731[%dma_wait3A_1732, %dma_wait3A_1733] : memref<100000x8xf32, #tpu.memory_space<hbm>> -> memref<100000x8xf32, #tpu.memory_space<hbm>>
      tpu.wait_indirect_dma semaphore(%arg12 : memref<!tpu.dma_semaphore, #tpu.memory_space<semaphore_mem>>) src(%dma_wait3A_1734 : memref<100000x8xf32, #tpu.memory_space<hbm>>) dst(%dma_wait3A_1724 : memref<128x8xf32, #tpu.memory_space<vmem>>)
      %dma_wait3A_1735 = arith.constant 0 : i32
      %dma_wait3A_1736 = arith.constant 1 : i32
      %dma_wait3A_1737 = arith.constant 1 : i32
      %dma_wait3A_1738 = arith.constant 1408 : i32
      %dma_wait3A_1739 = arith.constant 0 : i32
      %dma_wait3A_1740 = tpu.memref_slice %arg7[%dma_wait3A_1737, %dma_wait3A_1738, %dma_wait3A_1739] : memref<2x2048x8xf32, #tpu.memory_space<vmem>> -> memref<1x128x8xf32, #tpu.memory_space<vmem>>
      %dma_wait3A_1741 = tpu.memref_squeeze %dma_wait3A_1740 : memref<1x128x8xf32, #tpu.memory_space<vmem>> -> memref<128x8xf32, #tpu.memory_space<vmem>>
      %dma_wait3A_1742 = arith.constant 1408 : i32
      %dma_wait3A_1743 = tpu.memref_slice %arg5[%dma_wait3A_1736, %dma_wait3A_1742] : memref<2x2048xi32, #tpu.memory_space<vmem>> -> memref<1x128xi32, #tpu.memory_space<vmem>>
      %dma_wait3A_1744 = tpu.memref_squeeze %dma_wait3A_1743 : memref<1x128xi32, #tpu.memory_space<vmem>> -> memref<128xi32, #tpu.memory_space<vmem>>
      %dma_wait3A_1745 = arith.constant 0 : i32
      %dma_wait3A_1746 = arith.constant 0 : i32
      %dma_wait3A_1747 = tpu.memref_slice %arg2[%dma_wait3A_1735, %dma_wait3A_1745, %dma_wait3A_1746] : memref<2x100000x8xf32, #tpu.memory_space<hbm>> -> memref<1x100000x8xf32, #tpu.memory_space<hbm>>
      %dma_wait3A_1748 = tpu.memref_squeeze %dma_wait3A_1747 : memref<1x100000x8xf32, #tpu.memory_space<hbm>> -> memref<100000x8xf32, #tpu.memory_space<hbm>>
      %dma_wait3A_1749 = arith.constant 0 : i32
      %dma_wait3A_1750 = arith.constant 0 : i32
      %dma_wait3A_1751 = tpu.memref_slice %dma_wait3A_1748[%dma_wait3A_1749, %dma_wait3A_1750] : memref<100000x8xf32, #tpu.memory_space<hbm>> -> memref<100000x8xf32, #tpu.memory_space<hbm>>
      tpu.wait_indirect_dma semaphore(%arg12 : memref<!tpu.dma_semaphore, #tpu.memory_space<semaphore_mem>>) src(%dma_wait3A_1751 : memref<100000x8xf32, #tpu.memory_space<hbm>>) dst(%dma_wait3A_1741 : memref<128x8xf32, #tpu.memory_space<vmem>>)
      %dma_wait3A_1752 = arith.constant 0 : i32
      %dma_wait3A_1753 = arith.constant 1 : i32
      %dma_wait3A_1754 = arith.constant 1 : i32
      %dma_wait3A_1755 = arith.constant 1408 : i32
      %dma_wait3A_1756 = arith.constant 0 : i32
      %dma_wait3A_1757 = tpu.memref_slice %arg8[%dma_wait3A_1754, %dma_wait3A_1755, %dma_wait3A_1756] : memref<2x2048x8xf32, #tpu.memory_space<vmem>> -> memref<1x128x8xf32, #tpu.memory_space<vmem>>
      %dma_wait3A_1758 = tpu.memref_squeeze %dma_wait3A_1757 : memref<1x128x8xf32, #tpu.memory_space<vmem>> -> memref<128x8xf32, #tpu.memory_space<vmem>>
      %dma_wait3A_1759 = arith.constant 1408 : i32
      %dma_wait3A_1760 = tpu.memref_slice %arg6[%dma_wait3A_1753, %dma_wait3A_1759] : memref<2x2048xi32, #tpu.memory_space<vmem>> -> memref<1x128xi32, #tpu.memory_space<vmem>>
      %dma_wait3A_1761 = tpu.memref_squeeze %dma_wait3A_1760 : memref<1x128xi32, #tpu.memory_space<vmem>> -> memref<128xi32, #tpu.memory_space<vmem>>
      %dma_wait3A_1762 = arith.constant 0 : i32
      %dma_wait3A_1763 = arith.constant 0 : i32
      %dma_wait3A_1764 = tpu.memref_slice %arg2[%dma_wait3A_1752, %dma_wait3A_1762, %dma_wait3A_1763] : memref<2x100000x8xf32, #tpu.memory_space<hbm>> -> memref<1x100000x8xf32, #tpu.memory_space<hbm>>
      %dma_wait3A_1765 = tpu.memref_squeeze %dma_wait3A_1764 : memref<1x100000x8xf32, #tpu.memory_space<hbm>> -> memref<100000x8xf32, #tpu.memory_space<hbm>>
      %dma_wait3A_1766 = arith.constant 0 : i32
      %dma_wait3A_1767 = arith.constant 0 : i32
      %dma_wait3A_1768 = tpu.memref_slice %dma_wait3A_1765[%dma_wait3A_1766, %dma_wait3A_1767] : memref<100000x8xf32, #tpu.memory_space<hbm>> -> memref<100000x8xf32, #tpu.memory_space<hbm>>
      tpu.wait_indirect_dma semaphore(%arg12 : memref<!tpu.dma_semaphore, #tpu.memory_space<semaphore_mem>>) src(%dma_wait3A_1768 : memref<100000x8xf32, #tpu.memory_space<hbm>>) dst(%dma_wait3A_1758 : memref<128x8xf32, #tpu.memory_space<vmem>>)
      %dma_wait3A_1769 = arith.constant 0 : i32
      %dma_wait3A_1770 = arith.constant 1 : i32
      %dma_wait3A_1771 = arith.constant 1 : i32
      %dma_wait3A_1772 = arith.constant 1536 : i32
      %dma_wait3A_1773 = arith.constant 0 : i32
      %dma_wait3A_1774 = tpu.memref_slice %arg7[%dma_wait3A_1771, %dma_wait3A_1772, %dma_wait3A_1773] : memref<2x2048x8xf32, #tpu.memory_space<vmem>> -> memref<1x128x8xf32, #tpu.memory_space<vmem>>
      %dma_wait3A_1775 = tpu.memref_squeeze %dma_wait3A_1774 : memref<1x128x8xf32, #tpu.memory_space<vmem>> -> memref<128x8xf32, #tpu.memory_space<vmem>>
      %dma_wait3A_1776 = arith.constant 1536 : i32
      %dma_wait3A_1777 = tpu.memref_slice %arg5[%dma_wait3A_1770, %dma_wait3A_1776] : memref<2x2048xi32, #tpu.memory_space<vmem>> -> memref<1x128xi32, #tpu.memory_space<vmem>>
      %dma_wait3A_1778 = tpu.memref_squeeze %dma_wait3A_1777 : memref<1x128xi32, #tpu.memory_space<vmem>> -> memref<128xi32, #tpu.memory_space<vmem>>
      %dma_wait3A_1779 = arith.constant 0 : i32
      %dma_wait3A_1780 = arith.constant 0 : i32
      %dma_wait3A_1781 = tpu.memref_slice %arg2[%dma_wait3A_1769, %dma_wait3A_1779, %dma_wait3A_1780] : memref<2x100000x8xf32, #tpu.memory_space<hbm>> -> memref<1x100000x8xf32, #tpu.memory_space<hbm>>
      %dma_wait3A_1782 = tpu.memref_squeeze %dma_wait3A_1781 : memref<1x100000x8xf32, #tpu.memory_space<hbm>> -> memref<100000x8xf32, #tpu.memory_space<hbm>>
      %dma_wait3A_1783 = arith.constant 0 : i32
      %dma_wait3A_1784 = arith.constant 0 : i32
      %dma_wait3A_1785 = tpu.memref_slice %dma_wait3A_1782[%dma_wait3A_1783, %dma_wait3A_1784] : memref<100000x8xf32, #tpu.memory_space<hbm>> -> memref<100000x8xf32, #tpu.memory_space<hbm>>
      tpu.wait_indirect_dma semaphore(%arg12 : memref<!tpu.dma_semaphore, #tpu.memory_space<semaphore_mem>>) src(%dma_wait3A_1785 : memref<100000x8xf32, #tpu.memory_space<hbm>>) dst(%dma_wait3A_1775 : memref<128x8xf32, #tpu.memory_space<vmem>>)
      %dma_wait3A_1786 = arith.constant 0 : i32
      %dma_wait3A_1787 = arith.constant 1 : i32
      %dma_wait3A_1788 = arith.constant 1 : i32
      %dma_wait3A_1789 = arith.constant 1536 : i32
      %dma_wait3A_1790 = arith.constant 0 : i32
      %dma_wait3A_1791 = tpu.memref_slice %arg8[%dma_wait3A_1788, %dma_wait3A_1789, %dma_wait3A_1790] : memref<2x2048x8xf32, #tpu.memory_space<vmem>> -> memref<1x128x8xf32, #tpu.memory_space<vmem>>
      %dma_wait3A_1792 = tpu.memref_squeeze %dma_wait3A_1791 : memref<1x128x8xf32, #tpu.memory_space<vmem>> -> memref<128x8xf32, #tpu.memory_space<vmem>>
      %dma_wait3A_1793 = arith.constant 1536 : i32
      %dma_wait3A_1794 = tpu.memref_slice %arg6[%dma_wait3A_1787, %dma_wait3A_1793] : memref<2x2048xi32, #tpu.memory_space<vmem>> -> memref<1x128xi32, #tpu.memory_space<vmem>>
      %dma_wait3A_1795 = tpu.memref_squeeze %dma_wait3A_1794 : memref<1x128xi32, #tpu.memory_space<vmem>> -> memref<128xi32, #tpu.memory_space<vmem>>
      %dma_wait3A_1796 = arith.constant 0 : i32
      %dma_wait3A_1797 = arith.constant 0 : i32
      %dma_wait3A_1798 = tpu.memref_slice %arg2[%dma_wait3A_1786, %dma_wait3A_1796, %dma_wait3A_1797] : memref<2x100000x8xf32, #tpu.memory_space<hbm>> -> memref<1x100000x8xf32, #tpu.memory_space<hbm>>
      %dma_wait3A_1799 = tpu.memref_squeeze %dma_wait3A_1798 : memref<1x100000x8xf32, #tpu.memory_space<hbm>> -> memref<100000x8xf32, #tpu.memory_space<hbm>>
      %dma_wait3A_1800 = arith.constant 0 : i32
      %dma_wait3A_1801 = arith.constant 0 : i32
      %dma_wait3A_1802 = tpu.memref_slice %dma_wait3A_1799[%dma_wait3A_1800, %dma_wait3A_1801] : memref<100000x8xf32, #tpu.memory_space<hbm>> -> memref<100000x8xf32, #tpu.memory_space<hbm>>
      tpu.wait_indirect_dma semaphore(%arg12 : memref<!tpu.dma_semaphore, #tpu.memory_space<semaphore_mem>>) src(%dma_wait3A_1802 : memref<100000x8xf32, #tpu.memory_space<hbm>>) dst(%dma_wait3A_1792 : memref<128x8xf32, #tpu.memory_space<vmem>>)
      %dma_wait3A_1803 = arith.constant 0 : i32
      %dma_wait3A_1804 = arith.constant 1 : i32
      %dma_wait3A_1805 = arith.constant 1 : i32
      %dma_wait3A_1806 = arith.constant 1664 : i32
      %dma_wait3A_1807 = arith.constant 0 : i32
      %dma_wait3A_1808 = tpu.memref_slice %arg7[%dma_wait3A_1805, %dma_wait3A_1806, %dma_wait3A_1807] : memref<2x2048x8xf32, #tpu.memory_space<vmem>> -> memref<1x128x8xf32, #tpu.memory_space<vmem>>
      %dma_wait3A_1809 = tpu.memref_squeeze %dma_wait3A_1808 : memref<1x128x8xf32, #tpu.memory_space<vmem>> -> memref<128x8xf32, #tpu.memory_space<vmem>>
      %dma_wait3A_1810 = arith.constant 1664 : i32
      %dma_wait3A_1811 = tpu.memref_slice %arg5[%dma_wait3A_1804, %dma_wait3A_1810] : memref<2x2048xi32, #tpu.memory_space<vmem>> -> memref<1x128xi32, #tpu.memory_space<vmem>>
      %dma_wait3A_1812 = tpu.memref_squeeze %dma_wait3A_1811 : memref<1x128xi32, #tpu.memory_space<vmem>> -> memref<128xi32, #tpu.memory_space<vmem>>
      %dma_wait3A_1813 = arith.constant 0 : i32
      %dma_wait3A_1814 = arith.constant 0 : i32
      %dma_wait3A_1815 = tpu.memref_slice %arg2[%dma_wait3A_1803, %dma_wait3A_1813, %dma_wait3A_1814] : memref<2x100000x8xf32, #tpu.memory_space<hbm>> -> memref<1x100000x8xf32, #tpu.memory_space<hbm>>
      %dma_wait3A_1816 = tpu.memref_squeeze %dma_wait3A_1815 : memref<1x100000x8xf32, #tpu.memory_space<hbm>> -> memref<100000x8xf32, #tpu.memory_space<hbm>>
      %dma_wait3A_1817 = arith.constant 0 : i32
      %dma_wait3A_1818 = arith.constant 0 : i32
      %dma_wait3A_1819 = tpu.memref_slice %dma_wait3A_1816[%dma_wait3A_1817, %dma_wait3A_1818] : memref<100000x8xf32, #tpu.memory_space<hbm>> -> memref<100000x8xf32, #tpu.memory_space<hbm>>
      tpu.wait_indirect_dma semaphore(%arg12 : memref<!tpu.dma_semaphore, #tpu.memory_space<semaphore_mem>>) src(%dma_wait3A_1819 : memref<100000x8xf32, #tpu.memory_space<hbm>>) dst(%dma_wait3A_1809 : memref<128x8xf32, #tpu.memory_space<vmem>>)
      %dma_wait3A_1820 = arith.constant 0 : i32
      %dma_wait3A_1821 = arith.constant 1 : i32
      %dma_wait3A_1822 = arith.constant 1 : i32
      %dma_wait3A_1823 = arith.constant 1664 : i32
      %dma_wait3A_1824 = arith.constant 0 : i32
      %dma_wait3A_1825 = tpu.memref_slice %arg8[%dma_wait3A_1822, %dma_wait3A_1823, %dma_wait3A_1824] : memref<2x2048x8xf32, #tpu.memory_space<vmem>> -> memref<1x128x8xf32, #tpu.memory_space<vmem>>
      %dma_wait3A_1826 = tpu.memref_squeeze %dma_wait3A_1825 : memref<1x128x8xf32, #tpu.memory_space<vmem>> -> memref<128x8xf32, #tpu.memory_space<vmem>>
      %dma_wait3A_1827 = arith.constant 1664 : i32
      %dma_wait3A_1828 = tpu.memref_slice %arg6[%dma_wait3A_1821, %dma_wait3A_1827] : memref<2x2048xi32, #tpu.memory_space<vmem>> -> memref<1x128xi32, #tpu.memory_space<vmem>>
      %dma_wait3A_1829 = tpu.memref_squeeze %dma_wait3A_1828 : memref<1x128xi32, #tpu.memory_space<vmem>> -> memref<128xi32, #tpu.memory_space<vmem>>
      %dma_wait3A_1830 = arith.constant 0 : i32
      %dma_wait3A_1831 = arith.constant 0 : i32
      %dma_wait3A_1832 = tpu.memref_slice %arg2[%dma_wait3A_1820, %dma_wait3A_1830, %dma_wait3A_1831] : memref<2x100000x8xf32, #tpu.memory_space<hbm>> -> memref<1x100000x8xf32, #tpu.memory_space<hbm>>
      %dma_wait3A_1833 = tpu.memref_squeeze %dma_wait3A_1832 : memref<1x100000x8xf32, #tpu.memory_space<hbm>> -> memref<100000x8xf32, #tpu.memory_space<hbm>>
      %dma_wait3A_1834 = arith.constant 0 : i32
      %dma_wait3A_1835 = arith.constant 0 : i32
      %dma_wait3A_1836 = tpu.memref_slice %dma_wait3A_1833[%dma_wait3A_1834, %dma_wait3A_1835] : memref<100000x8xf32, #tpu.memory_space<hbm>> -> memref<100000x8xf32, #tpu.memory_space<hbm>>
      tpu.wait_indirect_dma semaphore(%arg12 : memref<!tpu.dma_semaphore, #tpu.memory_space<semaphore_mem>>) src(%dma_wait3A_1836 : memref<100000x8xf32, #tpu.memory_space<hbm>>) dst(%dma_wait3A_1826 : memref<128x8xf32, #tpu.memory_space<vmem>>)
      %dma_wait3A_1837 = arith.constant 0 : i32
      %dma_wait3A_1838 = arith.constant 1 : i32
      %dma_wait3A_1839 = arith.constant 1 : i32
      %dma_wait3A_1840 = arith.constant 1792 : i32
      %dma_wait3A_1841 = arith.constant 0 : i32
      %dma_wait3A_1842 = tpu.memref_slice %arg7[%dma_wait3A_1839, %dma_wait3A_1840, %dma_wait3A_1841] : memref<2x2048x8xf32, #tpu.memory_space<vmem>> -> memref<1x128x8xf32, #tpu.memory_space<vmem>>
      %dma_wait3A_1843 = tpu.memref_squeeze %dma_wait3A_1842 : memref<1x128x8xf32, #tpu.memory_space<vmem>> -> memref<128x8xf32, #tpu.memory_space<vmem>>
      %dma_wait3A_1844 = arith.constant 1792 : i32
      %dma_wait3A_1845 = tpu.memref_slice %arg5[%dma_wait3A_1838, %dma_wait3A_1844] : memref<2x2048xi32, #tpu.memory_space<vmem>> -> memref<1x128xi32, #tpu.memory_space<vmem>>
      %dma_wait3A_1846 = tpu.memref_squeeze %dma_wait3A_1845 : memref<1x128xi32, #tpu.memory_space<vmem>> -> memref<128xi32, #tpu.memory_space<vmem>>
      %dma_wait3A_1847 = arith.constant 0 : i32
      %dma_wait3A_1848 = arith.constant 0 : i32
      %dma_wait3A_1849 = tpu.memref_slice %arg2[%dma_wait3A_1837, %dma_wait3A_1847, %dma_wait3A_1848] : memref<2x100000x8xf32, #tpu.memory_space<hbm>> -> memref<1x100000x8xf32, #tpu.memory_space<hbm>>
      %dma_wait3A_1850 = tpu.memref_squeeze %dma_wait3A_1849 : memref<1x100000x8xf32, #tpu.memory_space<hbm>> -> memref<100000x8xf32, #tpu.memory_space<hbm>>
      %dma_wait3A_1851 = arith.constant 0 : i32
      %dma_wait3A_1852 = arith.constant 0 : i32
      %dma_wait3A_1853 = tpu.memref_slice %dma_wait3A_1850[%dma_wait3A_1851, %dma_wait3A_1852] : memref<100000x8xf32, #tpu.memory_space<hbm>> -> memref<100000x8xf32, #tpu.memory_space<hbm>>
      tpu.wait_indirect_dma semaphore(%arg12 : memref<!tpu.dma_semaphore, #tpu.memory_space<semaphore_mem>>) src(%dma_wait3A_1853 : memref<100000x8xf32, #tpu.memory_space<hbm>>) dst(%dma_wait3A_1843 : memref<128x8xf32, #tpu.memory_space<vmem>>)
      %dma_wait3A_1854 = arith.constant 0 : i32
      %dma_wait3A_1855 = arith.constant 1 : i32
      %dma_wait3A_1856 = arith.constant 1 : i32
      %dma_wait3A_1857 = arith.constant 1792 : i32
      %dma_wait3A_1858 = arith.constant 0 : i32
      %dma_wait3A_1859 = tpu.memref_slice %arg8[%dma_wait3A_1856, %dma_wait3A_1857, %dma_wait3A_1858] : memref<2x2048x8xf32, #tpu.memory_space<vmem>> -> memref<1x128x8xf32, #tpu.memory_space<vmem>>
      %dma_wait3A_1860 = tpu.memref_squeeze %dma_wait3A_1859 : memref<1x128x8xf32, #tpu.memory_space<vmem>> -> memref<128x8xf32, #tpu.memory_space<vmem>>
      %dma_wait3A_1861 = arith.constant 1792 : i32
      %dma_wait3A_1862 = tpu.memref_slice %arg6[%dma_wait3A_1855, %dma_wait3A_1861] : memref<2x2048xi32, #tpu.memory_space<vmem>> -> memref<1x128xi32, #tpu.memory_space<vmem>>
      %dma_wait3A_1863 = tpu.memref_squeeze %dma_wait3A_1862 : memref<1x128xi32, #tpu.memory_space<vmem>> -> memref<128xi32, #tpu.memory_space<vmem>>
      %dma_wait3A_1864 = arith.constant 0 : i32
      %dma_wait3A_1865 = arith.constant 0 : i32
      %dma_wait3A_1866 = tpu.memref_slice %arg2[%dma_wait3A_1854, %dma_wait3A_1864, %dma_wait3A_1865] : memref<2x100000x8xf32, #tpu.memory_space<hbm>> -> memref<1x100000x8xf32, #tpu.memory_space<hbm>>
      %dma_wait3A_1867 = tpu.memref_squeeze %dma_wait3A_1866 : memref<1x100000x8xf32, #tpu.memory_space<hbm>> -> memref<100000x8xf32, #tpu.memory_space<hbm>>
      %dma_wait3A_1868 = arith.constant 0 : i32
      %dma_wait3A_1869 = arith.constant 0 : i32
      %dma_wait3A_1870 = tpu.memref_slice %dma_wait3A_1867[%dma_wait3A_1868, %dma_wait3A_1869] : memref<100000x8xf32, #tpu.memory_space<hbm>> -> memref<100000x8xf32, #tpu.memory_space<hbm>>
      tpu.wait_indirect_dma semaphore(%arg12 : memref<!tpu.dma_semaphore, #tpu.memory_space<semaphore_mem>>) src(%dma_wait3A_1870 : memref<100000x8xf32, #tpu.memory_space<hbm>>) dst(%dma_wait3A_1860 : memref<128x8xf32, #tpu.memory_space<vmem>>)
      %dma_wait3A_1871 = arith.constant 0 : i32
      %dma_wait3A_1872 = arith.constant 1 : i32
      %dma_wait3A_1873 = arith.constant 1 : i32
      %dma_wait3A_1874 = arith.constant 1920 : i32
      %dma_wait3A_1875 = arith.constant 0 : i32
      %dma_wait3A_1876 = tpu.memref_slice %arg7[%dma_wait3A_1873, %dma_wait3A_1874, %dma_wait3A_1875] : memref<2x2048x8xf32, #tpu.memory_space<vmem>> -> memref<1x128x8xf32, #tpu.memory_space<vmem>>
      %dma_wait3A_1877 = tpu.memref_squeeze %dma_wait3A_1876 : memref<1x128x8xf32, #tpu.memory_space<vmem>> -> memref<128x8xf32, #tpu.memory_space<vmem>>
      %dma_wait3A_1878 = arith.constant 1920 : i32
      %dma_wait3A_1879 = tpu.memref_slice %arg5[%dma_wait3A_1872, %dma_wait3A_1878] : memref<2x2048xi32, #tpu.memory_space<vmem>> -> memref<1x128xi32, #tpu.memory_space<vmem>>
      %dma_wait3A_1880 = tpu.memref_squeeze %dma_wait3A_1879 : memref<1x128xi32, #tpu.memory_space<vmem>> -> memref<128xi32, #tpu.memory_space<vmem>>
      %dma_wait3A_1881 = arith.constant 0 : i32
      %dma_wait3A_1882 = arith.constant 0 : i32
      %dma_wait3A_1883 = tpu.memref_slice %arg2[%dma_wait3A_1871, %dma_wait3A_1881, %dma_wait3A_1882] : memref<2x100000x8xf32, #tpu.memory_space<hbm>> -> memref<1x100000x8xf32, #tpu.memory_space<hbm>>
      %dma_wait3A_1884 = tpu.memref_squeeze %dma_wait3A_1883 : memref<1x100000x8xf32, #tpu.memory_space<hbm>> -> memref<100000x8xf32, #tpu.memory_space<hbm>>
      %dma_wait3A_1885 = arith.constant 0 : i32
      %dma_wait3A_1886 = arith.constant 0 : i32
      %dma_wait3A_1887 = tpu.memref_slice %dma_wait3A_1884[%dma_wait3A_1885, %dma_wait3A_1886] : memref<100000x8xf32, #tpu.memory_space<hbm>> -> memref<100000x8xf32, #tpu.memory_space<hbm>>
      tpu.wait_indirect_dma semaphore(%arg12 : memref<!tpu.dma_semaphore, #tpu.memory_space<semaphore_mem>>) src(%dma_wait3A_1887 : memref<100000x8xf32, #tpu.memory_space<hbm>>) dst(%dma_wait3A_1877 : memref<128x8xf32, #tpu.memory_space<vmem>>)
      %dma_wait3A_1888 = arith.constant 0 : i32
      %dma_wait3A_1889 = arith.constant 1 : i32
      %dma_wait3A_1890 = arith.constant 1 : i32
      %dma_wait3A_1891 = arith.constant 1920 : i32
      %dma_wait3A_1892 = arith.constant 0 : i32
      %dma_wait3A_1893 = tpu.memref_slice %arg8[%dma_wait3A_1890, %dma_wait3A_1891, %dma_wait3A_1892] : memref<2x2048x8xf32, #tpu.memory_space<vmem>> -> memref<1x128x8xf32, #tpu.memory_space<vmem>>
      %dma_wait3A_1894 = tpu.memref_squeeze %dma_wait3A_1893 : memref<1x128x8xf32, #tpu.memory_space<vmem>> -> memref<128x8xf32, #tpu.memory_space<vmem>>
      %dma_wait3A_1895 = arith.constant 1920 : i32
      %dma_wait3A_1896 = tpu.memref_slice %arg6[%dma_wait3A_1889, %dma_wait3A_1895] : memref<2x2048xi32, #tpu.memory_space<vmem>> -> memref<1x128xi32, #tpu.memory_space<vmem>>
      %dma_wait3A_1897 = tpu.memref_squeeze %dma_wait3A_1896 : memref<1x128xi32, #tpu.memory_space<vmem>> -> memref<128xi32, #tpu.memory_space<vmem>>
      %dma_wait3A_1898 = arith.constant 0 : i32
      %dma_wait3A_1899 = arith.constant 0 : i32
      %dma_wait3A_1900 = tpu.memref_slice %arg2[%dma_wait3A_1888, %dma_wait3A_1898, %dma_wait3A_1899] : memref<2x100000x8xf32, #tpu.memory_space<hbm>> -> memref<1x100000x8xf32, #tpu.memory_space<hbm>>
      %dma_wait3A_1901 = tpu.memref_squeeze %dma_wait3A_1900 : memref<1x100000x8xf32, #tpu.memory_space<hbm>> -> memref<100000x8xf32, #tpu.memory_space<hbm>>
      %dma_wait3A_1902 = arith.constant 0 : i32
      %dma_wait3A_1903 = arith.constant 0 : i32
      %dma_wait3A_1904 = tpu.memref_slice %dma_wait3A_1901[%dma_wait3A_1902, %dma_wait3A_1903] : memref<100000x8xf32, #tpu.memory_space<hbm>> -> memref<100000x8xf32, #tpu.memory_space<hbm>>
      tpu.wait_indirect_dma semaphore(%arg12 : memref<!tpu.dma_semaphore, #tpu.memory_space<semaphore_mem>>) src(%dma_wait3A_1904 : memref<100000x8xf32, #tpu.memory_space<hbm>>) dst(%dma_wait3A_1894 : memref<128x8xf32, #tpu.memory_space<vmem>>)
      %scan3A_1905 = arith.constant 0 : i32
      %scan3A_1906 = arith.constant 1 : i32
      %scan3A_1907 = arith.constant 1 : i32
      %scan3A_1908 = arith.constant 0 : i32
      %scan3A_1909 = arith.constant 128 : i32
      %scan3A_1910 = arith.addi %scan3A_1908, %scan3A_1909 : i32
      %scan3A_1911 = arith.constant 4 : i32
      scf.for %scan3A_1915 = %scan3A_1908 to %scan3A_1910 step %scan3A_1911  : i32 {
        %mul3A_1916 = arith.constant 16 : i32
        %mul3A_1917 = arith.muli %scan3A_1915, %mul3A_1916 : i32
        %add3A_1918 = vector.broadcast %mul3A_1917 : i32 to vector<16xi32>
        %add3A_1919 = arith.addi %iota3A, %add3A_1918 : vector<16xi32>
        %broadcast_in_dim3A = arith.constant 0 : i32
        %broadcast_in_dim3A_1920 = vector.broadcast %broadcast_in_dim3A : i32 to vector<16xi32>
        %broadcast_in_dim3A_1921 = arith.constant 1 : i32
        %broadcast_in_dim3A_1922 = vector.broadcast %broadcast_in_dim3A_1921 : i32 to vector<16xi32>
        %broadcast_in_dim3A_1923 = arith.constant 2 : i32
        %broadcast_in_dim3A_1924 = vector.broadcast %broadcast_in_dim3A_1923 : i32 to vector<16xi32>
        %broadcast_in_dim3A_1925 = arith.constant 3 : i32
        %broadcast_in_dim3A_1926 = vector.broadcast %broadcast_in_dim3A_1925 : i32 to vector<16xi32>
        %gather3A = arith.constant 0 : i32
        %gather3A_1927 = arith.constant 0 : i32
        %gather3A_1928 = tpu.memref_slice %arg7[%scan3A_1906, %gather3A, %gather3A_1927] : memref<2x2048x8xf32, #tpu.memory_space<vmem>> -> memref<1x2048x8xf32, #tpu.memory_space<vmem>>
        %gather3A_1929 = tpu.memref_squeeze %gather3A_1928 : memref<1x2048x8xf32, #tpu.memory_space<vmem>> -> memref<2048x8xf32, #tpu.memory_space<vmem>>
        %gather3A_1930 = tpu.vector_load_idx %gather3A_1929[%add3A_1919, %broadcast_in_dim3A_1920] : memref<2048x8xf32, #tpu.memory_space<vmem>>[vector<16xi32>, vector<16xi32>], vector<16xf32>,
        %gather3A_1931 = arith.constant 0 : i32
        %gather3A_1932 = arith.constant 0 : i32
        %gather3A_1933 = tpu.memref_slice %arg7[%scan3A_1906, %gather3A_1931, %gather3A_1932] : memref<2x2048x8xf32, #tpu.memory_space<vmem>> -> memref<1x2048x8xf32, #tpu.memory_space<vmem>>
        %gather3A_1934 = tpu.memref_squeeze %gather3A_1933 : memref<1x2048x8xf32, #tpu.memory_space<vmem>> -> memref<2048x8xf32, #tpu.memory_space<vmem>>
        %gather3A_1935 = tpu.vector_load_idx %gather3A_1934[%add3A_1919, %broadcast_in_dim3A_1922] : memref<2048x8xf32, #tpu.memory_space<vmem>>[vector<16xi32>, vector<16xi32>], vector<16xf32>,
        %gather3A_1936 = arith.constant 0 : i32
        %gather3A_1937 = arith.constant 0 : i32
        %gather3A_1938 = tpu.memref_slice %arg7[%scan3A_1906, %gather3A_1936, %gather3A_1937] : memref<2x2048x8xf32, #tpu.memory_space<vmem>> -> memref<1x2048x8xf32, #tpu.memory_space<vmem>>
        %gather3A_1939 = tpu.memref_squeeze %gather3A_1938 : memref<1x2048x8xf32, #tpu.memory_space<vmem>> -> memref<2048x8xf32, #tpu.memory_space<vmem>>
        %gather3A_1940 = tpu.vector_load_idx %gather3A_1939[%add3A_1919, %broadcast_in_dim3A_1924] : memref<2048x8xf32, #tpu.memory_space<vmem>>[vector<16xi32>, vector<16xi32>], vector<16xf32>,
        %gather3A_1941 = arith.constant 0 : i32
        %gather3A_1942 = arith.constant 0 : i32
        %gather3A_1943 = tpu.memref_slice %arg7[%scan3A_1906, %gather3A_1941, %gather3A_1942] : memref<2x2048x8xf32, #tpu.memory_space<vmem>> -> memref<1x2048x8xf32, #tpu.memory_space<vmem>>
        %gather3A_1944 = tpu.memref_squeeze %gather3A_1943 : memref<1x2048x8xf32, #tpu.memory_space<vmem>> -> memref<2048x8xf32, #tpu.memory_space<vmem>>
        %gather3A_1945 = tpu.vector_load_idx %gather3A_1944[%add3A_1919, %broadcast_in_dim3A_1926] : memref<2048x8xf32, #tpu.memory_space<vmem>>[vector<16xi32>, vector<16xi32>], vector<16xf32>,
        %gather3A_1946 = arith.constant 0 : i32
        %gather3A_1947 = arith.constant 0 : i32
        %gather3A_1948 = tpu.memref_slice %arg8[%scan3A_1907, %gather3A_1946, %gather3A_1947] : memref<2x2048x8xf32, #tpu.memory_space<vmem>> -> memref<1x2048x8xf32, #tpu.memory_space<vmem>>
        %gather3A_1949 = tpu.memref_squeeze %gather3A_1948 : memref<1x2048x8xf32, #tpu.memory_space<vmem>> -> memref<2048x8xf32, #tpu.memory_space<vmem>>
        %gather3A_1950 = tpu.vector_load_idx %gather3A_1949[%add3A_1919, %broadcast_in_dim3A_1920] : memref<2048x8xf32, #tpu.memory_space<vmem>>[vector<16xi32>, vector<16xi32>], vector<16xf32>,
        %gather3A_1951 = arith.constant 0 : i32
        %gather3A_1952 = arith.constant 0 : i32
        %gather3A_1953 = tpu.memref_slice %arg8[%scan3A_1907, %gather3A_1951, %gather3A_1952] : memref<2x2048x8xf32, #tpu.memory_space<vmem>> -> memref<1x2048x8xf32, #tpu.memory_space<vmem>>
        %gather3A_1954 = tpu.memref_squeeze %gather3A_1953 : memref<1x2048x8xf32, #tpu.memory_space<vmem>> -> memref<2048x8xf32, #tpu.memory_space<vmem>>
        %gather3A_1955 = tpu.vector_load_idx %gather3A_1954[%add3A_1919, %broadcast_in_dim3A_1922] : memref<2048x8xf32, #tpu.memory_space<vmem>>[vector<16xi32>, vector<16xi32>], vector<16xf32>,
        %gather3A_1956 = arith.constant 0 : i32
        %gather3A_1957 = arith.constant 0 : i32
        %gather3A_1958 = tpu.memref_slice %arg8[%scan3A_1907, %gather3A_1956, %gather3A_1957] : memref<2x2048x8xf32, #tpu.memory_space<vmem>> -> memref<1x2048x8xf32, #tpu.memory_space<vmem>>
        %gather3A_1959 = tpu.memref_squeeze %gather3A_1958 : memref<1x2048x8xf32, #tpu.memory_space<vmem>> -> memref<2048x8xf32, #tpu.memory_space<vmem>>
        %gather3A_1960 = tpu.vector_load_idx %gather3A_1959[%add3A_1919, %broadcast_in_dim3A_1924] : memref<2048x8xf32, #tpu.memory_space<vmem>>[vector<16xi32>, vector<16xi32>], vector<16xf32>,
        %gather3A_1961 = arith.constant 0 : i32
        %gather3A_1962 = arith.constant 0 : i32
        %gather3A_1963 = tpu.memref_slice %arg8[%scan3A_1907, %gather3A_1961, %gather3A_1962] : memref<2x2048x8xf32, #tpu.memory_space<vmem>> -> memref<1x2048x8xf32, #tpu.memory_space<vmem>>
        %gather3A_1964 = tpu.memref_squeeze %gather3A_1963 : memref<1x2048x8xf32, #tpu.memory_space<vmem>> -> memref<2048x8xf32, #tpu.memory_space<vmem>>
        %gather3A_1965 = tpu.vector_load_idx %gather3A_1964[%add3A_1919, %broadcast_in_dim3A_1926] : memref<2048x8xf32, #tpu.memory_space<vmem>>[vector<16xi32>, vector<16xi32>], vector<16xf32>,
        %mul3A_1966 = arith.mulf %gather3A_1930, %gather3A_1960 : vector<16xf32>
        %mul3A_1967 = arith.mulf %gather3A_1940, %gather3A_1950 : vector<16xf32>
        %add3A_1968 = arith.addf %mul3A_1966, %mul3A_1967 : vector<16xf32>
        %mul3A_1969 = arith.mulf %gather3A_1935, %gather3A_1955 : vector<16xf32>
        %mul3A_1970 = arith.constant 2.100000e+00 : f32
        %mul3A_1971 = vector.broadcast %mul3A_1970 : f32 to vector<16xf32>
        %mul3A_1972 = arith.mulf %mul3A_1971, %mul3A_1969 : vector<16xf32>
        %add3A_1973 = arith.addf %add3A_1968, %mul3A_1972 : vector<16xf32>
        %mul3A_1974 = arith.mulf %gather3A_1945, %gather3A_1965 : vector<16xf32>
        %mul3A_1975 = arith.mulf %add3A_1973, %mul3A_1974 : vector<16xf32>
        %mul3A_1976 = arith.mulf %gather3A_1930, %gather3A_1965 : vector<16xf32>
        %mul3A_1977 = arith.mulf %gather3A_1950, %gather3A_1945 : vector<16xf32>
        %add3A_1978 = arith.addf %mul3A_1976, %mul3A_1977 : vector<16xf32>
        %add3A_1979 = arith.addf %mul3A_1975, %mul3A_1975 : vector<16xf32>
        %div3A = arith.divf %add3A_1979, %add3A_1978 : vector<16xf32>
        %mul3A_1980 = arith.constant 16 : i32
        %mul3A_1981 = arith.muli %scan3A_1915, %mul3A_1980 : i32
        %swap3A = arith.constant 0 : i32
        %swap3A_1982 = arith.index_cast %swap3A : i32 to index
        %swap3A_1983 = arith.index_cast %mul3A_1981 : i32 to index
        %swap3A_1984 = tpu.vector_load %arg9[%swap3A_1982, %swap3A_1983] {strides = array<i32>} : memref<2x2048xf32, #tpu.memory_space<vmem>>, vector<16xf32>,
        tpu.vector_store %arg9[%swap3A_1982, %swap3A_1983], %div3A {strides = array<i32>} : memref<2x2048xf32, #tpu.memory_space<vmem>>, vector<16xf32>,
        %broadcast_in_dim3A_1985 = arith.constant 4 : i32
        %broadcast_in_dim3A_1986 = vector.broadcast %broadcast_in_dim3A_1985 : i32 to vector<16xi32>
        %broadcast_in_dim3A_1987 = arith.constant 5 : i32
        %broadcast_in_dim3A_1988 = vector.broadcast %broadcast_in_dim3A_1987 : i32 to vector<16xi32>
        %broadcast_in_dim3A_1989 = arith.constant 6 : i32
        %broadcast_in_dim3A_1990 = vector.broadcast %broadcast_in_dim3A_1989 : i32 to vector<16xi32>
        %broadcast_in_dim3A_1991 = arith.constant 7 : i32
        %broadcast_in_dim3A_1992 = vector.broadcast %broadcast_in_dim3A_1991 : i32 to vector<16xi32>
        %gather3A_1993 = arith.constant 0 : i32
        %gather3A_1994 = arith.constant 0 : i32
        %gather3A_1995 = tpu.memref_slice %arg7[%scan3A_1906, %gather3A_1993, %gather3A_1994] : memref<2x2048x8xf32, #tpu.memory_space<vmem>> -> memref<1x2048x8xf32, #tpu.memory_space<vmem>>
        %gather3A_1996 = tpu.memref_squeeze %gather3A_1995 : memref<1x2048x8xf32, #tpu.memory_space<vmem>> -> memref<2048x8xf32, #tpu.memory_space<vmem>>
        %gather3A_1997 = tpu.vector_load_idx %gather3A_1996[%add3A_1919, %broadcast_in_dim3A_1986] : memref<2048x8xf32, #tpu.memory_space<vmem>>[vector<16xi32>, vector<16xi32>], vector<16xf32>,
        %gather3A_1998 = arith.constant 0 : i32
        %gather3A_1999 = arith.constant 0 : i32
        %gather3A_2000 = tpu.memref_slice %arg7[%scan3A_1906, %gather3A_1998, %gather3A_1999] : memref<2x2048x8xf32, #tpu.memory_space<vmem>> -> memref<1x2048x8xf32, #tpu.memory_space<vmem>>
        %gather3A_2001 = tpu.memref_squeeze %gather3A_2000 : memref<1x2048x8xf32, #tpu.memory_space<vmem>> -> memref<2048x8xf32, #tpu.memory_space<vmem>>
        %gather3A_2002 = tpu.vector_load_idx %gather3A_2001[%add3A_1919, %broadcast_in_dim3A_1988] : memref<2048x8xf32, #tpu.memory_space<vmem>>[vector<16xi32>, vector<16xi32>], vector<16xf32>,
        %gather3A_2003 = arith.constant 0 : i32
        %gather3A_2004 = arith.constant 0 : i32
        %gather3A_2005 = tpu.memref_slice %arg7[%scan3A_1906, %gather3A_2003, %gather3A_2004] : memref<2x2048x8xf32, #tpu.memory_space<vmem>> -> memref<1x2048x8xf32, #tpu.memory_space<vmem>>
        %gather3A_2006 = tpu.memref_squeeze %gather3A_2005 : memref<1x2048x8xf32, #tpu.memory_space<vmem>> -> memref<2048x8xf32, #tpu.memory_space<vmem>>
        %gather3A_2007 = tpu.vector_load_idx %gather3A_2006[%add3A_1919, %broadcast_in_dim3A_1990] : memref<2048x8xf32, #tpu.memory_space<vmem>>[vector<16xi32>, vector<16xi32>], vector<16xf32>,
        %gather3A_2008 = arith.constant 0 : i32
        %gather3A_2009 = arith.constant 0 : i32
        %gather3A_2010 = tpu.memref_slice %arg7[%scan3A_1906, %gather3A_2008, %gather3A_2009] : memref<2x2048x8xf32, #tpu.memory_space<vmem>> -> memref<1x2048x8xf32, #tpu.memory_space<vmem>>
        %gather3A_2011 = tpu.memref_squeeze %gather3A_2010 : memref<1x2048x8xf32, #tpu.memory_space<vmem>> -> memref<2048x8xf32, #tpu.memory_space<vmem>>
        %gather3A_2012 = tpu.vector_load_idx %gather3A_2011[%add3A_1919, %broadcast_in_dim3A_1992] : memref<2048x8xf32, #tpu.memory_space<vmem>>[vector<16xi32>, vector<16xi32>], vector<16xf32>,
        %gather3A_2013 = arith.constant 0 : i32
        %gather3A_2014 = arith.constant 0 : i32
        %gather3A_2015 = tpu.memref_slice %arg8[%scan3A_1907, %gather3A_2013, %gather3A_2014] : memref<2x2048x8xf32, #tpu.memory_space<vmem>> -> memref<1x2048x8xf32, #tpu.memory_space<vmem>>
        %gather3A_2016 = tpu.memref_squeeze %gather3A_2015 : memref<1x2048x8xf32, #tpu.memory_space<vmem>> -> memref<2048x8xf32, #tpu.memory_space<vmem>>
        %gather3A_2017 = tpu.vector_load_idx %gather3A_2016[%add3A_1919, %broadcast_in_dim3A_1986] : memref<2048x8xf32, #tpu.memory_space<vmem>>[vector<16xi32>, vector<16xi32>], vector<16xf32>,
        %gather3A_2018 = arith.constant 0 : i32
        %gather3A_2019 = arith.constant 0 : i32
        %gather3A_2020 = tpu.memref_slice %arg8[%scan3A_1907, %gather3A_2018, %gather3A_2019] : memref<2x2048x8xf32, #tpu.memory_space<vmem>> -> memref<1x2048x8xf32, #tpu.memory_space<vmem>>
        %gather3A_2021 = tpu.memref_squeeze %gather3A_2020 : memref<1x2048x8xf32, #tpu.memory_space<vmem>> -> memref<2048x8xf32, #tpu.memory_space<vmem>>
        %gather3A_2022 = tpu.vector_load_idx %gather3A_2021[%add3A_1919, %broadcast_in_dim3A_1988] : memref<2048x8xf32, #tpu.memory_space<vmem>>[vector<16xi32>, vector<16xi32>], vector<16xf32>,
        %gather3A_2023 = arith.constant 0 : i32
        %gather3A_2024 = arith.constant 0 : i32
        %gather3A_2025 = tpu.memref_slice %arg8[%scan3A_1907, %gather3A_2023, %gather3A_2024] : memref<2x2048x8xf32, #tpu.memory_space<vmem>> -> memref<1x2048x8xf32, #tpu.memory_space<vmem>>
        %gather3A_2026 = tpu.memref_squeeze %gather3A_2025 : memref<1x2048x8xf32, #tpu.memory_space<vmem>> -> memref<2048x8xf32, #tpu.memory_space<vmem>>
        %gather3A_2027 = tpu.vector_load_idx %gather3A_2026[%add3A_1919, %broadcast_in_dim3A_1990] : memref<2048x8xf32, #tpu.memory_space<vmem>>[vector<16xi32>, vector<16xi32>], vector<16xf32>,
        %gather3A_2028 = arith.constant 0 : i32
        %gather3A_2029 = arith.constant 0 : i32
        %gather3A_2030 = tpu.memref_slice %arg8[%scan3A_1907, %gather3A_2028, %gather3A_2029] : memref<2x2048x8xf32, #tpu.memory_space<vmem>> -> memref<1x2048x8xf32, #tpu.memory_space<vmem>>
        %gather3A_2031 = tpu.memref_squeeze %gather3A_2030 : memref<1x2048x8xf32, #tpu.memory_space<vmem>> -> memref<2048x8xf32, #tpu.memory_space<vmem>>
        %gather3A_2032 = tpu.vector_load_idx %gather3A_2031[%add3A_1919, %broadcast_in_dim3A_1992] : memref<2048x8xf32, #tpu.memory_space<vmem>>[vector<16xi32>, vector<16xi32>], vector<16xf32>,
        %mul3A_2033 = arith.mulf %gather3A_1997, %gather3A_2027 : vector<16xf32>
        %mul3A_2034 = arith.mulf %gather3A_2007, %gather3A_2017 : vector<16xf32>
        %add3A_2035 = arith.addf %mul3A_2033, %mul3A_2034 : vector<16xf32>
        %mul3A_2036 = arith.mulf %gather3A_2002, %gather3A_2022 : vector<16xf32>
        %mul3A_2037 = arith.constant 2.100000e+00 : f32
        %mul3A_2038 = vector.broadcast %mul3A_2037 : f32 to vector<16xf32>
        %mul3A_2039 = arith.mulf %mul3A_2038, %mul3A_2036 : vector<16xf32>
        %add3A_2040 = arith.addf %add3A_2035, %mul3A_2039 : vector<16xf32>
        %mul3A_2041 = arith.mulf %gather3A_2012, %gather3A_2032 : vector<16xf32>
        %mul3A_2042 = arith.mulf %add3A_2040, %mul3A_2041 : vector<16xf32>
        %mul3A_2043 = arith.mulf %gather3A_1997, %gather3A_2032 : vector<16xf32>
        %mul3A_2044 = arith.mulf %gather3A_2017, %gather3A_2012 : vector<16xf32>
        %add3A_2045 = arith.addf %mul3A_2043, %mul3A_2044 : vector<16xf32>
        %add3A_2046 = arith.addf %mul3A_2042, %mul3A_2042 : vector<16xf32>
        %div3A_2047 = arith.divf %add3A_2046, %add3A_2045 : vector<16xf32>
        %mul3A_2048 = arith.constant 16 : i32
        %mul3A_2049 = arith.muli %scan3A_1915, %mul3A_2048 : i32
        %swap3A_2050 = arith.constant 1 : i32
        %swap3A_2051 = arith.index_cast %swap3A_2050 : i32 to index
        %swap3A_2052 = arith.index_cast %mul3A_2049 : i32 to index
        %swap3A_2053 = tpu.vector_load %arg9[%swap3A_2051, %swap3A_2052] {strides = array<i32>} : memref<2x2048xf32, #tpu.memory_space<vmem>>, vector<16xf32>,
        tpu.vector_store %arg9[%swap3A_2051, %swap3A_2052], %div3A_2047 {strides = array<i32>} : memref<2x2048xf32, #tpu.memory_space<vmem>>, vector<16xf32>,
        %scan3A_2054 = arith.constant 1 : i32
        %scan3A_2055 = arith.addi %scan3A_1915, %scan3A_2054 : i32
        %mul3A_2056 = arith.constant 16 : i32
        %mul3A_2057 = arith.muli %scan3A_2055, %mul3A_2056 : i32
        %add3A_2058 = vector.broadcast %mul3A_2057 : i32 to vector<16xi32>
        %add3A_2059 = arith.addi %iota3A, %add3A_2058 : vector<16xi32>
        %broadcast_in_dim3A_2060 = arith.constant 0 : i32
        %broadcast_in_dim3A_2061 = vector.broadcast %broadcast_in_dim3A_2060 : i32 to vector<16xi32>
        %broadcast_in_dim3A_2062 = arith.constant 1 : i32
        %broadcast_in_dim3A_2063 = vector.broadcast %broadcast_in_dim3A_2062 : i32 to vector<16xi32>
        %broadcast_in_dim3A_2064 = arith.constant 2 : i32
        %broadcast_in_dim3A_2065 = vector.broadcast %broadcast_in_dim3A_2064 : i32 to vector<16xi32>
        %broadcast_in_dim3A_2066 = arith.constant 3 : i32
        %broadcast_in_dim3A_2067 = vector.broadcast %broadcast_in_dim3A_2066 : i32 to vector<16xi32>
        %gather3A_2068 = arith.constant 0 : i32
        %gather3A_2069 = arith.constant 0 : i32
        %gather3A_2070 = tpu.memref_slice %arg7[%scan3A_1906, %gather3A_2068, %gather3A_2069] : memref<2x2048x8xf32, #tpu.memory_space<vmem>> -> memref<1x2048x8xf32, #tpu.memory_space<vmem>>
        %gather3A_2071 = tpu.memref_squeeze %gather3A_2070 : memref<1x2048x8xf32, #tpu.memory_space<vmem>> -> memref<2048x8xf32, #tpu.memory_space<vmem>>
        %gather3A_2072 = tpu.vector_load_idx %gather3A_2071[%add3A_2059, %broadcast_in_dim3A_2061] : memref<2048x8xf32, #tpu.memory_space<vmem>>[vector<16xi32>, vector<16xi32>], vector<16xf32>,
        %gather3A_2073 = arith.constant 0 : i32
        %gather3A_2074 = arith.constant 0 : i32
        %gather3A_2075 = tpu.memref_slice %arg7[%scan3A_1906, %gather3A_2073, %gather3A_2074] : memref<2x2048x8xf32, #tpu.memory_space<vmem>> -> memref<1x2048x8xf32, #tpu.memory_space<vmem>>
        %gather3A_2076 = tpu.memref_squeeze %gather3A_2075 : memref<1x2048x8xf32, #tpu.memory_space<vmem>> -> memref<2048x8xf32, #tpu.memory_space<vmem>>
        %gather3A_2077 = tpu.vector_load_idx %gather3A_2076[%add3A_2059, %broadcast_in_dim3A_2063] : memref<2048x8xf32, #tpu.memory_space<vmem>>[vector<16xi32>, vector<16xi32>], vector<16xf32>,
        %gather3A_2078 = arith.constant 0 : i32
        %gather3A_2079 = arith.constant 0 : i32
        %gather3A_2080 = tpu.memref_slice %arg7[%scan3A_1906, %gather3A_2078, %gather3A_2079] : memref<2x2048x8xf32, #tpu.memory_space<vmem>> -> memref<1x2048x8xf32, #tpu.memory_space<vmem>>
        %gather3A_2081 = tpu.memref_squeeze %gather3A_2080 : memref<1x2048x8xf32, #tpu.memory_space<vmem>> -> memref<2048x8xf32, #tpu.memory_space<vmem>>
        %gather3A_2082 = tpu.vector_load_idx %gather3A_2081[%add3A_2059, %broadcast_in_dim3A_2065] : memref<2048x8xf32, #tpu.memory_space<vmem>>[vector<16xi32>, vector<16xi32>], vector<16xf32>,
        %gather3A_2083 = arith.constant 0 : i32
        %gather3A_2084 = arith.constant 0 : i32
        %gather3A_2085 = tpu.memref_slice %arg7[%scan3A_1906, %gather3A_2083, %gather3A_2084] : memref<2x2048x8xf32, #tpu.memory_space<vmem>> -> memref<1x2048x8xf32, #tpu.memory_space<vmem>>
        %gather3A_2086 = tpu.memref_squeeze %gather3A_2085 : memref<1x2048x8xf32, #tpu.memory_space<vmem>> -> memref<2048x8xf32, #tpu.memory_space<vmem>>
        %gather3A_2087 = tpu.vector_load_idx %gather3A_2086[%add3A_2059, %broadcast_in_dim3A_2067] : memref<2048x8xf32, #tpu.memory_space<vmem>>[vector<16xi32>, vector<16xi32>], vector<16xf32>,
        %gather3A_2088 = arith.constant 0 : i32
        %gather3A_2089 = arith.constant 0 : i32
        %gather3A_2090 = tpu.memref_slice %arg8[%scan3A_1907, %gather3A_2088, %gather3A_2089] : memref<2x2048x8xf32, #tpu.memory_space<vmem>> -> memref<1x2048x8xf32, #tpu.memory_space<vmem>>
        %gather3A_2091 = tpu.memref_squeeze %gather3A_2090 : memref<1x2048x8xf32, #tpu.memory_space<vmem>> -> memref<2048x8xf32, #tpu.memory_space<vmem>>
        %gather3A_2092 = tpu.vector_load_idx %gather3A_2091[%add3A_2059, %broadcast_in_dim3A_2061] : memref<2048x8xf32, #tpu.memory_space<vmem>>[vector<16xi32>, vector<16xi32>], vector<16xf32>,
        %gather3A_2093 = arith.constant 0 : i32
        %gather3A_2094 = arith.constant 0 : i32
        %gather3A_2095 = tpu.memref_slice %arg8[%scan3A_1907, %gather3A_2093, %gather3A_2094] : memref<2x2048x8xf32, #tpu.memory_space<vmem>> -> memref<1x2048x8xf32, #tpu.memory_space<vmem>>
        %gather3A_2096 = tpu.memref_squeeze %gather3A_2095 : memref<1x2048x8xf32, #tpu.memory_space<vmem>> -> memref<2048x8xf32, #tpu.memory_space<vmem>>
        %gather3A_2097 = tpu.vector_load_idx %gather3A_2096[%add3A_2059, %broadcast_in_dim3A_2063] : memref<2048x8xf32, #tpu.memory_space<vmem>>[vector<16xi32>, vector<16xi32>], vector<16xf32>,
        %gather3A_2098 = arith.constant 0 : i32
        %gather3A_2099 = arith.constant 0 : i32
        %gather3A_2100 = tpu.memref_slice %arg8[%scan3A_1907, %gather3A_2098, %gather3A_2099] : memref<2x2048x8xf32, #tpu.memory_space<vmem>> -> memref<1x2048x8xf32, #tpu.memory_space<vmem>>
        %gather3A_2101 = tpu.memref_squeeze %gather3A_2100 : memref<1x2048x8xf32, #tpu.memory_space<vmem>> -> memref<2048x8xf32, #tpu.memory_space<vmem>>
        %gather3A_2102 = tpu.vector_load_idx %gather3A_2101[%add3A_2059, %broadcast_in_dim3A_2065] : memref<2048x8xf32, #tpu.memory_space<vmem>>[vector<16xi32>, vector<16xi32>], vector<16xf32>,
        %gather3A_2103 = arith.constant 0 : i32
        %gather3A_2104 = arith.constant 0 : i32
        %gather3A_2105 = tpu.memref_slice %arg8[%scan3A_1907, %gather3A_2103, %gather3A_2104] : memref<2x2048x8xf32, #tpu.memory_space<vmem>> -> memref<1x2048x8xf32, #tpu.memory_space<vmem>>
        %gather3A_2106 = tpu.memref_squeeze %gather3A_2105 : memref<1x2048x8xf32, #tpu.memory_space<vmem>> -> memref<2048x8xf32, #tpu.memory_space<vmem>>
        %gather3A_2107 = tpu.vector_load_idx %gather3A_2106[%add3A_2059, %broadcast_in_dim3A_2067] : memref<2048x8xf32, #tpu.memory_space<vmem>>[vector<16xi32>, vector<16xi32>], vector<16xf32>,
        %mul3A_2108 = arith.mulf %gather3A_2072, %gather3A_2102 : vector<16xf32>
        %mul3A_2109 = arith.mulf %gather3A_2082, %gather3A_2092 : vector<16xf32>
        %add3A_2110 = arith.addf %mul3A_2108, %mul3A_2109 : vector<16xf32>
        %mul3A_2111 = arith.mulf %gather3A_2077, %gather3A_2097 : vector<16xf32>
        %mul3A_2112 = arith.constant 2.100000e+00 : f32
        %mul3A_2113 = vector.broadcast %mul3A_2112 : f32 to vector<16xf32>
        %mul3A_2114 = arith.mulf %mul3A_2113, %mul3A_2111 : vector<16xf32>
        %add3A_2115 = arith.addf %add3A_2110, %mul3A_2114 : vector<16xf32>
        %mul3A_2116 = arith.mulf %gather3A_2087, %gather3A_2107 : vector<16xf32>
        %mul3A_2117 = arith.mulf %add3A_2115, %mul3A_2116 : vector<16xf32>
        %mul3A_2118 = arith.mulf %gather3A_2072, %gather3A_2107 : vector<16xf32>
        %mul3A_2119 = arith.mulf %gather3A_2092, %gather3A_2087 : vector<16xf32>
        %add3A_2120 = arith.addf %mul3A_2118, %mul3A_2119 : vector<16xf32>
        %add3A_2121 = arith.addf %mul3A_2117, %mul3A_2117 : vector<16xf32>
        %div3A_2122 = arith.divf %add3A_2121, %add3A_2120 : vector<16xf32>
        %mul3A_2123 = arith.constant 16 : i32
        %mul3A_2124 = arith.muli %scan3A_2055, %mul3A_2123 : i32
        %swap3A_2125 = arith.constant 0 : i32
        %swap3A_2126 = arith.index_cast %swap3A_2125 : i32 to index
        %swap3A_2127 = arith.index_cast %mul3A_2124 : i32 to index
        %swap3A_2128 = tpu.vector_load %arg9[%swap3A_2126, %swap3A_2127] {strides = array<i32>} : memref<2x2048xf32, #tpu.memory_space<vmem>>, vector<16xf32>,
        tpu.vector_store %arg9[%swap3A_2126, %swap3A_2127], %div3A_2122 {strides = array<i32>} : memref<2x2048xf32, #tpu.memory_space<vmem>>, vector<16xf32>,
        %broadcast_in_dim3A_2129 = arith.constant 4 : i32
        %broadcast_in_dim3A_2130 = vector.broadcast %broadcast_in_dim3A_2129 : i32 to vector<16xi32>
        %broadcast_in_dim3A_2131 = arith.constant 5 : i32
        %broadcast_in_dim3A_2132 = vector.broadcast %broadcast_in_dim3A_2131 : i32 to vector<16xi32>
        %broadcast_in_dim3A_2133 = arith.constant 6 : i32
        %broadcast_in_dim3A_2134 = vector.broadcast %broadcast_in_dim3A_2133 : i32 to vector<16xi32>
        %broadcast_in_dim3A_2135 = arith.constant 7 : i32
        %broadcast_in_dim3A_2136 = vector.broadcast %broadcast_in_dim3A_2135 : i32 to vector<16xi32>
        %gather3A_2137 = arith.constant 0 : i32
        %gather3A_2138 = arith.constant 0 : i32
        %gather3A_2139 = tpu.memref_slice %arg7[%scan3A_1906, %gather3A_2137, %gather3A_2138] : memref<2x2048x8xf32, #tpu.memory_space<vmem>> -> memref<1x2048x8xf32, #tpu.memory_space<vmem>>
        %gather3A_2140 = tpu.memref_squeeze %gather3A_2139 : memref<1x2048x8xf32, #tpu.memory_space<vmem>> -> memref<2048x8xf32, #tpu.memory_space<vmem>>
        %gather3A_2141 = tpu.vector_load_idx %gather3A_2140[%add3A_2059, %broadcast_in_dim3A_2130] : memref<2048x8xf32, #tpu.memory_space<vmem>>[vector<16xi32>, vector<16xi32>], vector<16xf32>,
        %gather3A_2142 = arith.constant 0 : i32
        %gather3A_2143 = arith.constant 0 : i32
        %gather3A_2144 = tpu.memref_slice %arg7[%scan3A_1906, %gather3A_2142, %gather3A_2143] : memref<2x2048x8xf32, #tpu.memory_space<vmem>> -> memref<1x2048x8xf32, #tpu.memory_space<vmem>>
        %gather3A_2145 = tpu.memref_squeeze %gather3A_2144 : memref<1x2048x8xf32, #tpu.memory_space<vmem>> -> memref<2048x8xf32, #tpu.memory_space<vmem>>
        %gather3A_2146 = tpu.vector_load_idx %gather3A_2145[%add3A_2059, %broadcast_in_dim3A_2132] : memref<2048x8xf32, #tpu.memory_space<vmem>>[vector<16xi32>, vector<16xi32>], vector<16xf32>,
        %gather3A_2147 = arith.constant 0 : i32
        %gather3A_2148 = arith.constant 0 : i32
        %gather3A_2149 = tpu.memref_slice %arg7[%scan3A_1906, %gather3A_2147, %gather3A_2148] : memref<2x2048x8xf32, #tpu.memory_space<vmem>> -> memref<1x2048x8xf32, #tpu.memory_space<vmem>>
        %gather3A_2150 = tpu.memref_squeeze %gather3A_2149 : memref<1x2048x8xf32, #tpu.memory_space<vmem>> -> memref<2048x8xf32, #tpu.memory_space<vmem>>
        %gather3A_2151 = tpu.vector_load_idx %gather3A_2150[%add3A_2059, %broadcast_in_dim3A_2134] : memref<2048x8xf32, #tpu.memory_space<vmem>>[vector<16xi32>, vector<16xi32>], vector<16xf32>,
        %gather3A_2152 = arith.constant 0 : i32
        %gather3A_2153 = arith.constant 0 : i32
        %gather3A_2154 = tpu.memref_slice %arg7[%scan3A_1906, %gather3A_2152, %gather3A_2153] : memref<2x2048x8xf32, #tpu.memory_space<vmem>> -> memref<1x2048x8xf32, #tpu.memory_space<vmem>>
        %gather3A_2155 = tpu.memref_squeeze %gather3A_2154 : memref<1x2048x8xf32, #tpu.memory_space<vmem>> -> memref<2048x8xf32, #tpu.memory_space<vmem>>
        %gather3A_2156 = tpu.vector_load_idx %gather3A_2155[%add3A_2059, %broadcast_in_dim3A_2136] : memref<2048x8xf32, #tpu.memory_space<vmem>>[vector<16xi32>, vector<16xi32>], vector<16xf32>,
        %gather3A_2157 = arith.constant 0 : i32
        %gather3A_2158 = arith.constant 0 : i32
        %gather3A_2159 = tpu.memref_slice %arg8[%scan3A_1907, %gather3A_2157, %gather3A_2158] : memref<2x2048x8xf32, #tpu.memory_space<vmem>> -> memref<1x2048x8xf32, #tpu.memory_space<vmem>>
        %gather3A_2160 = tpu.memref_squeeze %gather3A_2159 : memref<1x2048x8xf32, #tpu.memory_space<vmem>> -> memref<2048x8xf32, #tpu.memory_space<vmem>>
        %gather3A_2161 = tpu.vector_load_idx %gather3A_2160[%add3A_2059, %broadcast_in_dim3A_2130] : memref<2048x8xf32, #tpu.memory_space<vmem>>[vector<16xi32>, vector<16xi32>], vector<16xf32>,
        %gather3A_2162 = arith.constant 0 : i32
        %gather3A_2163 = arith.constant 0 : i32
        %gather3A_2164 = tpu.memref_slice %arg8[%scan3A_1907, %gather3A_2162, %gather3A_2163] : memref<2x2048x8xf32, #tpu.memory_space<vmem>> -> memref<1x2048x8xf32, #tpu.memory_space<vmem>>
        %gather3A_2165 = tpu.memref_squeeze %gather3A_2164 : memref<1x2048x8xf32, #tpu.memory_space<vmem>> -> memref<2048x8xf32, #tpu.memory_space<vmem>>
        %gather3A_2166 = tpu.vector_load_idx %gather3A_2165[%add3A_2059, %broadcast_in_dim3A_2132] : memref<2048x8xf32, #tpu.memory_space<vmem>>[vector<16xi32>, vector<16xi32>], vector<16xf32>,
        %gather3A_2167 = arith.constant 0 : i32
        %gather3A_2168 = arith.constant 0 : i32
        %gather3A_2169 = tpu.memref_slice %arg8[%scan3A_1907, %gather3A_2167, %gather3A_2168] : memref<2x2048x8xf32, #tpu.memory_space<vmem>> -> memref<1x2048x8xf32, #tpu.memory_space<vmem>>
        %gather3A_2170 = tpu.memref_squeeze %gather3A_2169 : memref<1x2048x8xf32, #tpu.memory_space<vmem>> -> memref<2048x8xf32, #tpu.memory_space<vmem>>
        %gather3A_2171 = tpu.vector_load_idx %gather3A_2170[%add3A_2059, %broadcast_in_dim3A_2134] : memref<2048x8xf32, #tpu.memory_space<vmem>>[vector<16xi32>, vector<16xi32>], vector<16xf32>,
        %gather3A_2172 = arith.constant 0 : i32
        %gather3A_2173 = arith.constant 0 : i32
        %gather3A_2174 = tpu.memref_slice %arg8[%scan3A_1907, %gather3A_2172, %gather3A_2173] : memref<2x2048x8xf32, #tpu.memory_space<vmem>> -> memref<1x2048x8xf32, #tpu.memory_space<vmem>>
        %gather3A_2175 = tpu.memref_squeeze %gather3A_2174 : memref<1x2048x8xf32, #tpu.memory_space<vmem>> -> memref<2048x8xf32, #tpu.memory_space<vmem>>
        %gather3A_2176 = tpu.vector_load_idx %gather3A_2175[%add3A_2059, %broadcast_in_dim3A_2136] : memref<2048x8xf32, #tpu.memory_space<vmem>>[vector<16xi32>, vector<16xi32>], vector<16xf32>,
        %mul3A_2177 = arith.mulf %gather3A_2141, %gather3A_2171 : vector<16xf32>
        %mul3A_2178 = arith.mulf %gather3A_2151, %gather3A_2161 : vector<16xf32>
        %add3A_2179 = arith.addf %mul3A_2177, %mul3A_2178 : vector<16xf32>
        %mul3A_2180 = arith.mulf %gather3A_2146, %gather3A_2166 : vector<16xf32>
        %mul3A_2181 = arith.constant 2.100000e+00 : f32
        %mul3A_2182 = vector.broadcast %mul3A_2181 : f32 to vector<16xf32>
        %mul3A_2183 = arith.mulf %mul3A_2182, %mul3A_2180 : vector<16xf32>
        %add3A_2184 = arith.addf %add3A_2179, %mul3A_2183 : vector<16xf32>
        %mul3A_2185 = arith.mulf %gather3A_2156, %gather3A_2176 : vector<16xf32>
        %mul3A_2186 = arith.mulf %add3A_2184, %mul3A_2185 : vector<16xf32>
        %mul3A_2187 = arith.mulf %gather3A_2141, %gather3A_2176 : vector<16xf32>
        %mul3A_2188 = arith.mulf %gather3A_2161, %gather3A_2156 : vector<16xf32>
        %add3A_2189 = arith.addf %mul3A_2187, %mul3A_2188 : vector<16xf32>
        %add3A_2190 = arith.addf %mul3A_2186, %mul3A_2186 : vector<16xf32>
        %div3A_2191 = arith.divf %add3A_2190, %add3A_2189 : vector<16xf32>
        %mul3A_2192 = arith.constant 16 : i32
        %mul3A_2193 = arith.muli %scan3A_2055, %mul3A_2192 : i32
        %swap3A_2194 = arith.constant 1 : i32
        %swap3A_2195 = arith.index_cast %swap3A_2194 : i32 to index
        %swap3A_2196 = arith.index_cast %mul3A_2193 : i32 to index
        %swap3A_2197 = tpu.vector_load %arg9[%swap3A_2195, %swap3A_2196] {strides = array<i32>} : memref<2x2048xf32, #tpu.memory_space<vmem>>, vector<16xf32>,
        tpu.vector_store %arg9[%swap3A_2195, %swap3A_2196], %div3A_2191 {strides = array<i32>} : memref<2x2048xf32, #tpu.memory_space<vmem>>, vector<16xf32>,
        %scan3A_2198 = arith.constant 2 : i32
        %scan3A_2199 = arith.addi %scan3A_1915, %scan3A_2198 : i32
        %mul3A_2200 = arith.constant 16 : i32
        %mul3A_2201 = arith.muli %scan3A_2199, %mul3A_2200 : i32
        %add3A_2202 = vector.broadcast %mul3A_2201 : i32 to vector<16xi32>
        %add3A_2203 = arith.addi %iota3A, %add3A_2202 : vector<16xi32>
        %broadcast_in_dim3A_2204 = arith.constant 0 : i32
        %broadcast_in_dim3A_2205 = vector.broadcast %broadcast_in_dim3A_2204 : i32 to vector<16xi32>
        %broadcast_in_dim3A_2206 = arith.constant 1 : i32
        %broadcast_in_dim3A_2207 = vector.broadcast %broadcast_in_dim3A_2206 : i32 to vector<16xi32>
        %broadcast_in_dim3A_2208 = arith.constant 2 : i32
        %broadcast_in_dim3A_2209 = vector.broadcast %broadcast_in_dim3A_2208 : i32 to vector<16xi32>
        %broadcast_in_dim3A_2210 = arith.constant 3 : i32
        %broadcast_in_dim3A_2211 = vector.broadcast %broadcast_in_dim3A_2210 : i32 to vector<16xi32>
        %gather3A_2212 = arith.constant 0 : i32
        %gather3A_2213 = arith.constant 0 : i32
        %gather3A_2214 = tpu.memref_slice %arg7[%scan3A_1906, %gather3A_2212, %gather3A_2213] : memref<2x2048x8xf32, #tpu.memory_space<vmem>> -> memref<1x2048x8xf32, #tpu.memory_space<vmem>>
        %gather3A_2215 = tpu.memref_squeeze %gather3A_2214 : memref<1x2048x8xf32, #tpu.memory_space<vmem>> -> memref<2048x8xf32, #tpu.memory_space<vmem>>
        %gather3A_2216 = tpu.vector_load_idx %gather3A_2215[%add3A_2203, %broadcast_in_dim3A_2205] : memref<2048x8xf32, #tpu.memory_space<vmem>>[vector<16xi32>, vector<16xi32>], vector<16xf32>,
        %gather3A_2217 = arith.constant 0 : i32
        %gather3A_2218 = arith.constant 0 : i32
        %gather3A_2219 = tpu.memref_slice %arg7[%scan3A_1906, %gather3A_2217, %gather3A_2218] : memref<2x2048x8xf32, #tpu.memory_space<vmem>> -> memref<1x2048x8xf32, #tpu.memory_space<vmem>>
        %gather3A_2220 = tpu.memref_squeeze %gather3A_2219 : memref<1x2048x8xf32, #tpu.memory_space<vmem>> -> memref<2048x8xf32, #tpu.memory_space<vmem>>
        %gather3A_2221 = tpu.vector_load_idx %gather3A_2220[%add3A_2203, %broadcast_in_dim3A_2207] : memref<2048x8xf32, #tpu.memory_space<vmem>>[vector<16xi32>, vector<16xi32>], vector<16xf32>,
        %gather3A_2222 = arith.constant 0 : i32
        %gather3A_2223 = arith.constant 0 : i32
        %gather3A_2224 = tpu.memref_slice %arg7[%scan3A_1906, %gather3A_2222, %gather3A_2223] : memref<2x2048x8xf32, #tpu.memory_space<vmem>> -> memref<1x2048x8xf32, #tpu.memory_space<vmem>>
        %gather3A_2225 = tpu.memref_squeeze %gather3A_2224 : memref<1x2048x8xf32, #tpu.memory_space<vmem>> -> memref<2048x8xf32, #tpu.memory_space<vmem>>
        %gather3A_2226 = tpu.vector_load_idx %gather3A_2225[%add3A_2203, %broadcast_in_dim3A_2209] : memref<2048x8xf32, #tpu.memory_space<vmem>>[vector<16xi32>, vector<16xi32>], vector<16xf32>,
        %gather3A_2227 = arith.constant 0 : i32
        %gather3A_2228 = arith.constant 0 : i32
        %gather3A_2229 = tpu.memref_slice %arg7[%scan3A_1906, %gather3A_2227, %gather3A_2228] : memref<2x2048x8xf32, #tpu.memory_space<vmem>> -> memref<1x2048x8xf32, #tpu.memory_space<vmem>>
        %gather3A_2230 = tpu.memref_squeeze %gather3A_2229 : memref<1x2048x8xf32, #tpu.memory_space<vmem>> -> memref<2048x8xf32, #tpu.memory_space<vmem>>
        %gather3A_2231 = tpu.vector_load_idx %gather3A_2230[%add3A_2203, %broadcast_in_dim3A_2211] : memref<2048x8xf32, #tpu.memory_space<vmem>>[vector<16xi32>, vector<16xi32>], vector<16xf32>,
        %gather3A_2232 = arith.constant 0 : i32
        %gather3A_2233 = arith.constant 0 : i32
        %gather3A_2234 = tpu.memref_slice %arg8[%scan3A_1907, %gather3A_2232, %gather3A_2233] : memref<2x2048x8xf32, #tpu.memory_space<vmem>> -> memref<1x2048x8xf32, #tpu.memory_space<vmem>>
        %gather3A_2235 = tpu.memref_squeeze %gather3A_2234 : memref<1x2048x8xf32, #tpu.memory_space<vmem>> -> memref<2048x8xf32, #tpu.memory_space<vmem>>
        %gather3A_2236 = tpu.vector_load_idx %gather3A_2235[%add3A_2203, %broadcast_in_dim3A_2205] : memref<2048x8xf32, #tpu.memory_space<vmem>>[vector<16xi32>, vector<16xi32>], vector<16xf32>,
        %gather3A_2237 = arith.constant 0 : i32
        %gather3A_2238 = arith.constant 0 : i32
        %gather3A_2239 = tpu.memref_slice %arg8[%scan3A_1907, %gather3A_2237, %gather3A_2238] : memref<2x2048x8xf32, #tpu.memory_space<vmem>> -> memref<1x2048x8xf32, #tpu.memory_space<vmem>>
        %gather3A_2240 = tpu.memref_squeeze %gather3A_2239 : memref<1x2048x8xf32, #tpu.memory_space<vmem>> -> memref<2048x8xf32, #tpu.memory_space<vmem>>
        %gather3A_2241 = tpu.vector_load_idx %gather3A_2240[%add3A_2203, %broadcast_in_dim3A_2207] : memref<2048x8xf32, #tpu.memory_space<vmem>>[vector<16xi32>, vector<16xi32>], vector<16xf32>,
        %gather3A_2242 = arith.constant 0 : i32
        %gather3A_2243 = arith.constant 0 : i32
        %gather3A_2244 = tpu.memref_slice %arg8[%scan3A_1907, %gather3A_2242, %gather3A_2243] : memref<2x2048x8xf32, #tpu.memory_space<vmem>> -> memref<1x2048x8xf32, #tpu.memory_space<vmem>>
        %gather3A_2245 = tpu.memref_squeeze %gather3A_2244 : memref<1x2048x8xf32, #tpu.memory_space<vmem>> -> memref<2048x8xf32, #tpu.memory_space<vmem>>
        %gather3A_2246 = tpu.vector_load_idx %gather3A_2245[%add3A_2203, %broadcast_in_dim3A_2209] : memref<2048x8xf32, #tpu.memory_space<vmem>>[vector<16xi32>, vector<16xi32>], vector<16xf32>,
        %gather3A_2247 = arith.constant 0 : i32
        %gather3A_2248 = arith.constant 0 : i32
        %gather3A_2249 = tpu.memref_slice %arg8[%scan3A_1907, %gather3A_2247, %gather3A_2248] : memref<2x2048x8xf32, #tpu.memory_space<vmem>> -> memref<1x2048x8xf32, #tpu.memory_space<vmem>>
        %gather3A_2250 = tpu.memref_squeeze %gather3A_2249 : memref<1x2048x8xf32, #tpu.memory_space<vmem>> -> memref<2048x8xf32, #tpu.memory_space<vmem>>
        %gather3A_2251 = tpu.vector_load_idx %gather3A_2250[%add3A_2203, %broadcast_in_dim3A_2211] : memref<2048x8xf32, #tpu.memory_space<vmem>>[vector<16xi32>, vector<16xi32>], vector<16xf32>,
        %mul3A_2252 = arith.mulf %gather3A_2216, %gather3A_2246 : vector<16xf32>
        %mul3A_2253 = arith.mulf %gather3A_2226, %gather3A_2236 : vector<16xf32>
        %add3A_2254 = arith.addf %mul3A_2252, %mul3A_2253 : vector<16xf32>
        %mul3A_2255 = arith.mulf %gather3A_2221, %gather3A_2241 : vector<16xf32>
        %mul3A_2256 = arith.constant 2.100000e+00 : f32
        %mul3A_2257 = vector.broadcast %mul3A_2256 : f32 to vector<16xf32>
        %mul3A_2258 = arith.mulf %mul3A_2257, %mul3A_2255 : vector<16xf32>
        %add3A_2259 = arith.addf %add3A_2254, %mul3A_2258 : vector<16xf32>
        %mul3A_2260 = arith.mulf %gather3A_2231, %gather3A_2251 : vector<16xf32>
        %mul3A_2261 = arith.mulf %add3A_2259, %mul3A_2260 : vector<16xf32>
        %mul3A_2262 = arith.mulf %gather3A_2216, %gather3A_2251 : vector<16xf32>
        %mul3A_2263 = arith.mulf %gather3A_2236, %gather3A_2231 : vector<16xf32>
        %add3A_2264 = arith.addf %mul3A_2262, %mul3A_2263 : vector<16xf32>
        %add3A_2265 = arith.addf %mul3A_2261, %mul3A_2261 : vector<16xf32>
        %div3A_2266 = arith.divf %add3A_2265, %add3A_2264 : vector<16xf32>
        %mul3A_2267 = arith.constant 16 : i32
        %mul3A_2268 = arith.muli %scan3A_2199, %mul3A_2267 : i32
        %swap3A_2269 = arith.constant 0 : i32
        %swap3A_2270 = arith.index_cast %swap3A_2269 : i32 to index
        %swap3A_2271 = arith.index_cast %mul3A_2268 : i32 to index
        %swap3A_2272 = tpu.vector_load %arg9[%swap3A_2270, %swap3A_2271] {strides = array<i32>} : memref<2x2048xf32, #tpu.memory_space<vmem>>, vector<16xf32>,
        tpu.vector_store %arg9[%swap3A_2270, %swap3A_2271], %div3A_2266 {strides = array<i32>} : memref<2x2048xf32, #tpu.memory_space<vmem>>, vector<16xf32>,
        %broadcast_in_dim3A_2273 = arith.constant 4 : i32
        %broadcast_in_dim3A_2274 = vector.broadcast %broadcast_in_dim3A_2273 : i32 to vector<16xi32>
        %broadcast_in_dim3A_2275 = arith.constant 5 : i32
        %broadcast_in_dim3A_2276 = vector.broadcast %broadcast_in_dim3A_2275 : i32 to vector<16xi32>
        %broadcast_in_dim3A_2277 = arith.constant 6 : i32
        %broadcast_in_dim3A_2278 = vector.broadcast %broadcast_in_dim3A_2277 : i32 to vector<16xi32>
        %broadcast_in_dim3A_2279 = arith.constant 7 : i32
        %broadcast_in_dim3A_2280 = vector.broadcast %broadcast_in_dim3A_2279 : i32 to vector<16xi32>
        %gather3A_2281 = arith.constant 0 : i32
        %gather3A_2282 = arith.constant 0 : i32
        %gather3A_2283 = tpu.memref_slice %arg7[%scan3A_1906, %gather3A_2281, %gather3A_2282] : memref<2x2048x8xf32, #tpu.memory_space<vmem>> -> memref<1x2048x8xf32, #tpu.memory_space<vmem>>
        %gather3A_2284 = tpu.memref_squeeze %gather3A_2283 : memref<1x2048x8xf32, #tpu.memory_space<vmem>> -> memref<2048x8xf32, #tpu.memory_space<vmem>>
        %gather3A_2285 = tpu.vector_load_idx %gather3A_2284[%add3A_2203, %broadcast_in_dim3A_2274] : memref<2048x8xf32, #tpu.memory_space<vmem>>[vector<16xi32>, vector<16xi32>], vector<16xf32>,
        %gather3A_2286 = arith.constant 0 : i32
        %gather3A_2287 = arith.constant 0 : i32
        %gather3A_2288 = tpu.memref_slice %arg7[%scan3A_1906, %gather3A_2286, %gather3A_2287] : memref<2x2048x8xf32, #tpu.memory_space<vmem>> -> memref<1x2048x8xf32, #tpu.memory_space<vmem>>
        %gather3A_2289 = tpu.memref_squeeze %gather3A_2288 : memref<1x2048x8xf32, #tpu.memory_space<vmem>> -> memref<2048x8xf32, #tpu.memory_space<vmem>>
        %gather3A_2290 = tpu.vector_load_idx %gather3A_2289[%add3A_2203, %broadcast_in_dim3A_2276] : memref<2048x8xf32, #tpu.memory_space<vmem>>[vector<16xi32>, vector<16xi32>], vector<16xf32>,
        %gather3A_2291 = arith.constant 0 : i32
        %gather3A_2292 = arith.constant 0 : i32
        %gather3A_2293 = tpu.memref_slice %arg7[%scan3A_1906, %gather3A_2291, %gather3A_2292] : memref<2x2048x8xf32, #tpu.memory_space<vmem>> -> memref<1x2048x8xf32, #tpu.memory_space<vmem>>
        %gather3A_2294 = tpu.memref_squeeze %gather3A_2293 : memref<1x2048x8xf32, #tpu.memory_space<vmem>> -> memref<2048x8xf32, #tpu.memory_space<vmem>>
        %gather3A_2295 = tpu.vector_load_idx %gather3A_2294[%add3A_2203, %broadcast_in_dim3A_2278] : memref<2048x8xf32, #tpu.memory_space<vmem>>[vector<16xi32>, vector<16xi32>], vector<16xf32>,
        %gather3A_2296 = arith.constant 0 : i32
        %gather3A_2297 = arith.constant 0 : i32
        %gather3A_2298 = tpu.memref_slice %arg7[%scan3A_1906, %gather3A_2296, %gather3A_2297] : memref<2x2048x8xf32, #tpu.memory_space<vmem>> -> memref<1x2048x8xf32, #tpu.memory_space<vmem>>
        %gather3A_2299 = tpu.memref_squeeze %gather3A_2298 : memref<1x2048x8xf32, #tpu.memory_space<vmem>> -> memref<2048x8xf32, #tpu.memory_space<vmem>>
        %gather3A_2300 = tpu.vector_load_idx %gather3A_2299[%add3A_2203, %broadcast_in_dim3A_2280] : memref<2048x8xf32, #tpu.memory_space<vmem>>[vector<16xi32>, vector<16xi32>], vector<16xf32>,
        %gather3A_2301 = arith.constant 0 : i32
        %gather3A_2302 = arith.constant 0 : i32
        %gather3A_2303 = tpu.memref_slice %arg8[%scan3A_1907, %gather3A_2301, %gather3A_2302] : memref<2x2048x8xf32, #tpu.memory_space<vmem>> -> memref<1x2048x8xf32, #tpu.memory_space<vmem>>
        %gather3A_2304 = tpu.memref_squeeze %gather3A_2303 : memref<1x2048x8xf32, #tpu.memory_space<vmem>> -> memref<2048x8xf32, #tpu.memory_space<vmem>>
        %gather3A_2305 = tpu.vector_load_idx %gather3A_2304[%add3A_2203, %broadcast_in_dim3A_2274] : memref<2048x8xf32, #tpu.memory_space<vmem>>[vector<16xi32>, vector<16xi32>], vector<16xf32>,
        %gather3A_2306 = arith.constant 0 : i32
        %gather3A_2307 = arith.constant 0 : i32
        %gather3A_2308 = tpu.memref_slice %arg8[%scan3A_1907, %gather3A_2306, %gather3A_2307] : memref<2x2048x8xf32, #tpu.memory_space<vmem>> -> memref<1x2048x8xf32, #tpu.memory_space<vmem>>
        %gather3A_2309 = tpu.memref_squeeze %gather3A_2308 : memref<1x2048x8xf32, #tpu.memory_space<vmem>> -> memref<2048x8xf32, #tpu.memory_space<vmem>>
        %gather3A_2310 = tpu.vector_load_idx %gather3A_2309[%add3A_2203, %broadcast_in_dim3A_2276] : memref<2048x8xf32, #tpu.memory_space<vmem>>[vector<16xi32>, vector<16xi32>], vector<16xf32>,
        %gather3A_2311 = arith.constant 0 : i32
        %gather3A_2312 = arith.constant 0 : i32
        %gather3A_2313 = tpu.memref_slice %arg8[%scan3A_1907, %gather3A_2311, %gather3A_2312] : memref<2x2048x8xf32, #tpu.memory_space<vmem>> -> memref<1x2048x8xf32, #tpu.memory_space<vmem>>
        %gather3A_2314 = tpu.memref_squeeze %gather3A_2313 : memref<1x2048x8xf32, #tpu.memory_space<vmem>> -> memref<2048x8xf32, #tpu.memory_space<vmem>>
        %gather3A_2315 = tpu.vector_load_idx %gather3A_2314[%add3A_2203, %broadcast_in_dim3A_2278] : memref<2048x8xf32, #tpu.memory_space<vmem>>[vector<16xi32>, vector<16xi32>], vector<16xf32>,
        %gather3A_2316 = arith.constant 0 : i32
        %gather3A_2317 = arith.constant 0 : i32
        %gather3A_2318 = tpu.memref_slice %arg8[%scan3A_1907, %gather3A_2316, %gather3A_2317] : memref<2x2048x8xf32, #tpu.memory_space<vmem>> -> memref<1x2048x8xf32, #tpu.memory_space<vmem>>
        %gather3A_2319 = tpu.memref_squeeze %gather3A_2318 : memref<1x2048x8xf32, #tpu.memory_space<vmem>> -> memref<2048x8xf32, #tpu.memory_space<vmem>>
        %gather3A_2320 = tpu.vector_load_idx %gather3A_2319[%add3A_2203, %broadcast_in_dim3A_2280] : memref<2048x8xf32, #tpu.memory_space<vmem>>[vector<16xi32>, vector<16xi32>], vector<16xf32>,
        %mul3A_2321 = arith.mulf %gather3A_2285, %gather3A_2315 : vector<16xf32>
        %mul3A_2322 = arith.mulf %gather3A_2295, %gather3A_2305 : vector<16xf32>
        %add3A_2323 = arith.addf %mul3A_2321, %mul3A_2322 : vector<16xf32>
        %mul3A_2324 = arith.mulf %gather3A_2290, %gather3A_2310 : vector<16xf32>
        %mul3A_2325 = arith.constant 2.100000e+00 : f32
        %mul3A_2326 = vector.broadcast %mul3A_2325 : f32 to vector<16xf32>
        %mul3A_2327 = arith.mulf %mul3A_2326, %mul3A_2324 : vector<16xf32>
        %add3A_2328 = arith.addf %add3A_2323, %mul3A_2327 : vector<16xf32>
        %mul3A_2329 = arith.mulf %gather3A_2300, %gather3A_2320 : vector<16xf32>
        %mul3A_2330 = arith.mulf %add3A_2328, %mul3A_2329 : vector<16xf32>
        %mul3A_2331 = arith.mulf %gather3A_2285, %gather3A_2320 : vector<16xf32>
        %mul3A_2332 = arith.mulf %gather3A_2305, %gather3A_2300 : vector<16xf32>
        %add3A_2333 = arith.addf %mul3A_2331, %mul3A_2332 : vector<16xf32>
        %add3A_2334 = arith.addf %mul3A_2330, %mul3A_2330 : vector<16xf32>
        %div3A_2335 = arith.divf %add3A_2334, %add3A_2333 : vector<16xf32>
        %mul3A_2336 = arith.constant 16 : i32
        %mul3A_2337 = arith.muli %scan3A_2199, %mul3A_2336 : i32
        %swap3A_2338 = arith.constant 1 : i32
        %swap3A_2339 = arith.index_cast %swap3A_2338 : i32 to index
        %swap3A_2340 = arith.index_cast %mul3A_2337 : i32 to index
        %swap3A_2341 = tpu.vector_load %arg9[%swap3A_2339, %swap3A_2340] {strides = array<i32>} : memref<2x2048xf32, #tpu.memory_space<vmem>>, vector<16xf32>,
        tpu.vector_store %arg9[%swap3A_2339, %swap3A_2340], %div3A_2335 {strides = array<i32>} : memref<2x2048xf32, #tpu.memory_space<vmem>>, vector<16xf32>,
        %scan3A_2342 = arith.constant 3 : i32
        %scan3A_2343 = arith.addi %scan3A_1915, %scan3A_2342 : i32
        %mul3A_2344 = arith.constant 16 : i32
        %mul3A_2345 = arith.muli %scan3A_2343, %mul3A_2344 : i32
        %add3A_2346 = vector.broadcast %mul3A_2345 : i32 to vector<16xi32>
        %add3A_2347 = arith.addi %iota3A, %add3A_2346 : vector<16xi32>
        %broadcast_in_dim3A_2348 = arith.constant 0 : i32
        %broadcast_in_dim3A_2349 = vector.broadcast %broadcast_in_dim3A_2348 : i32 to vector<16xi32>
        %broadcast_in_dim3A_2350 = arith.constant 1 : i32
        %broadcast_in_dim3A_2351 = vector.broadcast %broadcast_in_dim3A_2350 : i32 to vector<16xi32>
        %broadcast_in_dim3A_2352 = arith.constant 2 : i32
        %broadcast_in_dim3A_2353 = vector.broadcast %broadcast_in_dim3A_2352 : i32 to vector<16xi32>
        %broadcast_in_dim3A_2354 = arith.constant 3 : i32
        %broadcast_in_dim3A_2355 = vector.broadcast %broadcast_in_dim3A_2354 : i32 to vector<16xi32>
        %gather3A_2356 = arith.constant 0 : i32
        %gather3A_2357 = arith.constant 0 : i32
        %gather3A_2358 = tpu.memref_slice %arg7[%scan3A_1906, %gather3A_2356, %gather3A_2357] : memref<2x2048x8xf32, #tpu.memory_space<vmem>> -> memref<1x2048x8xf32, #tpu.memory_space<vmem>>
        %gather3A_2359 = tpu.memref_squeeze %gather3A_2358 : memref<1x2048x8xf32, #tpu.memory_space<vmem>> -> memref<2048x8xf32, #tpu.memory_space<vmem>>
        %gather3A_2360 = tpu.vector_load_idx %gather3A_2359[%add3A_2347, %broadcast_in_dim3A_2349] : memref<2048x8xf32, #tpu.memory_space<vmem>>[vector<16xi32>, vector<16xi32>], vector<16xf32>,
        %gather3A_2361 = arith.constant 0 : i32
        %gather3A_2362 = arith.constant 0 : i32
        %gather3A_2363 = tpu.memref_slice %arg7[%scan3A_1906, %gather3A_2361, %gather3A_2362] : memref<2x2048x8xf32, #tpu.memory_space<vmem>> -> memref<1x2048x8xf32, #tpu.memory_space<vmem>>
        %gather3A_2364 = tpu.memref_squeeze %gather3A_2363 : memref<1x2048x8xf32, #tpu.memory_space<vmem>> -> memref<2048x8xf32, #tpu.memory_space<vmem>>
        %gather3A_2365 = tpu.vector_load_idx %gather3A_2364[%add3A_2347, %broadcast_in_dim3A_2351] : memref<2048x8xf32, #tpu.memory_space<vmem>>[vector<16xi32>, vector<16xi32>], vector<16xf32>,
        %gather3A_2366 = arith.constant 0 : i32
        %gather3A_2367 = arith.constant 0 : i32
        %gather3A_2368 = tpu.memref_slice %arg7[%scan3A_1906, %gather3A_2366, %gather3A_2367] : memref<2x2048x8xf32, #tpu.memory_space<vmem>> -> memref<1x2048x8xf32, #tpu.memory_space<vmem>>
        %gather3A_2369 = tpu.memref_squeeze %gather3A_2368 : memref<1x2048x8xf32, #tpu.memory_space<vmem>> -> memref<2048x8xf32, #tpu.memory_space<vmem>>
        %gather3A_2370 = tpu.vector_load_idx %gather3A_2369[%add3A_2347, %broadcast_in_dim3A_2353] : memref<2048x8xf32, #tpu.memory_space<vmem>>[vector<16xi32>, vector<16xi32>], vector<16xf32>,
        %gather3A_2371 = arith.constant 0 : i32
        %gather3A_2372 = arith.constant 0 : i32
        %gather3A_2373 = tpu.memref_slice %arg7[%scan3A_1906, %gather3A_2371, %gather3A_2372] : memref<2x2048x8xf32, #tpu.memory_space<vmem>> -> memref<1x2048x8xf32, #tpu.memory_space<vmem>>
        %gather3A_2374 = tpu.memref_squeeze %gather3A_2373 : memref<1x2048x8xf32, #tpu.memory_space<vmem>> -> memref<2048x8xf32, #tpu.memory_space<vmem>>
        %gather3A_2375 = tpu.vector_load_idx %gather3A_2374[%add3A_2347, %broadcast_in_dim3A_2355] : memref<2048x8xf32, #tpu.memory_space<vmem>>[vector<16xi32>, vector<16xi32>], vector<16xf32>,
        %gather3A_2376 = arith.constant 0 : i32
        %gather3A_2377 = arith.constant 0 : i32
        %gather3A_2378 = tpu.memref_slice %arg8[%scan3A_1907, %gather3A_2376, %gather3A_2377] : memref<2x2048x8xf32, #tpu.memory_space<vmem>> -> memref<1x2048x8xf32, #tpu.memory_space<vmem>>
        %gather3A_2379 = tpu.memref_squeeze %gather3A_2378 : memref<1x2048x8xf32, #tpu.memory_space<vmem>> -> memref<2048x8xf32, #tpu.memory_space<vmem>>
        %gather3A_2380 = tpu.vector_load_idx %gather3A_2379[%add3A_2347, %broadcast_in_dim3A_2349] : memref<2048x8xf32, #tpu.memory_space<vmem>>[vector<16xi32>, vector<16xi32>], vector<16xf32>,
        %gather3A_2381 = arith.constant 0 : i32
        %gather3A_2382 = arith.constant 0 : i32
        %gather3A_2383 = tpu.memref_slice %arg8[%scan3A_1907, %gather3A_2381, %gather3A_2382] : memref<2x2048x8xf32, #tpu.memory_space<vmem>> -> memref<1x2048x8xf32, #tpu.memory_space<vmem>>
        %gather3A_2384 = tpu.memref_squeeze %gather3A_2383 : memref<1x2048x8xf32, #tpu.memory_space<vmem>> -> memref<2048x8xf32, #tpu.memory_space<vmem>>
        %gather3A_2385 = tpu.vector_load_idx %gather3A_2384[%add3A_2347, %broadcast_in_dim3A_2351] : memref<2048x8xf32, #tpu.memory_space<vmem>>[vector<16xi32>, vector<16xi32>], vector<16xf32>,
        %gather3A_2386 = arith.constant 0 : i32
        %gather3A_2387 = arith.constant 0 : i32
        %gather3A_2388 = tpu.memref_slice %arg8[%scan3A_1907, %gather3A_2386, %gather3A_2387] : memref<2x2048x8xf32, #tpu.memory_space<vmem>> -> memref<1x2048x8xf32, #tpu.memory_space<vmem>>
        %gather3A_2389 = tpu.memref_squeeze %gather3A_2388 : memref<1x2048x8xf32, #tpu.memory_space<vmem>> -> memref<2048x8xf32, #tpu.memory_space<vmem>>
        %gather3A_2390 = tpu.vector_load_idx %gather3A_2389[%add3A_2347, %broadcast_in_dim3A_2353] : memref<2048x8xf32, #tpu.memory_space<vmem>>[vector<16xi32>, vector<16xi32>], vector<16xf32>,
        %gather3A_2391 = arith.constant 0 : i32
        %gather3A_2392 = arith.constant 0 : i32
        %gather3A_2393 = tpu.memref_slice %arg8[%scan3A_1907, %gather3A_2391, %gather3A_2392] : memref<2x2048x8xf32, #tpu.memory_space<vmem>> -> memref<1x2048x8xf32, #tpu.memory_space<vmem>>
        %gather3A_2394 = tpu.memref_squeeze %gather3A_2393 : memref<1x2048x8xf32, #tpu.memory_space<vmem>> -> memref<2048x8xf32, #tpu.memory_space<vmem>>
        %gather3A_2395 = tpu.vector_load_idx %gather3A_2394[%add3A_2347, %broadcast_in_dim3A_2355] : memref<2048x8xf32, #tpu.memory_space<vmem>>[vector<16xi32>, vector<16xi32>], vector<16xf32>,
        %mul3A_2396 = arith.mulf %gather3A_2360, %gather3A_2390 : vector<16xf32>
        %mul3A_2397 = arith.mulf %gather3A_2370, %gather3A_2380 : vector<16xf32>
        %add3A_2398 = arith.addf %mul3A_2396, %mul3A_2397 : vector<16xf32>
        %mul3A_2399 = arith.mulf %gather3A_2365, %gather3A_2385 : vector<16xf32>
        %mul3A_2400 = arith.constant 2.100000e+00 : f32
        %mul3A_2401 = vector.broadcast %mul3A_2400 : f32 to vector<16xf32>
        %mul3A_2402 = arith.mulf %mul3A_2401, %mul3A_2399 : vector<16xf32>
        %add3A_2403 = arith.addf %add3A_2398, %mul3A_2402 : vector<16xf32>
        %mul3A_2404 = arith.mulf %gather3A_2375, %gather3A_2395 : vector<16xf32>
        %mul3A_2405 = arith.mulf %add3A_2403, %mul3A_2404 : vector<16xf32>
        %mul3A_2406 = arith.mulf %gather3A_2360, %gather3A_2395 : vector<16xf32>
        %mul3A_2407 = arith.mulf %gather3A_2380, %gather3A_2375 : vector<16xf32>
        %add3A_2408 = arith.addf %mul3A_2406, %mul3A_2407 : vector<16xf32>
        %add3A_2409 = arith.addf %mul3A_2405, %mul3A_2405 : vector<16xf32>
        %div3A_2410 = arith.divf %add3A_2409, %add3A_2408 : vector<16xf32>
        %mul3A_2411 = arith.constant 16 : i32
        %mul3A_2412 = arith.muli %scan3A_2343, %mul3A_2411 : i32
        %swap3A_2413 = arith.constant 0 : i32
        %swap3A_2414 = arith.index_cast %swap3A_2413 : i32 to index
        %swap3A_2415 = arith.index_cast %mul3A_2412 : i32 to index
        %swap3A_2416 = tpu.vector_load %arg9[%swap3A_2414, %swap3A_2415] {strides = array<i32>} : memref<2x2048xf32, #tpu.memory_space<vmem>>, vector<16xf32>,
        tpu.vector_store %arg9[%swap3A_2414, %swap3A_2415], %div3A_2410 {strides = array<i32>} : memref<2x2048xf32, #tpu.memory_space<vmem>>, vector<16xf32>,
        %broadcast_in_dim3A_2417 = arith.constant 4 : i32
        %broadcast_in_dim3A_2418 = vector.broadcast %broadcast_in_dim3A_2417 : i32 to vector<16xi32>
        %broadcast_in_dim3A_2419 = arith.constant 5 : i32
        %broadcast_in_dim3A_2420 = vector.broadcast %broadcast_in_dim3A_2419 : i32 to vector<16xi32>
        %broadcast_in_dim3A_2421 = arith.constant 6 : i32
        %broadcast_in_dim3A_2422 = vector.broadcast %broadcast_in_dim3A_2421 : i32 to vector<16xi32>
        %broadcast_in_dim3A_2423 = arith.constant 7 : i32
        %broadcast_in_dim3A_2424 = vector.broadcast %broadcast_in_dim3A_2423 : i32 to vector<16xi32>
        %gather3A_2425 = arith.constant 0 : i32
        %gather3A_2426 = arith.constant 0 : i32
        %gather3A_2427 = tpu.memref_slice %arg7[%scan3A_1906, %gather3A_2425, %gather3A_2426] : memref<2x2048x8xf32, #tpu.memory_space<vmem>> -> memref<1x2048x8xf32, #tpu.memory_space<vmem>>
        %gather3A_2428 = tpu.memref_squeeze %gather3A_2427 : memref<1x2048x8xf32, #tpu.memory_space<vmem>> -> memref<2048x8xf32, #tpu.memory_space<vmem>>
        %gather3A_2429 = tpu.vector_load_idx %gather3A_2428[%add3A_2347, %broadcast_in_dim3A_2418] : memref<2048x8xf32, #tpu.memory_space<vmem>>[vector<16xi32>, vector<16xi32>], vector<16xf32>,
        %gather3A_2430 = arith.constant 0 : i32
        %gather3A_2431 = arith.constant 0 : i32
        %gather3A_2432 = tpu.memref_slice %arg7[%scan3A_1906, %gather3A_2430, %gather3A_2431] : memref<2x2048x8xf32, #tpu.memory_space<vmem>> -> memref<1x2048x8xf32, #tpu.memory_space<vmem>>
        %gather3A_2433 = tpu.memref_squeeze %gather3A_2432 : memref<1x2048x8xf32, #tpu.memory_space<vmem>> -> memref<2048x8xf32, #tpu.memory_space<vmem>>
        %gather3A_2434 = tpu.vector_load_idx %gather3A_2433[%add3A_2347, %broadcast_in_dim3A_2420] : memref<2048x8xf32, #tpu.memory_space<vmem>>[vector<16xi32>, vector<16xi32>], vector<16xf32>,
        %gather3A_2435 = arith.constant 0 : i32
        %gather3A_2436 = arith.constant 0 : i32
        %gather3A_2437 = tpu.memref_slice %arg7[%scan3A_1906, %gather3A_2435, %gather3A_2436] : memref<2x2048x8xf32, #tpu.memory_space<vmem>> -> memref<1x2048x8xf32, #tpu.memory_space<vmem>>
        %gather3A_2438 = tpu.memref_squeeze %gather3A_2437 : memref<1x2048x8xf32, #tpu.memory_space<vmem>> -> memref<2048x8xf32, #tpu.memory_space<vmem>>
        %gather3A_2439 = tpu.vector_load_idx %gather3A_2438[%add3A_2347, %broadcast_in_dim3A_2422] : memref<2048x8xf32, #tpu.memory_space<vmem>>[vector<16xi32>, vector<16xi32>], vector<16xf32>,
        %gather3A_2440 = arith.constant 0 : i32
        %gather3A_2441 = arith.constant 0 : i32
        %gather3A_2442 = tpu.memref_slice %arg7[%scan3A_1906, %gather3A_2440, %gather3A_2441] : memref<2x2048x8xf32, #tpu.memory_space<vmem>> -> memref<1x2048x8xf32, #tpu.memory_space<vmem>>
        %gather3A_2443 = tpu.memref_squeeze %gather3A_2442 : memref<1x2048x8xf32, #tpu.memory_space<vmem>> -> memref<2048x8xf32, #tpu.memory_space<vmem>>
        %gather3A_2444 = tpu.vector_load_idx %gather3A_2443[%add3A_2347, %broadcast_in_dim3A_2424] : memref<2048x8xf32, #tpu.memory_space<vmem>>[vector<16xi32>, vector<16xi32>], vector<16xf32>,
        %gather3A_2445 = arith.constant 0 : i32
        %gather3A_2446 = arith.constant 0 : i32
        %gather3A_2447 = tpu.memref_slice %arg8[%scan3A_1907, %gather3A_2445, %gather3A_2446] : memref<2x2048x8xf32, #tpu.memory_space<vmem>> -> memref<1x2048x8xf32, #tpu.memory_space<vmem>>
        %gather3A_2448 = tpu.memref_squeeze %gather3A_2447 : memref<1x2048x8xf32, #tpu.memory_space<vmem>> -> memref<2048x8xf32, #tpu.memory_space<vmem>>
        %gather3A_2449 = tpu.vector_load_idx %gather3A_2448[%add3A_2347, %broadcast_in_dim3A_2418] : memref<2048x8xf32, #tpu.memory_space<vmem>>[vector<16xi32>, vector<16xi32>], vector<16xf32>,
        %gather3A_2450 = arith.constant 0 : i32
        %gather3A_2451 = arith.constant 0 : i32
        %gather3A_2452 = tpu.memref_slice %arg8[%scan3A_1907, %gather3A_2450, %gather3A_2451] : memref<2x2048x8xf32, #tpu.memory_space<vmem>> -> memref<1x2048x8xf32, #tpu.memory_space<vmem>>
        %gather3A_2453 = tpu.memref_squeeze %gather3A_2452 : memref<1x2048x8xf32, #tpu.memory_space<vmem>> -> memref<2048x8xf32, #tpu.memory_space<vmem>>
        %gather3A_2454 = tpu.vector_load_idx %gather3A_2453[%add3A_2347, %broadcast_in_dim3A_2420] : memref<2048x8xf32, #tpu.memory_space<vmem>>[vector<16xi32>, vector<16xi32>], vector<16xf32>,
        %gather3A_2455 = arith.constant 0 : i32
        %gather3A_2456 = arith.constant 0 : i32
        %gather3A_2457 = tpu.memref_slice %arg8[%scan3A_1907, %gather3A_2455, %gather3A_2456] : memref<2x2048x8xf32, #tpu.memory_space<vmem>> -> memref<1x2048x8xf32, #tpu.memory_space<vmem>>
        %gather3A_2458 = tpu.memref_squeeze %gather3A_2457 : memref<1x2048x8xf32, #tpu.memory_space<vmem>> -> memref<2048x8xf32, #tpu.memory_space<vmem>>
        %gather3A_2459 = tpu.vector_load_idx %gather3A_2458[%add3A_2347, %broadcast_in_dim3A_2422] : memref<2048x8xf32, #tpu.memory_space<vmem>>[vector<16xi32>, vector<16xi32>], vector<16xf32>,
        %gather3A_2460 = arith.constant 0 : i32
        %gather3A_2461 = arith.constant 0 : i32
        %gather3A_2462 = tpu.memref_slice %arg8[%scan3A_1907, %gather3A_2460, %gather3A_2461] : memref<2x2048x8xf32, #tpu.memory_space<vmem>> -> memref<1x2048x8xf32, #tpu.memory_space<vmem>>
        %gather3A_2463 = tpu.memref_squeeze %gather3A_2462 : memref<1x2048x8xf32, #tpu.memory_space<vmem>> -> memref<2048x8xf32, #tpu.memory_space<vmem>>
        %gather3A_2464 = tpu.vector_load_idx %gather3A_2463[%add3A_2347, %broadcast_in_dim3A_2424] : memref<2048x8xf32, #tpu.memory_space<vmem>>[vector<16xi32>, vector<16xi32>], vector<16xf32>,
        %mul3A_2465 = arith.mulf %gather3A_2429, %gather3A_2459 : vector<16xf32>
        %mul3A_2466 = arith.mulf %gather3A_2439, %gather3A_2449 : vector<16xf32>
        %add3A_2467 = arith.addf %mul3A_2465, %mul3A_2466 : vector<16xf32>
        %mul3A_2468 = arith.mulf %gather3A_2434, %gather3A_2454 : vector<16xf32>
        %mul3A_2469 = arith.constant 2.100000e+00 : f32
        %mul3A_2470 = vector.broadcast %mul3A_2469 : f32 to vector<16xf32>
        %mul3A_2471 = arith.mulf %mul3A_2470, %mul3A_2468 : vector<16xf32>
        %add3A_2472 = arith.addf %add3A_2467, %mul3A_2471 : vector<16xf32>
        %mul3A_2473 = arith.mulf %gather3A_2444, %gather3A_2464 : vector<16xf32>
        %mul3A_2474 = arith.mulf %add3A_2472, %mul3A_2473 : vector<16xf32>
        %mul3A_2475 = arith.mulf %gather3A_2429, %gather3A_2464 : vector<16xf32>
        %mul3A_2476 = arith.mulf %gather3A_2449, %gather3A_2444 : vector<16xf32>
        %add3A_2477 = arith.addf %mul3A_2475, %mul3A_2476 : vector<16xf32>
        %add3A_2478 = arith.addf %mul3A_2474, %mul3A_2474 : vector<16xf32>
        %div3A_2479 = arith.divf %add3A_2478, %add3A_2477 : vector<16xf32>
        %mul3A_2480 = arith.constant 16 : i32
        %mul3A_2481 = arith.muli %scan3A_2343, %mul3A_2480 : i32
        %swap3A_2482 = arith.constant 1 : i32
        %swap3A_2483 = arith.index_cast %swap3A_2482 : i32 to index
        %swap3A_2484 = arith.index_cast %mul3A_2481 : i32 to index
        %swap3A_2485 = tpu.vector_load %arg9[%swap3A_2483, %swap3A_2484] {strides = array<i32>} : memref<2x2048xf32, #tpu.memory_space<vmem>>, vector<16xf32>,
        tpu.vector_store %arg9[%swap3A_2483, %swap3A_2484], %div3A_2479 {strides = array<i32>} : memref<2x2048xf32, #tpu.memory_space<vmem>>, vector<16xf32>,
      }
      %scan3A_1912 = arith.constant 128 : i32
      %mul3A_1913 = arith.constant 2 : i32
      %mul3A_1914 = arith.muli %mul3A_1913, %arg0 : i32
      "tpu.region"() ({
        %run_scoped3A_1915 = tpu.sem_alloc : memref<!tpu.dma_semaphore, #tpu.memory_space<semaphore_mem>>
        %dma_start3A_1916 = tpu.memref_slice %arg4[%mul3A_1914, %add3A_1360] : memref<4x6400000xf32, #tpu.memory_space<hbm>> -> memref<2x2048xf32, #tpu.memory_space<hbm>>
        %dma_start3A_1917 = tpu.memref_slice %arg4[%mul3A_1914, %add3A_1360] : memref<4x6400000xf32, #tpu.memory_space<hbm>> -> memref<2x2048xf32, #tpu.memory_space<hbm>>
        tpu.enqueue_dma source(%arg9 : memref<2x2048xf32, #tpu.memory_space<vmem>>) target(%dma_start3A_1917 : memref<2x2048xf32, #tpu.memory_space<hbm>>) target_semaphore(%run_scoped3A_1915 : memref<!tpu.dma_semaphore, #tpu.memory_space<semaphore_mem>>)
        %dma_wait3A_1918 = tpu.memref_slice %arg4[%mul3A_1914, %add3A_1360] : memref<4x6400000xf32, #tpu.memory_space<hbm>> -> memref<2x2048xf32, #tpu.memory_space<hbm>>
        %dma_wait3A_1919 = tpu.memref_slice %arg4[%mul3A_1914, %add3A_1360] : memref<4x6400000xf32, #tpu.memory_space<hbm>> -> memref<2x2048xf32, #tpu.memory_space<hbm>>
        tpu.wait_dma2 semaphore(%run_scoped3A_1915 : memref<!tpu.dma_semaphore, #tpu.memory_space<semaphore_mem>>) src(%arg9 : memref<2x2048xf32, #tpu.memory_space<vmem>>) dst(%dma_wait3A_1919 : memref<2x2048xf32, #tpu.memory_space<hbm>>)
        tpu.yield
      }) : () -> ()
    }
    %scan3A_395 = arith.constant 98 : i32
    return
  }
}

</mosaic_0001>

<sc_bundles>
// kernel: kernel.3.cloned.1.call-start
scs
__scs_entry_jumppad:
0x0: {  	(pc) =	sbr.rel $0x88, $3  }
0x1: {  	(tag) =	ssettag $0x0;
	lr =	simm.s32 $0x1  }
0x2: {  	[smem:$0x3F9C] =	sst lr;
	_ =	strace $0xD0000000  }
0x3: {  	_ = 	snop  }
0x4: {  	_ = 	snop  }
0x5: {  	_ = 	snop  }
0x6: {  	_ = 	snop  }
0x7: {  	_ = 	snop  }
__scs_overlays_trampoline_lowered:
0x8: {  	[smem:$0x3FAB] =	sst s0  }
0x9: {  	[smem:$0x3FAC] =	sst s1  }
0xa: {  	[smem:$0x3FAD] =	sst s2  }
0xb: {  	[smem:$0x3FAE] =	sst s3  }
0xc: {  	[smem:$0x3FAF] =	sst s4  }
0xd: {  	[smem:$0x3FB0] =	sst s5  }
0xe: {  	[smem:$0x3FB1] =	sst s6  }
0xf: {  	[smem:$0x3FB2] =	sst s7  }
0x10: {  	[smem:$0x3FB3] =	sst s8  }
0x11: {  	[smem:$0x3FB4] =	sst s9;
	s0 =	simm.s32 @!p0 $0x0  }
0x12: {  	s1 =	sld [smem:$0x3F9A];
	s0 =	simm.s32 @p0 $0x1  }
0x13: {  	[smem:$0x3FB5] =	sst s0;
	s0 =	simm.s32 @!p1 $0x0  }
0x14: {  	s2 =	sld [smem:$0x3F99];
	s0 =	simm.s32 @p1 $0x1  }
0x15: {  	[smem:$0x3FB6] =	sst s0;
	s0 =	simm.s32 @!p2 $0x0  }
0x16: {  	s3 =	sld [smem:$0x3FDB];
	s0 =	simm.s32 @p2 $0x1  }
0x17: {  	s4 =	simm.s32 $0x1BF5;
	[smem:$0x3FB8] =	sst s0  }
0x18: {  	s0 =	sld [smem:$0x3F9B];
	_ =	swait.ge [sflag:s4], $0x0  }
0x19: {  	s7 =	sld [smem:$0x3F9C]  }
0x1a: {  	s8 =	sadd.s32 $0xFFFFE003, lr  }
0x1b: {  	s9 =	sadd.s32 $0xFFFFFEF7, lr;
	s5 =	simm.s32 $0xFFFFFFFF;
	p2 =	slt.u32 s8, $0xFFFFF086  }
0x1c: {  	p1 =	slt.u32 s9, $0xF7A;
	s5 =	simm.s32 @!p2 $0x0  }
0x1d: {  	s5 =	simm.s32 @p1 $0x1;
	p0 =	seq.s32 s7, s2  }
0x1e: {  	s7 =	smul.u32 @!p0 $0xF7A, s2;
	p2 =	seq.s32 @!p0 s5, $0x0  }
0x1f: {  	s9 =	smul.u32 $0xF7A, s1;
	s8 =	simm.s32 @!p0 $0x1BF5;
	p2 =	por !p2, p0  }
0x20: {  	[sflag:s8] =	ssyncset.s32 @!p0 $0xFFFFF086;
	s6 =	sadd.s32 @!p0 s3, s7;
	s7 =	simm.s32 @!p0 $0x108  }
0x21: {  	s3 =	sadd.s32 s3, s9;
	s6 =	sadd.s32 @!p0 $0x88, s6;
	s7 =	simm.s32 @p2 $0x1082  }
0x22: {  	[simem:s7], [sflag:s8] =	dma.local @!p0 [hbm:s6], $0xF7A  }
0x23: {  	s9 =	sor.u32 $0xD0000000, s2;
	s6 =	simm.s32 $0x108;
	_ =	swait.ge @!p0 [sflag:s8], $0x0  }
0x24: {  	s3 =	sadd.s32 $0x88, s3;
	s6 =	simm.s32 @!p1 $0x1082;
	[sflag:s4] =	ssyncset.s32 $0xFFFFF086  }
0x25: {  	[simem:s6], [sflag:s4] =	dma.local [hbm:s3], $0xF7A  }
0x26: {  	[smem:$0x3F9C] =	sst s1;
	(tag) =	ssettag s2;
	_ =	strace s9  }
0x27: {  	s1 =	sld [smem:$0x3FAC]  }
0x28: {  	s2 =	sld [smem:$0x3FAD]  }
0x29: {  	s4 =	sld [smem:$0x3FAF]  }
0x2a: {  	p0 =	seq.s32 s5, $0x0;
	s5 =	sld [smem:$0x3FB0]  }
0x2b: {  	s6 =	sld [smem:$0x3FB1]  }
0x2c: {  	s7 =	sld [smem:$0x3FB2]  }
0x2d: {  	s3 =	simm.s32 $0x108;
	s8 =	sld [smem:$0x3FB3]  }
0x2e: {  	s3 =	simm.s32 @!p0 $0x1082;
	s9 =	sld [smem:$0x3FB4]  }
0x2f: {  	lr =	sadd.s32 s0, s3;
	s0 =	sld [smem:$0x3FAB]  }
0x30: {  	s3 =	sld [smem:$0x3FAE]  }
0x31: {  	[smem:$0x3FB7] =	sst s10  }
0x32: {  	s10 =	sld [smem:$0x3FB5];
	_ =	sdelay $0x3  }
0x33: {  	p0 =	seq.s32 s10, $0x1;
	s10 =	sld [smem:$0x3FB7];
	_ =	sdelay $0x3  }
0x34: {  	[smem:$0x3FB7] =	sst s10  }
0x35: {  	s10 =	sld [smem:$0x3FB6];
	_ =	sdelay $0x3  }
0x36: {  	p1 =	seq.s32 s10, $0x1;
	s10 =	sld [smem:$0x3FB7];
	_ =	sdelay $0x3  }
0x37: {  	[smem:$0x3FB7] =	sst s10  }
0x38: {  	s10 =	sld [smem:$0x3FB8]  }
0x39: {  	_ = 	snop;
	(pc) =	sbr.ind lr, $3  }
0x3a: {  	_ = 	snop  }
0x3b: {  	_ = 	snop  }
0x3c: {  	p2 =	seq.s32 s10, $0x1;
	s10 =	sld [smem:$0x3FB7]  }
0x3d: {  	_ =	shalt  }
0x3e: {  	_ =	shalt  }
0x3f: {  	_ =	shalt  }
0x40: {  	_ =	shalt  }
0x41: {  	_ =	shalt  }
0x42: {  	_ =	shalt  }
0x43: {  	_ =	shalt  }
0x44: {  	_ =	shalt  }
0x45: {  	_ =	shalt  }
0x46: {  	_ =	shalt  }
0x47: {  	_ =	shalt  }
0x48: {  	_ =	shalt  }
0x49: {  	_ =	shalt  }
0x4a: {  	_ =	shalt  }
0x4b: {  	_ =	shalt  }
0x4c: {  	_ =	shalt  }
0x4d: {  	_ =	shalt  }
0x4e: {  	_ =	shalt  }
0x4f: {  	_ =	shalt  }
0x50: {  	_ =	shalt  }
0x51: {  	_ =	shalt  }
0x52: {  	_ =	shalt  }
0x53: {  	_ =	shalt  }
0x54: {  	_ =	shalt  }
0x55: {  	_ =	shalt  }
0x56: {  	_ =	shalt  }
0x57: {  	_ =	shalt  }
0x58: {  	_ =	shalt  }
0x59: {  	_ =	shalt  }
0x5a: {  	_ =	shalt  }
0x5b: {  	_ =	shalt  }
0x5c: {  	_ =	shalt  }
0x5d: {  	_ =	shalt  }
0x5e: {  	_ =	shalt  }
0x5f: {  	_ =	shalt  }
0x60: {  	_ =	shalt  }
0x61: {  	_ =	shalt  }
0x62: {  	_ =	shalt  }
0x63: {  	_ =	shalt  }
0x64: {  	_ =	shalt  }
0x65: {  	_ =	shalt  }
0x66: {  	_ =	shalt  }
0x67: {  	_ =	shalt  }
0x68: {  	_ =	shalt  }
0x69: {  	_ =	shalt  }
0x6a: {  	_ =	shalt  }
0x6b: {  	_ =	shalt  }
0x6c: {  	_ =	shalt  }
0x6d: {  	_ =	shalt  }
0x6e: {  	_ =	shalt  }
0x6f: {  	_ =	shalt  }
0x70: {  	_ =	shalt  }
0x71: {  	_ =	shalt  }
0x72: {  	_ =	shalt  }
0x73: {  	_ =	shalt  }
0x74: {  	_ =	shalt  }
0x75: {  	_ =	shalt  }
0x76: {  	_ =	shalt  }
0x77: {  	_ =	shalt  }
0x78: {  	_ =	shalt  }
0x79: {  	_ =	shalt  }
0x7a: {  	_ =	shalt  }
0x7b: {  	_ =	shalt  }
0x7c: {  	_ =	shalt  }
0x7d: {  	_ =	shalt  }
0x7e: {  	_ =	shalt  }
0x7f: {  	_ =	shalt  }
0x80: {  	_ =	shalt  }
0x81: {  	_ =	shalt  }
0x82: {  	_ =	shalt  }
0x83: {  	_ =	shalt  }
0x84: {  	_ =	shalt  }
0x85: {  	_ =	shalt  }
0x86: {  	_ =	shalt  }
0x87: {  	_ =	shalt  }
.Lfunc_end0:
.L_simem_size_0:
called_computation.1_lowered:
.L_overlay_start_0:
0x88: {  	s2 =	sld [smem:$0x3FD9]  }
0x89: {  	s3 =	sld [smem:$0x3FFE];
	_ =	sdelay $0x1  }
0x8a: {  	s1 =	srdreg.scid  }
0x8b: {  	s0 =	sand.u32 $0x1, s1  }
0x8c: {  	s16 =	sshll.u32 s0, $0xA;
	s2 =	sadd.s32 s3, s2  }
0x8d: {  	s2 =	sadd.s32 s2, s16  }
0x8e: {  	[smem:$0x3FC3] =	sst s2  }
0x8f: {  	_ = 	snop  }
0x90: {  	(tm) =	ssettm $0x1  }
0x91: {  	s17 =	sld [smem:$0x3FFB];
	_ =	sdelay $0x3  }
0x92: {  	_ =	strace s17  }
0x93: {  	s2 =	sld [smem:$0x3FFC];
	_ =	sdelay $0x3  }
0x94: {  	_ =	strace s2  }
0x95: {  	s2 =	sld [smem:$0x3FFD];
	_ =	sdelay $0x3  }
0x96: {  	_ =	strace s2  }
0x97: {  	_ =	strace $0x8FFFFFFF  }
0x98: {  	s18 =	sld [smem:$0x3FDB];
	_ =	sdelay $0x1  }
0x99: {  	s19 =	simm.s32 $_scs_section_size  }
0x9a: {  	s4 =	simm.s32 $_size__tile_overlayer_lowered;
	s5 =	simm.s32 $_tile_overlayer_lowered  }
0x9b: {  	s22 =	simm.s32 $0x1BFF;
	s21 =	sshll.u32 s5, $0x1;
	s2 =	sadd.s32 s19, s18  }
0x9c: {  	s6 =	simm.s32 $0x0;
	s20 =	sshll.u32 s4, $0x1;
	s4 =	sadd.s32 s21, s2  }
0x9d: {  	[timem:s6], [sflag:s22] =	dma.local [hbm:s4], s20  }
0x9e: {  	_ =	swait.ge [sflag:s22], s20  }
0x9f: {  	s3 =	ssub.s32 $0x0, s20;
	[sflag:s22] =	ssyncset.done $0x0  }
0xa0: {  	[sflag:s22] =	ssyncadd.s32 s3;
	_ =	sdelay $0x1  }
0xa1: {  	s23 =	simm.s32 $0x1B8B  }
0xa2: {  	_ =	swait.ge [sflag:s23], $0x1  }
0xa3: {  	[sflag:s23] =	ssyncset.done $0x0  }
0xa4: {  	s25 =	simm.s32 $0x1B8E;
	s24 =	sld [smem:$0x3FFE];
	[sflag:s23] =	ssyncadd.s32 $0xFFFFFFFF  }
0xa5: {  	s26 =	simm.s32 $execute0_lowered;
	[smem:$0x3FD2] =	sst s25  }
0xa6: {  	s4 =	sshll.u32 s26, $0x1;
	_ =	strace $0x80000049;
	[dreg:$0x1] =	wrdreg $0xFFFFFFFF  }
0xa7: {  	s28 =	simm.s32 $_size_execute0_lowered;
	s2 =	sadd.s32 s2, s4;
	[dreg:$0x0] =	wrdreg $0x0  }
0xa8: {  	s4 =	sshll.u32 s28, $0x1;
	[dreg:$0x2] =	wrdreg s2  }
0xa9: {  	[dreg:$0x3] =	wrdreg s4  }
0xaa: {  	[dreg:$0x4] =	wrdreg $0xC0  }
0xab: {  	_ =	task [dreg:s6], $0x5FFFF  }
0xac: {  	[dreg:$0x1] =	wrdreg $0xFFFFFFFF  }
0xad: {  	[dreg:$0x0] =	wrdreg $0x60  }
0xae: {  	[dreg:$0x2] =	wrdreg s24  }
0xaf: {  	[dreg:$0x3] =	wrdreg $0x130000  }
0xb0: {  	[dreg:$0x4] =	wrdreg $0x9  }
0xb1: {  	_ =	task.clear_ibuf [dreg:s6], $0x5FFFF;
	_ =	strace $0x90000049  }
0xb2: {  	s29 =	simm.s32 $0x9;
	_ =	strace $0x8000004B  }
0xb3: {  	_ =	swait.ge [sflag:s29], $0x1  }
0xb4: {  	[sflag:s29] =	ssyncadd.s32 $0xFFFFFFFF  }
0xb5: {  	_ =	strace $0x9000004B  }
0xb6: {  	_ =	sfence  }
0xb7: {  	s30 =	sld [smem:$0x0];
	_ =	sdelay $0x2  }
0xb8: {  	s31 =	sshll.u32 s1, $0xD;
	s1 =	sshrl.u32 s1, $0x2  }
0xb9: {  	s3 =	sand.u32 $0x4000, s31;
	s1 =	sadd.s32 s1, s30  }
0xba: {  	s0 =	sor.u32 s3, s0;
	s1 =	sshll.u32 s1, $0x11  }
0xbb: {  	s0 =	sor.u32 s1, s0  }
0xbc: {  	s0 =	sadd.s32 $0x8F2B, s0  }
0xbd: {  	[sflag:s0] =	ssyncadd.remote.s32 $0x1  }
0xbe: {  	_ =	sfence.sel $0xFFFF  }
0xbf: {  	[dreg:$0x0] =	wrdreg $0xFFFFFFFF;
	(pc) =	sbr.abs _section_cstart, $3  }
0xc0: {  	[dreg:$0x1] =	wrdreg $0xFFFFFFFF  }
0xc1: {  	_ =	task.clear_ibuf [dreg:s6], $0x2FFFF;
	_ =	strace $0x9FFFFFFF  }
0xc2: {  	(tm) =	ssettm $0x7FFFFFFF  }
0xc3: {  	_ =	shalt  }
tec
execute0_lowered:
.L_overlay_start_1:
0x0: {  	(tag) =	ssettag $0x1  }
0x1: {  	s0 =	srdreg.scid;
	s6 =	rddreg [dreg:$0x0]  }
0x2: {  	s10 =	stileid.u32;
	s2 =	rddreg [dreg:$0x1];
	s3 =	simm.s32 $0x0  }
0x3: {  	s16 =	simm.s32 $0x3;
	s18 =	simm.s32 $0x80;
	s19 =	simm.s32 $0x2000  }
0x4: {  	s20 =	simm.s32 $0xA000;
	s28 =	simm.s32 $0x1800;
	s29 =	simm.s32 $0x6000  }
0x5: {  	s30 =	simm.s32 $0xE000;
	s15 =	simm.s32 $0x11800;
	s13 =	simm.s32 $0x12000  }
0x6: {  	s17 =	simm.s32 $0x2;
	s0 =	sand.u32 $0x1, s0;
	s7 =	smul.u32 $0xC350, s10  }
0x7: {  	[smem:$0x7FF] =	sst s3;
	s4 =	sadd.s32 $0x1200, s6;
	s5 =	smul.u32 $0x61A80, s10  }
0x8: {  	s10 =	sshll.u32 s10, $0x6;
	s1 =	smul.u32 $0xC3500, s0;
	_ =	strace $0x8000004A  }
0x9: {  	s8 =	ssub.s32 $0x2, s0;
	s23 =	sor.u32 $0x1C03, s10;
	s10 =	simm.s32 $0xF80  }
0xa: {  	s9 =	sshrl.u32 s8, $0x1;
	s21 =	sadd.s32 s7, s2;
	s11 =	sshrl.u32 s5, $0x3  }
0xb: {  	[dreg:$0x4] =	wrdreg s23;
	s25 =	sadd.s32 $0x1000, s5;
	s23 =	simm.s32 $0x11C00  }
0xc: {  	s1 =	sadd.s32 s7, s1;
	s8 =	ssub.s32 s8, s9;
	s7 =	smul.u32 $0xC35000, s0  }
0xd: {  	s24 =	sadd.s32 s4, s11;
	[dreg:$0x7] =	wrdreg s25;
	s31 =	sshrl.u32 s21, $0x3  }
0xe: {  	s21 =	simm.s32 $0x9C00;
	s25 =	simm.s32 $0x61A800;
	s1 =	sshrl.u32 s1, $0x3  }
0xf: {  	[dreg:$0x5] =	wrdreg s24;
	s0 =	sadd.s32 $0xC3500, s24;
	s26 =	smax.u32 s8, $0x1  }
0x10: {  	[dreg:$0x9] =	wrdreg s31;
	s24 =	simm.s32 $0x1;
	s1 =	sadd.s32 s1, s6  }
0x11: {  	s6 =	sadd.s32 $0x1B8A00, s6;
	[dreg:$0x6] =	wrdreg s0;
	s12 =	sadd.s32 s5, s7  }
0x12: {  	v0 =	vlaneseq.u32;
	[dreg:$0x8] =	wrdreg s26;
	s26 =	simm.s32 $0x800;
	s22 =	sadd.s32 $0x187C00, s1  }
0x13: {  	v0 =	vmul.u32 $0x8, v0;
	s1 =	simm.s32 $0x0;
	[dreg:$0x3] =	wrdreg s22;
	s22 =	simm.s32 $0x1F80  }
.LBB2_1:
0x14: {  	[dreg:$0xa] =	wrdreg s1  }
0x15: {  	s0 =	rddreg [dreg:$0x3]  }
0x16: {  	s11 =	rddreg [dreg:$0x4]  }
0x17: {  	s8 =	rddreg [dreg:$0x9]  }
0x18: {  	[spmem:s8], [sflag:s11] =	dma.local [hbm:s0], $0x186A  }
0x19: {  	_ =	swait.ge [sflag:s16], $0x186A  }
0x1a: {  	[sflag:s16] =	ssyncset.done $0x0  }
0x1b: {  	[sflag:s16] =	ssyncadd.s32 $0xFFFFE796  }
0x1c: {  	[bflag:$0x0] =	sbarrier.arrive $0xFFFF  }
0x1d: {  	s14 =	rddreg [dreg:$0x5]  }
0x1e: {  	[tilespmem:s3], [sflag:$0x3] =	stream.linear.gather [hbm4b:s14+s3], $0x800, $0x38;
	[tilespmem:$0x1F350] =	vst v63  }
0x1f: {  	_ =	swait.ge [sflag:s16], $0x800  }
0x20: {  	[sflag:s16] =	ssyncset.done $0x0  }
0x21: {  	s8 =	simm.s32 $0x1000;
	s1 =	rddreg [dreg:$0x6];
	[sflag:s16] =	ssyncadd.s32 $0xFFFFF800  }
0x22: {  	[tilespmem:s8], [sflag:$0x3] =	stream.linear.gather [hbm4b:s1+s3], $0x800, $0x38;
	[tilespmem:$0x1F350] =	vst v63  }
0x23: {  	_ =	swait.ge [sflag:s16], $0x800  }
0x24: {  	[sflag:s16] =	ssyncset.done $0x0  }
0x25: {  	[sflag:s16] =	ssyncadd.s32 $0xFFFFF800  }
0x26: {  	[tilespmem:s19], [sflag:$0x1] =	stream.indirect.gather [spmem:s2], $0x8, s3, s18, $0xb8;
	[tilespmem:$0x1F350] =	vst v63  }
0x27: {  	_ = 	snop  }
0x28: {  	[tilespmem:s20], [sflag:$0x1] =	stream.indirect.gather [spmem:s2], $0x8, s8, s18, $0xb8;
	[tilespmem:$0x1F350] =	vst v63  }
0x29: {  	s9 =	simm.s32 $0x2400  }
0x2a: {  	[tilespmem:s9], [sflag:$0x1] =	stream.indirect.gather [spmem:s2], $0x8, s18, s18, $0xb8;
	[tilespmem:$0x1F350] =	vst v63  }
0x2b: {  	s11 =	simm.s32 $0x1080;
	s14 =	simm.s32 $0xA400  }
0x2c: {  	[tilespmem:s14], [sflag:$0x1] =	stream.indirect.gather [spmem:s2], $0x8, s11, s18, $0xb8;
	[tilespmem:$0x1F350] =	vst v63  }
0x2d: {  	s8 =	simm.s32 $0x100;
	s9 =	simm.s32 $0x2800  }
0x2e: {  	[tilespmem:s9], [sflag:$0x1] =	stream.indirect.gather [spmem:s2], $0x8, s8, s18, $0xb8;
	[tilespmem:$0x1F350] =	vst v63  }
0x2f: {  	s11 =	simm.s32 $0x1100;
	s14 =	simm.s32 $0xA800  }
0x30: {  	[tilespmem:s14], [sflag:$0x1] =	stream.indirect.gather [spmem:s2], $0x8, s11, s18, $0xb8;
	[tilespmem:$0x1F350] =	vst v63  }
0x31: {  	s8 =	simm.s32 $0x180;
	s9 =	simm.s32 $0x2C00  }
0x32: {  	[tilespmem:s9], [sflag:$0x1] =	stream.indirect.gather [spmem:s2], $0x8, s8, s18, $0xb8;
	[tilespmem:$0x1F350] =	vst v63  }
0x33: {  	s11 =	simm.s32 $0x1180;
	s14 =	simm.s32 $0xAC00  }
0x34: {  	[tilespmem:s14], [sflag:$0x1] =	stream.indirect.gather [spmem:s2], $0x8, s11, s18, $0xb8;
	[tilespmem:$0x1F350] =	vst v63  }
0x35: {  	s8 =	simm.s32 $0x200;
	s9 =	simm.s32 $0x3000  }
0x36: {  	[tilespmem:s9], [sflag:$0x1] =	stream.indirect.gather [spmem:s2], $0x8, s8, s18, $0xb8;
	[tilespmem:$0x1F350] =	vst v63  }
0x37: {  	s11 =	simm.s32 $0x1200;
	s14 =	simm.s32 $0xB000  }
0x38: {  	[tilespmem:s14], [sflag:$0x1] =	stream.indirect.gather [spmem:s2], $0x8, s11, s18, $0xb8;
	[tilespmem:$0x1F350] =	vst v63  }
0x39: {  	s8 =	simm.s32 $0x280;
	s9 =	simm.s32 $0x3400  }
0x3a: {  	[tilespmem:s9], [sflag:$0x1] =	stream.indirect.gather [spmem:s2], $0x8, s8, s18, $0xb8;
	[tilespmem:$0x1F350] =	vst v63  }
0x3b: {  	s11 =	simm.s32 $0x1280;
	s14 =	simm.s32 $0xB400  }
0x3c: {  	[tilespmem:s14], [sflag:$0x1] =	stream.indirect.gather [spmem:s2], $0x8, s11, s18, $0xb8;
	[tilespmem:$0x1F350] =	vst v63  }
0x3d: {  	s8 =	simm.s32 $0x300;
	s9 =	simm.s32 $0x3800  }
0x3e: {  	[tilespmem:s9], [sflag:$0x1] =	stream.indirect.gather [spmem:s2], $0x8, s8, s18, $0xb8;
	[tilespmem:$0x1F350] =	vst v63  }
0x3f: {  	s11 =	simm.s32 $0x1300;
	s14 =	simm.s32 $0xB800  }
0x40: {  	[tilespmem:s14], [sflag:$0x1] =	stream.indirect.gather [spmem:s2], $0x8, s11, s18, $0xb8;
	[tilespmem:$0x1F350] =	vst v63  }
0x41: {  	s8 =	simm.s32 $0x380;
	s9 =	simm.s32 $0x3C00  }
0x42: {  	[tilespmem:s9], [sflag:$0x1] =	stream.indirect.gather [spmem:s2], $0x8, s8, s18, $0xb8;
	[tilespmem:$0x1F350] =	vst v63  }
0x43: {  	s11 =	simm.s32 $0x1380;
	s14 =	simm.s32 $0xBC00  }
0x44: {  	[tilespmem:s14], [sflag:$0x1] =	stream.indirect.gather [spmem:s2], $0x8, s11, s18, $0xb8;
	[tilespmem:$0x1F350] =	vst v63  }
0x45: {  	s8 =	simm.s32 $0x400;
	s9 =	simm.s32 $0x4000  }
0x46: {  	[tilespmem:s9], [sflag:$0x1] =	stream.indirect.gather [spmem:s2], $0x8, s8, s18, $0xb8;
	[tilespmem:$0x1F350] =	vst v63  }
0x47: {  	s11 =	simm.s32 $0x1400;
	s14 =	simm.s32 $0xC000  }
0x48: {  	[tilespmem:s14], [sflag:$0x1] =	stream.indirect.gather [spmem:s2], $0x8, s11, s18, $0xb8;
	[tilespmem:$0x1F350] =	vst v63  }
0x49: {  	s8 =	simm.s32 $0x480;
	s9 =	simm.s32 $0x4400  }
0x4a: {  	[tilespmem:s9], [sflag:$0x1] =	stream.indirect.gather [spmem:s2], $0x8, s8, s18, $0xb8;
	[tilespmem:$0x1F350] =	vst v63  }
0x4b: {  	s11 =	simm.s32 $0x1480;
	s14 =	simm.s32 $0xC400  }
0x4c: {  	[tilespmem:s14], [sflag:$0x1] =	stream.indirect.gather [spmem:s2], $0x8, s11, s18, $0xb8;
	[tilespmem:$0x1F350] =	vst v63  }
0x4d: {  	s8 =	simm.s32 $0x500;
	s9 =	simm.s32 $0x4800  }
0x4e: {  	[tilespmem:s9], [sflag:$0x1] =	stream.indirect.gather [spmem:s2], $0x8, s8, s18, $0xb8;
	[tilespmem:$0x1F350] =	vst v63  }
0x4f: {  	s11 =	simm.s32 $0x1500;
	s14 =	simm.s32 $0xC800  }
0x50: {  	[tilespmem:s14], [sflag:$0x1] =	stream.indirect.gather [spmem:s2], $0x8, s11, s18, $0xb8;
	[tilespmem:$0x1F350] =	vst v63  }
0x51: {  	s8 =	simm.s32 $0x580;
	s9 =	simm.s32 $0x4C00  }
0x52: {  	[tilespmem:s9], [sflag:$0x1] =	stream.indirect.gather [spmem:s2], $0x8, s8, s18, $0xb8;
	[tilespmem:$0x1F350] =	vst v63  }
0x53: {  	s11 =	simm.s32 $0x1580;
	s14 =	simm.s32 $0xCC00  }
0x54: {  	[tilespmem:s14], [sflag:$0x1] =	stream.indirect.gather [spmem:s2], $0x8, s11, s18, $0xb8;
	[tilespmem:$0x1F350] =	vst v63  }
0x55: {  	s8 =	simm.s32 $0x600;
	s9 =	simm.s32 $0x5000  }
0x56: {  	[tilespmem:s9], [sflag:$0x1] =	stream.indirect.gather [spmem:s2], $0x8, s8, s18, $0xb8;
	[tilespmem:$0x1F350] =	vst v63  }
0x57: {  	s11 =	simm.s32 $0x1600;
	s14 =	simm.s32 $0xD000  }
0x58: {  	[tilespmem:s14], [sflag:$0x1] =	stream.indirect.gather [spmem:s2], $0x8, s11, s18, $0xb8;
	[tilespmem:$0x1F350] =	vst v63  }
0x59: {  	s8 =	simm.s32 $0x680;
	s9 =	simm.s32 $0x5400  }
0x5a: {  	[tilespmem:s9], [sflag:$0x1] =	stream.indirect.gather [spmem:s2], $0x8, s8, s18, $0xb8;
	[tilespmem:$0x1F350] =	vst v63  }
0x5b: {  	s11 =	simm.s32 $0x1680;
	s14 =	simm.s32 $0xD400  }
0x5c: {  	[tilespmem:s14], [sflag:$0x1] =	stream.indirect.gather [spmem:s2], $0x8, s11, s18, $0xb8;
	[tilespmem:$0x1F350] =	vst v63  }
0x5d: {  	s8 =	simm.s32 $0x700;
	s9 =	simm.s32 $0x5800  }
0x5e: {  	[tilespmem:s9], [sflag:$0x1] =	stream.indirect.gather [spmem:s2], $0x8, s8, s18, $0xb8;
	[tilespmem:$0x1F350] =	vst v63  }
0x5f: {  	s11 =	simm.s32 $0x1700;
	s14 =	simm.s32 $0xD800  }
0x60: {  	[tilespmem:s14], [sflag:$0x1] =	stream.indirect.gather [spmem:s2], $0x8, s11, s18, $0xb8;
	[tilespmem:$0x1F350] =	vst v63  }
0x61: {  	s8 =	simm.s32 $0x780;
	s9 =	simm.s32 $0x5C00  }
0x62: {  	[tilespmem:s9], [sflag:$0x1] =	stream.indirect.gather [spmem:s2], $0x8, s8, s18, $0xb8;
	[tilespmem:$0x1F350] =	vst v63  }
0x63: {  	s31 =	simm.s32 $0x0;
	s11 =	simm.s32 $0x1780;
	s14 =	simm.s32 $0xDC00  }
0x64: {  	[tilespmem:s14], [sflag:$0x1] =	stream.indirect.gather [spmem:s2], $0x8, s11, s18, $0xb8;
	[tilespmem:$0x1F350] =	vst v63  }
.LBB2_2:
0x65: {  	s0 =	sshll.u32 s31, $0xC  }
0x66: {  	s1 =	sor.u32 $0x800, s0  }
0x67: {  	s1 =	smin.u32 s1, $0x61280  }
0x68: {  	s1 =	sadd.s32 s5, s1  }
0x69: {  	s8 =	sshrl.u32 s1, $0x3  }
0x6a: {  	s9 =	sadd.s32 s4, s8;
	s8 =	simm.s32 $0x0  }
0x6b: {  	[tilespmem:s26], [sflag:$0x3] =	stream.linear.gather [hbm4b:s9+s8], $0x800, $0x38;
	[tilespmem:$0x1F350] =	vst v63  }
0x6c: {  	_ =	swait.ge [sflag:s16], $0x800  }
0x6d: {  	[sflag:s16] =	ssyncset.done $0x0  }
0x6e: {  	s9 =	sadd.s32 $0xC3500, s9;
	[sflag:s16] =	ssyncadd.s32 $0xFFFFF800  }
0x6f: {  	[tilespmem:s28], [sflag:$0x3] =	stream.linear.gather [hbm4b:s9+s8], $0x800, $0x38;
	[tilespmem:$0x1F350] =	vst v63  }
0x70: {  	_ =	swait.ge [sflag:s16], $0x800  }
0x71: {  	[sflag:s16] =	ssyncset.done $0x0  }
0x72: {  	[sflag:s16] =	ssyncadd.s32 $0xFFFFF800  }
0x73: {  	[tilespmem:s29], [sflag:$0x2] =	stream.indirect.gather [spmem:s2], $0x8, s26, s18, $0xb8;
	[tilespmem:$0x1F350] =	vst v63  }
0x74: {  	_ = 	snop  }
0x75: {  	[tilespmem:s30], [sflag:$0x2] =	stream.indirect.gather [spmem:s2], $0x8, s28, s18, $0xb8;
	[tilespmem:$0x1F350] =	vst v63  }
0x76: {  	s14 =	simm.s32 $0x880;
	s11 =	simm.s32 $0x6400  }
0x77: {  	[tilespmem:s11], [sflag:$0x2] =	stream.indirect.gather [spmem:s2], $0x8, s14, s18, $0xb8;
	[tilespmem:$0x1F350] =	vst v63  }
0x78: {  	s11 =	simm.s32 $0x1880;
	s14 =	simm.s32 $0xE400  }
0x79: {  	[tilespmem:s14], [sflag:$0x2] =	stream.indirect.gather [spmem:s2], $0x8, s11, s18, $0xb8;
	[tilespmem:$0x1F350] =	vst v63  }
0x7a: {  	s11 =	simm.s32 $0x900;
	s14 =	simm.s32 $0x6800  }
0x7b: {  	[tilespmem:s14], [sflag:$0x2] =	stream.indirect.gather [spmem:s2], $0x8, s11, s18, $0xb8;
	[tilespmem:$0x1F350] =	vst v63  }
0x7c: {  	s11 =	simm.s32 $0x1900;
	s14 =	simm.s32 $0xE800  }
0x7d: {  	[tilespmem:s14], [sflag:$0x2] =	stream.indirect.gather [spmem:s2], $0x8, s11, s18, $0xb8;
	[tilespmem:$0x1F350] =	vst v63  }
0x7e: {  	s11 =	simm.s32 $0x980;
	s14 =	simm.s32 $0x6C00  }
0x7f: {  	[tilespmem:s14], [sflag:$0x2] =	stream.indirect.gather [spmem:s2], $0x8, s11, s18, $0xb8;
	[tilespmem:$0x1F350] =	vst v63  }
0x80: {  	s11 =	simm.s32 $0x1980;
	s14 =	simm.s32 $0xEC00  }
0x81: {  	[tilespmem:s14], [sflag:$0x2] =	stream.indirect.gather [spmem:s2], $0x8, s11, s18, $0xb8;
	[tilespmem:$0x1F350] =	vst v63  }
0x82: {  	s11 =	simm.s32 $0xA00;
	s14 =	simm.s32 $0x7000  }
0x83: {  	[tilespmem:s14], [sflag:$0x2] =	stream.indirect.gather [spmem:s2], $0x8, s11, s18, $0xb8;
	[tilespmem:$0x1F350] =	vst v63  }
0x84: {  	s11 =	simm.s32 $0x1A00;
	s14 =	simm.s32 $0xF000  }
0x85: {  	[tilespmem:s14], [sflag:$0x2] =	stream.indirect.gather [spmem:s2], $0x8, s11, s18, $0xb8;
	[tilespmem:$0x1F350] =	vst v63  }
0x86: {  	s11 =	simm.s32 $0xA80;
	s14 =	simm.s32 $0x7400  }
0x87: {  	[tilespmem:s14], [sflag:$0x2] =	stream.indirect.gather [spmem:s2], $0x8, s11, s18, $0xb8;
	[tilespmem:$0x1F350] =	vst v63  }
0x88: {  	s11 =	simm.s32 $0x1A80;
	s14 =	simm.s32 $0xF400  }
0x89: {  	[tilespmem:s14], [sflag:$0x2] =	stream.indirect.gather [spmem:s2], $0x8, s11, s18, $0xb8;
	[tilespmem:$0x1F350] =	vst v63  }
0x8a: {  	s11 =	simm.s32 $0xB00;
	s14 =	simm.s32 $0x7800  }
0x8b: {  	[tilespmem:s14], [sflag:$0x2] =	stream.indirect.gather [spmem:s2], $0x8, s11, s18, $0xb8;
	[tilespmem:$0x1F350] =	vst v63  }
0x8c: {  	s11 =	simm.s32 $0x1B00;
	s14 =	simm.s32 $0xF800  }
0x8d: {  	[tilespmem:s14], [sflag:$0x2] =	stream.indirect.gather [spmem:s2], $0x8, s11, s18, $0xb8;
	[tilespmem:$0x1F350] =	vst v63  }
0x8e: {  	s11 =	simm.s32 $0xB80;
	s14 =	simm.s32 $0x7C00  }
0x8f: {  	[tilespmem:s14], [sflag:$0x2] =	stream.indirect.gather [spmem:s2], $0x8, s11, s18, $0xb8;
	[tilespmem:$0x1F350] =	vst v63  }
0x90: {  	s11 =	simm.s32 $0x1B80;
	s14 =	simm.s32 $0xFC00  }
0x91: {  	[tilespmem:s14], [sflag:$0x2] =	stream.indirect.gather [spmem:s2], $0x8, s11, s18, $0xb8;
	[tilespmem:$0x1F350] =	vst v63  }
0x92: {  	s11 =	simm.s32 $0xC00;
	s14 =	simm.s32 $0x8000  }
0x93: {  	[tilespmem:s14], [sflag:$0x2] =	stream.indirect.gather [spmem:s2], $0x8, s11, s18, $0xb8;
	[tilespmem:$0x1F350] =	vst v63  }
0x94: {  	s11 =	simm.s32 $0x1C00;
	s14 =	simm.s32 $0x10000  }
0x95: {  	[tilespmem:s14], [sflag:$0x2] =	stream.indirect.gather [spmem:s2], $0x8, s11, s18, $0xb8;
	[tilespmem:$0x1F350] =	vst v63  }
0x96: {  	s11 =	simm.s32 $0xC80;
	s14 =	simm.s32 $0x8400  }
0x97: {  	[tilespmem:s14], [sflag:$0x2] =	stream.indirect.gather [spmem:s2], $0x8, s11, s18, $0xb8;
	[tilespmem:$0x1F350] =	vst v63  }
0x98: {  	s11 =	simm.s32 $0x1C80;
	s14 =	simm.s32 $0x10400  }
0x99: {  	[tilespmem:s14], [sflag:$0x2] =	stream.indirect.gather [spmem:s2], $0x8, s11, s18, $0xb8;
	[tilespmem:$0x1F350] =	vst v63  }
0x9a: {  	s11 =	simm.s32 $0xD00;
	s14 =	simm.s32 $0x8800  }
0x9b: {  	[tilespmem:s14], [sflag:$0x2] =	stream.indirect.gather [spmem:s2], $0x8, s11, s18, $0xb8;
	[tilespmem:$0x1F350] =	vst v63  }
0x9c: {  	s11 =	simm.s32 $0x1D00;
	s14 =	simm.s32 $0x10800  }
0x9d: {  	[tilespmem:s14], [sflag:$0x2] =	stream.indirect.gather [spmem:s2], $0x8, s11, s18, $0xb8;
	[tilespmem:$0x1F350] =	vst v63  }
0x9e: {  	s11 =	simm.s32 $0xD80;
	s14 =	simm.s32 $0x8C00  }
0x9f: {  	[tilespmem:s14], [sflag:$0x2] =	stream.indirect.gather [spmem:s2], $0x8, s11, s18, $0xb8;
	[tilespmem:$0x1F350] =	vst v63  }
0xa0: {  	s11 =	simm.s32 $0x1D80;
	s14 =	simm.s32 $0x10C00  }
0xa1: {  	[tilespmem:s14], [sflag:$0x2] =	stream.indirect.gather [spmem:s2], $0x8, s11, s18, $0xb8;
	[tilespmem:$0x1F350] =	vst v63  }
0xa2: {  	s11 =	simm.s32 $0xE00;
	s14 =	simm.s32 $0x9000  }
0xa3: {  	[tilespmem:s14], [sflag:$0x2] =	stream.indirect.gather [spmem:s2], $0x8, s11, s18, $0xb8;
	[tilespmem:$0x1F350] =	vst v63  }
0xa4: {  	s11 =	simm.s32 $0x1E00;
	s14 =	simm.s32 $0x11000  }
0xa5: {  	[tilespmem:s14], [sflag:$0x2] =	stream.indirect.gather [spmem:s2], $0x8, s11, s18, $0xb8;
	[tilespmem:$0x1F350] =	vst v63  }
0xa6: {  	s11 =	simm.s32 $0xE80;
	s14 =	simm.s32 $0x9400  }
0xa7: {  	[tilespmem:s14], [sflag:$0x2] =	stream.indirect.gather [spmem:s2], $0x8, s11, s18, $0xb8;
	[tilespmem:$0x1F350] =	vst v63  }
0xa8: {  	s11 =	simm.s32 $0x1E80;
	s14 =	simm.s32 $0x11400  }
0xa9: {  	[tilespmem:s14], [sflag:$0x2] =	stream.indirect.gather [spmem:s2], $0x8, s11, s18, $0xb8;
	[tilespmem:$0x1F350] =	vst v63  }
0xaa: {  	s11 =	simm.s32 $0xF00;
	s14 =	simm.s32 $0x9800  }
0xab: {  	[tilespmem:s14], [sflag:$0x2] =	stream.indirect.gather [spmem:s2], $0x8, s11, s18, $0xb8;
	[tilespmem:$0x1F350] =	vst v63  }
0xac: {  	s14 =	simm.s32 $0x1F00  }
0xad: {  	[tilespmem:s15], [sflag:$0x2] =	stream.indirect.gather [spmem:s2], $0x8, s14, s18, $0xb8;
	[tilespmem:$0x1F350] =	vst v63  }
0xae: {  	_ = 	snop  }
0xaf: {  	[tilespmem:s21], [sflag:$0x2] =	stream.indirect.gather [spmem:s2], $0x8, s10, s18, $0xb8;
	[tilespmem:$0x1F350] =	vst v63  }
0xb0: {  	_ = 	snop  }
0xb1: {  	[tilespmem:s23], [sflag:$0x2] =	stream.indirect.gather [spmem:s2], $0x8, s22, s18, $0xb8;
	[tilespmem:$0x1F350] =	vst v63  }
0xb2: {  	_ =	swait.ge [sflag:s24], $0x400  }
0xb3: {  	[sflag:s24] =	ssyncset.done $0x0  }
0xb4: {  	[sflag:s24] =	ssyncadd.s32 $0xFFFFFC00  }
0xb5: {  	_ =	swait.ge [sflag:s24], $0x400  }
0xb6: {  	[sflag:s24] =	ssyncset.done $0x0  }
0xb7: {  	[sflag:s24] =	ssyncadd.s32 $0xFFFFFC00  }
0xb8: {  	_ =	swait.ge [sflag:s24], $0x400  }
0xb9: {  	[sflag:s24] =	ssyncset.done $0x0  }
0xba: {  	[sflag:s24] =	ssyncadd.s32 $0xFFFFFC00  }
0xbb: {  	_ =	swait.ge [sflag:s24], $0x400  }
0xbc: {  	[sflag:s24] =	ssyncset.done $0x0  }
0xbd: {  	[sflag:s24] =	ssyncadd.s32 $0xFFFFFC00  }
0xbe: {  	_ =	swait.ge [sflag:s24], $0x400  }
0xbf: {  	[sflag:s24] =	ssyncset.done $0x0  }
0xc0: {  	[sflag:s24] =	ssyncadd.s32 $0xFFFFFC00  }
0xc1: {  	_ =	swait.ge [sflag:s24], $0x400  }
0xc2: {  	[sflag:s24] =	ssyncset.done $0x0  }
0xc3: {  	[sflag:s24] =	ssyncadd.s32 $0xFFFFFC00  }
0xc4: {  	_ =	swait.ge [sflag:s24], $0x400  }
0xc5: {  	[sflag:s24] =	ssyncset.done $0x0  }
0xc6: {  	[sflag:s24] =	ssyncadd.s32 $0xFFFFFC00  }
0xc7: {  	_ =	swait.ge [sflag:s24], $0x400  }
0xc8: {  	[sflag:s24] =	ssyncset.done $0x0  }
0xc9: {  	[sflag:s24] =	ssyncadd.s32 $0xFFFFFC00  }
0xca: {  	_ =	swait.ge [sflag:s24], $0x400  }
0xcb: {  	[sflag:s24] =	ssyncset.done $0x0  }
0xcc: {  	[sflag:s24] =	ssyncadd.s32 $0xFFFFFC00  }
0xcd: {  	_ =	swait.ge [sflag:s24], $0x400  }
0xce: {  	[sflag:s24] =	ssyncset.done $0x0  }
0xcf: {  	[sflag:s24] =	ssyncadd.s32 $0xFFFFFC00  }
0xd0: {  	_ =	swait.ge [sflag:s24], $0x400  }
0xd1: {  	[sflag:s24] =	ssyncset.done $0x0  }
0xd2: {  	[sflag:s24] =	ssyncadd.s32 $0xFFFFFC00  }
0xd3: {  	_ =	swait.ge [sflag:s24], $0x400  }
0xd4: {  	[sflag:s24] =	ssyncset.done $0x0  }
0xd5: {  	[sflag:s24] =	ssyncadd.s32 $0xFFFFFC00  }
0xd6: {  	_ =	swait.ge [sflag:s24], $0x400  }
0xd7: {  	[sflag:s24] =	ssyncset.done $0x0  }
0xd8: {  	[sflag:s24] =	ssyncadd.s32 $0xFFFFFC00  }
0xd9: {  	_ =	swait.ge [sflag:s24], $0x400  }
0xda: {  	[sflag:s24] =	ssyncset.done $0x0  }
0xdb: {  	[sflag:s24] =	ssyncadd.s32 $0xFFFFFC00  }
0xdc: {  	_ =	swait.ge [sflag:s24], $0x400  }
0xdd: {  	[sflag:s24] =	ssyncset.done $0x0  }
0xde: {  	[sflag:s24] =	ssyncadd.s32 $0xFFFFFC00  }
0xdf: {  	_ =	swait.ge [sflag:s24], $0x400  }
0xe0: {  	[sflag:s24] =	ssyncset.done $0x0  }
0xe1: {  	[sflag:s24] =	ssyncadd.s32 $0xFFFFFC00  }
0xe2: {  	_ =	swait.ge [sflag:s24], $0x400  }
0xe3: {  	[sflag:s24] =	ssyncset.done $0x0  }
0xe4: {  	[sflag:s24] =	ssyncadd.s32 $0xFFFFFC00  }
0xe5: {  	_ =	swait.ge [sflag:s24], $0x400  }
0xe6: {  	[sflag:s24] =	ssyncset.done $0x0  }
0xe7: {  	[sflag:s24] =	ssyncadd.s32 $0xFFFFFC00  }
0xe8: {  	_ =	swait.ge [sflag:s24], $0x400  }
0xe9: {  	[sflag:s24] =	ssyncset.done $0x0  }
0xea: {  	[sflag:s24] =	ssyncadd.s32 $0xFFFFFC00  }
0xeb: {  	_ =	swait.ge [sflag:s24], $0x400  }
0xec: {  	[sflag:s24] =	ssyncset.done $0x0  }
0xed: {  	[sflag:s24] =	ssyncadd.s32 $0xFFFFFC00  }
0xee: {  	_ =	swait.ge [sflag:s24], $0x400  }
0xef: {  	[sflag:s24] =	ssyncset.done $0x0  }
0xf0: {  	[sflag:s24] =	ssyncadd.s32 $0xFFFFFC00  }
0xf1: {  	_ =	swait.ge [sflag:s24], $0x400  }
0xf2: {  	[sflag:s24] =	ssyncset.done $0x0  }
0xf3: {  	[sflag:s24] =	ssyncadd.s32 $0xFFFFFC00  }
0xf4: {  	_ =	swait.ge [sflag:s24], $0x400  }
0xf5: {  	[sflag:s24] =	ssyncset.done $0x0  }
0xf6: {  	[sflag:s24] =	ssyncadd.s32 $0xFFFFFC00  }
0xf7: {  	_ =	swait.ge [sflag:s24], $0x400  }
0xf8: {  	[sflag:s24] =	ssyncset.done $0x0  }
0xf9: {  	[sflag:s24] =	ssyncadd.s32 $0xFFFFFC00  }
0xfa: {  	_ =	swait.ge [sflag:s24], $0x400  }
0xfb: {  	[sflag:s24] =	ssyncset.done $0x0  }
0xfc: {  	[sflag:s24] =	ssyncadd.s32 $0xFFFFFC00  }
0xfd: {  	_ =	swait.ge [sflag:s24], $0x400  }
0xfe: {  	[sflag:s24] =	ssyncset.done $0x0  }
0xff: {  	[sflag:s24] =	ssyncadd.s32 $0xFFFFFC00  }
0x100: {  	_ =	swait.ge [sflag:s24], $0x400  }
0x101: {  	[sflag:s24] =	ssyncset.done $0x0  }
0x102: {  	[sflag:s24] =	ssyncadd.s32 $0xFFFFFC00  }
0x103: {  	_ =	swait.ge [sflag:s24], $0x400  }
0x104: {  	[sflag:s24] =	ssyncset.done $0x0  }
0x105: {  	[sflag:s24] =	ssyncadd.s32 $0xFFFFFC00  }
0x106: {  	_ =	swait.ge [sflag:s24], $0x400  }
0x107: {  	[sflag:s24] =	ssyncset.done $0x0  }
0x108: {  	[sflag:s24] =	ssyncadd.s32 $0xFFFFFC00  }
0x109: {  	_ =	swait.ge [sflag:s24], $0x400  }
0x10a: {  	[sflag:s24] =	ssyncset.done $0x0  }
0x10b: {  	[sflag:s24] =	ssyncadd.s32 $0xFFFFFC00  }
0x10c: {  	_ =	swait.ge [sflag:s24], $0x400  }
0x10d: {  	[sflag:s24] =	ssyncset.done $0x0  }
0x10e: {  	[sflag:s24] =	ssyncadd.s32 $0xFFFFFC00  }
0x10f: {  	_ =	swait.ge [sflag:s24], $0x400  }
0x110: {  	[sflag:s24] =	ssyncset.done $0x0  }
0x111: {  	s9 =	simm.s32 $0xFFFFFFFC;
	s11 =	simm.s32 $0x12800;
	[sflag:s24] =	ssyncadd.s32 $0xFFFFFC00  }
.LBB2_3:
0x112: {  	v1 =	vmov s8  }
0x113: {  	v1 =	vshll.u32 v1, $0x3  }
0x114: {  	v1 =	vor.u32 v0, v1;
	_ =	sdelay $0x1  }
0x115: {  	v2 =	vor.u32 $0x3, v1;
	_ =	sdelay $0x1  }
0x116: {  	v3 =	vor.u32 $0x1, v1  }
0x117: {  	v5 =	vor.u32 $0x2, v1;
	v4 =	vld.idx.msk [tilespmem:v1+s19+$0x0], $0xffff  }
0x118: {  	v7 =	vld.idx.msk [tilespmem:v1+s20+$0x0], $0xffff  }
0x119: {  	v6 =	vld.idx.msk [tilespmem:v2+s19+$0x0], $0xffff  }
0x11a: {  	v2 =	vld.idx.msk [tilespmem:v2+s20+$0x0], $0xffff  }
0x11b: {  	v8 =	vld.idx.msk [tilespmem:v3+s19+$0x0], $0xffff  }
0x11c: {  	v9 =	vld.idx.msk [tilespmem:v5+s19+$0x0], $0xffff  }
0x11d: {  	v5 =	vld.idx.msk [tilespmem:v5+s20+$0x0], $0xffff  }
0x11e: {  	v3 =	vld.idx.msk [tilespmem:v3+s20+$0x0], $0xffff  }
0x11f: {  	v10 =	vmul.f32 v2, v4;
	v11 =	vmul.f32 v7, v6;
	_ =	sdelay $0x1  }
0x120: {  	v10 =	vadd.f32 v10, v11  }
0x121: {  	v4 =	vmul.f32 v5, v4;
	v56 =	vmul.f32 v7, v9  }
0x122: {  	v3 =	vmul.f32 v3, v8;
	(erf) = vrcp.f32 v10;
	_ =	sdelay $0x1  }
0x123: {  	v4 =	vadd.f32 v4, v56;
	v3 =	vmul.f32 $2.099999900e+00, v3;
	_ =	sdelay $0x1  }
0x124: {  	v2 =	vmul.f32 v2, v6;
	v3 =	vadd.f32 v4, v3;
	_ =	sdelay $0x1  }
0x125: {  	v2 =	vmul.f32 v3, v2;
	_ =	sdelay $0x1  }
0x126: {  	v3 =	vor.u32 $0x4, v1;
	v2 =	vadd.f32 v2, v2  }
0x127: {  	v58 =	vor.u32 $0x7, v1;
	v57 =	vpop (erf)  }
0x128: {  	v2 =	vmul.f32 v2, v57;
	_ =	sdelay $0x1  }
0x129: {  	[tilespmem:s11+$0xFFFFF800] =	vst v2;
	v2 =	vor.u32 $0x5, v1  }
0x12a: {  	v1 =	vor.u32 $0x6, v1;
	v59 =	vld.idx.msk [tilespmem:v3+s19+$0x0], $0xffff  }
0x12b: {  	v60 =	vld.idx.msk [tilespmem:v58+s19+$0x0], $0xffff  }
0x12c: {  	v3 =	vld.idx.msk [tilespmem:v3+s20+$0x0], $0xffff  }
0x12d: {  	v5 =	vld.idx.msk [tilespmem:v58+s20+$0x0], $0xffff  }
0x12e: {  	v61 =	vld.idx.msk [tilespmem:v2+s19+$0x0], $0xffff  }
0x12f: {  	v62 =	vld.idx.msk [tilespmem:v1+s19+$0x0], $0xffff  }
0x130: {  	v1 =	vld.idx.msk [tilespmem:v1+s20+$0x0], $0xffff  }
0x131: {  	v2 =	vld.idx.msk [tilespmem:v2+s20+$0x0], $0xffff  }
0x132: {  	v63 =	vmul.f32 v5, v59;
	v12 =	vmul.f32 v3, v60;
	_ =	sdelay $0x1  }
0x133: {  	v9 =	vadd.f32 v63, v12  }
0x134: {  	v1 =	vmul.f32 v1, v59;
	v3 =	vmul.f32 v3, v62  }
0x135: {  	v2 =	vmul.f32 v2, v61;
	(erf) = vrcp.f32 v9;
	_ =	sdelay $0x1  }
0x136: {  	v1 =	vadd.f32 v1, v3;
	v2 =	vmul.f32 $2.099999900e+00, v2;
	_ =	sdelay $0x1  }
0x137: {  	v1 =	vadd.f32 v1, v2;
	v2 =	vmul.f32 v5, v60  }
0x138: {  	s14 =	sadd.s32 $0x10, s8  }
0x139: {  	v1 =	vmul.f32 v1, v2;
	v2 =	vmov s14  }
0x13a: {  	v2 =	vshll.u32 v2, $0x3  }
0x13b: {  	v1 =	vadd.f32 v1, v1;
	v2 =	vor.u32 v0, v2  }
0x13c: {  	v3 =	vpop (erf)  }
0x13d: {  	v13 =	vor.u32 $0x3, v2;
	v1 =	vmul.f32 v1, v3;
	_ =	sdelay $0x1  }
0x13e: {  	v14 =	vor.u32 $0x2, v2;
	[tilespmem:s11+$0x0] =	vst v1  }
0x13f: {  	v3 =	vld.idx.msk [tilespmem:v2+s19+$0x0], $0xffff  }
0x140: {  	v1 =	vor.u32 $0x1, v2;
	v16 =	vld.idx.msk [tilespmem:v2+s20+$0x0], $0xffff  }
0x141: {  	v15 =	vld.idx.msk [tilespmem:v13+s19+$0x0], $0xffff  }
0x142: {  	v4 =	vld.idx.msk [tilespmem:v13+s20+$0x0], $0xffff  }
0x143: {  	v18 =	vld.idx.msk [tilespmem:v14+s19+$0x0], $0xffff  }
0x144: {  	v5 =	vld.idx.msk [tilespmem:v14+s20+$0x0], $0xffff  }
0x145: {  	v17 =	vld.idx.msk [tilespmem:v1+s19+$0x0], $0xffff  }
0x146: {  	v1 =	vld.idx.msk [tilespmem:v1+s20+$0x0], $0xffff  }
0x147: {  	v19 =	vmul.f32 v4, v3;
	v20 =	vmul.f32 v16, v15;
	_ =	sdelay $0x1  }
0x148: {  	v10 =	vadd.f32 v19, v20  }
0x149: {  	v3 =	vmul.f32 v5, v3;
	v21 =	vmul.f32 v16, v18  }
0x14a: {  	v1 =	vmul.f32 v1, v17;
	(erf) = vrcp.f32 v10;
	_ =	sdelay $0x1  }
0x14b: {  	v3 =	vadd.f32 v3, v21;
	v1 =	vmul.f32 $2.099999900e+00, v1;
	_ =	sdelay $0x1  }
0x14c: {  	v1 =	vadd.f32 v3, v1;
	v3 =	vmul.f32 v4, v15;
	_ =	sdelay $0x1  }
0x14d: {  	v1 =	vmul.f32 v1, v3;
	_ =	sdelay $0x1  }
0x14e: {  	v3 =	vor.u32 $0x4, v2;
	v1 =	vadd.f32 v1, v1  }
0x14f: {  	v23 =	vor.u32 $0x7, v2;
	v22 =	vpop (erf)  }
0x150: {  	v1 =	vmul.f32 v1, v22;
	_ =	sdelay $0x1  }
0x151: {  	[tilespmem:s11+$0xFFFFF810] =	vst v1;
	v1 =	vor.u32 $0x5, v2  }
0x152: {  	v2 =	vor.u32 $0x6, v2;
	v24 =	vld.idx.msk [tilespmem:v3+s19+$0x0], $0xffff  }
0x153: {  	v25 =	vld.idx.msk [tilespmem:v23+s19+$0x0], $0xffff  }
0x154: {  	v3 =	vld.idx.msk [tilespmem:v3+s20+$0x0], $0xffff  }
0x155: {  	v5 =	vld.idx.msk [tilespmem:v23+s20+$0x0], $0xffff  }
0x156: {  	v26 =	vld.idx.msk [tilespmem:v1+s19+$0x0], $0xffff  }
0x157: {  	v27 =	vld.idx.msk [tilespmem:v2+s19+$0x0], $0xffff  }
0x158: {  	v2 =	vld.idx.msk [tilespmem:v2+s20+$0x0], $0xffff  }
0x159: {  	v1 =	vld.idx.msk [tilespmem:v1+s20+$0x0], $0xffff  }
0x15a: {  	v28 =	vmul.f32 v5, v24;
	v29 =	vmul.f32 v3, v25;
	_ =	sdelay $0x1  }
0x15b: {  	v9 =	vadd.f32 v28, v29  }
0x15c: {  	v2 =	vmul.f32 v2, v24;
	v3 =	vmul.f32 v3, v27  }
0x15d: {  	v1 =	vmul.f32 v1, v26;
	(erf) = vrcp.f32 v9;
	_ =	sdelay $0x1  }
0x15e: {  	v2 =	vadd.f32 v2, v3;
	v1 =	vmul.f32 $2.099999900e+00, v1;
	_ =	sdelay $0x1  }
0x15f: {  	v1 =	vadd.f32 v2, v1;
	v2 =	vmul.f32 v5, v25  }
0x160: {  	s14 =	sadd.s32 $0x20, s8  }
0x161: {  	v1 =	vmul.f32 v1, v2;
	v2 =	vmov s14  }
0x162: {  	v2 =	vshll.u32 v2, $0x3  }
0x163: {  	v1 =	vadd.f32 v1, v1;
	v2 =	vor.u32 v0, v2  }
0x164: {  	v3 =	vpop (erf)  }
0x165: {  	v30 =	vor.u32 $0x3, v2;
	v1 =	vmul.f32 v1, v3;
	_ =	sdelay $0x1  }
0x166: {  	v31 =	vor.u32 $0x2, v2;
	[tilespmem:s11+$0x10] =	vst v1  }
0x167: {  	v3 =	vld.idx.msk [tilespmem:v2+s19+$0x0], $0xffff  }
0x168: {  	v1 =	vor.u32 $0x1, v2;
	v33 =	vld.idx.msk [tilespmem:v2+s20+$0x0], $0xffff  }
0x169: {  	v32 =	vld.idx.msk [tilespmem:v30+s19+$0x0], $0xffff  }
0x16a: {  	v4 =	vld.idx.msk [tilespmem:v30+s20+$0x0], $0xffff  }
0x16b: {  	v35 =	vld.idx.msk [tilespmem:v31+s19+$0x0], $0xffff  }
0x16c: {  	v5 =	vld.idx.msk [tilespmem:v31+s20+$0x0], $0xffff  }
0x16d: {  	v34 =	vld.idx.msk [tilespmem:v1+s19+$0x0], $0xffff  }
0x16e: {  	v1 =	vld.idx.msk [tilespmem:v1+s20+$0x0], $0xffff  }
0x16f: {  	v36 =	vmul.f32 v4, v3;
	v37 =	vmul.f32 v33, v32;
	_ =	sdelay $0x1  }
0x170: {  	v10 =	vadd.f32 v36, v37  }
0x171: {  	v3 =	vmul.f32 v5, v3;
	v38 =	vmul.f32 v33, v35  }
0x172: {  	v1 =	vmul.f32 v1, v34;
	(erf) = vrcp.f32 v10;
	_ =	sdelay $0x1  }
0x173: {  	v3 =	vadd.f32 v3, v38;
	v1 =	vmul.f32 $2.099999900e+00, v1;
	_ =	sdelay $0x1  }
0x174: {  	v1 =	vadd.f32 v3, v1;
	v3 =	vmul.f32 v4, v32;
	_ =	sdelay $0x1  }
0x175: {  	v1 =	vmul.f32 v1, v3;
	_ =	sdelay $0x1  }
0x176: {  	v3 =	vor.u32 $0x4, v2;
	v1 =	vadd.f32 v1, v1  }
0x177: {  	v40 =	vor.u32 $0x7, v2;
	v39 =	vpop (erf)  }
0x178: {  	v1 =	vmul.f32 v1, v39;
	_ =	sdelay $0x1  }
0x179: {  	[tilespmem:s11+$0xFFFFF820] =	vst v1;
	v1 =	vor.u32 $0x5, v2  }
0x17a: {  	v2 =	vor.u32 $0x6, v2;
	v41 =	vld.idx.msk [tilespmem:v3+s19+$0x0], $0xffff  }
0x17b: {  	v42 =	vld.idx.msk [tilespmem:v40+s19+$0x0], $0xffff  }
0x17c: {  	v3 =	vld.idx.msk [tilespmem:v3+s20+$0x0], $0xffff  }
0x17d: {  	v5 =	vld.idx.msk [tilespmem:v40+s20+$0x0], $0xffff  }
0x17e: {  	v43 =	vld.idx.msk [tilespmem:v1+s19+$0x0], $0xffff  }
0x17f: {  	v44 =	vld.idx.msk [tilespmem:v2+s19+$0x0], $0xffff  }
0x180: {  	v2 =	vld.idx.msk [tilespmem:v2+s20+$0x0], $0xffff  }
0x181: {  	v1 =	vld.idx.msk [tilespmem:v1+s20+$0x0], $0xffff  }
0x182: {  	v45 =	vmul.f32 v5, v41;
	v46 =	vmul.f32 v3, v42;
	_ =	sdelay $0x1  }
0x183: {  	v9 =	vadd.f32 v45, v46  }
0x184: {  	v2 =	vmul.f32 v2, v41;
	v3 =	vmul.f32 v3, v44  }
0x185: {  	v1 =	vmul.f32 v1, v43;
	(erf) = vrcp.f32 v9;
	_ =	sdelay $0x1  }
0x186: {  	v2 =	vadd.f32 v2, v3;
	v1 =	vmul.f32 $2.099999900e+00, v1;
	_ =	sdelay $0x1  }
0x187: {  	v1 =	vadd.f32 v2, v1;
	v2 =	vmul.f32 v5, v42  }
0x188: {  	s14 =	sadd.s32 $0x30, s8  }
0x189: {  	v1 =	vmul.f32 v1, v2;
	v2 =	vmov s14  }
0x18a: {  	v2 =	vshll.u32 v2, $0x3  }
0x18b: {  	v1 =	vadd.f32 v1, v1;
	v2 =	vor.u32 v0, v2  }
0x18c: {  	v3 =	vpop (erf)  }
0x18d: {  	v47 =	vor.u32 $0x3, v2;
	v1 =	vmul.f32 v1, v3;
	_ =	sdelay $0x1  }
0x18e: {  	v48 =	vor.u32 $0x2, v2;
	[tilespmem:s11+$0x20] =	vst v1  }
0x18f: {  	v3 =	vld.idx.msk [tilespmem:v2+s19+$0x0], $0xffff  }
0x190: {  	v1 =	vor.u32 $0x1, v2;
	v50 =	vld.idx.msk [tilespmem:v2+s20+$0x0], $0xffff  }
0x191: {  	v49 =	vld.idx.msk [tilespmem:v47+s19+$0x0], $0xffff  }
0x192: {  	v4 =	vld.idx.msk [tilespmem:v47+s20+$0x0], $0xffff  }
0x193: {  	v52 =	vld.idx.msk [tilespmem:v48+s19+$0x0], $0xffff  }
0x194: {  	v5 =	vld.idx.msk [tilespmem:v48+s20+$0x0], $0xffff  }
0x195: {  	v51 =	vld.idx.msk [tilespmem:v1+s19+$0x0], $0xffff  }
0x196: {  	v1 =	vld.idx.msk [tilespmem:v1+s20+$0x0], $0xffff  }
0x197: {  	v53 =	vmul.f32 v4, v3;
	v54 =	vmul.f32 v50, v49;
	_ =	sdelay $0x1  }
0x198: {  	v10 =	vadd.f32 v53, v54  }
0x199: {  	v3 =	vmul.f32 v5, v3;
	v55 =	vmul.f32 v50, v52  }
0x19a: {  	v1 =	vmul.f32 v1, v51;
	(erf) = vrcp.f32 v10;
	_ =	sdelay $0x1  }
0x19b: {  	v3 =	vadd.f32 v3, v55;
	v1 =	vmul.f32 $2.099999900e+00, v1;
	_ =	sdelay $0x1  }
0x19c: {  	v1 =	vadd.f32 v3, v1;
	v3 =	vmul.f32 v4, v49;
	_ =	sdelay $0x1  }
0x19d: {  	v1 =	vmul.f32 v1, v3;
	_ =	sdelay $0x1  }
0x19e: {  	v3 =	vor.u32 $0x4, v2;
	v1 =	vadd.f32 v1, v1  }
0x19f: {  	v57 =	vor.u32 $0x7, v2;
	v56 =	vpop (erf)  }
0x1a0: {  	v1 =	vmul.f32 v1, v56;
	_ =	sdelay $0x1  }
0x1a1: {  	[tilespmem:s11+$0xFFFFF830] =	vst v1;
	v1 =	vor.u32 $0x5, v2  }
0x1a2: {  	v2 =	vor.u32 $0x6, v2;
	v58 =	vld.idx.msk [tilespmem:v3+s19+$0x0], $0xffff  }
0x1a3: {  	v59 =	vld.idx.msk [tilespmem:v57+s19+$0x0], $0xffff  }
0x1a4: {  	v3 =	vld.idx.msk [tilespmem:v3+s20+$0x0], $0xffff  }
0x1a5: {  	v5 =	vld.idx.msk [tilespmem:v57+s20+$0x0], $0xffff  }
0x1a6: {  	v60 =	vld.idx.msk [tilespmem:v1+s19+$0x0], $0xffff  }
0x1a7: {  	v61 =	vld.idx.msk [tilespmem:v2+s19+$0x0], $0xffff  }
0x1a8: {  	v2 =	vld.idx.msk [tilespmem:v2+s20+$0x0], $0xffff  }
0x1a9: {  	v1 =	vld.idx.msk [tilespmem:v1+s20+$0x0], $0xffff  }
0x1aa: {  	v62 =	vmul.f32 v5, v58;
	v63 =	vmul.f32 v3, v59;
	_ =	sdelay $0x1  }
0x1ab: {  	v9 =	vadd.f32 v62, v63  }
0x1ac: {  	v2 =	vmul.f32 v2, v58;
	v3 =	vmul.f32 v3, v61  }
0x1ad: {  	v1 =	vmul.f32 v1, v60;
	(erf) = vrcp.f32 v9;
	_ =	sdelay $0x1  }
0x1ae: {  	v2 =	vadd.f32 v2, v3;
	v1 =	vmul.f32 $2.099999900e+00, v1;
	_ =	sdelay $0x1  }
0x1af: {  	v1 =	vadd.f32 v2, v1;
	v2 =	vmul.f32 v5, v59;
	_ =	sdelay $0x1  }
0x1b0: {  	s9 =	sadd.s32 $0x4, s9;
	v1 =	vmul.f32 v1, v2  }
0x1b1: {  	p0 =	slt.u32 s9, $0x7C  }
.Ltmp0:
0x1b2: {  	v1 =	vadd.f32 v1, v1;
	(pc) =	sbr.rel @p0 .LBB2_3-.Ltmp0, $3  }
0x1b3: {  	v2 =	vpop (erf)  }
0x1b4: {  	v1 =	vmul.f32 v1, v2;
	_ =	sdelay $0x1  }
0x1b5: {  	s8 =	sadd.s32 $0x40, s8;
	[tilespmem:s11+$0x30] =	vst v1;
	s11 =	sadd.s32 $0x40, s11  }
0x1b6: {  	s8 =	sadd.s32 s0, s12  }
0x1b7: {  	p0 =	seq.s32 s31, $0x61;
	s8 =	sshrl.u32 s8, $0x3  }
.Ltmp1:
0x1b8: {  	s8 =	sadd.s32 s6, s8;
	(pc) =	sbr.rel @p0 .LBB2_6-.Ltmp1, $4  }
0x1b9: {  	[hbm4b:s8+s26] =	stream.strided.scatter [tilespmem:s13], [sflag:$0x3], $0x1000, s25, s26, $0x38;
	[tilespmem:$0x1F350] =	vst v63  }
0x1ba: {  	_ =	swait.ge [sflag:s16], $0x1000  }
0x1bb: {  	[sflag:s16] =	ssyncset.done $0x0  }
0x1bc: {  	[sflag:s16] =	ssyncadd.s32 $0xFFFFF000  }
0x1bd: {  	s0 =	smin.u32 s0, $0x60280;
	s8 =	rddreg [dreg:$0x7]  }
0x1be: {  	s0 =	sadd.s32 s0, s8  }
0x1bf: {  	s0 =	sshrl.u32 s0, $0x3  }
0x1c0: {  	s0 =	sadd.s32 s4, s0  }
0x1c1: {  	[tilespmem:s3], [sflag:$0x3] =	stream.linear.gather [hbm4b:s0+s3], $0x800, $0x38;
	[tilespmem:$0x1F350] =	vst v63  }
0x1c2: {  	_ =	swait.ge [sflag:s16], $0x800  }
0x1c3: {  	[sflag:s16] =	ssyncset.done $0x0  }
0x1c4: {  	s14 =	simm.s32 $0x1000;
	s0 =	sadd.s32 $0xC3500, s0;
	[sflag:s16] =	ssyncadd.s32 $0xFFFFF800  }
0x1c5: {  	[tilespmem:s14], [sflag:$0x3] =	stream.linear.gather [hbm4b:s0+s3], $0x800, $0x38;
	[tilespmem:$0x1F350] =	vst v63  }
0x1c6: {  	_ =	swait.ge [sflag:s16], $0x800  }
0x1c7: {  	[sflag:s16] =	ssyncset.done $0x0  }
0x1c8: {  	[sflag:s16] =	ssyncadd.s32 $0xFFFFF800  }
0x1c9: {  	[tilespmem:s19], [sflag:$0x1] =	stream.indirect.gather [spmem:s2], $0x8, s3, s18, $0xb8;
	[tilespmem:$0x1F350] =	vst v63  }
0x1ca: {  	_ = 	snop  }
0x1cb: {  	[tilespmem:s20], [sflag:$0x1] =	stream.indirect.gather [spmem:s2], $0x8, s14, s18, $0xb8;
	[tilespmem:$0x1F350] =	vst v63  }
0x1cc: {  	s9 =	simm.s32 $0x2400  }
0x1cd: {  	[tilespmem:s9], [sflag:$0x1] =	stream.indirect.gather [spmem:s2], $0x8, s18, s18, $0xb8;
	[tilespmem:$0x1F350] =	vst v63  }
0x1ce: {  	s11 =	simm.s32 $0x1080;
	s14 =	simm.s32 $0xA400  }
0x1cf: {  	[tilespmem:s14], [sflag:$0x1] =	stream.indirect.gather [spmem:s2], $0x8, s11, s18, $0xb8;
	[tilespmem:$0x1F350] =	vst v63  }
0x1d0: {  	s8 =	simm.s32 $0x100;
	s9 =	simm.s32 $0x2800  }
0x1d1: {  	[tilespmem:s9], [sflag:$0x1] =	stream.indirect.gather [spmem:s2], $0x8, s8, s18, $0xb8;
	[tilespmem:$0x1F350] =	vst v63  }
0x1d2: {  	s11 =	simm.s32 $0x1100;
	s14 =	simm.s32 $0xA800  }
0x1d3: {  	[tilespmem:s14], [sflag:$0x1] =	stream.indirect.gather [spmem:s2], $0x8, s11, s18, $0xb8;
	[tilespmem:$0x1F350] =	vst v63  }
0x1d4: {  	s8 =	simm.s32 $0x180;
	s9 =	simm.s32 $0x2C00  }
0x1d5: {  	[tilespmem:s9], [sflag:$0x1] =	stream.indirect.gather [spmem:s2], $0x8, s8, s18, $0xb8;
	[tilespmem:$0x1F350] =	vst v63  }
0x1d6: {  	s11 =	simm.s32 $0x1180;
	s14 =	simm.s32 $0xAC00  }
0x1d7: {  	[tilespmem:s14], [sflag:$0x1] =	stream.indirect.gather [spmem:s2], $0x8, s11, s18, $0xb8;
	[tilespmem:$0x1F350] =	vst v63  }
0x1d8: {  	s8 =	simm.s32 $0x200;
	s9 =	simm.s32 $0x3000  }
0x1d9: {  	[tilespmem:s9], [sflag:$0x1] =	stream.indirect.gather [spmem:s2], $0x8, s8, s18, $0xb8;
	[tilespmem:$0x1F350] =	vst v63  }
0x1da: {  	s11 =	simm.s32 $0x1200;
	s14 =	simm.s32 $0xB000  }
0x1db: {  	[tilespmem:s14], [sflag:$0x1] =	stream.indirect.gather [spmem:s2], $0x8, s11, s18, $0xb8;
	[tilespmem:$0x1F350] =	vst v63  }
0x1dc: {  	s8 =	simm.s32 $0x280;
	s9 =	simm.s32 $0x3400  }
0x1dd: {  	[tilespmem:s9], [sflag:$0x1] =	stream.indirect.gather [spmem:s2], $0x8, s8, s18, $0xb8;
	[tilespmem:$0x1F350] =	vst v63  }
0x1de: {  	s11 =	simm.s32 $0x1280;
	s14 =	simm.s32 $0xB400  }
0x1df: {  	[tilespmem:s14], [sflag:$0x1] =	stream.indirect.gather [spmem:s2], $0x8, s11, s18, $0xb8;
	[tilespmem:$0x1F350] =	vst v63  }
0x1e0: {  	s8 =	simm.s32 $0x300;
	s9 =	simm.s32 $0x3800  }
0x1e1: {  	[tilespmem:s9], [sflag:$0x1] =	stream.indirect.gather [spmem:s2], $0x8, s8, s18, $0xb8;
	[tilespmem:$0x1F350] =	vst v63  }
0x1e2: {  	s11 =	simm.s32 $0x1300;
	s14 =	simm.s32 $0xB800  }
0x1e3: {  	[tilespmem:s14], [sflag:$0x1] =	stream.indirect.gather [spmem:s2], $0x8, s11, s18, $0xb8;
	[tilespmem:$0x1F350] =	vst v63  }
0x1e4: {  	s8 =	simm.s32 $0x380;
	s9 =	simm.s32 $0x3C00  }
0x1e5: {  	[tilespmem:s9], [sflag:$0x1] =	stream.indirect.gather [spmem:s2], $0x8, s8, s18, $0xb8;
	[tilespmem:$0x1F350] =	vst v63  }
0x1e6: {  	s11 =	simm.s32 $0x1380;
	s14 =	simm.s32 $0xBC00  }
0x1e7: {  	[tilespmem:s14], [sflag:$0x1] =	stream.indirect.gather [spmem:s2], $0x8, s11, s18, $0xb8;
	[tilespmem:$0x1F350] =	vst v63  }
0x1e8: {  	s8 =	simm.s32 $0x400;
	s9 =	simm.s32 $0x4000  }
0x1e9: {  	[tilespmem:s9], [sflag:$0x1] =	stream.indirect.gather [spmem:s2], $0x8, s8, s18, $0xb8;
	[tilespmem:$0x1F350] =	vst v63  }
0x1ea: {  	s11 =	simm.s32 $0x1400;
	s14 =	simm.s32 $0xC000  }
0x1eb: {  	[tilespmem:s14], [sflag:$0x1] =	stream.indirect.gather [spmem:s2], $0x8, s11, s18, $0xb8;
	[tilespmem:$0x1F350] =	vst v63  }
0x1ec: {  	s8 =	simm.s32 $0x480;
	s9 =	simm.s32 $0x4400  }
0x1ed: {  	[tilespmem:s9], [sflag:$0x1] =	stream.indirect.gather [spmem:s2], $0x8, s8, s18, $0xb8;
	[tilespmem:$0x1F350] =	vst v63  }
0x1ee: {  	s11 =	simm.s32 $0x1480;
	s14 =	simm.s32 $0xC400  }
0x1ef: {  	[tilespmem:s14], [sflag:$0x1] =	stream.indirect.gather [spmem:s2], $0x8, s11, s18, $0xb8;
	[tilespmem:$0x1F350] =	vst v63  }
0x1f0: {  	s8 =	simm.s32 $0x500;
	s9 =	simm.s32 $0x4800  }
0x1f1: {  	[tilespmem:s9], [sflag:$0x1] =	stream.indirect.gather [spmem:s2], $0x8, s8, s18, $0xb8;
	[tilespmem:$0x1F350] =	vst v63  }
0x1f2: {  	s11 =	simm.s32 $0x1500;
	s14 =	simm.s32 $0xC800  }
0x1f3: {  	[tilespmem:s14], [sflag:$0x1] =	stream.indirect.gather [spmem:s2], $0x8, s11, s18, $0xb8;
	[tilespmem:$0x1F350] =	vst v63  }
0x1f4: {  	s8 =	simm.s32 $0x580;
	s9 =	simm.s32 $0x4C00  }
0x1f5: {  	[tilespmem:s9], [sflag:$0x1] =	stream.indirect.gather [spmem:s2], $0x8, s8, s18, $0xb8;
	[tilespmem:$0x1F350] =	vst v63  }
0x1f6: {  	s11 =	simm.s32 $0x1580;
	s14 =	simm.s32 $0xCC00  }
0x1f7: {  	[tilespmem:s14], [sflag:$0x1] =	stream.indirect.gather [spmem:s2], $0x8, s11, s18, $0xb8;
	[tilespmem:$0x1F350] =	vst v63  }
0x1f8: {  	s8 =	simm.s32 $0x600;
	s9 =	simm.s32 $0x5000  }
0x1f9: {  	[tilespmem:s9], [sflag:$0x1] =	stream.indirect.gather [spmem:s2], $0x8, s8, s18, $0xb8;
	[tilespmem:$0x1F350] =	vst v63  }
0x1fa: {  	s11 =	simm.s32 $0x1600;
	s14 =	simm.s32 $0xD000  }
0x1fb: {  	[tilespmem:s14], [sflag:$0x1] =	stream.indirect.gather [spmem:s2], $0x8, s11, s18, $0xb8;
	[tilespmem:$0x1F350] =	vst v63  }
0x1fc: {  	s8 =	simm.s32 $0x680;
	s9 =	simm.s32 $0x5400  }
0x1fd: {  	[tilespmem:s9], [sflag:$0x1] =	stream.indirect.gather [spmem:s2], $0x8, s8, s18, $0xb8;
	[tilespmem:$0x1F350] =	vst v63  }
0x1fe: {  	s11 =	simm.s32 $0x1680;
	s14 =	simm.s32 $0xD400  }
0x1ff: {  	[tilespmem:s14], [sflag:$0x1] =	stream.indirect.gather [spmem:s2], $0x8, s11, s18, $0xb8;
	[tilespmem:$0x1F350] =	vst v63  }
0x200: {  	s8 =	simm.s32 $0x700;
	s9 =	simm.s32 $0x5800  }
0x201: {  	[tilespmem:s9], [sflag:$0x1] =	stream.indirect.gather [spmem:s2], $0x8, s8, s18, $0xb8;
	[tilespmem:$0x1F350] =	vst v63  }
0x202: {  	s11 =	simm.s32 $0x1700;
	s14 =	simm.s32 $0xD800  }
0x203: {  	[tilespmem:s14], [sflag:$0x1] =	stream.indirect.gather [spmem:s2], $0x8, s11, s18, $0xb8;
	[tilespmem:$0x1F350] =	vst v63  }
0x204: {  	s8 =	simm.s32 $0x780;
	s9 =	simm.s32 $0x5C00  }
0x205: {  	[tilespmem:s9], [sflag:$0x1] =	stream.indirect.gather [spmem:s2], $0x8, s8, s18, $0xb8;
	[tilespmem:$0x1F350] =	vst v63  }
0x206: {  	s11 =	simm.s32 $0x1780;
	s14 =	simm.s32 $0xDC00  }
0x207: {  	[tilespmem:s14], [sflag:$0x1] =	stream.indirect.gather [spmem:s2], $0x8, s11, s18, $0xb8;
	[tilespmem:$0x1F350] =	vst v63  }
.LBB2_6:
0x208: {  	_ =	swait.ge [sflag:s17], $0x400  }
0x209: {  	[sflag:s17] =	ssyncset.done $0x0  }
0x20a: {  	[sflag:s17] =	ssyncadd.s32 $0xFFFFFC00  }
0x20b: {  	_ =	swait.ge [sflag:s17], $0x400  }
0x20c: {  	[sflag:s17] =	ssyncset.done $0x0  }
0x20d: {  	[sflag:s17] =	ssyncadd.s32 $0xFFFFFC00  }
0x20e: {  	_ =	swait.ge [sflag:s17], $0x400  }
0x20f: {  	[sflag:s17] =	ssyncset.done $0x0  }
0x210: {  	[sflag:s17] =	ssyncadd.s32 $0xFFFFFC00  }
0x211: {  	_ =	swait.ge [sflag:s17], $0x400  }
0x212: {  	[sflag:s17] =	ssyncset.done $0x0  }
0x213: {  	[sflag:s17] =	ssyncadd.s32 $0xFFFFFC00  }
0x214: {  	_ =	swait.ge [sflag:s17], $0x400  }
0x215: {  	[sflag:s17] =	ssyncset.done $0x0  }
0x216: {  	[sflag:s17] =	ssyncadd.s32 $0xFFFFFC00  }
0x217: {  	_ =	swait.ge [sflag:s17], $0x400  }
0x218: {  	[sflag:s17] =	ssyncset.done $0x0  }
0x219: {  	[sflag:s17] =	ssyncadd.s32 $0xFFFFFC00  }
0x21a: {  	_ =	swait.ge [sflag:s17], $0x400  }
0x21b: {  	[sflag:s17] =	ssyncset.done $0x0  }
0x21c: {  	[sflag:s17] =	ssyncadd.s32 $0xFFFFFC00  }
0x21d: {  	_ =	swait.ge [sflag:s17], $0x400  }
0x21e: {  	[sflag:s17] =	ssyncset.done $0x0  }
0x21f: {  	[sflag:s17] =	ssyncadd.s32 $0xFFFFFC00  }
0x220: {  	_ =	swait.ge [sflag:s17], $0x400  }
0x221: {  	[sflag:s17] =	ssyncset.done $0x0  }
0x222: {  	[sflag:s17] =	ssyncadd.s32 $0xFFFFFC00  }
0x223: {  	_ =	swait.ge [sflag:s17], $0x400  }
0x224: {  	[sflag:s17] =	ssyncset.done $0x0  }
0x225: {  	[sflag:s17] =	ssyncadd.s32 $0xFFFFFC00  }
0x226: {  	_ =	swait.ge [sflag:s17], $0x400  }
0x227: {  	[sflag:s17] =	ssyncset.done $0x0  }
0x228: {  	[sflag:s17] =	ssyncadd.s32 $0xFFFFFC00  }
0x229: {  	_ =	swait.ge [sflag:s17], $0x400  }
0x22a: {  	[sflag:s17] =	ssyncset.done $0x0  }
0x22b: {  	[sflag:s17] =	ssyncadd.s32 $0xFFFFFC00  }
0x22c: {  	_ =	swait.ge [sflag:s17], $0x400  }
0x22d: {  	[sflag:s17] =	ssyncset.done $0x0  }
0x22e: {  	[sflag:s17] =	ssyncadd.s32 $0xFFFFFC00  }
0x22f: {  	_ =	swait.ge [sflag:s17], $0x400  }
0x230: {  	[sflag:s17] =	ssyncset.done $0x0  }
0x231: {  	[sflag:s17] =	ssyncadd.s32 $0xFFFFFC00  }
0x232: {  	_ =	swait.ge [sflag:s17], $0x400  }
0x233: {  	[sflag:s17] =	ssyncset.done $0x0  }
0x234: {  	[sflag:s17] =	ssyncadd.s32 $0xFFFFFC00  }
0x235: {  	_ =	swait.ge [sflag:s17], $0x400  }
0x236: {  	[sflag:s17] =	ssyncset.done $0x0  }
0x237: {  	[sflag:s17] =	ssyncadd.s32 $0xFFFFFC00  }
0x238: {  	_ =	swait.ge [sflag:s17], $0x400  }
0x239: {  	[sflag:s17] =	ssyncset.done $0x0  }
0x23a: {  	[sflag:s17] =	ssyncadd.s32 $0xFFFFFC00  }
0x23b: {  	_ =	swait.ge [sflag:s17], $0x400  }
0x23c: {  	[sflag:s17] =	ssyncset.done $0x0  }
0x23d: {  	[sflag:s17] =	ssyncadd.s32 $0xFFFFFC00  }
0x23e: {  	_ =	swait.ge [sflag:s17], $0x400  }
0x23f: {  	[sflag:s17] =	ssyncset.done $0x0  }
0x240: {  	[sflag:s17] =	ssyncadd.s32 $0xFFFFFC00  }
0x241: {  	_ =	swait.ge [sflag:s17], $0x400  }
0x242: {  	[sflag:s17] =	ssyncset.done $0x0  }
0x243: {  	[sflag:s17] =	ssyncadd.s32 $0xFFFFFC00  }
0x244: {  	_ =	swait.ge [sflag:s17], $0x400  }
0x245: {  	[sflag:s17] =	ssyncset.done $0x0  }
0x246: {  	[sflag:s17] =	ssyncadd.s32 $0xFFFFFC00  }
0x247: {  	_ =	swait.ge [sflag:s17], $0x400  }
0x248: {  	[sflag:s17] =	ssyncset.done $0x0  }
0x249: {  	[sflag:s17] =	ssyncadd.s32 $0xFFFFFC00  }
0x24a: {  	_ =	swait.ge [sflag:s17], $0x400  }
0x24b: {  	[sflag:s17] =	ssyncset.done $0x0  }
0x24c: {  	[sflag:s17] =	ssyncadd.s32 $0xFFFFFC00  }
0x24d: {  	_ =	swait.ge [sflag:s17], $0x400  }
0x24e: {  	[sflag:s17] =	ssyncset.done $0x0  }
0x24f: {  	[sflag:s17] =	ssyncadd.s32 $0xFFFFFC00  }
0x250: {  	_ =	swait.ge [sflag:s17], $0x400  }
0x251: {  	[sflag:s17] =	ssyncset.done $0x0  }
0x252: {  	[sflag:s17] =	ssyncadd.s32 $0xFFFFFC00  }
0x253: {  	_ =	swait.ge [sflag:s17], $0x400  }
0x254: {  	[sflag:s17] =	ssyncset.done $0x0  }
0x255: {  	[sflag:s17] =	ssyncadd.s32 $0xFFFFFC00  }
0x256: {  	_ =	swait.ge [sflag:s17], $0x400  }
0x257: {  	[sflag:s17] =	ssyncset.done $0x0  }
0x258: {  	[sflag:s17] =	ssyncadd.s32 $0xFFFFFC00  }
0x259: {  	_ =	swait.ge [sflag:s17], $0x400  }
0x25a: {  	[sflag:s17] =	ssyncset.done $0x0  }
0x25b: {  	[sflag:s17] =	ssyncadd.s32 $0xFFFFFC00  }
0x25c: {  	_ =	swait.ge [sflag:s17], $0x400  }
0x25d: {  	[sflag:s17] =	ssyncset.done $0x0  }
0x25e: {  	[sflag:s17] =	ssyncadd.s32 $0xFFFFFC00  }
0x25f: {  	_ =	swait.ge [sflag:s17], $0x400  }
0x260: {  	[sflag:s17] =	ssyncset.done $0x0  }
0x261: {  	[sflag:s17] =	ssyncadd.s32 $0xFFFFFC00  }
0x262: {  	_ =	swait.ge [sflag:s17], $0x400  }
0x263: {  	[sflag:s17] =	ssyncset.done $0x0  }
0x264: {  	[sflag:s17] =	ssyncadd.s32 $0xFFFFFC00  }
0x265: {  	_ =	swait.ge [sflag:s17], $0x400  }
0x266: {  	s0 =	simm.s32 $0xFFFFFFFC;
	[sflag:s17] =	ssyncset.done $0x0  }
0x267: {  	s8 =	simm.s32 $0x0;
	s9 =	simm.s32 $0x12800;
	[sflag:s17] =	ssyncadd.s32 $0xFFFFFC00  }
.LBB2_7:
0x268: {  	v1 =	vmov s8  }
0x269: {  	v1 =	vshll.u32 v1, $0x3  }
0x26a: {  	v1 =	vor.u32 v0, v1;
	_ =	sdelay $0x1  }
0x26b: {  	v2 =	vor.u32 $0x3, v1;
	_ =	sdelay $0x1  }
0x26c: {  	v3 =	vor.u32 $0x1, v1  }
0x26d: {  	v5 =	vor.u32 $0x2, v1;
	v4 =	vld.idx.msk [tilespmem:v1+s29+$0x0], $0xffff  }
0x26e: {  	v7 =	vld.idx.msk [tilespmem:v1+s30+$0x0], $0xffff  }
0x26f: {  	v6 =	vld.idx.msk [tilespmem:v2+s29+$0x0], $0xffff  }
0x270: {  	v2 =	vld.idx.msk [tilespmem:v2+s30+$0x0], $0xffff  }
0x271: {  	v8 =	vld.idx.msk [tilespmem:v3+s29+$0x0], $0xffff  }
0x272: {  	v9 =	vld.idx.msk [tilespmem:v5+s29+$0x0], $0xffff  }
0x273: {  	v5 =	vld.idx.msk [tilespmem:v5+s30+$0x0], $0xffff  }
0x274: {  	v3 =	vld.idx.msk [tilespmem:v3+s30+$0x0], $0xffff  }
0x275: {  	v10 =	vmul.f32 v2, v4;
	v11 =	vmul.f32 v7, v6;
	_ =	sdelay $0x1  }
0x276: {  	v10 =	vadd.f32 v10, v11  }
0x277: {  	v4 =	vmul.f32 v5, v4;
	v56 =	vmul.f32 v7, v9  }
0x278: {  	v3 =	vmul.f32 v3, v8;
	(erf) = vrcp.f32 v10;
	_ =	sdelay $0x1  }
0x279: {  	v4 =	vadd.f32 v4, v56;
	v3 =	vmul.f32 $2.099999900e+00, v3;
	_ =	sdelay $0x1  }
0x27a: {  	v2 =	vmul.f32 v2, v6;
	v3 =	vadd.f32 v4, v3;
	_ =	sdelay $0x1  }
0x27b: {  	v2 =	vmul.f32 v3, v2;
	_ =	sdelay $0x1  }
0x27c: {  	v3 =	vor.u32 $0x4, v1;
	v2 =	vadd.f32 v2, v2  }
0x27d: {  	v58 =	vor.u32 $0x7, v1;
	v57 =	vpop (erf)  }
0x27e: {  	v2 =	vmul.f32 v2, v57;
	_ =	sdelay $0x1  }
0x27f: {  	[tilespmem:s9+$0xFFFFF800] =	vst v2;
	v2 =	vor.u32 $0x5, v1  }
0x280: {  	v1 =	vor.u32 $0x6, v1;
	v59 =	vld.idx.msk [tilespmem:v3+s29+$0x0], $0xffff  }
0x281: {  	v60 =	vld.idx.msk [tilespmem:v58+s29+$0x0], $0xffff  }
0x282: {  	v3 =	vld.idx.msk [tilespmem:v3+s30+$0x0], $0xffff  }
0x283: {  	v5 =	vld.idx.msk [tilespmem:v58+s30+$0x0], $0xffff  }
0x284: {  	v61 =	vld.idx.msk [tilespmem:v2+s29+$0x0], $0xffff  }
0x285: {  	v62 =	vld.idx.msk [tilespmem:v1+s29+$0x0], $0xffff  }
0x286: {  	v1 =	vld.idx.msk [tilespmem:v1+s30+$0x0], $0xffff  }
0x287: {  	v2 =	vld.idx.msk [tilespmem:v2+s30+$0x0], $0xffff  }
0x288: {  	v63 =	vmul.f32 v5, v59;
	v12 =	vmul.f32 v3, v60;
	_ =	sdelay $0x1  }
0x289: {  	v9 =	vadd.f32 v63, v12  }
0x28a: {  	v1 =	vmul.f32 v1, v59;
	v3 =	vmul.f32 v3, v62  }
0x28b: {  	v2 =	vmul.f32 v2, v61;
	(erf) = vrcp.f32 v9;
	_ =	sdelay $0x1  }
0x28c: {  	v1 =	vadd.f32 v1, v3;
	v2 =	vmul.f32 $2.099999900e+00, v2;
	_ =	sdelay $0x1  }
0x28d: {  	v1 =	vadd.f32 v1, v2;
	v2 =	vmul.f32 v5, v60  }
0x28e: {  	s11 =	sadd.s32 $0x10, s8  }
0x28f: {  	v1 =	vmul.f32 v1, v2;
	v2 =	vmov s11  }
0x290: {  	v2 =	vshll.u32 v2, $0x3  }
0x291: {  	v1 =	vadd.f32 v1, v1;
	v2 =	vor.u32 v0, v2  }
0x292: {  	v3 =	vpop (erf)  }
0x293: {  	v13 =	vor.u32 $0x3, v2;
	v1 =	vmul.f32 v1, v3;
	_ =	sdelay $0x1  }
0x294: {  	v14 =	vor.u32 $0x2, v2;
	[tilespmem:s9+$0x0] =	vst v1  }
0x295: {  	v3 =	vld.idx.msk [tilespmem:v2+s29+$0x0], $0xffff  }
0x296: {  	v1 =	vor.u32 $0x1, v2;
	v16 =	vld.idx.msk [tilespmem:v2+s30+$0x0], $0xffff  }
0x297: {  	v15 =	vld.idx.msk [tilespmem:v13+s29+$0x0], $0xffff  }
0x298: {  	v4 =	vld.idx.msk [tilespmem:v13+s30+$0x0], $0xffff  }
0x299: {  	v18 =	vld.idx.msk [tilespmem:v14+s29+$0x0], $0xffff  }
0x29a: {  	v5 =	vld.idx.msk [tilespmem:v14+s30+$0x0], $0xffff  }
0x29b: {  	v17 =	vld.idx.msk [tilespmem:v1+s29+$0x0], $0xffff  }
0x29c: {  	v1 =	vld.idx.msk [tilespmem:v1+s30+$0x0], $0xffff  }
0x29d: {  	v19 =	vmul.f32 v4, v3;
	v20 =	vmul.f32 v16, v15;
	_ =	sdelay $0x1  }
0x29e: {  	v10 =	vadd.f32 v19, v20  }
0x29f: {  	v3 =	vmul.f32 v5, v3;
	v21 =	vmul.f32 v16, v18  }
0x2a0: {  	v1 =	vmul.f32 v1, v17;
	(erf) = vrcp.f32 v10;
	_ =	sdelay $0x1  }
0x2a1: {  	v3 =	vadd.f32 v3, v21;
	v1 =	vmul.f32 $2.099999900e+00, v1;
	_ =	sdelay $0x1  }
0x2a2: {  	v1 =	vadd.f32 v3, v1;
	v3 =	vmul.f32 v4, v15;
	_ =	sdelay $0x1  }
0x2a3: {  	v1 =	vmul.f32 v1, v3;
	_ =	sdelay $0x1  }
0x2a4: {  	v3 =	vor.u32 $0x4, v2;
	v1 =	vadd.f32 v1, v1  }
0x2a5: {  	v23 =	vor.u32 $0x7, v2;
	v22 =	vpop (erf)  }
0x2a6: {  	v1 =	vmul.f32 v1, v22;
	_ =	sdelay $0x1  }
0x2a7: {  	[tilespmem:s9+$0xFFFFF810] =	vst v1;
	v1 =	vor.u32 $0x5, v2  }
0x2a8: {  	v2 =	vor.u32 $0x6, v2;
	v24 =	vld.idx.msk [tilespmem:v3+s29+$0x0], $0xffff  }
0x2a9: {  	v25 =	vld.idx.msk [tilespmem:v23+s29+$0x0], $0xffff  }
0x2aa: {  	v3 =	vld.idx.msk [tilespmem:v3+s30+$0x0], $0xffff  }
0x2ab: {  	v5 =	vld.idx.msk [tilespmem:v23+s30+$0x0], $0xffff  }
0x2ac: {  	v26 =	vld.idx.msk [tilespmem:v1+s29+$0x0], $0xffff  }
0x2ad: {  	v27 =	vld.idx.msk [tilespmem:v2+s29+$0x0], $0xffff  }
0x2ae: {  	v2 =	vld.idx.msk [tilespmem:v2+s30+$0x0], $0xffff  }
0x2af: {  	v1 =	vld.idx.msk [tilespmem:v1+s30+$0x0], $0xffff  }
0x2b0: {  	v28 =	vmul.f32 v5, v24;
	v29 =	vmul.f32 v3, v25;
	_ =	sdelay $0x1  }
0x2b1: {  	v9 =	vadd.f32 v28, v29  }
0x2b2: {  	v2 =	vmul.f32 v2, v24;
	v3 =	vmul.f32 v3, v27  }
0x2b3: {  	v1 =	vmul.f32 v1, v26;
	(erf) = vrcp.f32 v9;
	_ =	sdelay $0x1  }
0x2b4: {  	v2 =	vadd.f32 v2, v3;
	v1 =	vmul.f32 $2.099999900e+00, v1;
	_ =	sdelay $0x1  }
0x2b5: {  	v1 =	vadd.f32 v2, v1;
	v2 =	vmul.f32 v5, v25  }
0x2b6: {  	s14 =	sadd.s32 $0x20, s8  }
0x2b7: {  	v1 =	vmul.f32 v1, v2;
	v2 =	vmov s14  }
0x2b8: {  	v2 =	vshll.u32 v2, $0x3  }
0x2b9: {  	v1 =	vadd.f32 v1, v1;
	v2 =	vor.u32 v0, v2  }
0x2ba: {  	v3 =	vpop (erf)  }
0x2bb: {  	v30 =	vor.u32 $0x3, v2;
	v1 =	vmul.f32 v1, v3;
	_ =	sdelay $0x1  }
0x2bc: {  	v31 =	vor.u32 $0x2, v2;
	[tilespmem:s9+$0x10] =	vst v1  }
0x2bd: {  	v3 =	vld.idx.msk [tilespmem:v2+s29+$0x0], $0xffff  }
0x2be: {  	v1 =	vor.u32 $0x1, v2;
	v33 =	vld.idx.msk [tilespmem:v2+s30+$0x0], $0xffff  }
0x2bf: {  	v32 =	vld.idx.msk [tilespmem:v30+s29+$0x0], $0xffff  }
0x2c0: {  	v4 =	vld.idx.msk [tilespmem:v30+s30+$0x0], $0xffff  }
0x2c1: {  	v35 =	vld.idx.msk [tilespmem:v31+s29+$0x0], $0xffff  }
0x2c2: {  	v5 =	vld.idx.msk [tilespmem:v31+s30+$0x0], $0xffff  }
0x2c3: {  	v34 =	vld.idx.msk [tilespmem:v1+s29+$0x0], $0xffff  }
0x2c4: {  	v1 =	vld.idx.msk [tilespmem:v1+s30+$0x0], $0xffff  }
0x2c5: {  	v36 =	vmul.f32 v4, v3;
	v37 =	vmul.f32 v33, v32;
	_ =	sdelay $0x1  }
0x2c6: {  	v10 =	vadd.f32 v36, v37  }
0x2c7: {  	v3 =	vmul.f32 v5, v3;
	v38 =	vmul.f32 v33, v35  }
0x2c8: {  	v1 =	vmul.f32 v1, v34;
	(erf) = vrcp.f32 v10;
	_ =	sdelay $0x1  }
0x2c9: {  	v3 =	vadd.f32 v3, v38;
	v1 =	vmul.f32 $2.099999900e+00, v1;
	_ =	sdelay $0x1  }
0x2ca: {  	v1 =	vadd.f32 v3, v1;
	v3 =	vmul.f32 v4, v32;
	_ =	sdelay $0x1  }
0x2cb: {  	v1 =	vmul.f32 v1, v3;
	_ =	sdelay $0x1  }
0x2cc: {  	v3 =	vor.u32 $0x4, v2;
	v1 =	vadd.f32 v1, v1  }
0x2cd: {  	v40 =	vor.u32 $0x7, v2;
	v39 =	vpop (erf)  }
0x2ce: {  	v1 =	vmul.f32 v1, v39;
	_ =	sdelay $0x1  }
0x2cf: {  	[tilespmem:s9+$0xFFFFF820] =	vst v1;
	v1 =	vor.u32 $0x5, v2  }
0x2d0: {  	v2 =	vor.u32 $0x6, v2;
	v41 =	vld.idx.msk [tilespmem:v3+s29+$0x0], $0xffff  }
0x2d1: {  	v42 =	vld.idx.msk [tilespmem:v40+s29+$0x0], $0xffff  }
0x2d2: {  	v3 =	vld.idx.msk [tilespmem:v3+s30+$0x0], $0xffff  }
0x2d3: {  	v5 =	vld.idx.msk [tilespmem:v40+s30+$0x0], $0xffff  }
0x2d4: {  	v43 =	vld.idx.msk [tilespmem:v1+s29+$0x0], $0xffff  }
0x2d5: {  	v44 =	vld.idx.msk [tilespmem:v2+s29+$0x0], $0xffff  }
0x2d6: {  	v2 =	vld.idx.msk [tilespmem:v2+s30+$0x0], $0xffff  }
0x2d7: {  	v1 =	vld.idx.msk [tilespmem:v1+s30+$0x0], $0xffff  }
0x2d8: {  	v45 =	vmul.f32 v5, v41;
	v46 =	vmul.f32 v3, v42;
	_ =	sdelay $0x1  }
0x2d9: {  	v9 =	vadd.f32 v45, v46  }
0x2da: {  	v2 =	vmul.f32 v2, v41;
	v3 =	vmul.f32 v3, v44  }
0x2db: {  	v1 =	vmul.f32 v1, v43;
	(erf) = vrcp.f32 v9;
	_ =	sdelay $0x1  }
0x2dc: {  	v2 =	vadd.f32 v2, v3;
	v1 =	vmul.f32 $2.099999900e+00, v1;
	_ =	sdelay $0x1  }
0x2dd: {  	v1 =	vadd.f32 v2, v1;
	v2 =	vmul.f32 v5, v42  }
0x2de: {  	s14 =	sadd.s32 $0x30, s8  }
0x2df: {  	v1 =	vmul.f32 v1, v2;
	v2 =	vmov s14  }
0x2e0: {  	v2 =	vshll.u32 v2, $0x3  }
0x2e1: {  	v1 =	vadd.f32 v1, v1;
	v2 =	vor.u32 v0, v2  }
0x2e2: {  	v3 =	vpop (erf)  }
0x2e3: {  	v47 =	vor.u32 $0x3, v2;
	v1 =	vmul.f32 v1, v3;
	_ =	sdelay $0x1  }
0x2e4: {  	v48 =	vor.u32 $0x2, v2;
	[tilespmem:s9+$0x20] =	vst v1  }
0x2e5: {  	v3 =	vld.idx.msk [tilespmem:v2+s29+$0x0], $0xffff  }
0x2e6: {  	v1 =	vor.u32 $0x1, v2;
	v50 =	vld.idx.msk [tilespmem:v2+s30+$0x0], $0xffff  }
0x2e7: {  	v49 =	vld.idx.msk [tilespmem:v47+s29+$0x0], $0xffff  }
0x2e8: {  	v4 =	vld.idx.msk [tilespmem:v47+s30+$0x0], $0xffff  }
0x2e9: {  	v52 =	vld.idx.msk [tilespmem:v48+s29+$0x0], $0xffff  }
0x2ea: {  	v5 =	vld.idx.msk [tilespmem:v48+s30+$0x0], $0xffff  }
0x2eb: {  	v51 =	vld.idx.msk [tilespmem:v1+s29+$0x0], $0xffff  }
0x2ec: {  	v1 =	vld.idx.msk [tilespmem:v1+s30+$0x0], $0xffff  }
0x2ed: {  	v53 =	vmul.f32 v4, v3;
	v54 =	vmul.f32 v50, v49;
	_ =	sdelay $0x1  }
0x2ee: {  	v10 =	vadd.f32 v53, v54  }
0x2ef: {  	v3 =	vmul.f32 v5, v3;
	v55 =	vmul.f32 v50, v52  }
0x2f0: {  	v1 =	vmul.f32 v1, v51;
	(erf) = vrcp.f32 v10;
	_ =	sdelay $0x1  }
0x2f1: {  	v3 =	vadd.f32 v3, v55;
	v1 =	vmul.f32 $2.099999900e+00, v1;
	_ =	sdelay $0x1  }
0x2f2: {  	v1 =	vadd.f32 v3, v1;
	v3 =	vmul.f32 v4, v49;
	_ =	sdelay $0x1  }
0x2f3: {  	v1 =	vmul.f32 v1, v3;
	_ =	sdelay $0x1  }
0x2f4: {  	v3 =	vor.u32 $0x4, v2;
	v1 =	vadd.f32 v1, v1  }
0x2f5: {  	v57 =	vor.u32 $0x7, v2;
	v56 =	vpop (erf)  }
0x2f6: {  	v1 =	vmul.f32 v1, v56;
	_ =	sdelay $0x1  }
0x2f7: {  	[tilespmem:s9+$0xFFFFF830] =	vst v1;
	v1 =	vor.u32 $0x5, v2  }
0x2f8: {  	v2 =	vor.u32 $0x6, v2;
	v58 =	vld.idx.msk [tilespmem:v3+s29+$0x0], $0xffff  }
0x2f9: {  	v59 =	vld.idx.msk [tilespmem:v57+s29+$0x0], $0xffff  }
0x2fa: {  	v3 =	vld.idx.msk [tilespmem:v3+s30+$0x0], $0xffff  }
0x2fb: {  	v5 =	vld.idx.msk [tilespmem:v57+s30+$0x0], $0xffff  }
0x2fc: {  	v60 =	vld.idx.msk [tilespmem:v1+s29+$0x0], $0xffff  }
0x2fd: {  	v61 =	vld.idx.msk [tilespmem:v2+s29+$0x0], $0xffff  }
0x2fe: {  	v2 =	vld.idx.msk [tilespmem:v2+s30+$0x0], $0xffff  }
0x2ff: {  	v1 =	vld.idx.msk [tilespmem:v1+s30+$0x0], $0xffff  }
0x300: {  	v62 =	vmul.f32 v5, v58;
	v63 =	vmul.f32 v3, v59;
	_ =	sdelay $0x1  }
0x301: {  	v9 =	vadd.f32 v62, v63  }
0x302: {  	v2 =	vmul.f32 v2, v58;
	v3 =	vmul.f32 v3, v61  }
0x303: {  	v1 =	vmul.f32 v1, v60;
	(erf) = vrcp.f32 v9;
	_ =	sdelay $0x1  }
0x304: {  	v2 =	vadd.f32 v2, v3;
	v1 =	vmul.f32 $2.099999900e+00, v1;
	_ =	sdelay $0x1  }
0x305: {  	v1 =	vadd.f32 v2, v1;
	v2 =	vmul.f32 v5, v59;
	_ =	sdelay $0x1  }
0x306: {  	s0 =	sadd.s32 $0x4, s0;
	v1 =	vmul.f32 v1, v2  }
0x307: {  	p0 =	slt.u32 s0, $0x7C  }
.Ltmp2:
0x308: {  	v1 =	vadd.f32 v1, v1;
	(pc) =	sbr.rel @p0 .LBB2_7-.Ltmp2, $3  }
0x309: {  	v2 =	vpop (erf)  }
0x30a: {  	v1 =	vmul.f32 v1, v2;
	_ =	sdelay $0x1  }
0x30b: {  	s8 =	sadd.s32 $0x40, s8;
	[tilespmem:s9+$0x30] =	vst v1;
	s9 =	sadd.s32 $0x40, s9  }
0x30c: {  	s0 =	sadd.s32 s7, s1;
	s31 =	sadd.s32 $0x1, s31  }
0x30d: {  	s0 =	sshrl.u32 s0, $0x3;
	p0 =	sne.s32 s31, $0x62  }
.Ltmp3:
0x30e: {  	s0 =	sadd.s32 s6, s0;
	(pc) =	sbr.rel @p0 .LBB2_2-.Ltmp3, $4  }
0x30f: {  	[hbm4b:s0+s26] =	stream.strided.scatter [tilespmem:s13], [sflag:$0x3], $0x1000, s25, s26, $0x38;
	[tilespmem:$0x1F350] =	vst v63  }
0x310: {  	_ =	swait.ge [sflag:s16], $0x1000  }
0x311: {  	[sflag:s16] =	ssyncset.done $0x0  }
0x312: {  	[sflag:s16] =	ssyncadd.s32 $0xFFFFF000  }
0x313: {  	s1 =	rddreg [dreg:$0xa]  }
0x314: {  	s0 =	rddreg [dreg:$0x8];
	s1 =	sadd.s32 $0x1, s1  }
0x315: {  	p0 =	sne.s32 s1, s0  }
.Ltmp4:
0x316: {  	_ = 	snop;
	(pc) =	sbr.rel @p0 .LBB2_1-.Ltmp4, $1  }
0x317: {  	_ =	sdelay $0x3  }
0x318: {  	_ =	sfence.sel $0x180000  }
0x319: {  	[bflag:$0x0] =	sbarrier.arrive $0xFFFF  }
0x31a: {  	_ =	strace $0x9000004A  }
0x31b: {  	s0 =	stileid.u32;
	[bflag:$0x2] =	sbarrier.arrive $0xFFFF  }
0x31c: {  	p0 =	sne.s32 s0, $0x0;
	s0 =	rddreg [dreg:$0x2]  }
0x31d: {  	s0 =	sadd.s32 @!p0 $0x100000, s0  }
0x31e: {  	[sflag:s0] =	ssyncadd.tile.s32 @!p0 $0x1;
	_ =	shalt  }
.Lfunc_end2:
_tile_overlayer_lowered:
.L_overlay_start_2:
0x31f: {  	(tag) =	ssettag $0x2  }
0x320: {  	s0 =	rddreg [dreg:$0x0];
	s2 =	stileid.u32  }
0x321: {  	s1 =	rddreg [dreg:$0x1];
	p0 =	sne.s32 s2, $0x0  }
0x322: {  	s3 =	rddreg [dreg:$0x2];
	[bflag:$0x3] =	sbarrier.arrive $0xFFFF;
	s2 =	simm.s32 @!p0 $0x1C03  }
0x323: {  	[timem:s3], [sflag:s2] =	dma.local @!p0 [hbm:s0], s1  }
0x324: {  	s0 =	simm.s32 @!p0 $0x3  }
0x325: {  	_ =	swait.ge @!p0 [sflag:s0], s1  }
0x326: {  	s1 =	ssub.s32 @!p0 $0x0, s1;
	[sflag:s0] =	ssyncset.done @!p0 $0x0  }
0x327: {  	[sflag:s0] =	ssyncadd.s32 @!p0 s1  }
0x328: {  	[bflag:$0x3] =	sbarrier.arrive $0xFFFF  }
0x329: {  	_ =	shalt  }

// kernel: sparse-core-data-format-call.cloned.1.call-start
scs
called_computation_lowered:
.L_overlay_start_0:
0x0: {  	s2 =	sld [smem:$0x3FD9]  }
0x1: {  	s3 =	sld [smem:$0x3FFE];
	_ =	sdelay $0x1  }
0x2: {  	s1 =	srdreg.scid  }
0x3: {  	s0 =	sand.u32 $0x1, s1  }
0x4: {  	s18 =	sshll.u32 s0, $0xA;
	s2 =	sadd.s32 s3, s2  }
0x5: {  	s2 =	sadd.s32 s2, s18  }
0x6: {  	[smem:$0x3FC3] =	sst s2  }
0x7: {  	_ = 	snop  }
0x8: {  	s2 =	sld [smem:$0x3FC5];
	(tm) =	ssettm $0x1  }
0x9: {  	s19 =	sld [smem:$0x3FFB];
	_ =	sdelay $0x3  }
0xa: {  	_ =	strace s19  }
0xb: {  	s3 =	sld [smem:$0x3FFC];
	_ =	sdelay $0x3  }
0xc: {  	_ =	strace s3  }
0xd: {  	s3 =	sld [smem:$0x3FFD];
	_ =	sdelay $0x3  }
0xe: {  	_ =	strace s3  }
0xf: {  	_ =	strace $0x8FFFFFFF  }
0x10: {  	s20 =	sld [smem:$0x3FDB];
	_ =	sdelay $0x1  }
0x11: {  	s4 =	simm.s32 $_scs_section_size  }
0x12: {  	s5 =	simm.s32 $_size__tile_overlayer_lowered;
	s6 =	simm.s32 $_tile_overlayer_lowered  }
0x13: {  	s23 =	simm.s32 $0x1BFF;
	s22 =	sshll.u32 s6, $0x1;
	s3 =	sadd.s32 s4, s20  }
0x14: {  	s7 =	simm.s32 $0x0;
	s21 =	sshll.u32 s5, $0x1;
	s5 =	sadd.s32 s22, s3  }
0x15: {  	[timem:s7], [sflag:s23] =	dma.local [hbm:s5], s21  }
0x16: {  	_ =	swait.ge [sflag:s23], s21  }
0x17: {  	s4 =	ssub.s32 $0x0, s21;
	[sflag:s23] =	ssyncset.done $0x0  }
0x18: {  	[sflag:s23] =	ssyncadd.s32 s4;
	_ =	sdelay $0x1  }
0x19: {  	s24 =	simm.s32 $0x1B8B  }
0x1a: {  	_ =	swait.ge [sflag:s24], $0x1  }
0x1b: {  	[sflag:s24] =	ssyncset.done $0x0  }
0x1c: {  	s26 =	simm.s32 $0x1B8E;
	s25 =	sld [smem:$0x3FFE];
	[sflag:s24] =	ssyncadd.s32 $0xFFFFFFFF  }
0x1d: {  	s27 =	simm.s32 $execute0_lowered;
	[smem:$0x3FD2] =	sst s26  }
0x1e: {  	s5 =	sshll.u32 s27, $0x1;
	_ =	strace $0x80000046;
	[dreg:$0x1] =	wrdreg $0xFFFFFFFF  }
0x1f: {  	s28 =	simm.s32 $_size_execute0_lowered;
	s3 =	sadd.s32 s3, s5;
	[dreg:$0x0] =	wrdreg $0x0  }
0x20: {  	s5 =	sshll.u32 s28, $0x1;
	[dreg:$0x2] =	wrdreg s3  }
0x21: {  	[dreg:$0x3] =	wrdreg s5  }
0x22: {  	[dreg:$0x4] =	wrdreg $0xC0  }
0x23: {  	_ =	task [dreg:s7], $0x5FFFF  }
0x24: {  	[dreg:$0x1] =	wrdreg $0xFFFFFFFF  }
0x25: {  	[dreg:$0x0] =	wrdreg $0x60  }
0x26: {  	[dreg:$0x2] =	wrdreg s2  }
0x27: {  	[dreg:$0x3] =	wrdreg s25  }
0x28: {  	[dreg:$0x4] =	wrdreg $0x9  }
0x29: {  	_ =	task.clear_ibuf [dreg:s7], $0x5FFFF;
	_ =	strace $0x90000046  }
0x2a: {  	s29 =	simm.s32 $0x9;
	_ =	strace $0x80000048  }
0x2b: {  	_ =	swait.ge [sflag:s29], $0x1  }
0x2c: {  	[sflag:s29] =	ssyncadd.s32 $0xFFFFFFFF  }
0x2d: {  	_ =	strace $0x90000048  }
0x2e: {  	_ =	sfence  }
0x2f: {  	s30 =	sld [smem:$0x0];
	_ =	sdelay $0x2  }
0x30: {  	s31 =	sshll.u32 s1, $0xD;
	s1 =	sshrl.u32 s1, $0x2  }
0x31: {  	s3 =	sand.u32 $0x4000, s31;
	s1 =	sadd.s32 s1, s30  }
0x32: {  	s0 =	sor.u32 s3, s0;
	s1 =	sshll.u32 s1, $0x11  }
0x33: {  	s0 =	sor.u32 s1, s0  }
0x34: {  	s0 =	sadd.s32 $0x8F2B, s0  }
0x35: {  	[sflag:s0] =	ssyncadd.remote.s32 $0x1  }
0x36: {  	_ =	sfence.sel $0xFFFF  }
0x37: {  	[dreg:$0x0] =	wrdreg $0xFFFFFFFF;
	(pc) =	sbr.abs _section_cstart, $3  }
0x38: {  	[dreg:$0x1] =	wrdreg $0xFFFFFFFF  }
0x39: {  	_ =	task.clear_ibuf [dreg:s7], $0x2FFFF;
	_ =	strace $0x9FFFFFFF  }
0x3a: {  	(tm) =	ssettm $0x7FFFFFFF  }
0x3b: {  	_ =	shalt  }
tec
execute0_lowered:
.L_overlay_start_1:
0x0: {  	(tag) =	ssettag $0x1  }
0x1: {  	s0 =	stileid.u32;
	s7 =	rddreg [dreg:$0x0]  }
0x2: {  	s1 =	srdreg.scid;
	s4 =	rddreg [dreg:$0x1]  }
0x3: {  	s30 =	simm.s32 $0x2;
	s10 =	simm.s32 $0x0;
	s14 =	simm.s32 $0x0  }
0x4: {  	s15 =	simm.s32 $0x0;
	s11 =	simm.s32 $0x0;
	s13 =	simm.s32 $0x0  }
0x5: {  	s2 =	sand.u32 $0x1, s1;
	s3 =	sshll.u32 s0, $0x7;
	s1 =	rddreg [dreg:$0x2]  }
0x6: {  	_ =	strace $0x80000047;
	s5 =	ssub.s32 $0xC300, s3;
	s6 =	ssub.s32 $0x2, s2  }
.Ltmp0:
0x7: {  	s5 =	sshrl.u32 s5, $0xB;
	s8 =	sshrl.u32 s6, $0x1;
	(pc) =	sbr.rel .LBB1_1-.Ltmp0, $4  }
0x8: {  	s4 =	sadd.s32 $0x1200, s4;
	s9 =	sadd.s32 $0x1, s5;
	s6 =	ssub.s32 s6, s8  }
0x9: {  	s31 =	sshll.u32 s2, $0x4;
	s5 =	simm.s32 $0x1;
	s6 =	smul.u32 s9, s6  }
0xa: {  	s12 =	smov.u32 s3;
	s7 =	sadd.s32 s7, s31;
	[sflag:s5] =	ssyncpa.u1 $0x0  }
0xb: {  	s9 =	simm.s32 $0x0;
	[sflag:s30] =	ssyncpa.u1 $0x0;
	s8 =	sadd.s32 $0x1, s6  }
.LBB1_4:
0xc: {  	s21 =	simm.s32 $0x0  }
.LBB1_8:
0xd: {  	_ =	sdelay $0x3  }
0xe: {  	v6 =	vld [tilespmem:s18+$0xFFFFFFC0];
	[tilespmem:v0+s20+$0x30 ss:$0x1] =	vst.idx.msk @p0 $0xffff, v2  }
0xf: {  	v58 =	vld [tilespmem:s18+$0xFFFFFFD0];
	[tilespmem:v0+s20+$0x40 ss:$0x1] =	vst.idx.msk @p0 $0xffff, v3;
	s21 =	sadd.s32 @p0 $0x80, s21  }
0x10: {  	v59 =	vld [tilespmem:s18+$0xFFFFFFE0];
	[tilespmem:v0+s20+$0x50 ss:$0x1] =	vst.idx.msk @p0 $0xffff, v5;
	s19 =	smov.u32 @p0 s21  }
0x11: {  	v60 =	vld [tilespmem:s18+$0xFFFFFFF0];
	[tilespmem:v0+s20+$0x60 ss:$0x1] =	vst.idx.msk @p0 $0xffff, v4;
	s19 =	sand.u32 $0x3F80, s19  }
0x12: {  	v61 =	vld [tilespmem:s18+$0x0];
	[tilespmem:v0+s19+$0x70 ss:$0x1] =	vst.idx.msk $0xffff, v1  }
0x13: {  	v62 =	vld [tilespmem:s18+$0x10];
	[tilespmem:v0+s19+$0x0 ss:$0x1] =	vst.idx.msk $0xffff, v6  }
0x14: {  	v63 =	vld [tilespmem:s18+$0x20];
	[tilespmem:v0+s19+$0x10 ss:$0x1] =	vst.idx.msk $0xffff, v58  }
0x15: {  	[tilespmem:v0+s19+$0x20 ss:$0x1] =	vst.idx.msk $0xffff, v59  }
0x16: {  	[tilespmem:v0+s19+$0x30 ss:$0x1] =	vst.idx.msk $0xffff, v60  }
0x17: {  	[tilespmem:v0+s19+$0x40 ss:$0x1] =	vst.idx.msk $0xffff, v61  }
0x18: {  	[tilespmem:v0+s19+$0x50 ss:$0x1] =	vst.idx.msk $0xffff, v62  }
0x19: {  	[tilespmem:v0+s19+$0x60 ss:$0x1] =	vst.idx.msk $0xffff, v63  }
.LBB1_9:
0x1a: {  	s18 =	sand.u32 $0x1FFFFFF, s11  }
0x1b: {  	s19 =	smulhi.u32 $0x14F8B59, s18;
	_ =	sdelay $0x1  }
0x1c: {  	s19 =	sshrl.u32 s19, $0x8  }
0x1d: {  	s19 =	smul.u32 $0xC350, s19  }
0x1e: {  	s15 =	smul.u32 $0xC3500, s15  }
0x1f: {  	s18 =	ssub.s32 s18, s19  }
0x20: {  	s15 =	sadd.s32 s4, s15;
	s18 =	sshll.u32 s18, $0x4  }
0x21: {  	s15 =	sadd.s32 s18, s15  }
0x22: {  	[hbm4b:s15+s9] =	stream.linear.scatter [tilespmem:s17], [sflag:$0x2], s16, $0x38;
	[tilespmem:$0x10000] =	vst v63  }
.LBB1_10:
0x23: {  	p0 =	slt.u32 s13, $0x2  }
0x24: {  	p1 =	sgt.s32 @!p0 s14, $0xC2D0  }
0x25: {  	s15 =	smov.u32 s14;
	s16 =	sshra.s32 @!p0 s14, $0x1F;
	p1 =	por !p1, p0  }
0x26: {  	s14 =	sand.u32 @!p0 s16, s14;
	s15 =	simm.s32 @p1 $0xC2D0  }
0x27: {  	s14 =	ssub.s32 @!p0 s15, s14  }
0x28: {  	s14 =	sadd.s32 @!p0 $0xFFFF3D30, s14  }
0x29: {  	s15 =	sshll.u32 @!p0 s14, $0x7  }
0x2a: {  	p1 =	sgt.s32 @!p0 s14, $0x7F;
	s14 =	ssub.s32 @!p0 $0x4000, s15  }
0x2b: {  	s16 =	sadd.s32 $0x800, s12;
	p1 =	por !p1, p0;
	s14 =	sand.u32 @!p0 $0x3FFFFF80, s14  }
0x2c: {  	s14 =	simm.s32 @!p1 $0x0;
	p1 =	sgt.s32 s16, $0xC34F  }
0x2d: {  	s16 =	smov.u32 @p1 s3;
	p1 =	sne.s32 s13, s8  }
.Ltmp1:
0x2e: {  	_ = 	snop;
	(pc) =	sbr.rel @!p1 .LBB1_11-.Ltmp1, $4  }
0x2f: {  	s10 =	sadd.s32 $0x4000, s10;
	s15 =	simm.s32 @!p0 $0x2  }
0x30: {  	_ =	swait.ge @!p0 [sflag:s15], s14;
	s17 =	ssub.s32 @!p0 $0x0, s14;
	s14 =	smov.u32 s11  }
0x31: {  	s13 =	sadd.s32 $0x1, s13;
	s11 =	smov.u32 s12;
	[sflag:s15] =	ssyncset.done @!p0 $0x0  }
0x32: {  	s12 =	smov.u32 s16;
	[sflag:s15] =	ssyncadd.s32 @!p0 s17;
	s15 =	smov.u32 s2  }
.LBB1_1:
0x33: {  	p0 =	sge.u32 s13, s6  }
0x34: {  	p1 =	sgt.s32 @!p0 s12, $0xC2D0  }
0x35: {  	s16 =	smov.u32 s12;
	s17 =	sshra.s32 @!p0 s12, $0x1F;
	p1 =	por !p1, p0  }
0x36: {  	s17 =	sand.u32 @!p0 s17, s12;
	s16 =	simm.s32 @p1 $0xC2D0  }
0x37: {  	s16 =	ssub.s32 @!p0 s16, s17  }
0x38: {  	s31 =	sadd.s32 $0xFFFFFFFF, s13;
	s18 =	sxor.u32 @!p0 $0xFFFFFFFF, s13;
	s16 =	sadd.s32 @!p0 $0xFFFF3D30, s16  }
0x39: {  	s19 =	simm.s32 @!p0 $0x80;
	s20 =	simm.s32 @!p0 $0x100;
	s17 =	sshll.u32 @!p0 s16, $0x7  }
0x3a: {  	p1 =	sgt.s32 @!p0 s16, $0x7F;
	s16 =	ssub.s32 @!p0 $0x4000, s17;
	s17 =	sshll.u32 @!p0 s18, $0xE  }
0x3b: {  	p1 =	por !p1, p0;
	s18 =	sshll.u32 @!p0 s12, $0x5;
	s16 =	sand.u32 @!p0 $0x3FFFFF80, s16  }
0x3c: {  	s17 =	sand.u32 @!p0 $0x4000, s17;
	s18 =	sadd.s32 @!p0 s18, s7;
	s16 =	simm.s32 @!p1 $0x0  }
0x3d: {  	[tilespmem:s17], [sflag:$0x1] =	stream.strided.gather @!p0 [hbm4b:s18+s19], s16, s20, s19, $0x38;
	[tilespmem:$0x10000] =	vst v63  }
0x3e: {  	p0 =	sge.u32 s31, s6  }
.Ltmp2:
0x3f: {  	_ = 	snop;
	(pc) =	sbr.rel @p0 .LBB1_10-.Ltmp2, $1  }
0x40: {  	_ =	sdelay $0x3  }
0x41: {  	p0 =	sgt.s32 s11, $0xC2D0;
	s16 =	smov.u32 s11;
	s17 =	sshra.s32 s11, $0x1F  }
0x42: {  	s16 =	simm.s32 @!p0 $0xC2D0;
	s17 =	sand.u32 s17, s11  }
0x43: {  	s16 =	ssub.s32 s16, s17  }
0x44: {  	s16 =	sadd.s32 $0xFFFF3D30, s16  }
0x45: {  	s30 =	sshll.u32 s16, $0x7  }
0x46: {  	s17 =	ssub.s32 $0x4000, s30  }
0x47: {  	p0 =	sgt.s32 s16, $0x7F;
	s16 =	sand.u32 $0x3FFFFF80, s17;
	s17 =	sadd.s32 $0x80, s11  }
0x48: {  	s16 =	simm.s32 @p0 $0x0;
	p0 =	slt.s32 s17, $0xC350  }
0x49: {  	s17 =	simm.s32 @!p0 $0xC350  }
0x4a: {  	s20 =	ssub.s32 s17, s11  }
0x4b: {  	p0 =	slt.s32 s20, $0x1  }
.Ltmp3:
0x4c: {  	_ = 	snop;
	(pc) =	sbr.rel @p0 .LBB1_9-.Ltmp3, $4  }
0x4d: {  	_ = 	snop  }
0x4e: {  	s19 =	sshll.u32 s13, $0xE;
	_ =	swait.ge [sflag:s5], s16  }
0x4f: {  	s31 =	sand.u32 $0x4000, s19;
	s18 =	ssub.s32 $0x0, s16;
	[sflag:s5] =	ssyncset.done $0x0  }
0x50: {  	s17 =	sor.u32 $0x8000, s31;
	[sflag:s5] =	ssyncadd.s32 s18  }
0x51: {  	p1 =	sne.s32 s20, $0x1  }
.Ltmp4:
0x52: {  	v0 =	vmov s17;
	(pc) =	sbr.rel @!p1 .LBB1_4-.Ltmp4, $4  }
0x53: {  	_ = 	snop  }
0x54: {  	s18 =	sand.u32 $0x4000, s10  }
0x55: {  	s18 =	sor.u32 $0x40, s18  }
0x56: {  	s19 =	simm.s32 $0x0;
	s21 =	sadd.s32 $0xFFFFFFFF, s20;
	p0 =	por $0x0, $0x0;
	v1 =	vld [tilespmem:s18+$0x30]  }
0x57: {  	v4 =	vld [tilespmem:s18+$0xFFFFFFC0]  }
0x58: {  	v6 =	vld [tilespmem:s18+$0xFFFFFFD0]  }
0x59: {  	v7 =	vld [tilespmem:s18+$0xFFFFFFE0];
	p1 =	sne.s32 s21, $0x1  }
.Ltmp5:
0x5a: {  	v2 =	vld [tilespmem:s18+$0xFFFFFFF0];
	s20 =	sand.u32 $0x3F80, s19;
	(pc) =	sbr.rel @!p1 .LBB1_6-.Ltmp5, $4  }
0x5b: {  	v3 =	vld [tilespmem:s18+$0x0];
	[tilespmem:v0+s20+$0x70 ss:$0x1] =	vst.idx.msk $0xffff, v1  }
0x5c: {  	v5 =	vld [tilespmem:s18+$0x10];
	[tilespmem:v0+s20+$0x0 ss:$0x1] =	vst.idx.msk $0xffff, v4  }
0x5d: {  	v4 =	vld [tilespmem:s18+$0x20];
	[tilespmem:v0+s20+$0x10 ss:$0x1] =	vst.idx.msk $0xffff, v6;
	s18 =	sadd.s32 $0x80, s18  }
0x5e: {  	s22 =	sadd.s32 $0xFFFFFFFF, s21;
	p0 =	por $0x1, $0x1;
	s21 =	simm.s32 $0x0;
	[tilespmem:v0+s20+$0x20 ss:$0x1] =	vst.idx.msk $0xffff, v7;
	v1 =	vld [tilespmem:s18+$0x30]  }
.LBB1_7:
0x5f: {  	p1 =	sne.s32 s22, $0x1;
	v6 =	vld [tilespmem:s18+$0xFFFFFFC0];
	[tilespmem:v0+s20+$0x30 ss:$0x1] =	vst.idx.msk $0xffff, v2  }
0x60: {  	v7 =	vld [tilespmem:s18+$0xFFFFFFD0];
	[tilespmem:v0+s20+$0x40 ss:$0x1] =	vst.idx.msk $0xffff, v3  }
0x61: {  	s21 =	sadd.s32 $0x80, s21;
	v8 =	vld [tilespmem:s18+$0xFFFFFFE0];
	[tilespmem:v0+s20+$0x50 ss:$0x1] =	vst.idx.msk $0xffff, v5  }
.Ltmp6:
0x62: {  	v2 =	vld [tilespmem:s18+$0xFFFFFFF0];
	[tilespmem:v0+s20+$0x60 ss:$0x1] =	vst.idx.msk $0xffff, v4;
	s20 =	sand.u32 $0x3F80, s21;
	(pc) =	sbr.rel @p1 .LBB1_7-.Ltmp6, $4  }
0x63: {  	v3 =	vld [tilespmem:s18+$0x0];
	[tilespmem:v0+s20+$0x70 ss:$0x1] =	vst.idx.msk $0xffff, v1  }
0x64: {  	[tilespmem:v0+s20+$0x0 ss:$0x1] =	vst.idx.msk $0xffff, v6;
	v5 =	vld [tilespmem:s18+$0x10]  }
0x65: {  	[tilespmem:v0+s20+$0x10 ss:$0x1] =	vst.idx.msk $0xffff, v7;
	v4 =	vld [tilespmem:s18+$0x20];
	s18 =	sadd.s32 $0x80, s18  }
0x66: {  	s22 =	sadd.s32 $0xFFFFFFFF, s22;
	v1 =	vld [tilespmem:s18+$0x30];
	[tilespmem:v0+s20+$0x20 ss:$0x1] =	vst.idx.msk $0xffff, v8  }
.Ltmp7:
0x67: {  	_ = 	snop;
	(pc) =	sbr.rel .LBB1_8-.Ltmp7, $1  }
0x68: {  	_ =	sdelay $0x3  }
.LBB1_6:
.Ltmp8:
0x69: {  	(pc) =	sbr.rel .LBB1_8-.Ltmp8, $2  }
0x6a: {  	_ =	sdelay $0x2  }
0x6b: {  	s21 =	simm.s32 $0x0  }
.LBB1_11:
0x6c: {  	_ =	sfence.sel $0x180000  }
0x6d: {  	s2 =	simm.s32 $0x1;
	[bflag:$0x0] =	sbarrier.arrive $0xFFFF  }
0x6e: {  	s31 =	simm.s32 $0x2;
	[sflag:s2] =	ssyncpa.u1 $0x1  }
0x6f: {  	[sflag:s31] =	ssyncpa.u1 $0x1  }
0x70: {  	p0 =	sne.s32 s0, $0x0;
	_ =	strace $0x90000047  }
0x71: {  	s0 =	sadd.s32 @!p0 $0x100000, s1;
	[bflag:$0x2] =	sbarrier.arrive $0xFFFF  }
0x72: {  	[sflag:s0] =	ssyncadd.tile.s32 @!p0 $0x1;
	_ =	shalt  }
.Lfunc_end1:
_tile_overlayer_lowered:
.L_overlay_start_2:
0x73: {  	(tag) =	ssettag $0x2  }
0x74: {  	s0 =	rddreg [dreg:$0x0];
	s2 =	stileid.u32  }
0x75: {  	s1 =	rddreg [dreg:$0x1];
	p0 =	sne.s32 s2, $0x0  }
0x76: {  	s3 =	rddreg [dreg:$0x2];
	[bflag:$0x3] =	sbarrier.arrive $0xFFFF;
	s2 =	simm.s32 @!p0 $0x1C01  }
0x77: {  	[timem:s3], [sflag:s2] =	dma.local @!p0 [hbm:s0], s1  }
0x78: {  	s0 =	simm.s32 @!p0 $0x1  }
0x79: {  	_ =	swait.ge @!p0 [sflag:s0], s1  }
0x7a: {  	s1 =	ssub.s32 @!p0 $0x0, s1;
	[sflag:s0] =	ssyncset.done @!p0 $0x0  }
0x7b: {  	[sflag:s0] =	ssyncadd.s32 @!p0 s1  }
0x7c: {  	[bflag:$0x3] =	sbarrier.arrive $0xFFFF  }
0x7d: {  	_ =	shalt  }

</sc_bundles>
